<compile_context>
chip_gen: v7x
topology: tpu7x:2x2x1
jax: 0.10.2.dev20260603
libtpu: 0.0.44.dev20260713+nightly
codegen_flags: <defaults>
</compile_context>

<pallas_src>
import functools

import jax
import jax.numpy as jnp
import numpy as np
from jax import lax
from jax.experimental import pallas as pl
from jax.experimental.pallas import tpu as pltpu
from jax.experimental.pallas import tpu_sc as plsc

N = 10000
E = 320000
H = 8
HC = 4
C = 16
F = H * C
G = HC * C

EPT = E // 32
CB = 80
NCH = EPT // CB
RPT = 624
RCP = 48
SCALE = 0.25

_SC_PARAMS = pltpu.CompilerParams(use_tc_tiling_on_sc=False,
                                  needs_layout_passes=False)


def _sweep_acc_rows(sid, copy_fn):
    def body(i, _):
        copy_fn(sid * RPT + i * RCP, RCP)
        return 0
    lax.fori_loop(0, RPT // RCP, body, 0)

    @pl.when(sid == 15)
    def _():
        copy_fn(16 * RPT, N - 16 * RPT)


def _qkv_body(x_ref, wt_ref, b_ref, q_ref, kv_ref):
    acc = jnp.dot(x_ref[...], wt_ref[...], preferred_element_type=jnp.float32)
    acc = acc + b_ref[...]
    q_ref[...] = acc[:, 0:F]
    kv_ref[...] = acc[:, F:3 * F]


def _qkv(x, wt, b):
    blk = 1000
    grid = N // blk
    return pl.pallas_call(
        _qkv_body,
        grid=(grid,),
        in_specs=[
            pl.BlockSpec((blk, F), lambda i: (i, 0)),
            pl.BlockSpec((F, 3 * F), lambda i: (0, 0)),
            pl.BlockSpec((1, 3 * F), lambda i: (0, 0)),
        ],
        out_specs=[
            pl.BlockSpec((blk, F), lambda i: (i, 0)),
            pl.BlockSpec((blk, 2 * F), lambda i: (i, 0)),
        ],
        out_shape=[
            jax.ShapeDtypeStruct((N, F), jnp.float32),
            jax.ShapeDtypeStruct((N, 2 * F), jnp.float32),
        ],
    )(x, wt, b)


def _out_body(o0_ref, o1_ref, n_ref, m_ref, x_ref, wt_ref, b_ref, y_ref):
    a = o0_ref[...].astype(jnp.float32) + o1_ref[...].astype(jnp.float32)
    num = jnp.dot(a, n_ref[...], preferred_element_type=jnp.float32)
    den = jnp.dot(a, m_ref[...], preferred_element_type=jnp.float32)
    skip = jnp.dot(x_ref[...], wt_ref[...], preferred_element_type=jnp.float32)
    y_ref[...] = num / jnp.maximum(den, 1e-30) + skip + b_ref[...]


def _outsum(o0, o1, n, m, x, wt, b):
    blk = 1000
    grid = N // blk
    AW2 = F + 32
    return pl.pallas_call(
        _out_body,
        grid=(grid,),
        in_specs=[
            pl.BlockSpec((blk, AW2), lambda i: (i, 0)),
            pl.BlockSpec((blk, AW2), lambda i: (i, 0)),
            pl.BlockSpec((AW2, F), lambda i: (0, 0)),
            pl.BlockSpec((AW2, F), lambda i: (0, 0)),
            pl.BlockSpec((blk, F), lambda i: (i, 0)),
            pl.BlockSpec((F, F), lambda i: (0, 0)),
            pl.BlockSpec((1, F), lambda i: (0, 0)),
        ],
        out_specs=pl.BlockSpec((blk, F), lambda i: (i, 0)),
        out_shape=jax.ShapeDtypeStruct((N, F), jnp.float32),
    )(o0, o1, n, m, x, wt, b)


AW = F + 32


def _edge_body(q_hbm, kv_hbm, sd_hbm,
               o0_hbm, o1_hbm,
               sd0, sd1, sc0, sc1, qb0, qb1, kvb0, kvb1, msg0, msg1,
               si0, si1, sq0, sq1, sk0, sk1, ss0, ss1,
               acc_sh):
    cid = lax.axis_index("c")
    sid = lax.axis_index("s")
    sd = (sd0, sd1)
    scx = (sc0, sc1)
    qb = (qb0, qb1)
    kvb = (kvb0, kvb1)
    msg = (msg0, msg1)
    si = (si0, si1)
    sq = (sq0, sq1)
    sk = (sk0, sk1)
    ss = (ss0, ss1)

    def _zrow(i, _):
        for j in range(AW // 32):
            msg0[i, pl.ds(j * 32, 32)] = jnp.zeros((32,), jnp.bfloat16)
        return 0
    lax.fori_loop(0, CB, _zrow, 0)

    def _zacc(off, size):
        pltpu.sync_copy(msg0.at[pl.ds(0, size)], acc_sh.at[pl.ds(off, size)])
    _sweep_acc_rows(sid, _zacc)
    plsc.subcore_barrier()

    lanes = lax.iota(jnp.int32, 16)

    wid = cid * 16 + sid

    def issue_idx(j, b):
        pltpu.async_copy(sd_hbm.at[wid, j], sd[b], si[b])

    def wait_idx(j, b):
        pltpu.make_async_copy(sd_hbm.at[wid, j], sd[b], si[b]).wait()

    def issue_gathers(b):
        pltpu.async_copy(q_hbm.at[sd[b].at[0]], qb[b], sq[b])
        pltpu.async_copy(kv_hbm.at[sd[b].at[1]], kvb[b], sk[b])

    def wait_gathers(b):
        pltpu.make_async_copy(q_hbm.at[sd[b].at[0]], qb[b], sq[b]).wait()
        pltpu.make_async_copy(kv_hbm.at[sd[b].at[1]], kvb[b], sk[b]).wait()

    ilv = plsc.PackFormat.INTERLEAVED
    last = jnp.full((16,), 15, jnp.int32)
    hsel = [jnp.full((16,), h, jnp.int32) for h in range(H)]

    def compute(b):
        qr, kvr, mr = qb[b], kvb[b], msg[b]

        def edge(e, _):
            merged = jnp.zeros((16,), jnp.float32)
            for h in range(H):
                qv = qr[e, pl.ds(h * 16, 16)]
                kv = kvr[e, pl.ds(h * 16, 16)]
                t = jnp.cumsum(qv * kv)
                merged = jnp.where(lanes == h, jnp.take(t, last), merged)
            aerow = jnp.exp(merged * SCALE)
            mr[e, pl.ds(F, 32)] = plsc.pack(aerow, aerow, format=ilv)
            for g in range(H // 2):
                va = kvr[e, pl.ds(F + g * 32, 16)] * jnp.take(aerow, hsel[2 * g])
                vb = (kvr[e, pl.ds(F + g * 32 + 16, 16)]
                      * jnp.take(aerow, hsel[2 * g + 1]))
                mr[e, pl.ds(g * 32, 32)] = plsc.pack(va, vb, format=ilv)
            return 0
        lax.fori_loop(0, CB, edge, 0, unroll=4)

    def stash_scatter_idx(b):
        for i in range(CB // 16):
            scx[b][pl.ds(i * 16, 16)] = sd[b][0, pl.ds(i * 16, 16)]

    def issue_scatter(b):
        pltpu.async_copy(msg[b], acc_sh.at[scx[b]], ss[b], add=True)

    def wait_scatter(b):
        pltpu.make_async_copy(msg[b], acc_sh.at[scx[b]], ss[b]).wait()

    issue_idx(0, 0)
    wait_idx(0, 0)
    issue_gathers(0)
    issue_idx(1, 1)

    def body(jj, _):
        for b in (0, 1):
            j = jj * 2 + b
            wait_gathers(b)

            @pl.when(j < NCH - 1)
            def _():
                wait_idx(j + 1, 1 - b)
                issue_gathers(1 - b)

            @pl.when(j >= 2)
            def _():
                wait_scatter(b)
            compute(b)
            stash_scatter_idx(b)
            issue_scatter(b)

            @pl.when(j < NCH - 2)
            def _():
                issue_idx(j + 2, b)
        return 0
    lax.fori_loop(0, (NCH - 1) // 2, body, 0)
    wait_gathers(0)
    wait_scatter(0)
    compute(0)
    stash_scatter_idx(0)
    issue_scatter(0)
    wait_scatter(1)
    wait_scatter(0)

    plsc.subcore_barrier()

    def wrout(off, size):
        sl = pl.ds(off, size)

        @pl.when(cid == 0)
        def _():
            pltpu.sync_copy(acc_sh.at[sl], o0_hbm.at[sl])

        @pl.when(cid == 1)
        def _():
            pltpu.sync_copy(acc_sh.at[sl], o1_hbm.at[sl])
    _sweep_acc_rows(sid, wrout)


def _edge_pass(q, kv, sd):
    mesh = plsc.VectorSubcoreMesh(core_axis_name="c", subcore_axis_name="s")
    fn = functools.partial(
        pl.kernel,
        mesh=mesh,
        compiler_params=_SC_PARAMS,
        out_type=[
            jax.ShapeDtypeStruct((N, AW), jnp.bfloat16),
            jax.ShapeDtypeStruct((N, AW), jnp.bfloat16),
        ],
        scratch_types=[
            pltpu.VMEM((2, CB), jnp.int32),
            pltpu.VMEM((2, CB), jnp.int32),
            pltpu.VMEM((CB,), jnp.int32),
            pltpu.VMEM((CB,), jnp.int32),
            pltpu.VMEM((CB, F), jnp.float32),
            pltpu.VMEM((CB, F), jnp.float32),
            pltpu.VMEM((CB, 2 * F), jnp.float32),
            pltpu.VMEM((CB, 2 * F), jnp.float32),
            pltpu.VMEM((CB, AW), jnp.bfloat16),
            pltpu.VMEM((CB, AW), jnp.bfloat16),
            pltpu.SemaphoreType.DMA,
            pltpu.SemaphoreType.DMA,
            pltpu.SemaphoreType.DMA,
            pltpu.SemaphoreType.DMA,
            pltpu.SemaphoreType.DMA,
            pltpu.SemaphoreType.DMA,
            pltpu.SemaphoreType.DMA,
            pltpu.SemaphoreType.DMA,
            pltpu.VMEM_SHARED((N, AW), jnp.bfloat16),
        ],
    )(_edge_body)
    return fn(q, kv, sd)


_PN = np.zeros((AW, F), np.float32)
_MD = np.zeros((AW, F), np.float32)
for _g in range(H // 2):
    for _i in range(16):
        for _w in range(2):
            _h = 2 * _g + _w
            _PN[32 * _g + 2 * _i + _w, _h * 16 + _i] = 1.0
for _h in range(H):
    _MD[F + 2 * _h, _h * 16:(_h + 1) * 16] = 1.0


def kernel(x, edge_index, Wq, bq, Wk, bk, Wv, bv, Wskip, bskip):
    src = edge_index[0].astype(jnp.int32)
    dst = edge_index[1].astype(jnp.int32)
    wt = jnp.concatenate([Wq, Wk, Wv], axis=0).T
    ball = jnp.concatenate([bq, bk, bv]).reshape(1, 3 * F)
    q, kv = _qkv(x, wt, ball)
    sd = jnp.stack([dst.reshape(32, NCH, CB), src.reshape(32, NCH, CB)],
                   axis=2)
    o0, o1 = _edge_pass(q, kv, sd)
    return _outsum(o0, o1, jnp.asarray(_PN), jnp.asarray(_MD),
                   x, Wskip.T, bskip.reshape(1, F))

# --- scband reference (transcript-rebuilt; emitter-appended) ---
"""Pipeline reference for scband-transformer-conv-29832842838838 (READ-ONLY COPY).

The authoritative reference and input builder live on the scoring server;
editing this copy changes nothing except your own understanding.
"""

import jax, jax.numpy as jnp
import numpy as np

N = 10000
E = 320000
NIN = 128
NOUT = 128
H = 8
C = NOUT // H  # out_channels per head = 16


def _linear_params(key, fan_in, fan_out, bias=True):
    kw, kb = jax.random.split(key)
    bound = 1.0 / np.sqrt(fan_in)
    W = jax.random.uniform(kw, (fan_out, fan_in), minval=-bound, maxval=bound, dtype=jnp.float32)
    b = jax.random.uniform(kb, (fan_out,), minval=-bound, maxval=bound, dtype=jnp.float32) if bias else None
    return W, b


def setup_inputs(seed: int = 0) -> dict:
    key = jax.random.key(seed)
    ks = jax.random.split(key, 6)
    x = jax.random.normal(ks[0], (N, NIN), dtype=jnp.float32)
    edge_index = jax.random.randint(ks[1], (2, E), 0, N)
    Wq, bq = _linear_params(ks[2], NIN, H * C, bias=True)
    Wk, bk = _linear_params(ks[3], NIN, H * C, bias=True)
    Wv, bv = _linear_params(ks[4], NIN, H * C, bias=True)
    Wskip, bskip = _linear_params(ks[5], NIN, H * C, bias=True)
    return {"x": x, "edge_index": edge_index, "Wq": Wq, "bq": bq, "Wk": Wk,
            "bk": bk, "Wv": Wv, "bv": bv, "Wskip": Wskip, "bskip": bskip}


def reference(x, edge_index, Wq, bq, Wk, bk, Wv, bv, Wskip, bskip):
    # PyG TransformerConv, heads=8, out_channels=16, concat=True, beta=False,
    # root_weight=True, edge_attr=None (lin_edge unused since forward passes no edge_attr)
    src = edge_index[0]  # source node j
    dst = edge_index[1]  # target node i (messages aggregated at dst)
    q = (x @ Wq.T + bq).reshape(N, H, C)
    k = (x @ Wk.T + bk).reshape(N, H, C)
    v = (x @ Wv.T + bv).reshape(N, H, C)
    q_i = q[dst]            # [E, H, C] gather
    k_j = k[src]            # [E, H, C] gather
    v_j = v[src]            # [E, H, C] gather
    alpha = jnp.sum(q_i * k_j, axis=-1) / np.sqrt(C)  # [E, H]
    # softmax over incoming edges per destination node (numerically stable)
    m = jax.ops.segment_max(alpha, dst, num_segments=N)  # [N, H]
    m = jnp.where(jnp.isfinite(m), m, 0.0)
    ae = jnp.exp(alpha - m[dst])                          # [E, H]
    denom = jax.ops.segment_sum(ae, dst, num_segments=N)  # [N, H]
    alpha_n = ae / jnp.maximum(denom[dst], 1e-16)         # [E, H]
    msg = alpha_n[:, :, None] * v_j                       # [E, H, C]
    out = jax.ops.segment_sum(msg, dst, num_segments=N)   # [N, H, C] scatter-add
    out = out.reshape(N, H * C)
    skip = x @ Wskip.T + bskip                            # root weight (concat path)
    return out + skip

if __name__ == "__main__":
    import jax
    _d = setup_inputs()
    print(jax.jit(kernel)(*tuple(_d.values())))

</pallas_src>

<mosaic_0001>
#map = affine_map<(d0, d1) -> (0, 0)>
#map1 = affine_map<(d0, d1) -> (0, 0, 0, 0)>
module attributes {stable_mosaic.version = 14 : i64} {
  func.func @_edge_body(%arg0: i32, %arg1: i32, %arg2: memref<10000x128xf32, #tpu.memory_space<hbm>>, %arg3: memref<10000x256xf32, #tpu.memory_space<hbm>>, %arg4: memref<32x125x2x80xi32, #tpu.memory_space<hbm>>, %arg5: memref<10000x160xbf16, #tpu.memory_space<hbm>>, %arg6: memref<10000x160xbf16, #tpu.memory_space<hbm>>, %arg7: memref<2x80xi32, #tpu.memory_space<vmem>>, %arg8: memref<2x80xi32, #tpu.memory_space<vmem>>, %arg9: memref<80xi32, #tpu.memory_space<vmem>>, %arg10: memref<80xi32, #tpu.memory_space<vmem>>, %arg11: memref<80x128xf32, #tpu.memory_space<vmem>>, %arg12: memref<80x128xf32, #tpu.memory_space<vmem>>, %arg13: memref<80x256xf32, #tpu.memory_space<vmem>>, %arg14: memref<80x256xf32, #tpu.memory_space<vmem>>, %arg15: memref<80x160xbf16, #tpu.memory_space<vmem>>, %arg16: memref<80x160xbf16, #tpu.memory_space<vmem>>, %arg17: memref<!tpu.dma_semaphore, #tpu.memory_space<semaphore_mem>>, %arg18: memref<!tpu.dma_semaphore, #tpu.memory_space<semaphore_mem>>, %arg19: memref<!tpu.dma_semaphore, #tpu.memory_space<semaphore_mem>>, %arg20: memref<!tpu.dma_semaphore, #tpu.memory_space<semaphore_mem>>, %arg21: memref<!tpu.dma_semaphore, #tpu.memory_space<semaphore_mem>>, %arg22: memref<!tpu.dma_semaphore, #tpu.memory_space<semaphore_mem>>, %arg23: memref<!tpu.dma_semaphore, #tpu.memory_space<semaphore_mem>>, %arg24: memref<!tpu.dma_semaphore, #tpu.memory_space<semaphore_mem>>, %arg25: memref<10000x160xbf16, #tpu.memory_space<vmem_shared>>) attributes {dimension_semantics = [#tpu.dimension_semantics<core_parallel>, #tpu.dimension_semantics<subcore_parallel>], iteration_bounds = array<i64: 2, 16>, scalar_prefetch = 0 : i64, scratch_operands = 19 : i64, tpu.core_type = #tpu.core_type<sc_vector_subcore>, window_params = [{transform_indices = #map}, {transform_indices = #map}, {transform_indices = #map1}, {transform_indices = #map}, {transform_indices = #map}]} {
    %scan3A = arith.constant 0 : i32
    %scan3A_0 = arith.constant 0 : i32
    %scan3A_1 = arith.constant 80 : i32
    %scan3A_2 = arith.addi %scan3A_0, %scan3A_1 : i32
    %scan3A_3 = arith.constant 1 : i32
    %scan3A_4 = scf.for %scan3A_153 = %scan3A_0 to %scan3A_2 step %scan3A_3 iter_args(%scan3A_154 = %scan3A) -> (i32)  : i32 {
      %broadcast_in_dim3A_155 = arith.constant 0.000000e+00 : bf16
      %broadcast_in_dim3A_156 = vector.broadcast %broadcast_in_dim3A_155 : bf16 to vector<32xbf16>
      %swap3A_157 = arith.index_cast %scan3A_153 : i32 to index
      %swap3A_158 = arith.constant 0 : index
      %swap3A_159 = tpu.vector_load %arg15[%swap3A_157, %swap3A_158] {strides = array<i32>} : memref<80x160xbf16, #tpu.memory_space<vmem>>, vector<32xbf16>,
      tpu.vector_store %arg15[%swap3A_157, %swap3A_158], %broadcast_in_dim3A_156 {strides = array<i32>} : memref<80x160xbf16, #tpu.memory_space<vmem>>, vector<32xbf16>,
      %broadcast_in_dim3A_160 = arith.constant 0.000000e+00 : bf16
      %broadcast_in_dim3A_161 = vector.broadcast %broadcast_in_dim3A_160 : bf16 to vector<32xbf16>
      %swap3A_162 = arith.index_cast %scan3A_153 : i32 to index
      %swap3A_163 = arith.constant 32 : index
      %swap3A_164 = tpu.vector_load %arg15[%swap3A_162, %swap3A_163] {strides = array<i32>} : memref<80x160xbf16, #tpu.memory_space<vmem>>, vector<32xbf16>,
      tpu.vector_store %arg15[%swap3A_162, %swap3A_163], %broadcast_in_dim3A_161 {strides = array<i32>} : memref<80x160xbf16, #tpu.memory_space<vmem>>, vector<32xbf16>,
      %broadcast_in_dim3A_165 = arith.constant 0.000000e+00 : bf16
      %broadcast_in_dim3A_166 = vector.broadcast %broadcast_in_dim3A_165 : bf16 to vector<32xbf16>
      %swap3A_167 = arith.index_cast %scan3A_153 : i32 to index
      %swap3A_168 = arith.constant 64 : index
      %swap3A_169 = tpu.vector_load %arg15[%swap3A_167, %swap3A_168] {strides = array<i32>} : memref<80x160xbf16, #tpu.memory_space<vmem>>, vector<32xbf16>,
      tpu.vector_store %arg15[%swap3A_167, %swap3A_168], %broadcast_in_dim3A_166 {strides = array<i32>} : memref<80x160xbf16, #tpu.memory_space<vmem>>, vector<32xbf16>,
      %broadcast_in_dim3A_170 = arith.constant 0.000000e+00 : bf16
      %broadcast_in_dim3A_171 = vector.broadcast %broadcast_in_dim3A_170 : bf16 to vector<32xbf16>
      %swap3A_172 = arith.index_cast %scan3A_153 : i32 to index
      %swap3A_173 = arith.constant 96 : index
      %swap3A_174 = tpu.vector_load %arg15[%swap3A_172, %swap3A_173] {strides = array<i32>} : memref<80x160xbf16, #tpu.memory_space<vmem>>, vector<32xbf16>,
      tpu.vector_store %arg15[%swap3A_172, %swap3A_173], %broadcast_in_dim3A_171 {strides = array<i32>} : memref<80x160xbf16, #tpu.memory_space<vmem>>, vector<32xbf16>,
      %broadcast_in_dim3A_175 = arith.constant 0.000000e+00 : bf16
      %broadcast_in_dim3A_176 = vector.broadcast %broadcast_in_dim3A_175 : bf16 to vector<32xbf16>
      %swap3A_177 = arith.index_cast %scan3A_153 : i32 to index
      %swap3A_178 = arith.constant 128 : index
      %swap3A_179 = tpu.vector_load %arg15[%swap3A_177, %swap3A_178] {strides = array<i32>} : memref<80x160xbf16, #tpu.memory_space<vmem>>, vector<32xbf16>,
      tpu.vector_store %arg15[%swap3A_177, %swap3A_178], %broadcast_in_dim3A_176 {strides = array<i32>} : memref<80x160xbf16, #tpu.memory_space<vmem>>, vector<32xbf16>,
      %scan3A_180 = arith.constant 0 : i32
      scf.yield %scan3A_180 : i32
    }
    %scan3A_5 = arith.constant 80 : i32
    %scan3A_6 = arith.constant 0 : i32
    %scan3A_7 = arith.constant 0 : i32
    %scan3A_8 = arith.constant 13 : i32
    %scan3A_9 = arith.addi %scan3A_7, %scan3A_8 : i32
    %scan3A_10 = arith.constant 1 : i32
    %scan3A_11 = scf.for %scan3A_153 = %scan3A_7 to %scan3A_9 step %scan3A_10 iter_args(%scan3A_154 = %scan3A_6) -> (i32)  : i32 {
      %mul3A_155 = arith.constant 624 : i32
      %mul3A_156 = arith.muli %arg1, %mul3A_155 : i32
      %mul3A_157 = arith.constant 48 : i32
      %mul3A_158 = arith.muli %scan3A_153, %mul3A_157 : i32
      %add3A_159 = arith.addi %mul3A_156, %mul3A_158 : i32
      "tpu.region"() ({
        %run_scoped3A = tpu.sem_alloc : memref<!tpu.dma_semaphore, #tpu.memory_space<semaphore_mem>>
        %dma_start3A_161 = arith.constant 0 : i32
        %dma_start3A_162 = arith.constant 0 : i32
        %dma_start3A_163 = tpu.memref_slice %arg15[%dma_start3A_161, %dma_start3A_162] : memref<80x160xbf16, #tpu.memory_space<vmem>> -> memref<48x160xbf16, #tpu.memory_space<vmem>>
        %dma_start3A_164 = arith.constant 0 : i32
        %dma_start3A_165 = tpu.memref_slice %arg25[%add3A_159, %dma_start3A_164] : memref<10000x160xbf16, #tpu.memory_space<vmem_shared>> -> memref<48x160xbf16, #tpu.memory_space<vmem_shared>>
        %dma_start3A_166 = arith.constant 0 : i32
        %dma_start3A_167 = tpu.memref_slice %arg25[%add3A_159, %dma_start3A_166] : memref<10000x160xbf16, #tpu.memory_space<vmem_shared>> -> memref<48x160xbf16, #tpu.memory_space<vmem_shared>>
        %dma_start3A_168 = arith.constant 0 : i32
        %dma_start3A_169 = arith.constant 0 : i32
        %dma_start3A_170 = tpu.memref_slice %arg15[%dma_start3A_168, %dma_start3A_169] : memref<80x160xbf16, #tpu.memory_space<vmem>> -> memref<48x160xbf16, #tpu.memory_space<vmem>>
        tpu.enqueue_dma source(%dma_start3A_170 : memref<48x160xbf16, #tpu.memory_space<vmem>>) target(%dma_start3A_167 : memref<48x160xbf16, #tpu.memory_space<vmem_shared>>) target_semaphore(%run_scoped3A : memref<!tpu.dma_semaphore, #tpu.memory_space<semaphore_mem>>)
        %dma_wait3A_171 = arith.constant 0 : i32
        %dma_wait3A_172 = arith.constant 0 : i32
        %dma_wait3A_173 = tpu.memref_slice %arg15[%dma_wait3A_171, %dma_wait3A_172] : memref<80x160xbf16, #tpu.memory_space<vmem>> -> memref<48x160xbf16, #tpu.memory_space<vmem>>
        %dma_wait3A_174 = arith.constant 0 : i32
        %dma_wait3A_175 = tpu.memref_slice %arg25[%add3A_159, %dma_wait3A_174] : memref<10000x160xbf16, #tpu.memory_space<vmem_shared>> -> memref<48x160xbf16, #tpu.memory_space<vmem_shared>>
        %dma_wait3A_176 = arith.constant 0 : i32
        %dma_wait3A_177 = tpu.memref_slice %arg25[%add3A_159, %dma_wait3A_176] : memref<10000x160xbf16, #tpu.memory_space<vmem_shared>> -> memref<48x160xbf16, #tpu.memory_space<vmem_shared>>
        %dma_wait3A_178 = arith.constant 0 : i32
        %dma_wait3A_179 = arith.constant 0 : i32
        %dma_wait3A_180 = tpu.memref_slice %arg15[%dma_wait3A_178, %dma_wait3A_179] : memref<80x160xbf16, #tpu.memory_space<vmem>> -> memref<48x160xbf16, #tpu.memory_space<vmem>>
        tpu.wait_dma2 semaphore(%run_scoped3A : memref<!tpu.dma_semaphore, #tpu.memory_space<semaphore_mem>>) src(%dma_wait3A_180 : memref<48x160xbf16, #tpu.memory_space<vmem>>) dst(%dma_wait3A_177 : memref<48x160xbf16, #tpu.memory_space<vmem_shared>>)
        tpu.yield
      }) : () -> ()
      %scan3A_160 = arith.constant 0 : i32
      scf.yield %scan3A_160 : i32
    }
    %scan3A_12 = arith.constant 13 : i32
    %eq3A = arith.constant 15 : i32
    %eq3A_13 = arith.cmpi eq, %arg1, %eq3A : i32
    %convert_element_type3A = arith.extui %eq3A_13 : i1 to i32
    %cond3A = arith.constant 0 : i32
    %cond3A_14 = arith.cmpi ne, %convert_element_type3A, %cond3A : i32
    scf.if %cond3A_14 {
      "tpu.region"() ({
        %run_scoped3A = tpu.sem_alloc : memref<!tpu.dma_semaphore, #tpu.memory_space<semaphore_mem>>
        %dma_start3A_153 = arith.constant 0 : i32
        %dma_start3A_154 = arith.constant 0 : i32
        %dma_start3A_155 = tpu.memref_slice %arg15[%dma_start3A_153, %dma_start3A_154] : memref<80x160xbf16, #tpu.memory_space<vmem>> -> memref<16x160xbf16, #tpu.memory_space<vmem>>
        %dma_start3A_156 = arith.constant 9984 : i32
        %dma_start3A_157 = arith.constant 0 : i32
        %dma_start3A_158 = tpu.memref_slice %arg25[%dma_start3A_156, %dma_start3A_157] : memref<10000x160xbf16, #tpu.memory_space<vmem_shared>> -> memref<16x160xbf16, #tpu.memory_space<vmem_shared>>
        %dma_start3A_159 = arith.constant 9984 : i32
        %dma_start3A_160 = arith.constant 0 : i32
        %dma_start3A_161 = tpu.memref_slice %arg25[%dma_start3A_159, %dma_start3A_160] : memref<10000x160xbf16, #tpu.memory_space<vmem_shared>> -> memref<16x160xbf16, #tpu.memory_space<vmem_shared>>
        %dma_start3A_162 = arith.constant 0 : i32
        %dma_start3A_163 = arith.constant 0 : i32
        %dma_start3A_164 = tpu.memref_slice %arg15[%dma_start3A_162, %dma_start3A_163] : memref<80x160xbf16, #tpu.memory_space<vmem>> -> memref<16x160xbf16, #tpu.memory_space<vmem>>
        tpu.enqueue_dma source(%dma_start3A_164 : memref<16x160xbf16, #tpu.memory_space<vmem>>) target(%dma_start3A_161 : memref<16x160xbf16, #tpu.memory_space<vmem_shared>>) target_semaphore(%run_scoped3A : memref<!tpu.dma_semaphore, #tpu.memory_space<semaphore_mem>>)
        %dma_wait3A_165 = arith.constant 0 : i32
        %dma_wait3A_166 = arith.constant 0 : i32
        %dma_wait3A_167 = tpu.memref_slice %arg15[%dma_wait3A_165, %dma_wait3A_166] : memref<80x160xbf16, #tpu.memory_space<vmem>> -> memref<16x160xbf16, #tpu.memory_space<vmem>>
        %dma_wait3A_168 = arith.constant 9984 : i32
        %dma_wait3A_169 = arith.constant 0 : i32
        %dma_wait3A_170 = tpu.memref_slice %arg25[%dma_wait3A_168, %dma_wait3A_169] : memref<10000x160xbf16, #tpu.memory_space<vmem_shared>> -> memref<16x160xbf16, #tpu.memory_space<vmem_shared>>
        %dma_wait3A_171 = arith.constant 9984 : i32
        %dma_wait3A_172 = arith.constant 0 : i32
        %dma_wait3A_173 = tpu.memref_slice %arg25[%dma_wait3A_171, %dma_wait3A_172] : memref<10000x160xbf16, #tpu.memory_space<vmem_shared>> -> memref<16x160xbf16, #tpu.memory_space<vmem_shared>>
        %dma_wait3A_174 = arith.constant 0 : i32
        %dma_wait3A_175 = arith.constant 0 : i32
        %dma_wait3A_176 = tpu.memref_slice %arg15[%dma_wait3A_174, %dma_wait3A_175] : memref<80x160xbf16, #tpu.memory_space<vmem>> -> memref<16x160xbf16, #tpu.memory_space<vmem>>
        tpu.wait_dma2 semaphore(%run_scoped3A : memref<!tpu.dma_semaphore, #tpu.memory_space<semaphore_mem>>) src(%dma_wait3A_176 : memref<16x160xbf16, #tpu.memory_space<vmem>>) dst(%dma_wait3A_173 : memref<16x160xbf16, #tpu.memory_space<vmem_shared>>)
        tpu.yield
      }) : () -> ()
    } else {
    }
    %barrier3A = arith.constant 0 : index
    tpu.barrier barrier_id(%barrier3A)
    %iota3A = tpu.iota {dimensions = array<i32: 0>} : vector<16xi32>
    %mul3A = arith.constant 16 : i32
    %mul3A_15 = arith.muli %arg0, %mul3A : i32
    %add3A = arith.addi %mul3A_15, %arg1 : i32
    %broadcast_in_dim3A = arith.constant 15 : i32
    %broadcast_in_dim3A_16 = vector.broadcast %broadcast_in_dim3A : i32 to vector<16xi32>
    %broadcast_in_dim3A_17 = arith.constant 0 : i32
    %broadcast_in_dim3A_18 = vector.broadcast %broadcast_in_dim3A_17 : i32 to vector<16xi32>
    %broadcast_in_dim3A_19 = arith.constant 1 : i32
    %broadcast_in_dim3A_20 = vector.broadcast %broadcast_in_dim3A_19 : i32 to vector<16xi32>
    %broadcast_in_dim3A_21 = arith.constant 2 : i32
    %broadcast_in_dim3A_22 = vector.broadcast %broadcast_in_dim3A_21 : i32 to vector<16xi32>
    %broadcast_in_dim3A_23 = arith.constant 3 : i32
    %broadcast_in_dim3A_24 = vector.broadcast %broadcast_in_dim3A_23 : i32 to vector<16xi32>
    %broadcast_in_dim3A_25 = arith.constant 4 : i32
    %broadcast_in_dim3A_26 = vector.broadcast %broadcast_in_dim3A_25 : i32 to vector<16xi32>
    %broadcast_in_dim3A_27 = arith.constant 5 : i32
    %broadcast_in_dim3A_28 = vector.broadcast %broadcast_in_dim3A_27 : i32 to vector<16xi32>
    %broadcast_in_dim3A_29 = arith.constant 6 : i32
    %broadcast_in_dim3A_30 = vector.broadcast %broadcast_in_dim3A_29 : i32 to vector<16xi32>
    %broadcast_in_dim3A_31 = arith.constant 7 : i32
    %broadcast_in_dim3A_32 = vector.broadcast %broadcast_in_dim3A_31 : i32 to vector<16xi32>
    %dma_start3A = arith.constant 0 : i32
    %dma_start3A_33 = arith.constant 0 : i32
    %dma_start3A_34 = arith.constant 0 : i32
    %dma_start3A_35 = tpu.memref_slice %arg4[%add3A, %dma_start3A, %dma_start3A_33, %dma_start3A_34] : memref<32x125x2x80xi32, #tpu.memory_space<hbm>> -> memref<1x1x2x80xi32, #tpu.memory_space<hbm>>
    %dma_start3A_36 = tpu.memref_squeeze %dma_start3A_35 : memref<1x1x2x80xi32, #tpu.memory_space<hbm>> -> memref<2x80xi32, #tpu.memory_space<hbm>>
    %dma_start3A_37 = arith.constant 0 : i32
    %dma_start3A_38 = arith.constant 0 : i32
    %dma_start3A_39 = tpu.memref_slice %arg4[%add3A, %dma_start3A, %dma_start3A_37, %dma_start3A_38] : memref<32x125x2x80xi32, #tpu.memory_space<hbm>> -> memref<1x1x2x80xi32, #tpu.memory_space<hbm>>
    %dma_start3A_40 = tpu.memref_squeeze %dma_start3A_39 : memref<1x1x2x80xi32, #tpu.memory_space<hbm>> -> memref<2x80xi32, #tpu.memory_space<hbm>>
    tpu.enqueue_dma source(%dma_start3A_40 : memref<2x80xi32, #tpu.memory_space<hbm>>) target(%arg7 : memref<2x80xi32, #tpu.memory_space<vmem>>) target_semaphore(%arg17 : memref<!tpu.dma_semaphore, #tpu.memory_space<semaphore_mem>>)
    %dma_wait3A = arith.constant 0 : i32
    %dma_wait3A_41 = arith.constant 0 : i32
    %dma_wait3A_42 = arith.constant 0 : i32
    %dma_wait3A_43 = tpu.memref_slice %arg4[%add3A, %dma_wait3A, %dma_wait3A_41, %dma_wait3A_42] : memref<32x125x2x80xi32, #tpu.memory_space<hbm>> -> memref<1x1x2x80xi32, #tpu.memory_space<hbm>>
    %dma_wait3A_44 = tpu.memref_squeeze %dma_wait3A_43 : memref<1x1x2x80xi32, #tpu.memory_space<hbm>> -> memref<2x80xi32, #tpu.memory_space<hbm>>
    %dma_wait3A_45 = arith.constant 0 : i32
    %dma_wait3A_46 = arith.constant 0 : i32
    %dma_wait3A_47 = tpu.memref_slice %arg4[%add3A, %dma_wait3A, %dma_wait3A_45, %dma_wait3A_46] : memref<32x125x2x80xi32, #tpu.memory_space<hbm>> -> memref<1x1x2x80xi32, #tpu.memory_space<hbm>>
    %dma_wait3A_48 = tpu.memref_squeeze %dma_wait3A_47 : memref<1x1x2x80xi32, #tpu.memory_space<hbm>> -> memref<2x80xi32, #tpu.memory_space<hbm>>
    tpu.wait_dma2 semaphore(%arg17 : memref<!tpu.dma_semaphore, #tpu.memory_space<semaphore_mem>>) src(%dma_wait3A_48 : memref<2x80xi32, #tpu.memory_space<hbm>>) dst(%arg7 : memref<2x80xi32, #tpu.memory_space<vmem>>)
    %dma_start3A_49 = arith.constant 0 : i32
    %dma_start3A_50 = arith.constant 0 : i32
    %dma_start3A_51 = tpu.memref_slice %arg7[%dma_start3A_49, %dma_start3A_50] : memref<2x80xi32, #tpu.memory_space<vmem>> -> memref<1x80xi32, #tpu.memory_space<vmem>>
    %dma_start3A_52 = tpu.memref_squeeze %dma_start3A_51 : memref<1x80xi32, #tpu.memory_space<vmem>> -> memref<80xi32, #tpu.memory_space<vmem>>
    %dma_start3A_53 = arith.constant 0 : i32
    %dma_start3A_54 = arith.constant 0 : i32
    %dma_start3A_55 = tpu.memref_slice %arg2[%dma_start3A_53, %dma_start3A_54] : memref<10000x128xf32, #tpu.memory_space<hbm>> -> memref<10000x128xf32, #tpu.memory_space<hbm>>
    tpu.enqueue_indirect_dma source(%dma_start3A_55 : memref<10000x128xf32, #tpu.memory_space<hbm>>) target(%arg11 : memref<80x128xf32, #tpu.memory_space<vmem>>) offsets(%dma_start3A_52 : memref<80xi32, #tpu.memory_space<vmem>>) semaphore(%arg19 : memref<!tpu.dma_semaphore, #tpu.memory_space<semaphore_mem>>)
    %dma_start3A_56 = arith.constant 1 : i32
    %dma_start3A_57 = arith.constant 0 : i32
    %dma_start3A_58 = tpu.memref_slice %arg7[%dma_start3A_56, %dma_start3A_57] : memref<2x80xi32, #tpu.memory_space<vmem>> -> memref<1x80xi32, #tpu.memory_space<vmem>>
    %dma_start3A_59 = tpu.memref_squeeze %dma_start3A_58 : memref<1x80xi32, #tpu.memory_space<vmem>> -> memref<80xi32, #tpu.memory_space<vmem>>
    %dma_start3A_60 = arith.constant 0 : i32
    %dma_start3A_61 = arith.constant 0 : i32
    %dma_start3A_62 = tpu.memref_slice %arg3[%dma_start3A_60, %dma_start3A_61] : memref<10000x256xf32, #tpu.memory_space<hbm>> -> memref<10000x256xf32, #tpu.memory_space<hbm>>
    tpu.enqueue_indirect_dma source(%dma_start3A_62 : memref<10000x256xf32, #tpu.memory_space<hbm>>) target(%arg13 : memref<80x256xf32, #tpu.memory_space<vmem>>) offsets(%dma_start3A_59 : memref<80xi32, #tpu.memory_space<vmem>>) semaphore(%arg21 : memref<!tpu.dma_semaphore, #tpu.memory_space<semaphore_mem>>)
    %dma_start3A_63 = arith.constant 1 : i32
    %dma_start3A_64 = arith.constant 0 : i32
    %dma_start3A_65 = arith.constant 0 : i32
    %dma_start3A_66 = tpu.memref_slice %arg4[%add3A, %dma_start3A_63, %dma_start3A_64, %dma_start3A_65] : memref<32x125x2x80xi32, #tpu.memory_space<hbm>> -> memref<1x1x2x80xi32, #tpu.memory_space<hbm>>
    %dma_start3A_67 = tpu.memref_squeeze %dma_start3A_66 : memref<1x1x2x80xi32, #tpu.memory_space<hbm>> -> memref<2x80xi32, #tpu.memory_space<hbm>>
    %dma_start3A_68 = arith.constant 0 : i32
    %dma_start3A_69 = arith.constant 0 : i32
    %dma_start3A_70 = tpu.memref_slice %arg4[%add3A, %dma_start3A_63, %dma_start3A_68, %dma_start3A_69] : memref<32x125x2x80xi32, #tpu.memory_space<hbm>> -> memref<1x1x2x80xi32, #tpu.memory_space<hbm>>
    %dma_start3A_71 = tpu.memref_squeeze %dma_start3A_70 : memref<1x1x2x80xi32, #tpu.memory_space<hbm>> -> memref<2x80xi32, #tpu.memory_space<hbm>>
    tpu.enqueue_dma source(%dma_start3A_71 : memref<2x80xi32, #tpu.memory_space<hbm>>) target(%arg8 : memref<2x80xi32, #tpu.memory_space<vmem>>) target_semaphore(%arg18 : memref<!tpu.dma_semaphore, #tpu.memory_space<semaphore_mem>>)
    %scan3A_72 = arith.constant 0 : i32
    %scan3A_73 = arith.constant 0 : i32
    %scan3A_74 = arith.constant 62 : i32
    %scan3A_75 = arith.addi %scan3A_73, %scan3A_74 : i32
    %scan3A_76 = arith.constant 1 : i32
    %scan3A_77 = scf.for %scan3A_153 = %scan3A_73 to %scan3A_75 step %scan3A_76 iter_args(%scan3A_154 = %scan3A_72) -> (i32)  : i32 {
      %mul3A_155 = arith.constant 2 : i32
      %mul3A_156 = arith.muli %scan3A_153, %mul3A_155 : i32
      %add3A_157 = arith.constant 0 : i32
      %add3A_158 = arith.addi %mul3A_156, %add3A_157 : i32
      %dma_wait3A_159 = arith.constant 0 : i32
      %dma_wait3A_160 = arith.constant 0 : i32
      %dma_wait3A_161 = tpu.memref_slice %arg7[%dma_wait3A_159, %dma_wait3A_160] : memref<2x80xi32, #tpu.memory_space<vmem>> -> memref<1x80xi32, #tpu.memory_space<vmem>>
      %dma_wait3A_162 = tpu.memref_squeeze %dma_wait3A_161 : memref<1x80xi32, #tpu.memory_space<vmem>> -> memref<80xi32, #tpu.memory_space<vmem>>
      %dma_wait3A_163 = arith.constant 0 : i32
      %dma_wait3A_164 = arith.constant 0 : i32
      %dma_wait3A_165 = tpu.memref_slice %arg2[%dma_wait3A_163, %dma_wait3A_164] : memref<10000x128xf32, #tpu.memory_space<hbm>> -> memref<10000x128xf32, #tpu.memory_space<hbm>>
      tpu.wait_indirect_dma semaphore(%arg19 : memref<!tpu.dma_semaphore, #tpu.memory_space<semaphore_mem>>) src(%dma_wait3A_165 : memref<10000x128xf32, #tpu.memory_space<hbm>>) dst(%arg11 : memref<80x128xf32, #tpu.memory_space<vmem>>)
      %dma_wait3A_166 = arith.constant 1 : i32
      %dma_wait3A_167 = arith.constant 0 : i32
      %dma_wait3A_168 = tpu.memref_slice %arg7[%dma_wait3A_166, %dma_wait3A_167] : memref<2x80xi32, #tpu.memory_space<vmem>> -> memref<1x80xi32, #tpu.memory_space<vmem>>
      %dma_wait3A_169 = tpu.memref_squeeze %dma_wait3A_168 : memref<1x80xi32, #tpu.memory_space<vmem>> -> memref<80xi32, #tpu.memory_space<vmem>>
      %dma_wait3A_170 = arith.constant 0 : i32
      %dma_wait3A_171 = arith.constant 0 : i32
      %dma_wait3A_172 = tpu.memref_slice %arg3[%dma_wait3A_170, %dma_wait3A_171] : memref<10000x256xf32, #tpu.memory_space<hbm>> -> memref<10000x256xf32, #tpu.memory_space<hbm>>
      tpu.wait_indirect_dma semaphore(%arg21 : memref<!tpu.dma_semaphore, #tpu.memory_space<semaphore_mem>>) src(%dma_wait3A_172 : memref<10000x256xf32, #tpu.memory_space<hbm>>) dst(%arg13 : memref<80x256xf32, #tpu.memory_space<vmem>>)
      %lt3A = arith.constant 124 : i32
      %lt3A_173 = arith.cmpi slt, %add3A_158, %lt3A : i32
      %convert_element_type3A_174 = arith.extui %lt3A_173 : i1 to i32
      %cond3A_175 = arith.constant 0 : i32
      %cond3A_176 = arith.cmpi ne, %convert_element_type3A_174, %cond3A_175 : i32
      scf.if %cond3A_176 {
        %add3A_300 = arith.constant 1 : i32
        %add3A_301 = arith.addi %add3A_158, %add3A_300 : i32
        %dma_wait3A_302 = arith.constant 0 : i32
        %dma_wait3A_303 = arith.constant 0 : i32
        %dma_wait3A_304 = tpu.memref_slice %arg4[%add3A, %add3A_301, %dma_wait3A_302, %dma_wait3A_303] : memref<32x125x2x80xi32, #tpu.memory_space<hbm>> -> memref<1x1x2x80xi32, #tpu.memory_space<hbm>>
        %dma_wait3A_305 = tpu.memref_squeeze %dma_wait3A_304 : memref<1x1x2x80xi32, #tpu.memory_space<hbm>> -> memref<2x80xi32, #tpu.memory_space<hbm>>
        %dma_wait3A_306 = arith.constant 0 : i32
        %dma_wait3A_307 = arith.constant 0 : i32
        %dma_wait3A_308 = tpu.memref_slice %arg4[%add3A, %add3A_301, %dma_wait3A_306, %dma_wait3A_307] : memref<32x125x2x80xi32, #tpu.memory_space<hbm>> -> memref<1x1x2x80xi32, #tpu.memory_space<hbm>>
        %dma_wait3A_309 = tpu.memref_squeeze %dma_wait3A_308 : memref<1x1x2x80xi32, #tpu.memory_space<hbm>> -> memref<2x80xi32, #tpu.memory_space<hbm>>
        tpu.wait_dma2 semaphore(%arg18 : memref<!tpu.dma_semaphore, #tpu.memory_space<semaphore_mem>>) src(%dma_wait3A_309 : memref<2x80xi32, #tpu.memory_space<hbm>>) dst(%arg8 : memref<2x80xi32, #tpu.memory_space<vmem>>)
        %dma_start3A_310 = arith.constant 0 : i32
        %dma_start3A_311 = arith.constant 0 : i32
        %dma_start3A_312 = tpu.memref_slice %arg8[%dma_start3A_310, %dma_start3A_311] : memref<2x80xi32, #tpu.memory_space<vmem>> -> memref<1x80xi32, #tpu.memory_space<vmem>>
        %dma_start3A_313 = tpu.memref_squeeze %dma_start3A_312 : memref<1x80xi32, #tpu.memory_space<vmem>> -> memref<80xi32, #tpu.memory_space<vmem>>
        %dma_start3A_314 = arith.constant 0 : i32
        %dma_start3A_315 = arith.constant 0 : i32
        %dma_start3A_316 = tpu.memref_slice %arg2[%dma_start3A_314, %dma_start3A_315] : memref<10000x128xf32, #tpu.memory_space<hbm>> -> memref<10000x128xf32, #tpu.memory_space<hbm>>
        tpu.enqueue_indirect_dma source(%dma_start3A_316 : memref<10000x128xf32, #tpu.memory_space<hbm>>) target(%arg12 : memref<80x128xf32, #tpu.memory_space<vmem>>) offsets(%dma_start3A_313 : memref<80xi32, #tpu.memory_space<vmem>>) semaphore(%arg20 : memref<!tpu.dma_semaphore, #tpu.memory_space<semaphore_mem>>)
        %dma_start3A_317 = arith.constant 1 : i32
        %dma_start3A_318 = arith.constant 0 : i32
        %dma_start3A_319 = tpu.memref_slice %arg8[%dma_start3A_317, %dma_start3A_318] : memref<2x80xi32, #tpu.memory_space<vmem>> -> memref<1x80xi32, #tpu.memory_space<vmem>>
        %dma_start3A_320 = tpu.memref_squeeze %dma_start3A_319 : memref<1x80xi32, #tpu.memory_space<vmem>> -> memref<80xi32, #tpu.memory_space<vmem>>
        %dma_start3A_321 = arith.constant 0 : i32
        %dma_start3A_322 = arith.constant 0 : i32
        %dma_start3A_323 = tpu.memref_slice %arg3[%dma_start3A_321, %dma_start3A_322] : memref<10000x256xf32, #tpu.memory_space<hbm>> -> memref<10000x256xf32, #tpu.memory_space<hbm>>
        tpu.enqueue_indirect_dma source(%dma_start3A_323 : memref<10000x256xf32, #tpu.memory_space<hbm>>) target(%arg14 : memref<80x256xf32, #tpu.memory_space<vmem>>) offsets(%dma_start3A_320 : memref<80xi32, #tpu.memory_space<vmem>>) semaphore(%arg22 : memref<!tpu.dma_semaphore, #tpu.memory_space<semaphore_mem>>)
      } else {
      }
      %ge3A = arith.constant 2 : i32
      %ge3A_177 = arith.cmpi sge, %add3A_158, %ge3A : i32
      %convert_element_type3A_178 = arith.extui %ge3A_177 : i1 to i32
      %cond3A_179 = arith.constant 0 : i32
      %cond3A_180 = arith.cmpi ne, %convert_element_type3A_178, %cond3A_179 : i32
      scf.if %cond3A_180 {
        %dma_wait3A_300 = arith.constant 0 : i32
        %dma_wait3A_301 = arith.constant 0 : i32
        %dma_wait3A_302 = tpu.memref_slice %arg25[%dma_wait3A_300, %dma_wait3A_301] : memref<10000x160xbf16, #tpu.memory_space<vmem_shared>> -> memref<10000x160xbf16, #tpu.memory_space<vmem_shared>>
        tpu.wait_indirect_dma semaphore(%arg23 : memref<!tpu.dma_semaphore, #tpu.memory_space<semaphore_mem>>) src(%arg15 : memref<80x160xbf16, #tpu.memory_space<vmem>>) dst(%dma_wait3A_302 : memref<10000x160xbf16, #tpu.memory_space<vmem_shared>>)
      } else {
      }
      %scan3A_181 = arith.constant 0 : i32
      %scan3A_182 = arith.constant 0 : i32
      %scan3A_183 = arith.constant 80 : i32
      %scan3A_184 = arith.addi %scan3A_182, %scan3A_183 : i32
      %scan3A_185 = arith.constant 4 : i32
      %scan3A_186 = scf.for %scan3A_300 = %scan3A_182 to %scan3A_184 step %scan3A_185 iter_args(%scan3A_301 = %scan3A_181) -> (i32)  : i32 {
        %broadcast_in_dim3A_302 = arith.constant 0.000000e+00 : f32
        %broadcast_in_dim3A_303 = vector.broadcast %broadcast_in_dim3A_302 : f32 to vector<16xf32>
        %get3A_304 = arith.index_cast %scan3A_300 : i32 to index
        %get3A_305 = arith.constant 0 : index
        %get3A_306 = tpu.vector_load %arg11[%get3A_304, %get3A_305] {strides = array<i32>} : memref<80x128xf32, #tpu.memory_space<vmem>>, vector<16xf32>,
        %get3A_307 = arith.index_cast %scan3A_300 : i32 to index
        %get3A_308 = arith.constant 0 : index
        %get3A_309 = tpu.vector_load %arg13[%get3A_307, %get3A_308] {strides = array<i32>} : memref<80x256xf32, #tpu.memory_space<vmem>>, vector<16xf32>,
        %mul3A_310 = arith.mulf %get3A_306, %get3A_309 : vector<16xf32>
        %cumsum3A = arith.constant true
        %cumsum3A_311 = vector.broadcast %cumsum3A : i1 to vector<16xi1>
        %cumsum3A_312 = tpu.scan <sum>, %mul3A_310 masked %cumsum3A_311 : vector<16xf32>, vector<16xi1> -> vector<16xf32>
        %eq3A_313 = arith.constant 0 : i32
        %eq3A_314 = vector.broadcast %eq3A_313 : i32 to vector<16xi32>
        %eq3A_315 = arith.cmpi eq, %iota3A, %eq3A_314 : vector<16xi32>
        %lt3A_316 = arith.constant 0 : i32
        %lt3A_317 = vector.broadcast %lt3A_316 : i32 to vector<16xi32>
        %lt3A_318 = arith.cmpi slt, %broadcast_in_dim3A_16, %lt3A_317 : vector<16xi32>
        %add3A_319 = arith.constant 16 : i32
        %add3A_320 = vector.broadcast %add3A_319 : i32 to vector<16xi32>
        %add3A_321 = arith.addi %broadcast_in_dim3A_16, %add3A_320 : vector<16xi32>
        %select_n3A = arith.select %lt3A_318, %add3A_321, %broadcast_in_dim3A_16 : vector<16xi1>, vector<16xi32>
        %broadcast_in_dim3A_322 = vector.shape_cast %select_n3A : vector<16xi32> to vector<16x1xi32>
        %gather3A = vector.shape_cast %broadcast_in_dim3A_322 : vector<16x1xi32> to vector<16xi32>
        %gather3A_323 = tpu.dynamic_gather %cumsum3A_312[%gather3A] in [0] : vector<16xf32>, vector<16xi32> -> vector<16xf32>
        %select_n3A_324 = arith.select %eq3A_315, %gather3A_323, %broadcast_in_dim3A_303 : vector<16xi1>, vector<16xf32>
        %get3A_325 = arith.index_cast %scan3A_300 : i32 to index
        %get3A_326 = arith.constant 16 : index
        %get3A_327 = tpu.vector_load %arg11[%get3A_325, %get3A_326] {strides = array<i32>} : memref<80x128xf32, #tpu.memory_space<vmem>>, vector<16xf32>,
        %get3A_328 = arith.index_cast %scan3A_300 : i32 to index
        %get3A_329 = arith.constant 16 : index
        %get3A_330 = tpu.vector_load %arg13[%get3A_328, %get3A_329] {strides = array<i32>} : memref<80x256xf32, #tpu.memory_space<vmem>>, vector<16xf32>,
        %mul3A_331 = arith.mulf %get3A_327, %get3A_330 : vector<16xf32>
        %cumsum3A_332 = arith.constant true
        %cumsum3A_333 = vector.broadcast %cumsum3A_332 : i1 to vector<16xi1>
        %cumsum3A_334 = tpu.scan <sum>, %mul3A_331 masked %cumsum3A_333 : vector<16xf32>, vector<16xi1> -> vector<16xf32>
        %eq3A_335 = arith.constant 1 : i32
        %eq3A_336 = vector.broadcast %eq3A_335 : i32 to vector<16xi32>
        %eq3A_337 = arith.cmpi eq, %iota3A, %eq3A_336 : vector<16xi32>
        %lt3A_338 = arith.constant 0 : i32
        %lt3A_339 = vector.broadcast %lt3A_338 : i32 to vector<16xi32>
        %lt3A_340 = arith.cmpi slt, %broadcast_in_dim3A_16, %lt3A_339 : vector<16xi32>
        %add3A_341 = arith.constant 16 : i32
        %add3A_342 = vector.broadcast %add3A_341 : i32 to vector<16xi32>
        %add3A_343 = arith.addi %broadcast_in_dim3A_16, %add3A_342 : vector<16xi32>
        %select_n3A_344 = arith.select %lt3A_340, %add3A_343, %broadcast_in_dim3A_16 : vector<16xi1>, vector<16xi32>
        %broadcast_in_dim3A_345 = vector.shape_cast %select_n3A_344 : vector<16xi32> to vector<16x1xi32>
        %gather3A_346 = vector.shape_cast %broadcast_in_dim3A_345 : vector<16x1xi32> to vector<16xi32>
        %gather3A_347 = tpu.dynamic_gather %cumsum3A_334[%gather3A_346] in [0] : vector<16xf32>, vector<16xi32> -> vector<16xf32>
        %select_n3A_348 = arith.select %eq3A_337, %gather3A_347, %select_n3A_324 : vector<16xi1>, vector<16xf32>
        %get3A_349 = arith.index_cast %scan3A_300 : i32 to index
        %get3A_350 = arith.constant 32 : index
        %get3A_351 = tpu.vector_load %arg11[%get3A_349, %get3A_350] {strides = array<i32>} : memref<80x128xf32, #tpu.memory_space<vmem>>, vector<16xf32>,
        %get3A_352 = arith.index_cast %scan3A_300 : i32 to index
        %get3A_353 = arith.constant 32 : index
        %get3A_354 = tpu.vector_load %arg13[%get3A_352, %get3A_353] {strides = array<i32>} : memref<80x256xf32, #tpu.memory_space<vmem>>, vector<16xf32>,
        %mul3A_355 = arith.mulf %get3A_351, %get3A_354 : vector<16xf32>
        %cumsum3A_356 = arith.constant true
        %cumsum3A_357 = vector.broadcast %cumsum3A_356 : i1 to vector<16xi1>
        %cumsum3A_358 = tpu.scan <sum>, %mul3A_355 masked %cumsum3A_357 : vector<16xf32>, vector<16xi1> -> vector<16xf32>
        %eq3A_359 = arith.constant 2 : i32
        %eq3A_360 = vector.broadcast %eq3A_359 : i32 to vector<16xi32>
        %eq3A_361 = arith.cmpi eq, %iota3A, %eq3A_360 : vector<16xi32>
        %lt3A_362 = arith.constant 0 : i32
        %lt3A_363 = vector.broadcast %lt3A_362 : i32 to vector<16xi32>
        %lt3A_364 = arith.cmpi slt, %broadcast_in_dim3A_16, %lt3A_363 : vector<16xi32>
        %add3A_365 = arith.constant 16 : i32
        %add3A_366 = vector.broadcast %add3A_365 : i32 to vector<16xi32>
        %add3A_367 = arith.addi %broadcast_in_dim3A_16, %add3A_366 : vector<16xi32>
        %select_n3A_368 = arith.select %lt3A_364, %add3A_367, %broadcast_in_dim3A_16 : vector<16xi1>, vector<16xi32>
        %broadcast_in_dim3A_369 = vector.shape_cast %select_n3A_368 : vector<16xi32> to vector<16x1xi32>
        %gather3A_370 = vector.shape_cast %broadcast_in_dim3A_369 : vector<16x1xi32> to vector<16xi32>
        %gather3A_371 = tpu.dynamic_gather %cumsum3A_358[%gather3A_370] in [0] : vector<16xf32>, vector<16xi32> -> vector<16xf32>
        %select_n3A_372 = arith.select %eq3A_361, %gather3A_371, %select_n3A_348 : vector<16xi1>, vector<16xf32>
        %get3A_373 = arith.index_cast %scan3A_300 : i32 to index
        %get3A_374 = arith.constant 48 : index
        %get3A_375 = tpu.vector_load %arg11[%get3A_373, %get3A_374] {strides = array<i32>} : memref<80x128xf32, #tpu.memory_space<vmem>>, vector<16xf32>,
        %get3A_376 = arith.index_cast %scan3A_300 : i32 to index
        %get3A_377 = arith.constant 48 : index
        %get3A_378 = tpu.vector_load %arg13[%get3A_376, %get3A_377] {strides = array<i32>} : memref<80x256xf32, #tpu.memory_space<vmem>>, vector<16xf32>,
        %mul3A_379 = arith.mulf %get3A_375, %get3A_378 : vector<16xf32>
        %cumsum3A_380 = arith.constant true
        %cumsum3A_381 = vector.broadcast %cumsum3A_380 : i1 to vector<16xi1>
        %cumsum3A_382 = tpu.scan <sum>, %mul3A_379 masked %cumsum3A_381 : vector<16xf32>, vector<16xi1> -> vector<16xf32>
        %eq3A_383 = arith.constant 3 : i32
        %eq3A_384 = vector.broadcast %eq3A_383 : i32 to vector<16xi32>
        %eq3A_385 = arith.cmpi eq, %iota3A, %eq3A_384 : vector<16xi32>
        %lt3A_386 = arith.constant 0 : i32
        %lt3A_387 = vector.broadcast %lt3A_386 : i32 to vector<16xi32>
        %lt3A_388 = arith.cmpi slt, %broadcast_in_dim3A_16, %lt3A_387 : vector<16xi32>
        %add3A_389 = arith.constant 16 : i32
        %add3A_390 = vector.broadcast %add3A_389 : i32 to vector<16xi32>
        %add3A_391 = arith.addi %broadcast_in_dim3A_16, %add3A_390 : vector<16xi32>
        %select_n3A_392 = arith.select %lt3A_388, %add3A_391, %broadcast_in_dim3A_16 : vector<16xi1>, vector<16xi32>
        %broadcast_in_dim3A_393 = vector.shape_cast %select_n3A_392 : vector<16xi32> to vector<16x1xi32>
        %gather3A_394 = vector.shape_cast %broadcast_in_dim3A_393 : vector<16x1xi32> to vector<16xi32>
        %gather3A_395 = tpu.dynamic_gather %cumsum3A_382[%gather3A_394] in [0] : vector<16xf32>, vector<16xi32> -> vector<16xf32>
        %select_n3A_396 = arith.select %eq3A_385, %gather3A_395, %select_n3A_372 : vector<16xi1>, vector<16xf32>
        %get3A_397 = arith.index_cast %scan3A_300 : i32 to index
        %get3A_398 = arith.constant 64 : index
        %get3A_399 = tpu.vector_load %arg11[%get3A_397, %get3A_398] {strides = array<i32>} : memref<80x128xf32, #tpu.memory_space<vmem>>, vector<16xf32>,
        %get3A_400 = arith.index_cast %scan3A_300 : i32 to index
        %get3A_401 = arith.constant 64 : index
        %get3A_402 = tpu.vector_load %arg13[%get3A_400, %get3A_401] {strides = array<i32>} : memref<80x256xf32, #tpu.memory_space<vmem>>, vector<16xf32>,
        %mul3A_403 = arith.mulf %get3A_399, %get3A_402 : vector<16xf32>
        %cumsum3A_404 = arith.constant true
        %cumsum3A_405 = vector.broadcast %cumsum3A_404 : i1 to vector<16xi1>
        %cumsum3A_406 = tpu.scan <sum>, %mul3A_403 masked %cumsum3A_405 : vector<16xf32>, vector<16xi1> -> vector<16xf32>
        %eq3A_407 = arith.constant 4 : i32
        %eq3A_408 = vector.broadcast %eq3A_407 : i32 to vector<16xi32>
        %eq3A_409 = arith.cmpi eq, %iota3A, %eq3A_408 : vector<16xi32>
        %lt3A_410 = arith.constant 0 : i32
        %lt3A_411 = vector.broadcast %lt3A_410 : i32 to vector<16xi32>
        %lt3A_412 = arith.cmpi slt, %broadcast_in_dim3A_16, %lt3A_411 : vector<16xi32>
        %add3A_413 = arith.constant 16 : i32
        %add3A_414 = vector.broadcast %add3A_413 : i32 to vector<16xi32>
        %add3A_415 = arith.addi %broadcast_in_dim3A_16, %add3A_414 : vector<16xi32>
        %select_n3A_416 = arith.select %lt3A_412, %add3A_415, %broadcast_in_dim3A_16 : vector<16xi1>, vector<16xi32>
        %broadcast_in_dim3A_417 = vector.shape_cast %select_n3A_416 : vector<16xi32> to vector<16x1xi32>
        %gather3A_418 = vector.shape_cast %broadcast_in_dim3A_417 : vector<16x1xi32> to vector<16xi32>
        %gather3A_419 = tpu.dynamic_gather %cumsum3A_406[%gather3A_418] in [0] : vector<16xf32>, vector<16xi32> -> vector<16xf32>
        %select_n3A_420 = arith.select %eq3A_409, %gather3A_419, %select_n3A_396 : vector<16xi1>, vector<16xf32>
        %get3A_421 = arith.index_cast %scan3A_300 : i32 to index
        %get3A_422 = arith.constant 80 : index
        %get3A_423 = tpu.vector_load %arg11[%get3A_421, %get3A_422] {strides = array<i32>} : memref<80x128xf32, #tpu.memory_space<vmem>>, vector<16xf32>,
        %get3A_424 = arith.index_cast %scan3A_300 : i32 to index
        %get3A_425 = arith.constant 80 : index
        %get3A_426 = tpu.vector_load %arg13[%get3A_424, %get3A_425] {strides = array<i32>} : memref<80x256xf32, #tpu.memory_space<vmem>>, vector<16xf32>,
        %mul3A_427 = arith.mulf %get3A_423, %get3A_426 : vector<16xf32>
        %cumsum3A_428 = arith.constant true
        %cumsum3A_429 = vector.broadcast %cumsum3A_428 : i1 to vector<16xi1>
        %cumsum3A_430 = tpu.scan <sum>, %mul3A_427 masked %cumsum3A_429 : vector<16xf32>, vector<16xi1> -> vector<16xf32>
        %eq3A_431 = arith.constant 5 : i32
        %eq3A_432 = vector.broadcast %eq3A_431 : i32 to vector<16xi32>
        %eq3A_433 = arith.cmpi eq, %iota3A, %eq3A_432 : vector<16xi32>
        %lt3A_434 = arith.constant 0 : i32
        %lt3A_435 = vector.broadcast %lt3A_434 : i32 to vector<16xi32>
        %lt3A_436 = arith.cmpi slt, %broadcast_in_dim3A_16, %lt3A_435 : vector<16xi32>
        %add3A_437 = arith.constant 16 : i32
        %add3A_438 = vector.broadcast %add3A_437 : i32 to vector<16xi32>
        %add3A_439 = arith.addi %broadcast_in_dim3A_16, %add3A_438 : vector<16xi32>
        %select_n3A_440 = arith.select %lt3A_436, %add3A_439, %broadcast_in_dim3A_16 : vector<16xi1>, vector<16xi32>
        %broadcast_in_dim3A_441 = vector.shape_cast %select_n3A_440 : vector<16xi32> to vector<16x1xi32>
        %gather3A_442 = vector.shape_cast %broadcast_in_dim3A_441 : vector<16x1xi32> to vector<16xi32>
        %gather3A_443 = tpu.dynamic_gather %cumsum3A_430[%gather3A_442] in [0] : vector<16xf32>, vector<16xi32> -> vector<16xf32>
        %select_n3A_444 = arith.select %eq3A_433, %gather3A_443, %select_n3A_420 : vector<16xi1>, vector<16xf32>
        %get3A_445 = arith.index_cast %scan3A_300 : i32 to index
        %get3A_446 = arith.constant 96 : index
        %get3A_447 = tpu.vector_load %arg11[%get3A_445, %get3A_446] {strides = array<i32>} : memref<80x128xf32, #tpu.memory_space<vmem>>, vector<16xf32>,
        %get3A_448 = arith.index_cast %scan3A_300 : i32 to index
        %get3A_449 = arith.constant 96 : index
        %get3A_450 = tpu.vector_load %arg13[%get3A_448, %get3A_449] {strides = array<i32>} : memref<80x256xf32, #tpu.memory_space<vmem>>, vector<16xf32>,
        %mul3A_451 = arith.mulf %get3A_447, %get3A_450 : vector<16xf32>
        %cumsum3A_452 = arith.constant true
        %cumsum3A_453 = vector.broadcast %cumsum3A_452 : i1 to vector<16xi1>
        %cumsum3A_454 = tpu.scan <sum>, %mul3A_451 masked %cumsum3A_453 : vector<16xf32>, vector<16xi1> -> vector<16xf32>
        %eq3A_455 = arith.constant 6 : i32
        %eq3A_456 = vector.broadcast %eq3A_455 : i32 to vector<16xi32>
        %eq3A_457 = arith.cmpi eq, %iota3A, %eq3A_456 : vector<16xi32>
        %lt3A_458 = arith.constant 0 : i32
        %lt3A_459 = vector.broadcast %lt3A_458 : i32 to vector<16xi32>
        %lt3A_460 = arith.cmpi slt, %broadcast_in_dim3A_16, %lt3A_459 : vector<16xi32>
        %add3A_461 = arith.constant 16 : i32
        %add3A_462 = vector.broadcast %add3A_461 : i32 to vector<16xi32>
        %add3A_463 = arith.addi %broadcast_in_dim3A_16, %add3A_462 : vector<16xi32>
        %select_n3A_464 = arith.select %lt3A_460, %add3A_463, %broadcast_in_dim3A_16 : vector<16xi1>, vector<16xi32>
        %broadcast_in_dim3A_465 = vector.shape_cast %select_n3A_464 : vector<16xi32> to vector<16x1xi32>
        %gather3A_466 = vector.shape_cast %broadcast_in_dim3A_465 : vector<16x1xi32> to vector<16xi32>
        %gather3A_467 = tpu.dynamic_gather %cumsum3A_454[%gather3A_466] in [0] : vector<16xf32>, vector<16xi32> -> vector<16xf32>
        %select_n3A_468 = arith.select %eq3A_457, %gather3A_467, %select_n3A_444 : vector<16xi1>, vector<16xf32>
        %get3A_469 = arith.index_cast %scan3A_300 : i32 to index
        %get3A_470 = arith.constant 112 : index
        %get3A_471 = tpu.vector_load %arg11[%get3A_469, %get3A_470] {strides = array<i32>} : memref<80x128xf32, #tpu.memory_space<vmem>>, vector<16xf32>,
        %get3A_472 = arith.index_cast %scan3A_300 : i32 to index
        %get3A_473 = arith.constant 112 : index
        %get3A_474 = tpu.vector_load %arg13[%get3A_472, %get3A_473] {strides = array<i32>} : memref<80x256xf32, #tpu.memory_space<vmem>>, vector<16xf32>,
        %mul3A_475 = arith.mulf %get3A_471, %get3A_474 : vector<16xf32>
        %cumsum3A_476 = arith.constant true
        %cumsum3A_477 = vector.broadcast %cumsum3A_476 : i1 to vector<16xi1>
        %cumsum3A_478 = tpu.scan <sum>, %mul3A_475 masked %cumsum3A_477 : vector<16xf32>, vector<16xi1> -> vector<16xf32>
        %eq3A_479 = arith.constant 7 : i32
        %eq3A_480 = vector.broadcast %eq3A_479 : i32 to vector<16xi32>
        %eq3A_481 = arith.cmpi eq, %iota3A, %eq3A_480 : vector<16xi32>
        %lt3A_482 = arith.constant 0 : i32
        %lt3A_483 = vector.broadcast %lt3A_482 : i32 to vector<16xi32>
        %lt3A_484 = arith.cmpi slt, %broadcast_in_dim3A_16, %lt3A_483 : vector<16xi32>
        %add3A_485 = arith.constant 16 : i32
        %add3A_486 = vector.broadcast %add3A_485 : i32 to vector<16xi32>
        %add3A_487 = arith.addi %broadcast_in_dim3A_16, %add3A_486 : vector<16xi32>
        %select_n3A_488 = arith.select %lt3A_484, %add3A_487, %broadcast_in_dim3A_16 : vector<16xi1>, vector<16xi32>
        %broadcast_in_dim3A_489 = vector.shape_cast %select_n3A_488 : vector<16xi32> to vector<16x1xi32>
        %gather3A_490 = vector.shape_cast %broadcast_in_dim3A_489 : vector<16x1xi32> to vector<16xi32>
        %gather3A_491 = tpu.dynamic_gather %cumsum3A_478[%gather3A_490] in [0] : vector<16xf32>, vector<16xi32> -> vector<16xf32>
        %select_n3A_492 = arith.select %eq3A_481, %gather3A_491, %select_n3A_468 : vector<16xi1>, vector<16xf32>
        %mul3A_493 = arith.constant 2.500000e-01 : f32
        %mul3A_494 = vector.broadcast %mul3A_493 : f32 to vector<16xf32>
        %mul3A_495 = arith.mulf %select_n3A_492, %mul3A_494 : vector<16xf32>
        %exp3A = math.exp %mul3A_495 : vector<16xf32>
        %pack3A = tpu.pack_subelements %exp3A, %exp3A {pack_format = #tpu.pack_format<interleaved>, positions = array<i32: 0, 1>} : vector<16xf32>, vector<16xf32> -> vector<32xbf16>
        %swap3A_496 = arith.index_cast %scan3A_300 : i32 to index
        %swap3A_497 = arith.constant 128 : index
        %swap3A_498 = tpu.vector_load %arg15[%swap3A_496, %swap3A_497] {strides = array<i32>} : memref<80x160xbf16, #tpu.memory_space<vmem>>, vector<32xbf16>,
        tpu.vector_store %arg15[%swap3A_496, %swap3A_497], %pack3A {strides = array<i32>} : memref<80x160xbf16, #tpu.memory_space<vmem>>, vector<32xbf16>,
        %get3A_499 = arith.index_cast %scan3A_300 : i32 to index
        %get3A_500 = arith.constant 128 : index
        %get3A_501 = tpu.vector_load %arg13[%get3A_499, %get3A_500] {strides = array<i32>} : memref<80x256xf32, #tpu.memory_space<vmem>>, vector<16xf32>,
        %lt3A_502 = arith.constant 0 : i32
        %lt3A_503 = vector.broadcast %lt3A_502 : i32 to vector<16xi32>
        %lt3A_504 = arith.cmpi slt, %broadcast_in_dim3A_18, %lt3A_503 : vector<16xi32>
        %add3A_505 = arith.constant 16 : i32
        %add3A_506 = vector.broadcast %add3A_505 : i32 to vector<16xi32>
        %add3A_507 = arith.addi %broadcast_in_dim3A_18, %add3A_506 : vector<16xi32>
        %select_n3A_508 = arith.select %lt3A_504, %add3A_507, %broadcast_in_dim3A_18 : vector<16xi1>, vector<16xi32>
        %broadcast_in_dim3A_509 = vector.shape_cast %select_n3A_508 : vector<16xi32> to vector<16x1xi32>
        %gather3A_510 = vector.shape_cast %broadcast_in_dim3A_509 : vector<16x1xi32> to vector<16xi32>
        %gather3A_511 = tpu.dynamic_gather %exp3A[%gather3A_510] in [0] : vector<16xf32>, vector<16xi32> -> vector<16xf32>
        %mul3A_512 = arith.mulf %get3A_501, %gather3A_511 : vector<16xf32>
        %get3A_513 = arith.index_cast %scan3A_300 : i32 to index
        %get3A_514 = arith.constant 144 : index
        %get3A_515 = tpu.vector_load %arg13[%get3A_513, %get3A_514] {strides = array<i32>} : memref<80x256xf32, #tpu.memory_space<vmem>>, vector<16xf32>,
        %lt3A_516 = arith.constant 0 : i32
        %lt3A_517 = vector.broadcast %lt3A_516 : i32 to vector<16xi32>
        %lt3A_518 = arith.cmpi slt, %broadcast_in_dim3A_20, %lt3A_517 : vector<16xi32>
        %add3A_519 = arith.constant 16 : i32
        %add3A_520 = vector.broadcast %add3A_519 : i32 to vector<16xi32>
        %add3A_521 = arith.addi %broadcast_in_dim3A_20, %add3A_520 : vector<16xi32>
        %select_n3A_522 = arith.select %lt3A_518, %add3A_521, %broadcast_in_dim3A_20 : vector<16xi1>, vector<16xi32>
        %broadcast_in_dim3A_523 = vector.shape_cast %select_n3A_522 : vector<16xi32> to vector<16x1xi32>
        %gather3A_524 = vector.shape_cast %broadcast_in_dim3A_523 : vector<16x1xi32> to vector<16xi32>
        %gather3A_525 = tpu.dynamic_gather %exp3A[%gather3A_524] in [0] : vector<16xf32>, vector<16xi32> -> vector<16xf32>
        %mul3A_526 = arith.mulf %get3A_515, %gather3A_525 : vector<16xf32>
        %pack3A_527 = tpu.pack_subelements %mul3A_512, %mul3A_526 {pack_format = #tpu.pack_format<interleaved>, positions = array<i32: 0, 1>} : vector<16xf32>, vector<16xf32> -> vector<32xbf16>
        %swap3A_528 = arith.index_cast %scan3A_300 : i32 to index
        %swap3A_529 = arith.constant 0 : index
        %swap3A_530 = tpu.vector_load %arg15[%swap3A_528, %swap3A_529] {strides = array<i32>} : memref<80x160xbf16, #tpu.memory_space<vmem>>, vector<32xbf16>,
        tpu.vector_store %arg15[%swap3A_528, %swap3A_529], %pack3A_527 {strides = array<i32>} : memref<80x160xbf16, #tpu.memory_space<vmem>>, vector<32xbf16>,
        %get3A_531 = arith.index_cast %scan3A_300 : i32 to index
        %get3A_532 = arith.constant 160 : index
        %get3A_533 = tpu.vector_load %arg13[%get3A_531, %get3A_532] {strides = array<i32>} : memref<80x256xf32, #tpu.memory_space<vmem>>, vector<16xf32>,
        %lt3A_534 = arith.constant 0 : i32
        %lt3A_535 = vector.broadcast %lt3A_534 : i32 to vector<16xi32>
        %lt3A_536 = arith.cmpi slt, %broadcast_in_dim3A_22, %lt3A_535 : vector<16xi32>
        %add3A_537 = arith.constant 16 : i32
        %add3A_538 = vector.broadcast %add3A_537 : i32 to vector<16xi32>
        %add3A_539 = arith.addi %broadcast_in_dim3A_22, %add3A_538 : vector<16xi32>
        %select_n3A_540 = arith.select %lt3A_536, %add3A_539, %broadcast_in_dim3A_22 : vector<16xi1>, vector<16xi32>
        %broadcast_in_dim3A_541 = vector.shape_cast %select_n3A_540 : vector<16xi32> to vector<16x1xi32>
        %gather3A_542 = vector.shape_cast %broadcast_in_dim3A_541 : vector<16x1xi32> to vector<16xi32>
        %gather3A_543 = tpu.dynamic_gather %exp3A[%gather3A_542] in [0] : vector<16xf32>, vector<16xi32> -> vector<16xf32>
        %mul3A_544 = arith.mulf %get3A_533, %gather3A_543 : vector<16xf32>
        %get3A_545 = arith.index_cast %scan3A_300 : i32 to index
        %get3A_546 = arith.constant 176 : index
        %get3A_547 = tpu.vector_load %arg13[%get3A_545, %get3A_546] {strides = array<i32>} : memref<80x256xf32, #tpu.memory_space<vmem>>, vector<16xf32>,
        %lt3A_548 = arith.constant 0 : i32
        %lt3A_549 = vector.broadcast %lt3A_548 : i32 to vector<16xi32>
        %lt3A_550 = arith.cmpi slt, %broadcast_in_dim3A_24, %lt3A_549 : vector<16xi32>
        %add3A_551 = arith.constant 16 : i32
        %add3A_552 = vector.broadcast %add3A_551 : i32 to vector<16xi32>
        %add3A_553 = arith.addi %broadcast_in_dim3A_24, %add3A_552 : vector<16xi32>
        %select_n3A_554 = arith.select %lt3A_550, %add3A_553, %broadcast_in_dim3A_24 : vector<16xi1>, vector<16xi32>
        %broadcast_in_dim3A_555 = vector.shape_cast %select_n3A_554 : vector<16xi32> to vector<16x1xi32>
        %gather3A_556 = vector.shape_cast %broadcast_in_dim3A_555 : vector<16x1xi32> to vector<16xi32>
        %gather3A_557 = tpu.dynamic_gather %exp3A[%gather3A_556] in [0] : vector<16xf32>, vector<16xi32> -> vector<16xf32>
        %mul3A_558 = arith.mulf %get3A_547, %gather3A_557 : vector<16xf32>
        %pack3A_559 = tpu.pack_subelements %mul3A_544, %mul3A_558 {pack_format = #tpu.pack_format<interleaved>, positions = array<i32: 0, 1>} : vector<16xf32>, vector<16xf32> -> vector<32xbf16>
        %swap3A_560 = arith.index_cast %scan3A_300 : i32 to index
        %swap3A_561 = arith.constant 32 : index
        %swap3A_562 = tpu.vector_load %arg15[%swap3A_560, %swap3A_561] {strides = array<i32>} : memref<80x160xbf16, #tpu.memory_space<vmem>>, vector<32xbf16>,
        tpu.vector_store %arg15[%swap3A_560, %swap3A_561], %pack3A_559 {strides = array<i32>} : memref<80x160xbf16, #tpu.memory_space<vmem>>, vector<32xbf16>,
        %get3A_563 = arith.index_cast %scan3A_300 : i32 to index
        %get3A_564 = arith.constant 192 : index
        %get3A_565 = tpu.vector_load %arg13[%get3A_563, %get3A_564] {strides = array<i32>} : memref<80x256xf32, #tpu.memory_space<vmem>>, vector<16xf32>,
        %lt3A_566 = arith.constant 0 : i32
        %lt3A_567 = vector.broadcast %lt3A_566 : i32 to vector<16xi32>
        %lt3A_568 = arith.cmpi slt, %broadcast_in_dim3A_26, %lt3A_567 : vector<16xi32>
        %add3A_569 = arith.constant 16 : i32
        %add3A_570 = vector.broadcast %add3A_569 : i32 to vector<16xi32>
        %add3A_571 = arith.addi %broadcast_in_dim3A_26, %add3A_570 : vector<16xi32>
        %select_n3A_572 = arith.select %lt3A_568, %add3A_571, %broadcast_in_dim3A_26 : vector<16xi1>, vector<16xi32>
        %broadcast_in_dim3A_573 = vector.shape_cast %select_n3A_572 : vector<16xi32> to vector<16x1xi32>
        %gather3A_574 = vector.shape_cast %broadcast_in_dim3A_573 : vector<16x1xi32> to vector<16xi32>
        %gather3A_575 = tpu.dynamic_gather %exp3A[%gather3A_574] in [0] : vector<16xf32>, vector<16xi32> -> vector<16xf32>
        %mul3A_576 = arith.mulf %get3A_565, %gather3A_575 : vector<16xf32>
        %get3A_577 = arith.index_cast %scan3A_300 : i32 to index
        %get3A_578 = arith.constant 208 : index
        %get3A_579 = tpu.vector_load %arg13[%get3A_577, %get3A_578] {strides = array<i32>} : memref<80x256xf32, #tpu.memory_space<vmem>>, vector<16xf32>,
        %lt3A_580 = arith.constant 0 : i32
        %lt3A_581 = vector.broadcast %lt3A_580 : i32 to vector<16xi32>
        %lt3A_582 = arith.cmpi slt, %broadcast_in_dim3A_28, %lt3A_581 : vector<16xi32>
        %add3A_583 = arith.constant 16 : i32
        %add3A_584 = vector.broadcast %add3A_583 : i32 to vector<16xi32>
        %add3A_585 = arith.addi %broadcast_in_dim3A_28, %add3A_584 : vector<16xi32>
        %select_n3A_586 = arith.select %lt3A_582, %add3A_585, %broadcast_in_dim3A_28 : vector<16xi1>, vector<16xi32>
        %broadcast_in_dim3A_587 = vector.shape_cast %select_n3A_586 : vector<16xi32> to vector<16x1xi32>
        %gather3A_588 = vector.shape_cast %broadcast_in_dim3A_587 : vector<16x1xi32> to vector<16xi32>
        %gather3A_589 = tpu.dynamic_gather %exp3A[%gather3A_588] in [0] : vector<16xf32>, vector<16xi32> -> vector<16xf32>
        %mul3A_590 = arith.mulf %get3A_579, %gather3A_589 : vector<16xf32>
        %pack3A_591 = tpu.pack_subelements %mul3A_576, %mul3A_590 {pack_format = #tpu.pack_format<interleaved>, positions = array<i32: 0, 1>} : vector<16xf32>, vector<16xf32> -> vector<32xbf16>
        %swap3A_592 = arith.index_cast %scan3A_300 : i32 to index
        %swap3A_593 = arith.constant 64 : index
        %swap3A_594 = tpu.vector_load %arg15[%swap3A_592, %swap3A_593] {strides = array<i32>} : memref<80x160xbf16, #tpu.memory_space<vmem>>, vector<32xbf16>,
        tpu.vector_store %arg15[%swap3A_592, %swap3A_593], %pack3A_591 {strides = array<i32>} : memref<80x160xbf16, #tpu.memory_space<vmem>>, vector<32xbf16>,
        %get3A_595 = arith.index_cast %scan3A_300 : i32 to index
        %get3A_596 = arith.constant 224 : index
        %get3A_597 = tpu.vector_load %arg13[%get3A_595, %get3A_596] {strides = array<i32>} : memref<80x256xf32, #tpu.memory_space<vmem>>, vector<16xf32>,
        %lt3A_598 = arith.constant 0 : i32
        %lt3A_599 = vector.broadcast %lt3A_598 : i32 to vector<16xi32>
        %lt3A_600 = arith.cmpi slt, %broadcast_in_dim3A_30, %lt3A_599 : vector<16xi32>
        %add3A_601 = arith.constant 16 : i32
        %add3A_602 = vector.broadcast %add3A_601 : i32 to vector<16xi32>
        %add3A_603 = arith.addi %broadcast_in_dim3A_30, %add3A_602 : vector<16xi32>
        %select_n3A_604 = arith.select %lt3A_600, %add3A_603, %broadcast_in_dim3A_30 : vector<16xi1>, vector<16xi32>
        %broadcast_in_dim3A_605 = vector.shape_cast %select_n3A_604 : vector<16xi32> to vector<16x1xi32>
        %gather3A_606 = vector.shape_cast %broadcast_in_dim3A_605 : vector<16x1xi32> to vector<16xi32>
        %gather3A_607 = tpu.dynamic_gather %exp3A[%gather3A_606] in [0] : vector<16xf32>, vector<16xi32> -> vector<16xf32>
        %mul3A_608 = arith.mulf %get3A_597, %gather3A_607 : vector<16xf32>
        %get3A_609 = arith.index_cast %scan3A_300 : i32 to index
        %get3A_610 = arith.constant 240 : index
        %get3A_611 = tpu.vector_load %arg13[%get3A_609, %get3A_610] {strides = array<i32>} : memref<80x256xf32, #tpu.memory_space<vmem>>, vector<16xf32>,
        %lt3A_612 = arith.constant 0 : i32
        %lt3A_613 = vector.broadcast %lt3A_612 : i32 to vector<16xi32>
        %lt3A_614 = arith.cmpi slt, %broadcast_in_dim3A_32, %lt3A_613 : vector<16xi32>
        %add3A_615 = arith.constant 16 : i32
        %add3A_616 = vector.broadcast %add3A_615 : i32 to vector<16xi32>
        %add3A_617 = arith.addi %broadcast_in_dim3A_32, %add3A_616 : vector<16xi32>
        %select_n3A_618 = arith.select %lt3A_614, %add3A_617, %broadcast_in_dim3A_32 : vector<16xi1>, vector<16xi32>
        %broadcast_in_dim3A_619 = vector.shape_cast %select_n3A_618 : vector<16xi32> to vector<16x1xi32>
        %gather3A_620 = vector.shape_cast %broadcast_in_dim3A_619 : vector<16x1xi32> to vector<16xi32>
        %gather3A_621 = tpu.dynamic_gather %exp3A[%gather3A_620] in [0] : vector<16xf32>, vector<16xi32> -> vector<16xf32>
        %mul3A_622 = arith.mulf %get3A_611, %gather3A_621 : vector<16xf32>
        %pack3A_623 = tpu.pack_subelements %mul3A_608, %mul3A_622 {pack_format = #tpu.pack_format<interleaved>, positions = array<i32: 0, 1>} : vector<16xf32>, vector<16xf32> -> vector<32xbf16>
        %swap3A_624 = arith.index_cast %scan3A_300 : i32 to index
        %swap3A_625 = arith.constant 96 : index
        %swap3A_626 = tpu.vector_load %arg15[%swap3A_624, %swap3A_625] {strides = array<i32>} : memref<80x160xbf16, #tpu.memory_space<vmem>>, vector<32xbf16>,
        tpu.vector_store %arg15[%swap3A_624, %swap3A_625], %pack3A_623 {strides = array<i32>} : memref<80x160xbf16, #tpu.memory_space<vmem>>, vector<32xbf16>,
        %scan3A_627 = arith.constant 0 : i32
        %scan3A_628 = arith.constant 1 : i32
        %scan3A_629 = arith.addi %scan3A_300, %scan3A_628 : i32
        %broadcast_in_dim3A_630 = arith.constant 0.000000e+00 : f32
        %broadcast_in_dim3A_631 = vector.broadcast %broadcast_in_dim3A_630 : f32 to vector<16xf32>
        %get3A_632 = arith.index_cast %scan3A_629 : i32 to index
        %get3A_633 = arith.constant 0 : index
        %get3A_634 = tpu.vector_load %arg11[%get3A_632, %get3A_633] {strides = array<i32>} : memref<80x128xf32, #tpu.memory_space<vmem>>, vector<16xf32>,
        %get3A_635 = arith.index_cast %scan3A_629 : i32 to index
        %get3A_636 = arith.constant 0 : index
        %get3A_637 = tpu.vector_load %arg13[%get3A_635, %get3A_636] {strides = array<i32>} : memref<80x256xf32, #tpu.memory_space<vmem>>, vector<16xf32>,
        %mul3A_638 = arith.mulf %get3A_634, %get3A_637 : vector<16xf32>
        %cumsum3A_639 = arith.constant true
        %cumsum3A_640 = vector.broadcast %cumsum3A_639 : i1 to vector<16xi1>
        %cumsum3A_641 = tpu.scan <sum>, %mul3A_638 masked %cumsum3A_640 : vector<16xf32>, vector<16xi1> -> vector<16xf32>
        %eq3A_642 = arith.constant 0 : i32
        %eq3A_643 = vector.broadcast %eq3A_642 : i32 to vector<16xi32>
        %eq3A_644 = arith.cmpi eq, %iota3A, %eq3A_643 : vector<16xi32>
        %lt3A_645 = arith.constant 0 : i32
        %lt3A_646 = vector.broadcast %lt3A_645 : i32 to vector<16xi32>
        %lt3A_647 = arith.cmpi slt, %broadcast_in_dim3A_16, %lt3A_646 : vector<16xi32>
        %add3A_648 = arith.constant 16 : i32
        %add3A_649 = vector.broadcast %add3A_648 : i32 to vector<16xi32>
        %add3A_650 = arith.addi %broadcast_in_dim3A_16, %add3A_649 : vector<16xi32>
        %select_n3A_651 = arith.select %lt3A_647, %add3A_650, %broadcast_in_dim3A_16 : vector<16xi1>, vector<16xi32>
        %broadcast_in_dim3A_652 = vector.shape_cast %select_n3A_651 : vector<16xi32> to vector<16x1xi32>
        %gather3A_653 = vector.shape_cast %broadcast_in_dim3A_652 : vector<16x1xi32> to vector<16xi32>
        %gather3A_654 = tpu.dynamic_gather %cumsum3A_641[%gather3A_653] in [0] : vector<16xf32>, vector<16xi32> -> vector<16xf32>
        %select_n3A_655 = arith.select %eq3A_644, %gather3A_654, %broadcast_in_dim3A_631 : vector<16xi1>, vector<16xf32>
        %get3A_656 = arith.index_cast %scan3A_629 : i32 to index
        %get3A_657 = arith.constant 16 : index
        %get3A_658 = tpu.vector_load %arg11[%get3A_656, %get3A_657] {strides = array<i32>} : memref<80x128xf32, #tpu.memory_space<vmem>>, vector<16xf32>,
        %get3A_659 = arith.index_cast %scan3A_629 : i32 to index
        %get3A_660 = arith.constant 16 : index
        %get3A_661 = tpu.vector_load %arg13[%get3A_659, %get3A_660] {strides = array<i32>} : memref<80x256xf32, #tpu.memory_space<vmem>>, vector<16xf32>,
        %mul3A_662 = arith.mulf %get3A_658, %get3A_661 : vector<16xf32>
        %cumsum3A_663 = arith.constant true
        %cumsum3A_664 = vector.broadcast %cumsum3A_663 : i1 to vector<16xi1>
        %cumsum3A_665 = tpu.scan <sum>, %mul3A_662 masked %cumsum3A_664 : vector<16xf32>, vector<16xi1> -> vector<16xf32>
        %eq3A_666 = arith.constant 1 : i32
        %eq3A_667 = vector.broadcast %eq3A_666 : i32 to vector<16xi32>
        %eq3A_668 = arith.cmpi eq, %iota3A, %eq3A_667 : vector<16xi32>
        %lt3A_669 = arith.constant 0 : i32
        %lt3A_670 = vector.broadcast %lt3A_669 : i32 to vector<16xi32>
        %lt3A_671 = arith.cmpi slt, %broadcast_in_dim3A_16, %lt3A_670 : vector<16xi32>
        %add3A_672 = arith.constant 16 : i32
        %add3A_673 = vector.broadcast %add3A_672 : i32 to vector<16xi32>
        %add3A_674 = arith.addi %broadcast_in_dim3A_16, %add3A_673 : vector<16xi32>
        %select_n3A_675 = arith.select %lt3A_671, %add3A_674, %broadcast_in_dim3A_16 : vector<16xi1>, vector<16xi32>
        %broadcast_in_dim3A_676 = vector.shape_cast %select_n3A_675 : vector<16xi32> to vector<16x1xi32>
        %gather3A_677 = vector.shape_cast %broadcast_in_dim3A_676 : vector<16x1xi32> to vector<16xi32>
        %gather3A_678 = tpu.dynamic_gather %cumsum3A_665[%gather3A_677] in [0] : vector<16xf32>, vector<16xi32> -> vector<16xf32>
        %select_n3A_679 = arith.select %eq3A_668, %gather3A_678, %select_n3A_655 : vector<16xi1>, vector<16xf32>
        %get3A_680 = arith.index_cast %scan3A_629 : i32 to index
        %get3A_681 = arith.constant 32 : index
        %get3A_682 = tpu.vector_load %arg11[%get3A_680, %get3A_681] {strides = array<i32>} : memref<80x128xf32, #tpu.memory_space<vmem>>, vector<16xf32>,
        %get3A_683 = arith.index_cast %scan3A_629 : i32 to index
        %get3A_684 = arith.constant 32 : index
        %get3A_685 = tpu.vector_load %arg13[%get3A_683, %get3A_684] {strides = array<i32>} : memref<80x256xf32, #tpu.memory_space<vmem>>, vector<16xf32>,
        %mul3A_686 = arith.mulf %get3A_682, %get3A_685 : vector<16xf32>
        %cumsum3A_687 = arith.constant true
        %cumsum3A_688 = vector.broadcast %cumsum3A_687 : i1 to vector<16xi1>
        %cumsum3A_689 = tpu.scan <sum>, %mul3A_686 masked %cumsum3A_688 : vector<16xf32>, vector<16xi1> -> vector<16xf32>
        %eq3A_690 = arith.constant 2 : i32
        %eq3A_691 = vector.broadcast %eq3A_690 : i32 to vector<16xi32>
        %eq3A_692 = arith.cmpi eq, %iota3A, %eq3A_691 : vector<16xi32>
        %lt3A_693 = arith.constant 0 : i32
        %lt3A_694 = vector.broadcast %lt3A_693 : i32 to vector<16xi32>
        %lt3A_695 = arith.cmpi slt, %broadcast_in_dim3A_16, %lt3A_694 : vector<16xi32>
        %add3A_696 = arith.constant 16 : i32
        %add3A_697 = vector.broadcast %add3A_696 : i32 to vector<16xi32>
        %add3A_698 = arith.addi %broadcast_in_dim3A_16, %add3A_697 : vector<16xi32>
        %select_n3A_699 = arith.select %lt3A_695, %add3A_698, %broadcast_in_dim3A_16 : vector<16xi1>, vector<16xi32>
        %broadcast_in_dim3A_700 = vector.shape_cast %select_n3A_699 : vector<16xi32> to vector<16x1xi32>
        %gather3A_701 = vector.shape_cast %broadcast_in_dim3A_700 : vector<16x1xi32> to vector<16xi32>
        %gather3A_702 = tpu.dynamic_gather %cumsum3A_689[%gather3A_701] in [0] : vector<16xf32>, vector<16xi32> -> vector<16xf32>
        %select_n3A_703 = arith.select %eq3A_692, %gather3A_702, %select_n3A_679 : vector<16xi1>, vector<16xf32>
        %get3A_704 = arith.index_cast %scan3A_629 : i32 to index
        %get3A_705 = arith.constant 48 : index
        %get3A_706 = tpu.vector_load %arg11[%get3A_704, %get3A_705] {strides = array<i32>} : memref<80x128xf32, #tpu.memory_space<vmem>>, vector<16xf32>,
        %get3A_707 = arith.index_cast %scan3A_629 : i32 to index
        %get3A_708 = arith.constant 48 : index
        %get3A_709 = tpu.vector_load %arg13[%get3A_707, %get3A_708] {strides = array<i32>} : memref<80x256xf32, #tpu.memory_space<vmem>>, vector<16xf32>,
        %mul3A_710 = arith.mulf %get3A_706, %get3A_709 : vector<16xf32>
        %cumsum3A_711 = arith.constant true
        %cumsum3A_712 = vector.broadcast %cumsum3A_711 : i1 to vector<16xi1>
        %cumsum3A_713 = tpu.scan <sum>, %mul3A_710 masked %cumsum3A_712 : vector<16xf32>, vector<16xi1> -> vector<16xf32>
        %eq3A_714 = arith.constant 3 : i32
        %eq3A_715 = vector.broadcast %eq3A_714 : i32 to vector<16xi32>
        %eq3A_716 = arith.cmpi eq, %iota3A, %eq3A_715 : vector<16xi32>
        %lt3A_717 = arith.constant 0 : i32
        %lt3A_718 = vector.broadcast %lt3A_717 : i32 to vector<16xi32>
        %lt3A_719 = arith.cmpi slt, %broadcast_in_dim3A_16, %lt3A_718 : vector<16xi32>
        %add3A_720 = arith.constant 16 : i32
        %add3A_721 = vector.broadcast %add3A_720 : i32 to vector<16xi32>
        %add3A_722 = arith.addi %broadcast_in_dim3A_16, %add3A_721 : vector<16xi32>
        %select_n3A_723 = arith.select %lt3A_719, %add3A_722, %broadcast_in_dim3A_16 : vector<16xi1>, vector<16xi32>
        %broadcast_in_dim3A_724 = vector.shape_cast %select_n3A_723 : vector<16xi32> to vector<16x1xi32>
        %gather3A_725 = vector.shape_cast %broadcast_in_dim3A_724 : vector<16x1xi32> to vector<16xi32>
        %gather3A_726 = tpu.dynamic_gather %cumsum3A_713[%gather3A_725] in [0] : vector<16xf32>, vector<16xi32> -> vector<16xf32>
        %select_n3A_727 = arith.select %eq3A_716, %gather3A_726, %select_n3A_703 : vector<16xi1>, vector<16xf32>
        %get3A_728 = arith.index_cast %scan3A_629 : i32 to index
        %get3A_729 = arith.constant 64 : index
        %get3A_730 = tpu.vector_load %arg11[%get3A_728, %get3A_729] {strides = array<i32>} : memref<80x128xf32, #tpu.memory_space<vmem>>, vector<16xf32>,
        %get3A_731 = arith.index_cast %scan3A_629 : i32 to index
        %get3A_732 = arith.constant 64 : index
        %get3A_733 = tpu.vector_load %arg13[%get3A_731, %get3A_732] {strides = array<i32>} : memref<80x256xf32, #tpu.memory_space<vmem>>, vector<16xf32>,
        %mul3A_734 = arith.mulf %get3A_730, %get3A_733 : vector<16xf32>
        %cumsum3A_735 = arith.constant true
        %cumsum3A_736 = vector.broadcast %cumsum3A_735 : i1 to vector<16xi1>
        %cumsum3A_737 = tpu.scan <sum>, %mul3A_734 masked %cumsum3A_736 : vector<16xf32>, vector<16xi1> -> vector<16xf32>
        %eq3A_738 = arith.constant 4 : i32
        %eq3A_739 = vector.broadcast %eq3A_738 : i32 to vector<16xi32>
        %eq3A_740 = arith.cmpi eq, %iota3A, %eq3A_739 : vector<16xi32>
        %lt3A_741 = arith.constant 0 : i32
        %lt3A_742 = vector.broadcast %lt3A_741 : i32 to vector<16xi32>
        %lt3A_743 = arith.cmpi slt, %broadcast_in_dim3A_16, %lt3A_742 : vector<16xi32>
        %add3A_744 = arith.constant 16 : i32
        %add3A_745 = vector.broadcast %add3A_744 : i32 to vector<16xi32>
        %add3A_746 = arith.addi %broadcast_in_dim3A_16, %add3A_745 : vector<16xi32>
        %select_n3A_747 = arith.select %lt3A_743, %add3A_746, %broadcast_in_dim3A_16 : vector<16xi1>, vector<16xi32>
        %broadcast_in_dim3A_748 = vector.shape_cast %select_n3A_747 : vector<16xi32> to vector<16x1xi32>
        %gather3A_749 = vector.shape_cast %broadcast_in_dim3A_748 : vector<16x1xi32> to vector<16xi32>
        %gather3A_750 = tpu.dynamic_gather %cumsum3A_737[%gather3A_749] in [0] : vector<16xf32>, vector<16xi32> -> vector<16xf32>
        %select_n3A_751 = arith.select %eq3A_740, %gather3A_750, %select_n3A_727 : vector<16xi1>, vector<16xf32>
        %get3A_752 = arith.index_cast %scan3A_629 : i32 to index
        %get3A_753 = arith.constant 80 : index
        %get3A_754 = tpu.vector_load %arg11[%get3A_752, %get3A_753] {strides = array<i32>} : memref<80x128xf32, #tpu.memory_space<vmem>>, vector<16xf32>,
        %get3A_755 = arith.index_cast %scan3A_629 : i32 to index
        %get3A_756 = arith.constant 80 : index
        %get3A_757 = tpu.vector_load %arg13[%get3A_755, %get3A_756] {strides = array<i32>} : memref<80x256xf32, #tpu.memory_space<vmem>>, vector<16xf32>,
        %mul3A_758 = arith.mulf %get3A_754, %get3A_757 : vector<16xf32>
        %cumsum3A_759 = arith.constant true
        %cumsum3A_760 = vector.broadcast %cumsum3A_759 : i1 to vector<16xi1>
        %cumsum3A_761 = tpu.scan <sum>, %mul3A_758 masked %cumsum3A_760 : vector<16xf32>, vector<16xi1> -> vector<16xf32>
        %eq3A_762 = arith.constant 5 : i32
        %eq3A_763 = vector.broadcast %eq3A_762 : i32 to vector<16xi32>
        %eq3A_764 = arith.cmpi eq, %iota3A, %eq3A_763 : vector<16xi32>
        %lt3A_765 = arith.constant 0 : i32
        %lt3A_766 = vector.broadcast %lt3A_765 : i32 to vector<16xi32>
        %lt3A_767 = arith.cmpi slt, %broadcast_in_dim3A_16, %lt3A_766 : vector<16xi32>
        %add3A_768 = arith.constant 16 : i32
        %add3A_769 = vector.broadcast %add3A_768 : i32 to vector<16xi32>
        %add3A_770 = arith.addi %broadcast_in_dim3A_16, %add3A_769 : vector<16xi32>
        %select_n3A_771 = arith.select %lt3A_767, %add3A_770, %broadcast_in_dim3A_16 : vector<16xi1>, vector<16xi32>
        %broadcast_in_dim3A_772 = vector.shape_cast %select_n3A_771 : vector<16xi32> to vector<16x1xi32>
        %gather3A_773 = vector.shape_cast %broadcast_in_dim3A_772 : vector<16x1xi32> to vector<16xi32>
        %gather3A_774 = tpu.dynamic_gather %cumsum3A_761[%gather3A_773] in [0] : vector<16xf32>, vector<16xi32> -> vector<16xf32>
        %select_n3A_775 = arith.select %eq3A_764, %gather3A_774, %select_n3A_751 : vector<16xi1>, vector<16xf32>
        %get3A_776 = arith.index_cast %scan3A_629 : i32 to index
        %get3A_777 = arith.constant 96 : index
        %get3A_778 = tpu.vector_load %arg11[%get3A_776, %get3A_777] {strides = array<i32>} : memref<80x128xf32, #tpu.memory_space<vmem>>, vector<16xf32>,
        %get3A_779 = arith.index_cast %scan3A_629 : i32 to index
        %get3A_780 = arith.constant 96 : index
        %get3A_781 = tpu.vector_load %arg13[%get3A_779, %get3A_780] {strides = array<i32>} : memref<80x256xf32, #tpu.memory_space<vmem>>, vector<16xf32>,
        %mul3A_782 = arith.mulf %get3A_778, %get3A_781 : vector<16xf32>
        %cumsum3A_783 = arith.constant true
        %cumsum3A_784 = vector.broadcast %cumsum3A_783 : i1 to vector<16xi1>
        %cumsum3A_785 = tpu.scan <sum>, %mul3A_782 masked %cumsum3A_784 : vector<16xf32>, vector<16xi1> -> vector<16xf32>
        %eq3A_786 = arith.constant 6 : i32
        %eq3A_787 = vector.broadcast %eq3A_786 : i32 to vector<16xi32>
        %eq3A_788 = arith.cmpi eq, %iota3A, %eq3A_787 : vector<16xi32>
        %lt3A_789 = arith.constant 0 : i32
        %lt3A_790 = vector.broadcast %lt3A_789 : i32 to vector<16xi32>
        %lt3A_791 = arith.cmpi slt, %broadcast_in_dim3A_16, %lt3A_790 : vector<16xi32>
        %add3A_792 = arith.constant 16 : i32
        %add3A_793 = vector.broadcast %add3A_792 : i32 to vector<16xi32>
        %add3A_794 = arith.addi %broadcast_in_dim3A_16, %add3A_793 : vector<16xi32>
        %select_n3A_795 = arith.select %lt3A_791, %add3A_794, %broadcast_in_dim3A_16 : vector<16xi1>, vector<16xi32>
        %broadcast_in_dim3A_796 = vector.shape_cast %select_n3A_795 : vector<16xi32> to vector<16x1xi32>
        %gather3A_797 = vector.shape_cast %broadcast_in_dim3A_796 : vector<16x1xi32> to vector<16xi32>
        %gather3A_798 = tpu.dynamic_gather %cumsum3A_785[%gather3A_797] in [0] : vector<16xf32>, vector<16xi32> -> vector<16xf32>
        %select_n3A_799 = arith.select %eq3A_788, %gather3A_798, %select_n3A_775 : vector<16xi1>, vector<16xf32>
        %get3A_800 = arith.index_cast %scan3A_629 : i32 to index
        %get3A_801 = arith.constant 112 : index
        %get3A_802 = tpu.vector_load %arg11[%get3A_800, %get3A_801] {strides = array<i32>} : memref<80x128xf32, #tpu.memory_space<vmem>>, vector<16xf32>,
        %get3A_803 = arith.index_cast %scan3A_629 : i32 to index
        %get3A_804 = arith.constant 112 : index
        %get3A_805 = tpu.vector_load %arg13[%get3A_803, %get3A_804] {strides = array<i32>} : memref<80x256xf32, #tpu.memory_space<vmem>>, vector<16xf32>,
        %mul3A_806 = arith.mulf %get3A_802, %get3A_805 : vector<16xf32>
        %cumsum3A_807 = arith.constant true
        %cumsum3A_808 = vector.broadcast %cumsum3A_807 : i1 to vector<16xi1>
        %cumsum3A_809 = tpu.scan <sum>, %mul3A_806 masked %cumsum3A_808 : vector<16xf32>, vector<16xi1> -> vector<16xf32>
        %eq3A_810 = arith.constant 7 : i32
        %eq3A_811 = vector.broadcast %eq3A_810 : i32 to vector<16xi32>
        %eq3A_812 = arith.cmpi eq, %iota3A, %eq3A_811 : vector<16xi32>
        %lt3A_813 = arith.constant 0 : i32
        %lt3A_814 = vector.broadcast %lt3A_813 : i32 to vector<16xi32>
        %lt3A_815 = arith.cmpi slt, %broadcast_in_dim3A_16, %lt3A_814 : vector<16xi32>
        %add3A_816 = arith.constant 16 : i32
        %add3A_817 = vector.broadcast %add3A_816 : i32 to vector<16xi32>
        %add3A_818 = arith.addi %broadcast_in_dim3A_16, %add3A_817 : vector<16xi32>
        %select_n3A_819 = arith.select %lt3A_815, %add3A_818, %broadcast_in_dim3A_16 : vector<16xi1>, vector<16xi32>
        %broadcast_in_dim3A_820 = vector.shape_cast %select_n3A_819 : vector<16xi32> to vector<16x1xi32>
        %gather3A_821 = vector.shape_cast %broadcast_in_dim3A_820 : vector<16x1xi32> to vector<16xi32>
        %gather3A_822 = tpu.dynamic_gather %cumsum3A_809[%gather3A_821] in [0] : vector<16xf32>, vector<16xi32> -> vector<16xf32>
        %select_n3A_823 = arith.select %eq3A_812, %gather3A_822, %select_n3A_799 : vector<16xi1>, vector<16xf32>
        %mul3A_824 = arith.constant 2.500000e-01 : f32
        %mul3A_825 = vector.broadcast %mul3A_824 : f32 to vector<16xf32>
        %mul3A_826 = arith.mulf %select_n3A_823, %mul3A_825 : vector<16xf32>
        %exp3A_827 = math.exp %mul3A_826 : vector<16xf32>
        %pack3A_828 = tpu.pack_subelements %exp3A_827, %exp3A_827 {pack_format = #tpu.pack_format<interleaved>, positions = array<i32: 0, 1>} : vector<16xf32>, vector<16xf32> -> vector<32xbf16>
        %swap3A_829 = arith.index_cast %scan3A_629 : i32 to index
        %swap3A_830 = arith.constant 128 : index
        %swap3A_831 = tpu.vector_load %arg15[%swap3A_829, %swap3A_830] {strides = array<i32>} : memref<80x160xbf16, #tpu.memory_space<vmem>>, vector<32xbf16>,
        tpu.vector_store %arg15[%swap3A_829, %swap3A_830], %pack3A_828 {strides = array<i32>} : memref<80x160xbf16, #tpu.memory_space<vmem>>, vector<32xbf16>,
        %get3A_832 = arith.index_cast %scan3A_629 : i32 to index
        %get3A_833 = arith.constant 128 : index
        %get3A_834 = tpu.vector_load %arg13[%get3A_832, %get3A_833] {strides = array<i32>} : memref<80x256xf32, #tpu.memory_space<vmem>>, vector<16xf32>,
        %lt3A_835 = arith.constant 0 : i32
        %lt3A_836 = vector.broadcast %lt3A_835 : i32 to vector<16xi32>
        %lt3A_837 = arith.cmpi slt, %broadcast_in_dim3A_18, %lt3A_836 : vector<16xi32>
        %add3A_838 = arith.constant 16 : i32
        %add3A_839 = vector.broadcast %add3A_838 : i32 to vector<16xi32>
        %add3A_840 = arith.addi %broadcast_in_dim3A_18, %add3A_839 : vector<16xi32>
        %select_n3A_841 = arith.select %lt3A_837, %add3A_840, %broadcast_in_dim3A_18 : vector<16xi1>, vector<16xi32>
        %broadcast_in_dim3A_842 = vector.shape_cast %select_n3A_841 : vector<16xi32> to vector<16x1xi32>
        %gather3A_843 = vector.shape_cast %broadcast_in_dim3A_842 : vector<16x1xi32> to vector<16xi32>
        %gather3A_844 = tpu.dynamic_gather %exp3A_827[%gather3A_843] in [0] : vector<16xf32>, vector<16xi32> -> vector<16xf32>
        %mul3A_845 = arith.mulf %get3A_834, %gather3A_844 : vector<16xf32>
        %get3A_846 = arith.index_cast %scan3A_629 : i32 to index
        %get3A_847 = arith.constant 144 : index
        %get3A_848 = tpu.vector_load %arg13[%get3A_846, %get3A_847] {strides = array<i32>} : memref<80x256xf32, #tpu.memory_space<vmem>>, vector<16xf32>,
        %lt3A_849 = arith.constant 0 : i32
        %lt3A_850 = vector.broadcast %lt3A_849 : i32 to vector<16xi32>
        %lt3A_851 = arith.cmpi slt, %broadcast_in_dim3A_20, %lt3A_850 : vector<16xi32>
        %add3A_852 = arith.constant 16 : i32
        %add3A_853 = vector.broadcast %add3A_852 : i32 to vector<16xi32>
        %add3A_854 = arith.addi %broadcast_in_dim3A_20, %add3A_853 : vector<16xi32>
        %select_n3A_855 = arith.select %lt3A_851, %add3A_854, %broadcast_in_dim3A_20 : vector<16xi1>, vector<16xi32>
        %broadcast_in_dim3A_856 = vector.shape_cast %select_n3A_855 : vector<16xi32> to vector<16x1xi32>
        %gather3A_857 = vector.shape_cast %broadcast_in_dim3A_856 : vector<16x1xi32> to vector<16xi32>
        %gather3A_858 = tpu.dynamic_gather %exp3A_827[%gather3A_857] in [0] : vector<16xf32>, vector<16xi32> -> vector<16xf32>
        %mul3A_859 = arith.mulf %get3A_848, %gather3A_858 : vector<16xf32>
        %pack3A_860 = tpu.pack_subelements %mul3A_845, %mul3A_859 {pack_format = #tpu.pack_format<interleaved>, positions = array<i32: 0, 1>} : vector<16xf32>, vector<16xf32> -> vector<32xbf16>
        %swap3A_861 = arith.index_cast %scan3A_629 : i32 to index
        %swap3A_862 = arith.constant 0 : index
        %swap3A_863 = tpu.vector_load %arg15[%swap3A_861, %swap3A_862] {strides = array<i32>} : memref<80x160xbf16, #tpu.memory_space<vmem>>, vector<32xbf16>,
        tpu.vector_store %arg15[%swap3A_861, %swap3A_862], %pack3A_860 {strides = array<i32>} : memref<80x160xbf16, #tpu.memory_space<vmem>>, vector<32xbf16>,
        %get3A_864 = arith.index_cast %scan3A_629 : i32 to index
        %get3A_865 = arith.constant 160 : index
        %get3A_866 = tpu.vector_load %arg13[%get3A_864, %get3A_865] {strides = array<i32>} : memref<80x256xf32, #tpu.memory_space<vmem>>, vector<16xf32>,
        %lt3A_867 = arith.constant 0 : i32
        %lt3A_868 = vector.broadcast %lt3A_867 : i32 to vector<16xi32>
        %lt3A_869 = arith.cmpi slt, %broadcast_in_dim3A_22, %lt3A_868 : vector<16xi32>
        %add3A_870 = arith.constant 16 : i32
        %add3A_871 = vector.broadcast %add3A_870 : i32 to vector<16xi32>
        %add3A_872 = arith.addi %broadcast_in_dim3A_22, %add3A_871 : vector<16xi32>
        %select_n3A_873 = arith.select %lt3A_869, %add3A_872, %broadcast_in_dim3A_22 : vector<16xi1>, vector<16xi32>
        %broadcast_in_dim3A_874 = vector.shape_cast %select_n3A_873 : vector<16xi32> to vector<16x1xi32>
        %gather3A_875 = vector.shape_cast %broadcast_in_dim3A_874 : vector<16x1xi32> to vector<16xi32>
        %gather3A_876 = tpu.dynamic_gather %exp3A_827[%gather3A_875] in [0] : vector<16xf32>, vector<16xi32> -> vector<16xf32>
        %mul3A_877 = arith.mulf %get3A_866, %gather3A_876 : vector<16xf32>
        %get3A_878 = arith.index_cast %scan3A_629 : i32 to index
        %get3A_879 = arith.constant 176 : index
        %get3A_880 = tpu.vector_load %arg13[%get3A_878, %get3A_879] {strides = array<i32>} : memref<80x256xf32, #tpu.memory_space<vmem>>, vector<16xf32>,
        %lt3A_881 = arith.constant 0 : i32
        %lt3A_882 = vector.broadcast %lt3A_881 : i32 to vector<16xi32>
        %lt3A_883 = arith.cmpi slt, %broadcast_in_dim3A_24, %lt3A_882 : vector<16xi32>
        %add3A_884 = arith.constant 16 : i32
        %add3A_885 = vector.broadcast %add3A_884 : i32 to vector<16xi32>
        %add3A_886 = arith.addi %broadcast_in_dim3A_24, %add3A_885 : vector<16xi32>
        %select_n3A_887 = arith.select %lt3A_883, %add3A_886, %broadcast_in_dim3A_24 : vector<16xi1>, vector<16xi32>
        %broadcast_in_dim3A_888 = vector.shape_cast %select_n3A_887 : vector<16xi32> to vector<16x1xi32>
        %gather3A_889 = vector.shape_cast %broadcast_in_dim3A_888 : vector<16x1xi32> to vector<16xi32>
        %gather3A_890 = tpu.dynamic_gather %exp3A_827[%gather3A_889] in [0] : vector<16xf32>, vector<16xi32> -> vector<16xf32>
        %mul3A_891 = arith.mulf %get3A_880, %gather3A_890 : vector<16xf32>
        %pack3A_892 = tpu.pack_subelements %mul3A_877, %mul3A_891 {pack_format = #tpu.pack_format<interleaved>, positions = array<i32: 0, 1>} : vector<16xf32>, vector<16xf32> -> vector<32xbf16>
        %swap3A_893 = arith.index_cast %scan3A_629 : i32 to index
        %swap3A_894 = arith.constant 32 : index
        %swap3A_895 = tpu.vector_load %arg15[%swap3A_893, %swap3A_894] {strides = array<i32>} : memref<80x160xbf16, #tpu.memory_space<vmem>>, vector<32xbf16>,
        tpu.vector_store %arg15[%swap3A_893, %swap3A_894], %pack3A_892 {strides = array<i32>} : memref<80x160xbf16, #tpu.memory_space<vmem>>, vector<32xbf16>,
        %get3A_896 = arith.index_cast %scan3A_629 : i32 to index
        %get3A_897 = arith.constant 192 : index
        %get3A_898 = tpu.vector_load %arg13[%get3A_896, %get3A_897] {strides = array<i32>} : memref<80x256xf32, #tpu.memory_space<vmem>>, vector<16xf32>,
        %lt3A_899 = arith.constant 0 : i32
        %lt3A_900 = vector.broadcast %lt3A_899 : i32 to vector<16xi32>
        %lt3A_901 = arith.cmpi slt, %broadcast_in_dim3A_26, %lt3A_900 : vector<16xi32>
        %add3A_902 = arith.constant 16 : i32
        %add3A_903 = vector.broadcast %add3A_902 : i32 to vector<16xi32>
        %add3A_904 = arith.addi %broadcast_in_dim3A_26, %add3A_903 : vector<16xi32>
        %select_n3A_905 = arith.select %lt3A_901, %add3A_904, %broadcast_in_dim3A_26 : vector<16xi1>, vector<16xi32>
        %broadcast_in_dim3A_906 = vector.shape_cast %select_n3A_905 : vector<16xi32> to vector<16x1xi32>
        %gather3A_907 = vector.shape_cast %broadcast_in_dim3A_906 : vector<16x1xi32> to vector<16xi32>
        %gather3A_908 = tpu.dynamic_gather %exp3A_827[%gather3A_907] in [0] : vector<16xf32>, vector<16xi32> -> vector<16xf32>
        %mul3A_909 = arith.mulf %get3A_898, %gather3A_908 : vector<16xf32>
        %get3A_910 = arith.index_cast %scan3A_629 : i32 to index
        %get3A_911 = arith.constant 208 : index
        %get3A_912 = tpu.vector_load %arg13[%get3A_910, %get3A_911] {strides = array<i32>} : memref<80x256xf32, #tpu.memory_space<vmem>>, vector<16xf32>,
        %lt3A_913 = arith.constant 0 : i32
        %lt3A_914 = vector.broadcast %lt3A_913 : i32 to vector<16xi32>
        %lt3A_915 = arith.cmpi slt, %broadcast_in_dim3A_28, %lt3A_914 : vector<16xi32>
        %add3A_916 = arith.constant 16 : i32
        %add3A_917 = vector.broadcast %add3A_916 : i32 to vector<16xi32>
        %add3A_918 = arith.addi %broadcast_in_dim3A_28, %add3A_917 : vector<16xi32>
        %select_n3A_919 = arith.select %lt3A_915, %add3A_918, %broadcast_in_dim3A_28 : vector<16xi1>, vector<16xi32>
        %broadcast_in_dim3A_920 = vector.shape_cast %select_n3A_919 : vector<16xi32> to vector<16x1xi32>
        %gather3A_921 = vector.shape_cast %broadcast_in_dim3A_920 : vector<16x1xi32> to vector<16xi32>
        %gather3A_922 = tpu.dynamic_gather %exp3A_827[%gather3A_921] in [0] : vector<16xf32>, vector<16xi32> -> vector<16xf32>
        %mul3A_923 = arith.mulf %get3A_912, %gather3A_922 : vector<16xf32>
        %pack3A_924 = tpu.pack_subelements %mul3A_909, %mul3A_923 {pack_format = #tpu.pack_format<interleaved>, positions = array<i32: 0, 1>} : vector<16xf32>, vector<16xf32> -> vector<32xbf16>
        %swap3A_925 = arith.index_cast %scan3A_629 : i32 to index
        %swap3A_926 = arith.constant 64 : index
        %swap3A_927 = tpu.vector_load %arg15[%swap3A_925, %swap3A_926] {strides = array<i32>} : memref<80x160xbf16, #tpu.memory_space<vmem>>, vector<32xbf16>,
        tpu.vector_store %arg15[%swap3A_925, %swap3A_926], %pack3A_924 {strides = array<i32>} : memref<80x160xbf16, #tpu.memory_space<vmem>>, vector<32xbf16>,
        %get3A_928 = arith.index_cast %scan3A_629 : i32 to index
        %get3A_929 = arith.constant 224 : index
        %get3A_930 = tpu.vector_load %arg13[%get3A_928, %get3A_929] {strides = array<i32>} : memref<80x256xf32, #tpu.memory_space<vmem>>, vector<16xf32>,
        %lt3A_931 = arith.constant 0 : i32
        %lt3A_932 = vector.broadcast %lt3A_931 : i32 to vector<16xi32>
        %lt3A_933 = arith.cmpi slt, %broadcast_in_dim3A_30, %lt3A_932 : vector<16xi32>
        %add3A_934 = arith.constant 16 : i32
        %add3A_935 = vector.broadcast %add3A_934 : i32 to vector<16xi32>
        %add3A_936 = arith.addi %broadcast_in_dim3A_30, %add3A_935 : vector<16xi32>
        %select_n3A_937 = arith.select %lt3A_933, %add3A_936, %broadcast_in_dim3A_30 : vector<16xi1>, vector<16xi32>
        %broadcast_in_dim3A_938 = vector.shape_cast %select_n3A_937 : vector<16xi32> to vector<16x1xi32>
        %gather3A_939 = vector.shape_cast %broadcast_in_dim3A_938 : vector<16x1xi32> to vector<16xi32>
        %gather3A_940 = tpu.dynamic_gather %exp3A_827[%gather3A_939] in [0] : vector<16xf32>, vector<16xi32> -> vector<16xf32>
        %mul3A_941 = arith.mulf %get3A_930, %gather3A_940 : vector<16xf32>
        %get3A_942 = arith.index_cast %scan3A_629 : i32 to index
        %get3A_943 = arith.constant 240 : index
        %get3A_944 = tpu.vector_load %arg13[%get3A_942, %get3A_943] {strides = array<i32>} : memref<80x256xf32, #tpu.memory_space<vmem>>, vector<16xf32>,
        %lt3A_945 = arith.constant 0 : i32
        %lt3A_946 = vector.broadcast %lt3A_945 : i32 to vector<16xi32>
        %lt3A_947 = arith.cmpi slt, %broadcast_in_dim3A_32, %lt3A_946 : vector<16xi32>
        %add3A_948 = arith.constant 16 : i32
        %add3A_949 = vector.broadcast %add3A_948 : i32 to vector<16xi32>
        %add3A_950 = arith.addi %broadcast_in_dim3A_32, %add3A_949 : vector<16xi32>
        %select_n3A_951 = arith.select %lt3A_947, %add3A_950, %broadcast_in_dim3A_32 : vector<16xi1>, vector<16xi32>
        %broadcast_in_dim3A_952 = vector.shape_cast %select_n3A_951 : vector<16xi32> to vector<16x1xi32>
        %gather3A_953 = vector.shape_cast %broadcast_in_dim3A_952 : vector<16x1xi32> to vector<16xi32>
        %gather3A_954 = tpu.dynamic_gather %exp3A_827[%gather3A_953] in [0] : vector<16xf32>, vector<16xi32> -> vector<16xf32>
        %mul3A_955 = arith.mulf %get3A_944, %gather3A_954 : vector<16xf32>
        %pack3A_956 = tpu.pack_subelements %mul3A_941, %mul3A_955 {pack_format = #tpu.pack_format<interleaved>, positions = array<i32: 0, 1>} : vector<16xf32>, vector<16xf32> -> vector<32xbf16>
        %swap3A_957 = arith.index_cast %scan3A_629 : i32 to index
        %swap3A_958 = arith.constant 96 : index
        %swap3A_959 = tpu.vector_load %arg15[%swap3A_957, %swap3A_958] {strides = array<i32>} : memref<80x160xbf16, #tpu.memory_space<vmem>>, vector<32xbf16>,
        tpu.vector_store %arg15[%swap3A_957, %swap3A_958], %pack3A_956 {strides = array<i32>} : memref<80x160xbf16, #tpu.memory_space<vmem>>, vector<32xbf16>,
        %scan3A_960 = arith.constant 0 : i32
        %scan3A_961 = arith.constant 2 : i32
        %scan3A_962 = arith.addi %scan3A_300, %scan3A_961 : i32
        %broadcast_in_dim3A_963 = arith.constant 0.000000e+00 : f32
        %broadcast_in_dim3A_964 = vector.broadcast %broadcast_in_dim3A_963 : f32 to vector<16xf32>
        %get3A_965 = arith.index_cast %scan3A_962 : i32 to index
        %get3A_966 = arith.constant 0 : index
        %get3A_967 = tpu.vector_load %arg11[%get3A_965, %get3A_966] {strides = array<i32>} : memref<80x128xf32, #tpu.memory_space<vmem>>, vector<16xf32>,
        %get3A_968 = arith.index_cast %scan3A_962 : i32 to index
        %get3A_969 = arith.constant 0 : index
        %get3A_970 = tpu.vector_load %arg13[%get3A_968, %get3A_969] {strides = array<i32>} : memref<80x256xf32, #tpu.memory_space<vmem>>, vector<16xf32>,
        %mul3A_971 = arith.mulf %get3A_967, %get3A_970 : vector<16xf32>
        %cumsum3A_972 = arith.constant true
        %cumsum3A_973 = vector.broadcast %cumsum3A_972 : i1 to vector<16xi1>
        %cumsum3A_974 = tpu.scan <sum>, %mul3A_971 masked %cumsum3A_973 : vector<16xf32>, vector<16xi1> -> vector<16xf32>
        %eq3A_975 = arith.constant 0 : i32
        %eq3A_976 = vector.broadcast %eq3A_975 : i32 to vector<16xi32>
        %eq3A_977 = arith.cmpi eq, %iota3A, %eq3A_976 : vector<16xi32>
        %lt3A_978 = arith.constant 0 : i32
        %lt3A_979 = vector.broadcast %lt3A_978 : i32 to vector<16xi32>
        %lt3A_980 = arith.cmpi slt, %broadcast_in_dim3A_16, %lt3A_979 : vector<16xi32>
        %add3A_981 = arith.constant 16 : i32
        %add3A_982 = vector.broadcast %add3A_981 : i32 to vector<16xi32>
        %add3A_983 = arith.addi %broadcast_in_dim3A_16, %add3A_982 : vector<16xi32>
        %select_n3A_984 = arith.select %lt3A_980, %add3A_983, %broadcast_in_dim3A_16 : vector<16xi1>, vector<16xi32>
        %broadcast_in_dim3A_985 = vector.shape_cast %select_n3A_984 : vector<16xi32> to vector<16x1xi32>
        %gather3A_986 = vector.shape_cast %broadcast_in_dim3A_985 : vector<16x1xi32> to vector<16xi32>
        %gather3A_987 = tpu.dynamic_gather %cumsum3A_974[%gather3A_986] in [0] : vector<16xf32>, vector<16xi32> -> vector<16xf32>
        %select_n3A_988 = arith.select %eq3A_977, %gather3A_987, %broadcast_in_dim3A_964 : vector<16xi1>, vector<16xf32>
        %get3A_989 = arith.index_cast %scan3A_962 : i32 to index
        %get3A_990 = arith.constant 16 : index
        %get3A_991 = tpu.vector_load %arg11[%get3A_989, %get3A_990] {strides = array<i32>} : memref<80x128xf32, #tpu.memory_space<vmem>>, vector<16xf32>,
        %get3A_992 = arith.index_cast %scan3A_962 : i32 to index
        %get3A_993 = arith.constant 16 : index
        %get3A_994 = tpu.vector_load %arg13[%get3A_992, %get3A_993] {strides = array<i32>} : memref<80x256xf32, #tpu.memory_space<vmem>>, vector<16xf32>,
        %mul3A_995 = arith.mulf %get3A_991, %get3A_994 : vector<16xf32>
        %cumsum3A_996 = arith.constant true
        %cumsum3A_997 = vector.broadcast %cumsum3A_996 : i1 to vector<16xi1>
        %cumsum3A_998 = tpu.scan <sum>, %mul3A_995 masked %cumsum3A_997 : vector<16xf32>, vector<16xi1> -> vector<16xf32>
        %eq3A_999 = arith.constant 1 : i32
        %eq3A_1000 = vector.broadcast %eq3A_999 : i32 to vector<16xi32>
        %eq3A_1001 = arith.cmpi eq, %iota3A, %eq3A_1000 : vector<16xi32>
        %lt3A_1002 = arith.constant 0 : i32
        %lt3A_1003 = vector.broadcast %lt3A_1002 : i32 to vector<16xi32>
        %lt3A_1004 = arith.cmpi slt, %broadcast_in_dim3A_16, %lt3A_1003 : vector<16xi32>
        %add3A_1005 = arith.constant 16 : i32
        %add3A_1006 = vector.broadcast %add3A_1005 : i32 to vector<16xi32>
        %add3A_1007 = arith.addi %broadcast_in_dim3A_16, %add3A_1006 : vector<16xi32>
        %select_n3A_1008 = arith.select %lt3A_1004, %add3A_1007, %broadcast_in_dim3A_16 : vector<16xi1>, vector<16xi32>
        %broadcast_in_dim3A_1009 = vector.shape_cast %select_n3A_1008 : vector<16xi32> to vector<16x1xi32>
        %gather3A_1010 = vector.shape_cast %broadcast_in_dim3A_1009 : vector<16x1xi32> to vector<16xi32>
        %gather3A_1011 = tpu.dynamic_gather %cumsum3A_998[%gather3A_1010] in [0] : vector<16xf32>, vector<16xi32> -> vector<16xf32>
        %select_n3A_1012 = arith.select %eq3A_1001, %gather3A_1011, %select_n3A_988 : vector<16xi1>, vector<16xf32>
        %get3A_1013 = arith.index_cast %scan3A_962 : i32 to index
        %get3A_1014 = arith.constant 32 : index
        %get3A_1015 = tpu.vector_load %arg11[%get3A_1013, %get3A_1014] {strides = array<i32>} : memref<80x128xf32, #tpu.memory_space<vmem>>, vector<16xf32>,
        %get3A_1016 = arith.index_cast %scan3A_962 : i32 to index
        %get3A_1017 = arith.constant 32 : index
        %get3A_1018 = tpu.vector_load %arg13[%get3A_1016, %get3A_1017] {strides = array<i32>} : memref<80x256xf32, #tpu.memory_space<vmem>>, vector<16xf32>,
        %mul3A_1019 = arith.mulf %get3A_1015, %get3A_1018 : vector<16xf32>
        %cumsum3A_1020 = arith.constant true
        %cumsum3A_1021 = vector.broadcast %cumsum3A_1020 : i1 to vector<16xi1>
        %cumsum3A_1022 = tpu.scan <sum>, %mul3A_1019 masked %cumsum3A_1021 : vector<16xf32>, vector<16xi1> -> vector<16xf32>
        %eq3A_1023 = arith.constant 2 : i32
        %eq3A_1024 = vector.broadcast %eq3A_1023 : i32 to vector<16xi32>
        %eq3A_1025 = arith.cmpi eq, %iota3A, %eq3A_1024 : vector<16xi32>
        %lt3A_1026 = arith.constant 0 : i32
        %lt3A_1027 = vector.broadcast %lt3A_1026 : i32 to vector<16xi32>
        %lt3A_1028 = arith.cmpi slt, %broadcast_in_dim3A_16, %lt3A_1027 : vector<16xi32>
        %add3A_1029 = arith.constant 16 : i32
        %add3A_1030 = vector.broadcast %add3A_1029 : i32 to vector<16xi32>
        %add3A_1031 = arith.addi %broadcast_in_dim3A_16, %add3A_1030 : vector<16xi32>
        %select_n3A_1032 = arith.select %lt3A_1028, %add3A_1031, %broadcast_in_dim3A_16 : vector<16xi1>, vector<16xi32>
        %broadcast_in_dim3A_1033 = vector.shape_cast %select_n3A_1032 : vector<16xi32> to vector<16x1xi32>
        %gather3A_1034 = vector.shape_cast %broadcast_in_dim3A_1033 : vector<16x1xi32> to vector<16xi32>
        %gather3A_1035 = tpu.dynamic_gather %cumsum3A_1022[%gather3A_1034] in [0] : vector<16xf32>, vector<16xi32> -> vector<16xf32>
        %select_n3A_1036 = arith.select %eq3A_1025, %gather3A_1035, %select_n3A_1012 : vector<16xi1>, vector<16xf32>
        %get3A_1037 = arith.index_cast %scan3A_962 : i32 to index
        %get3A_1038 = arith.constant 48 : index
        %get3A_1039 = tpu.vector_load %arg11[%get3A_1037, %get3A_1038] {strides = array<i32>} : memref<80x128xf32, #tpu.memory_space<vmem>>, vector<16xf32>,
        %get3A_1040 = arith.index_cast %scan3A_962 : i32 to index
        %get3A_1041 = arith.constant 48 : index
        %get3A_1042 = tpu.vector_load %arg13[%get3A_1040, %get3A_1041] {strides = array<i32>} : memref<80x256xf32, #tpu.memory_space<vmem>>, vector<16xf32>,
        %mul3A_1043 = arith.mulf %get3A_1039, %get3A_1042 : vector<16xf32>
        %cumsum3A_1044 = arith.constant true
        %cumsum3A_1045 = vector.broadcast %cumsum3A_1044 : i1 to vector<16xi1>
        %cumsum3A_1046 = tpu.scan <sum>, %mul3A_1043 masked %cumsum3A_1045 : vector<16xf32>, vector<16xi1> -> vector<16xf32>
        %eq3A_1047 = arith.constant 3 : i32
        %eq3A_1048 = vector.broadcast %eq3A_1047 : i32 to vector<16xi32>
        %eq3A_1049 = arith.cmpi eq, %iota3A, %eq3A_1048 : vector<16xi32>
        %lt3A_1050 = arith.constant 0 : i32
        %lt3A_1051 = vector.broadcast %lt3A_1050 : i32 to vector<16xi32>
        %lt3A_1052 = arith.cmpi slt, %broadcast_in_dim3A_16, %lt3A_1051 : vector<16xi32>
        %add3A_1053 = arith.constant 16 : i32
        %add3A_1054 = vector.broadcast %add3A_1053 : i32 to vector<16xi32>
        %add3A_1055 = arith.addi %broadcast_in_dim3A_16, %add3A_1054 : vector<16xi32>
        %select_n3A_1056 = arith.select %lt3A_1052, %add3A_1055, %broadcast_in_dim3A_16 : vector<16xi1>, vector<16xi32>
        %broadcast_in_dim3A_1057 = vector.shape_cast %select_n3A_1056 : vector<16xi32> to vector<16x1xi32>
        %gather3A_1058 = vector.shape_cast %broadcast_in_dim3A_1057 : vector<16x1xi32> to vector<16xi32>
        %gather3A_1059 = tpu.dynamic_gather %cumsum3A_1046[%gather3A_1058] in [0] : vector<16xf32>, vector<16xi32> -> vector<16xf32>
        %select_n3A_1060 = arith.select %eq3A_1049, %gather3A_1059, %select_n3A_1036 : vector<16xi1>, vector<16xf32>
        %get3A_1061 = arith.index_cast %scan3A_962 : i32 to index
        %get3A_1062 = arith.constant 64 : index
        %get3A_1063 = tpu.vector_load %arg11[%get3A_1061, %get3A_1062] {strides = array<i32>} : memref<80x128xf32, #tpu.memory_space<vmem>>, vector<16xf32>,
        %get3A_1064 = arith.index_cast %scan3A_962 : i32 to index
        %get3A_1065 = arith.constant 64 : index
        %get3A_1066 = tpu.vector_load %arg13[%get3A_1064, %get3A_1065] {strides = array<i32>} : memref<80x256xf32, #tpu.memory_space<vmem>>, vector<16xf32>,
        %mul3A_1067 = arith.mulf %get3A_1063, %get3A_1066 : vector<16xf32>
        %cumsum3A_1068 = arith.constant true
        %cumsum3A_1069 = vector.broadcast %cumsum3A_1068 : i1 to vector<16xi1>
        %cumsum3A_1070 = tpu.scan <sum>, %mul3A_1067 masked %cumsum3A_1069 : vector<16xf32>, vector<16xi1> -> vector<16xf32>
        %eq3A_1071 = arith.constant 4 : i32
        %eq3A_1072 = vector.broadcast %eq3A_1071 : i32 to vector<16xi32>
        %eq3A_1073 = arith.cmpi eq, %iota3A, %eq3A_1072 : vector<16xi32>
        %lt3A_1074 = arith.constant 0 : i32
        %lt3A_1075 = vector.broadcast %lt3A_1074 : i32 to vector<16xi32>
        %lt3A_1076 = arith.cmpi slt, %broadcast_in_dim3A_16, %lt3A_1075 : vector<16xi32>
        %add3A_1077 = arith.constant 16 : i32
        %add3A_1078 = vector.broadcast %add3A_1077 : i32 to vector<16xi32>
        %add3A_1079 = arith.addi %broadcast_in_dim3A_16, %add3A_1078 : vector<16xi32>
        %select_n3A_1080 = arith.select %lt3A_1076, %add3A_1079, %broadcast_in_dim3A_16 : vector<16xi1>, vector<16xi32>
        %broadcast_in_dim3A_1081 = vector.shape_cast %select_n3A_1080 : vector<16xi32> to vector<16x1xi32>
        %gather3A_1082 = vector.shape_cast %broadcast_in_dim3A_1081 : vector<16x1xi32> to vector<16xi32>
        %gather3A_1083 = tpu.dynamic_gather %cumsum3A_1070[%gather3A_1082] in [0] : vector<16xf32>, vector<16xi32> -> vector<16xf32>
        %select_n3A_1084 = arith.select %eq3A_1073, %gather3A_1083, %select_n3A_1060 : vector<16xi1>, vector<16xf32>
        %get3A_1085 = arith.index_cast %scan3A_962 : i32 to index
        %get3A_1086 = arith.constant 80 : index
        %get3A_1087 = tpu.vector_load %arg11[%get3A_1085, %get3A_1086] {strides = array<i32>} : memref<80x128xf32, #tpu.memory_space<vmem>>, vector<16xf32>,
        %get3A_1088 = arith.index_cast %scan3A_962 : i32 to index
        %get3A_1089 = arith.constant 80 : index
        %get3A_1090 = tpu.vector_load %arg13[%get3A_1088, %get3A_1089] {strides = array<i32>} : memref<80x256xf32, #tpu.memory_space<vmem>>, vector<16xf32>,
        %mul3A_1091 = arith.mulf %get3A_1087, %get3A_1090 : vector<16xf32>
        %cumsum3A_1092 = arith.constant true
        %cumsum3A_1093 = vector.broadcast %cumsum3A_1092 : i1 to vector<16xi1>
        %cumsum3A_1094 = tpu.scan <sum>, %mul3A_1091 masked %cumsum3A_1093 : vector<16xf32>, vector<16xi1> -> vector<16xf32>
        %eq3A_1095 = arith.constant 5 : i32
        %eq3A_1096 = vector.broadcast %eq3A_1095 : i32 to vector<16xi32>
        %eq3A_1097 = arith.cmpi eq, %iota3A, %eq3A_1096 : vector<16xi32>
        %lt3A_1098 = arith.constant 0 : i32
        %lt3A_1099 = vector.broadcast %lt3A_1098 : i32 to vector<16xi32>
        %lt3A_1100 = arith.cmpi slt, %broadcast_in_dim3A_16, %lt3A_1099 : vector<16xi32>
        %add3A_1101 = arith.constant 16 : i32
        %add3A_1102 = vector.broadcast %add3A_1101 : i32 to vector<16xi32>
        %add3A_1103 = arith.addi %broadcast_in_dim3A_16, %add3A_1102 : vector<16xi32>
        %select_n3A_1104 = arith.select %lt3A_1100, %add3A_1103, %broadcast_in_dim3A_16 : vector<16xi1>, vector<16xi32>
        %broadcast_in_dim3A_1105 = vector.shape_cast %select_n3A_1104 : vector<16xi32> to vector<16x1xi32>
        %gather3A_1106 = vector.shape_cast %broadcast_in_dim3A_1105 : vector<16x1xi32> to vector<16xi32>
        %gather3A_1107 = tpu.dynamic_gather %cumsum3A_1094[%gather3A_1106] in [0] : vector<16xf32>, vector<16xi32> -> vector<16xf32>
        %select_n3A_1108 = arith.select %eq3A_1097, %gather3A_1107, %select_n3A_1084 : vector<16xi1>, vector<16xf32>
        %get3A_1109 = arith.index_cast %scan3A_962 : i32 to index
        %get3A_1110 = arith.constant 96 : index
        %get3A_1111 = tpu.vector_load %arg11[%get3A_1109, %get3A_1110] {strides = array<i32>} : memref<80x128xf32, #tpu.memory_space<vmem>>, vector<16xf32>,
        %get3A_1112 = arith.index_cast %scan3A_962 : i32 to index
        %get3A_1113 = arith.constant 96 : index
        %get3A_1114 = tpu.vector_load %arg13[%get3A_1112, %get3A_1113] {strides = array<i32>} : memref<80x256xf32, #tpu.memory_space<vmem>>, vector<16xf32>,
        %mul3A_1115 = arith.mulf %get3A_1111, %get3A_1114 : vector<16xf32>
        %cumsum3A_1116 = arith.constant true
        %cumsum3A_1117 = vector.broadcast %cumsum3A_1116 : i1 to vector<16xi1>
        %cumsum3A_1118 = tpu.scan <sum>, %mul3A_1115 masked %cumsum3A_1117 : vector<16xf32>, vector<16xi1> -> vector<16xf32>
        %eq3A_1119 = arith.constant 6 : i32
        %eq3A_1120 = vector.broadcast %eq3A_1119 : i32 to vector<16xi32>
        %eq3A_1121 = arith.cmpi eq, %iota3A, %eq3A_1120 : vector<16xi32>
        %lt3A_1122 = arith.constant 0 : i32
        %lt3A_1123 = vector.broadcast %lt3A_1122 : i32 to vector<16xi32>
        %lt3A_1124 = arith.cmpi slt, %broadcast_in_dim3A_16, %lt3A_1123 : vector<16xi32>
        %add3A_1125 = arith.constant 16 : i32
        %add3A_1126 = vector.broadcast %add3A_1125 : i32 to vector<16xi32>
        %add3A_1127 = arith.addi %broadcast_in_dim3A_16, %add3A_1126 : vector<16xi32>
        %select_n3A_1128 = arith.select %lt3A_1124, %add3A_1127, %broadcast_in_dim3A_16 : vector<16xi1>, vector<16xi32>
        %broadcast_in_dim3A_1129 = vector.shape_cast %select_n3A_1128 : vector<16xi32> to vector<16x1xi32>
        %gather3A_1130 = vector.shape_cast %broadcast_in_dim3A_1129 : vector<16x1xi32> to vector<16xi32>
        %gather3A_1131 = tpu.dynamic_gather %cumsum3A_1118[%gather3A_1130] in [0] : vector<16xf32>, vector<16xi32> -> vector<16xf32>
        %select_n3A_1132 = arith.select %eq3A_1121, %gather3A_1131, %select_n3A_1108 : vector<16xi1>, vector<16xf32>
        %get3A_1133 = arith.index_cast %scan3A_962 : i32 to index
        %get3A_1134 = arith.constant 112 : index
        %get3A_1135 = tpu.vector_load %arg11[%get3A_1133, %get3A_1134] {strides = array<i32>} : memref<80x128xf32, #tpu.memory_space<vmem>>, vector<16xf32>,
        %get3A_1136 = arith.index_cast %scan3A_962 : i32 to index
        %get3A_1137 = arith.constant 112 : index
        %get3A_1138 = tpu.vector_load %arg13[%get3A_1136, %get3A_1137] {strides = array<i32>} : memref<80x256xf32, #tpu.memory_space<vmem>>, vector<16xf32>,
        %mul3A_1139 = arith.mulf %get3A_1135, %get3A_1138 : vector<16xf32>
        %cumsum3A_1140 = arith.constant true
        %cumsum3A_1141 = vector.broadcast %cumsum3A_1140 : i1 to vector<16xi1>
        %cumsum3A_1142 = tpu.scan <sum>, %mul3A_1139 masked %cumsum3A_1141 : vector<16xf32>, vector<16xi1> -> vector<16xf32>
        %eq3A_1143 = arith.constant 7 : i32
        %eq3A_1144 = vector.broadcast %eq3A_1143 : i32 to vector<16xi32>
        %eq3A_1145 = arith.cmpi eq, %iota3A, %eq3A_1144 : vector<16xi32>
        %lt3A_1146 = arith.constant 0 : i32
        %lt3A_1147 = vector.broadcast %lt3A_1146 : i32 to vector<16xi32>
        %lt3A_1148 = arith.cmpi slt, %broadcast_in_dim3A_16, %lt3A_1147 : vector<16xi32>
        %add3A_1149 = arith.constant 16 : i32
        %add3A_1150 = vector.broadcast %add3A_1149 : i32 to vector<16xi32>
        %add3A_1151 = arith.addi %broadcast_in_dim3A_16, %add3A_1150 : vector<16xi32>
        %select_n3A_1152 = arith.select %lt3A_1148, %add3A_1151, %broadcast_in_dim3A_16 : vector<16xi1>, vector<16xi32>
        %broadcast_in_dim3A_1153 = vector.shape_cast %select_n3A_1152 : vector<16xi32> to vector<16x1xi32>
        %gather3A_1154 = vector.shape_cast %broadcast_in_dim3A_1153 : vector<16x1xi32> to vector<16xi32>
        %gather3A_1155 = tpu.dynamic_gather %cumsum3A_1142[%gather3A_1154] in [0] : vector<16xf32>, vector<16xi32> -> vector<16xf32>
        %select_n3A_1156 = arith.select %eq3A_1145, %gather3A_1155, %select_n3A_1132 : vector<16xi1>, vector<16xf32>
        %mul3A_1157 = arith.constant 2.500000e-01 : f32
        %mul3A_1158 = vector.broadcast %mul3A_1157 : f32 to vector<16xf32>
        %mul3A_1159 = arith.mulf %select_n3A_1156, %mul3A_1158 : vector<16xf32>
        %exp3A_1160 = math.exp %mul3A_1159 : vector<16xf32>
        %pack3A_1161 = tpu.pack_subelements %exp3A_1160, %exp3A_1160 {pack_format = #tpu.pack_format<interleaved>, positions = array<i32: 0, 1>} : vector<16xf32>, vector<16xf32> -> vector<32xbf16>
        %swap3A_1162 = arith.index_cast %scan3A_962 : i32 to index
        %swap3A_1163 = arith.constant 128 : index
        %swap3A_1164 = tpu.vector_load %arg15[%swap3A_1162, %swap3A_1163] {strides = array<i32>} : memref<80x160xbf16, #tpu.memory_space<vmem>>, vector<32xbf16>,
        tpu.vector_store %arg15[%swap3A_1162, %swap3A_1163], %pack3A_1161 {strides = array<i32>} : memref<80x160xbf16, #tpu.memory_space<vmem>>, vector<32xbf16>,
        %get3A_1165 = arith.index_cast %scan3A_962 : i32 to index
        %get3A_1166 = arith.constant 128 : index
        %get3A_1167 = tpu.vector_load %arg13[%get3A_1165, %get3A_1166] {strides = array<i32>} : memref<80x256xf32, #tpu.memory_space<vmem>>, vector<16xf32>,
        %lt3A_1168 = arith.constant 0 : i32
        %lt3A_1169 = vector.broadcast %lt3A_1168 : i32 to vector<16xi32>
        %lt3A_1170 = arith.cmpi slt, %broadcast_in_dim3A_18, %lt3A_1169 : vector<16xi32>
        %add3A_1171 = arith.constant 16 : i32
        %add3A_1172 = vector.broadcast %add3A_1171 : i32 to vector<16xi32>
        %add3A_1173 = arith.addi %broadcast_in_dim3A_18, %add3A_1172 : vector<16xi32>
        %select_n3A_1174 = arith.select %lt3A_1170, %add3A_1173, %broadcast_in_dim3A_18 : vector<16xi1>, vector<16xi32>
        %broadcast_in_dim3A_1175 = vector.shape_cast %select_n3A_1174 : vector<16xi32> to vector<16x1xi32>
        %gather3A_1176 = vector.shape_cast %broadcast_in_dim3A_1175 : vector<16x1xi32> to vector<16xi32>
        %gather3A_1177 = tpu.dynamic_gather %exp3A_1160[%gather3A_1176] in [0] : vector<16xf32>, vector<16xi32> -> vector<16xf32>
        %mul3A_1178 = arith.mulf %get3A_1167, %gather3A_1177 : vector<16xf32>
        %get3A_1179 = arith.index_cast %scan3A_962 : i32 to index
        %get3A_1180 = arith.constant 144 : index
        %get3A_1181 = tpu.vector_load %arg13[%get3A_1179, %get3A_1180] {strides = array<i32>} : memref<80x256xf32, #tpu.memory_space<vmem>>, vector<16xf32>,
        %lt3A_1182 = arith.constant 0 : i32
        %lt3A_1183 = vector.broadcast %lt3A_1182 : i32 to vector<16xi32>
        %lt3A_1184 = arith.cmpi slt, %broadcast_in_dim3A_20, %lt3A_1183 : vector<16xi32>
        %add3A_1185 = arith.constant 16 : i32
        %add3A_1186 = vector.broadcast %add3A_1185 : i32 to vector<16xi32>
        %add3A_1187 = arith.addi %broadcast_in_dim3A_20, %add3A_1186 : vector<16xi32>
        %select_n3A_1188 = arith.select %lt3A_1184, %add3A_1187, %broadcast_in_dim3A_20 : vector<16xi1>, vector<16xi32>
        %broadcast_in_dim3A_1189 = vector.shape_cast %select_n3A_1188 : vector<16xi32> to vector<16x1xi32>
        %gather3A_1190 = vector.shape_cast %broadcast_in_dim3A_1189 : vector<16x1xi32> to vector<16xi32>
        %gather3A_1191 = tpu.dynamic_gather %exp3A_1160[%gather3A_1190] in [0] : vector<16xf32>, vector<16xi32> -> vector<16xf32>
        %mul3A_1192 = arith.mulf %get3A_1181, %gather3A_1191 : vector<16xf32>
        %pack3A_1193 = tpu.pack_subelements %mul3A_1178, %mul3A_1192 {pack_format = #tpu.pack_format<interleaved>, positions = array<i32: 0, 1>} : vector<16xf32>, vector<16xf32> -> vector<32xbf16>
        %swap3A_1194 = arith.index_cast %scan3A_962 : i32 to index
        %swap3A_1195 = arith.constant 0 : index
        %swap3A_1196 = tpu.vector_load %arg15[%swap3A_1194, %swap3A_1195] {strides = array<i32>} : memref<80x160xbf16, #tpu.memory_space<vmem>>, vector<32xbf16>,
        tpu.vector_store %arg15[%swap3A_1194, %swap3A_1195], %pack3A_1193 {strides = array<i32>} : memref<80x160xbf16, #tpu.memory_space<vmem>>, vector<32xbf16>,
        %get3A_1197 = arith.index_cast %scan3A_962 : i32 to index
        %get3A_1198 = arith.constant 160 : index
        %get3A_1199 = tpu.vector_load %arg13[%get3A_1197, %get3A_1198] {strides = array<i32>} : memref<80x256xf32, #tpu.memory_space<vmem>>, vector<16xf32>,
        %lt3A_1200 = arith.constant 0 : i32
        %lt3A_1201 = vector.broadcast %lt3A_1200 : i32 to vector<16xi32>
        %lt3A_1202 = arith.cmpi slt, %broadcast_in_dim3A_22, %lt3A_1201 : vector<16xi32>
        %add3A_1203 = arith.constant 16 : i32
        %add3A_1204 = vector.broadcast %add3A_1203 : i32 to vector<16xi32>
        %add3A_1205 = arith.addi %broadcast_in_dim3A_22, %add3A_1204 : vector<16xi32>
        %select_n3A_1206 = arith.select %lt3A_1202, %add3A_1205, %broadcast_in_dim3A_22 : vector<16xi1>, vector<16xi32>
        %broadcast_in_dim3A_1207 = vector.shape_cast %select_n3A_1206 : vector<16xi32> to vector<16x1xi32>
        %gather3A_1208 = vector.shape_cast %broadcast_in_dim3A_1207 : vector<16x1xi32> to vector<16xi32>
        %gather3A_1209 = tpu.dynamic_gather %exp3A_1160[%gather3A_1208] in [0] : vector<16xf32>, vector<16xi32> -> vector<16xf32>
        %mul3A_1210 = arith.mulf %get3A_1199, %gather3A_1209 : vector<16xf32>
        %get3A_1211 = arith.index_cast %scan3A_962 : i32 to index
        %get3A_1212 = arith.constant 176 : index
        %get3A_1213 = tpu.vector_load %arg13[%get3A_1211, %get3A_1212] {strides = array<i32>} : memref<80x256xf32, #tpu.memory_space<vmem>>, vector<16xf32>,
        %lt3A_1214 = arith.constant 0 : i32
        %lt3A_1215 = vector.broadcast %lt3A_1214 : i32 to vector<16xi32>
        %lt3A_1216 = arith.cmpi slt, %broadcast_in_dim3A_24, %lt3A_1215 : vector<16xi32>
        %add3A_1217 = arith.constant 16 : i32
        %add3A_1218 = vector.broadcast %add3A_1217 : i32 to vector<16xi32>
        %add3A_1219 = arith.addi %broadcast_in_dim3A_24, %add3A_1218 : vector<16xi32>
        %select_n3A_1220 = arith.select %lt3A_1216, %add3A_1219, %broadcast_in_dim3A_24 : vector<16xi1>, vector<16xi32>
        %broadcast_in_dim3A_1221 = vector.shape_cast %select_n3A_1220 : vector<16xi32> to vector<16x1xi32>
        %gather3A_1222 = vector.shape_cast %broadcast_in_dim3A_1221 : vector<16x1xi32> to vector<16xi32>
        %gather3A_1223 = tpu.dynamic_gather %exp3A_1160[%gather3A_1222] in [0] : vector<16xf32>, vector<16xi32> -> vector<16xf32>
        %mul3A_1224 = arith.mulf %get3A_1213, %gather3A_1223 : vector<16xf32>
        %pack3A_1225 = tpu.pack_subelements %mul3A_1210, %mul3A_1224 {pack_format = #tpu.pack_format<interleaved>, positions = array<i32: 0, 1>} : vector<16xf32>, vector<16xf32> -> vector<32xbf16>
        %swap3A_1226 = arith.index_cast %scan3A_962 : i32 to index
        %swap3A_1227 = arith.constant 32 : index
        %swap3A_1228 = tpu.vector_load %arg15[%swap3A_1226, %swap3A_1227] {strides = array<i32>} : memref<80x160xbf16, #tpu.memory_space<vmem>>, vector<32xbf16>,
        tpu.vector_store %arg15[%swap3A_1226, %swap3A_1227], %pack3A_1225 {strides = array<i32>} : memref<80x160xbf16, #tpu.memory_space<vmem>>, vector<32xbf16>,
        %get3A_1229 = arith.index_cast %scan3A_962 : i32 to index
        %get3A_1230 = arith.constant 192 : index
        %get3A_1231 = tpu.vector_load %arg13[%get3A_1229, %get3A_1230] {strides = array<i32>} : memref<80x256xf32, #tpu.memory_space<vmem>>, vector<16xf32>,
        %lt3A_1232 = arith.constant 0 : i32
        %lt3A_1233 = vector.broadcast %lt3A_1232 : i32 to vector<16xi32>
        %lt3A_1234 = arith.cmpi slt, %broadcast_in_dim3A_26, %lt3A_1233 : vector<16xi32>
        %add3A_1235 = arith.constant 16 : i32
        %add3A_1236 = vector.broadcast %add3A_1235 : i32 to vector<16xi32>
        %add3A_1237 = arith.addi %broadcast_in_dim3A_26, %add3A_1236 : vector<16xi32>
        %select_n3A_1238 = arith.select %lt3A_1234, %add3A_1237, %broadcast_in_dim3A_26 : vector<16xi1>, vector<16xi32>
        %broadcast_in_dim3A_1239 = vector.shape_cast %select_n3A_1238 : vector<16xi32> to vector<16x1xi32>
        %gather3A_1240 = vector.shape_cast %broadcast_in_dim3A_1239 : vector<16x1xi32> to vector<16xi32>
        %gather3A_1241 = tpu.dynamic_gather %exp3A_1160[%gather3A_1240] in [0] : vector<16xf32>, vector<16xi32> -> vector<16xf32>
        %mul3A_1242 = arith.mulf %get3A_1231, %gather3A_1241 : vector<16xf32>
        %get3A_1243 = arith.index_cast %scan3A_962 : i32 to index
        %get3A_1244 = arith.constant 208 : index
        %get3A_1245 = tpu.vector_load %arg13[%get3A_1243, %get3A_1244] {strides = array<i32>} : memref<80x256xf32, #tpu.memory_space<vmem>>, vector<16xf32>,
        %lt3A_1246 = arith.constant 0 : i32
        %lt3A_1247 = vector.broadcast %lt3A_1246 : i32 to vector<16xi32>
        %lt3A_1248 = arith.cmpi slt, %broadcast_in_dim3A_28, %lt3A_1247 : vector<16xi32>
        %add3A_1249 = arith.constant 16 : i32
        %add3A_1250 = vector.broadcast %add3A_1249 : i32 to vector<16xi32>
        %add3A_1251 = arith.addi %broadcast_in_dim3A_28, %add3A_1250 : vector<16xi32>
        %select_n3A_1252 = arith.select %lt3A_1248, %add3A_1251, %broadcast_in_dim3A_28 : vector<16xi1>, vector<16xi32>
        %broadcast_in_dim3A_1253 = vector.shape_cast %select_n3A_1252 : vector<16xi32> to vector<16x1xi32>
        %gather3A_1254 = vector.shape_cast %broadcast_in_dim3A_1253 : vector<16x1xi32> to vector<16xi32>
        %gather3A_1255 = tpu.dynamic_gather %exp3A_1160[%gather3A_1254] in [0] : vector<16xf32>, vector<16xi32> -> vector<16xf32>
        %mul3A_1256 = arith.mulf %get3A_1245, %gather3A_1255 : vector<16xf32>
        %pack3A_1257 = tpu.pack_subelements %mul3A_1242, %mul3A_1256 {pack_format = #tpu.pack_format<interleaved>, positions = array<i32: 0, 1>} : vector<16xf32>, vector<16xf32> -> vector<32xbf16>
        %swap3A_1258 = arith.index_cast %scan3A_962 : i32 to index
        %swap3A_1259 = arith.constant 64 : index
        %swap3A_1260 = tpu.vector_load %arg15[%swap3A_1258, %swap3A_1259] {strides = array<i32>} : memref<80x160xbf16, #tpu.memory_space<vmem>>, vector<32xbf16>,
        tpu.vector_store %arg15[%swap3A_1258, %swap3A_1259], %pack3A_1257 {strides = array<i32>} : memref<80x160xbf16, #tpu.memory_space<vmem>>, vector<32xbf16>,
        %get3A_1261 = arith.index_cast %scan3A_962 : i32 to index
        %get3A_1262 = arith.constant 224 : index
        %get3A_1263 = tpu.vector_load %arg13[%get3A_1261, %get3A_1262] {strides = array<i32>} : memref<80x256xf32, #tpu.memory_space<vmem>>, vector<16xf32>,
        %lt3A_1264 = arith.constant 0 : i32
        %lt3A_1265 = vector.broadcast %lt3A_1264 : i32 to vector<16xi32>
        %lt3A_1266 = arith.cmpi slt, %broadcast_in_dim3A_30, %lt3A_1265 : vector<16xi32>
        %add3A_1267 = arith.constant 16 : i32
        %add3A_1268 = vector.broadcast %add3A_1267 : i32 to vector<16xi32>
        %add3A_1269 = arith.addi %broadcast_in_dim3A_30, %add3A_1268 : vector<16xi32>
        %select_n3A_1270 = arith.select %lt3A_1266, %add3A_1269, %broadcast_in_dim3A_30 : vector<16xi1>, vector<16xi32>
        %broadcast_in_dim3A_1271 = vector.shape_cast %select_n3A_1270 : vector<16xi32> to vector<16x1xi32>
        %gather3A_1272 = vector.shape_cast %broadcast_in_dim3A_1271 : vector<16x1xi32> to vector<16xi32>
        %gather3A_1273 = tpu.dynamic_gather %exp3A_1160[%gather3A_1272] in [0] : vector<16xf32>, vector<16xi32> -> vector<16xf32>
        %mul3A_1274 = arith.mulf %get3A_1263, %gather3A_1273 : vector<16xf32>
        %get3A_1275 = arith.index_cast %scan3A_962 : i32 to index
        %get3A_1276 = arith.constant 240 : index
        %get3A_1277 = tpu.vector_load %arg13[%get3A_1275, %get3A_1276] {strides = array<i32>} : memref<80x256xf32, #tpu.memory_space<vmem>>, vector<16xf32>,
        %lt3A_1278 = arith.constant 0 : i32
        %lt3A_1279 = vector.broadcast %lt3A_1278 : i32 to vector<16xi32>
        %lt3A_1280 = arith.cmpi slt, %broadcast_in_dim3A_32, %lt3A_1279 : vector<16xi32>
        %add3A_1281 = arith.constant 16 : i32
        %add3A_1282 = vector.broadcast %add3A_1281 : i32 to vector<16xi32>
        %add3A_1283 = arith.addi %broadcast_in_dim3A_32, %add3A_1282 : vector<16xi32>
        %select_n3A_1284 = arith.select %lt3A_1280, %add3A_1283, %broadcast_in_dim3A_32 : vector<16xi1>, vector<16xi32>
        %broadcast_in_dim3A_1285 = vector.shape_cast %select_n3A_1284 : vector<16xi32> to vector<16x1xi32>
        %gather3A_1286 = vector.shape_cast %broadcast_in_dim3A_1285 : vector<16x1xi32> to vector<16xi32>
        %gather3A_1287 = tpu.dynamic_gather %exp3A_1160[%gather3A_1286] in [0] : vector<16xf32>, vector<16xi32> -> vector<16xf32>
        %mul3A_1288 = arith.mulf %get3A_1277, %gather3A_1287 : vector<16xf32>
        %pack3A_1289 = tpu.pack_subelements %mul3A_1274, %mul3A_1288 {pack_format = #tpu.pack_format<interleaved>, positions = array<i32: 0, 1>} : vector<16xf32>, vector<16xf32> -> vector<32xbf16>
        %swap3A_1290 = arith.index_cast %scan3A_962 : i32 to index
        %swap3A_1291 = arith.constant 96 : index
        %swap3A_1292 = tpu.vector_load %arg15[%swap3A_1290, %swap3A_1291] {strides = array<i32>} : memref<80x160xbf16, #tpu.memory_space<vmem>>, vector<32xbf16>,
        tpu.vector_store %arg15[%swap3A_1290, %swap3A_1291], %pack3A_1289 {strides = array<i32>} : memref<80x160xbf16, #tpu.memory_space<vmem>>, vector<32xbf16>,
        %scan3A_1293 = arith.constant 0 : i32
        %scan3A_1294 = arith.constant 3 : i32
        %scan3A_1295 = arith.addi %scan3A_300, %scan3A_1294 : i32
        %broadcast_in_dim3A_1296 = arith.constant 0.000000e+00 : f32
        %broadcast_in_dim3A_1297 = vector.broadcast %broadcast_in_dim3A_1296 : f32 to vector<16xf32>
        %get3A_1298 = arith.index_cast %scan3A_1295 : i32 to index
        %get3A_1299 = arith.constant 0 : index
        %get3A_1300 = tpu.vector_load %arg11[%get3A_1298, %get3A_1299] {strides = array<i32>} : memref<80x128xf32, #tpu.memory_space<vmem>>, vector<16xf32>,
        %get3A_1301 = arith.index_cast %scan3A_1295 : i32 to index
        %get3A_1302 = arith.constant 0 : index
        %get3A_1303 = tpu.vector_load %arg13[%get3A_1301, %get3A_1302] {strides = array<i32>} : memref<80x256xf32, #tpu.memory_space<vmem>>, vector<16xf32>,
        %mul3A_1304 = arith.mulf %get3A_1300, %get3A_1303 : vector<16xf32>
        %cumsum3A_1305 = arith.constant true
        %cumsum3A_1306 = vector.broadcast %cumsum3A_1305 : i1 to vector<16xi1>
        %cumsum3A_1307 = tpu.scan <sum>, %mul3A_1304 masked %cumsum3A_1306 : vector<16xf32>, vector<16xi1> -> vector<16xf32>
        %eq3A_1308 = arith.constant 0 : i32
        %eq3A_1309 = vector.broadcast %eq3A_1308 : i32 to vector<16xi32>
        %eq3A_1310 = arith.cmpi eq, %iota3A, %eq3A_1309 : vector<16xi32>
        %lt3A_1311 = arith.constant 0 : i32
        %lt3A_1312 = vector.broadcast %lt3A_1311 : i32 to vector<16xi32>
        %lt3A_1313 = arith.cmpi slt, %broadcast_in_dim3A_16, %lt3A_1312 : vector<16xi32>
        %add3A_1314 = arith.constant 16 : i32
        %add3A_1315 = vector.broadcast %add3A_1314 : i32 to vector<16xi32>
        %add3A_1316 = arith.addi %broadcast_in_dim3A_16, %add3A_1315 : vector<16xi32>
        %select_n3A_1317 = arith.select %lt3A_1313, %add3A_1316, %broadcast_in_dim3A_16 : vector<16xi1>, vector<16xi32>
        %broadcast_in_dim3A_1318 = vector.shape_cast %select_n3A_1317 : vector<16xi32> to vector<16x1xi32>
        %gather3A_1319 = vector.shape_cast %broadcast_in_dim3A_1318 : vector<16x1xi32> to vector<16xi32>
        %gather3A_1320 = tpu.dynamic_gather %cumsum3A_1307[%gather3A_1319] in [0] : vector<16xf32>, vector<16xi32> -> vector<16xf32>
        %select_n3A_1321 = arith.select %eq3A_1310, %gather3A_1320, %broadcast_in_dim3A_1297 : vector<16xi1>, vector<16xf32>
        %get3A_1322 = arith.index_cast %scan3A_1295 : i32 to index
        %get3A_1323 = arith.constant 16 : index
        %get3A_1324 = tpu.vector_load %arg11[%get3A_1322, %get3A_1323] {strides = array<i32>} : memref<80x128xf32, #tpu.memory_space<vmem>>, vector<16xf32>,
        %get3A_1325 = arith.index_cast %scan3A_1295 : i32 to index
        %get3A_1326 = arith.constant 16 : index
        %get3A_1327 = tpu.vector_load %arg13[%get3A_1325, %get3A_1326] {strides = array<i32>} : memref<80x256xf32, #tpu.memory_space<vmem>>, vector<16xf32>,
        %mul3A_1328 = arith.mulf %get3A_1324, %get3A_1327 : vector<16xf32>
        %cumsum3A_1329 = arith.constant true
        %cumsum3A_1330 = vector.broadcast %cumsum3A_1329 : i1 to vector<16xi1>
        %cumsum3A_1331 = tpu.scan <sum>, %mul3A_1328 masked %cumsum3A_1330 : vector<16xf32>, vector<16xi1> -> vector<16xf32>
        %eq3A_1332 = arith.constant 1 : i32
        %eq3A_1333 = vector.broadcast %eq3A_1332 : i32 to vector<16xi32>
        %eq3A_1334 = arith.cmpi eq, %iota3A, %eq3A_1333 : vector<16xi32>
        %lt3A_1335 = arith.constant 0 : i32
        %lt3A_1336 = vector.broadcast %lt3A_1335 : i32 to vector<16xi32>
        %lt3A_1337 = arith.cmpi slt, %broadcast_in_dim3A_16, %lt3A_1336 : vector<16xi32>
        %add3A_1338 = arith.constant 16 : i32
        %add3A_1339 = vector.broadcast %add3A_1338 : i32 to vector<16xi32>
        %add3A_1340 = arith.addi %broadcast_in_dim3A_16, %add3A_1339 : vector<16xi32>
        %select_n3A_1341 = arith.select %lt3A_1337, %add3A_1340, %broadcast_in_dim3A_16 : vector<16xi1>, vector<16xi32>
        %broadcast_in_dim3A_1342 = vector.shape_cast %select_n3A_1341 : vector<16xi32> to vector<16x1xi32>
        %gather3A_1343 = vector.shape_cast %broadcast_in_dim3A_1342 : vector<16x1xi32> to vector<16xi32>
        %gather3A_1344 = tpu.dynamic_gather %cumsum3A_1331[%gather3A_1343] in [0] : vector<16xf32>, vector<16xi32> -> vector<16xf32>
        %select_n3A_1345 = arith.select %eq3A_1334, %gather3A_1344, %select_n3A_1321 : vector<16xi1>, vector<16xf32>
        %get3A_1346 = arith.index_cast %scan3A_1295 : i32 to index
        %get3A_1347 = arith.constant 32 : index
        %get3A_1348 = tpu.vector_load %arg11[%get3A_1346, %get3A_1347] {strides = array<i32>} : memref<80x128xf32, #tpu.memory_space<vmem>>, vector<16xf32>,
        %get3A_1349 = arith.index_cast %scan3A_1295 : i32 to index
        %get3A_1350 = arith.constant 32 : index
        %get3A_1351 = tpu.vector_load %arg13[%get3A_1349, %get3A_1350] {strides = array<i32>} : memref<80x256xf32, #tpu.memory_space<vmem>>, vector<16xf32>,
        %mul3A_1352 = arith.mulf %get3A_1348, %get3A_1351 : vector<16xf32>
        %cumsum3A_1353 = arith.constant true
        %cumsum3A_1354 = vector.broadcast %cumsum3A_1353 : i1 to vector<16xi1>
        %cumsum3A_1355 = tpu.scan <sum>, %mul3A_1352 masked %cumsum3A_1354 : vector<16xf32>, vector<16xi1> -> vector<16xf32>
        %eq3A_1356 = arith.constant 2 : i32
        %eq3A_1357 = vector.broadcast %eq3A_1356 : i32 to vector<16xi32>
        %eq3A_1358 = arith.cmpi eq, %iota3A, %eq3A_1357 : vector<16xi32>
        %lt3A_1359 = arith.constant 0 : i32
        %lt3A_1360 = vector.broadcast %lt3A_1359 : i32 to vector<16xi32>
        %lt3A_1361 = arith.cmpi slt, %broadcast_in_dim3A_16, %lt3A_1360 : vector<16xi32>
        %add3A_1362 = arith.constant 16 : i32
        %add3A_1363 = vector.broadcast %add3A_1362 : i32 to vector<16xi32>
        %add3A_1364 = arith.addi %broadcast_in_dim3A_16, %add3A_1363 : vector<16xi32>
        %select_n3A_1365 = arith.select %lt3A_1361, %add3A_1364, %broadcast_in_dim3A_16 : vector<16xi1>, vector<16xi32>
        %broadcast_in_dim3A_1366 = vector.shape_cast %select_n3A_1365 : vector<16xi32> to vector<16x1xi32>
        %gather3A_1367 = vector.shape_cast %broadcast_in_dim3A_1366 : vector<16x1xi32> to vector<16xi32>
        %gather3A_1368 = tpu.dynamic_gather %cumsum3A_1355[%gather3A_1367] in [0] : vector<16xf32>, vector<16xi32> -> vector<16xf32>
        %select_n3A_1369 = arith.select %eq3A_1358, %gather3A_1368, %select_n3A_1345 : vector<16xi1>, vector<16xf32>
        %get3A_1370 = arith.index_cast %scan3A_1295 : i32 to index
        %get3A_1371 = arith.constant 48 : index
        %get3A_1372 = tpu.vector_load %arg11[%get3A_1370, %get3A_1371] {strides = array<i32>} : memref<80x128xf32, #tpu.memory_space<vmem>>, vector<16xf32>,
        %get3A_1373 = arith.index_cast %scan3A_1295 : i32 to index
        %get3A_1374 = arith.constant 48 : index
        %get3A_1375 = tpu.vector_load %arg13[%get3A_1373, %get3A_1374] {strides = array<i32>} : memref<80x256xf32, #tpu.memory_space<vmem>>, vector<16xf32>,
        %mul3A_1376 = arith.mulf %get3A_1372, %get3A_1375 : vector<16xf32>
        %cumsum3A_1377 = arith.constant true
        %cumsum3A_1378 = vector.broadcast %cumsum3A_1377 : i1 to vector<16xi1>
        %cumsum3A_1379 = tpu.scan <sum>, %mul3A_1376 masked %cumsum3A_1378 : vector<16xf32>, vector<16xi1> -> vector<16xf32>
        %eq3A_1380 = arith.constant 3 : i32
        %eq3A_1381 = vector.broadcast %eq3A_1380 : i32 to vector<16xi32>
        %eq3A_1382 = arith.cmpi eq, %iota3A, %eq3A_1381 : vector<16xi32>
        %lt3A_1383 = arith.constant 0 : i32
        %lt3A_1384 = vector.broadcast %lt3A_1383 : i32 to vector<16xi32>
        %lt3A_1385 = arith.cmpi slt, %broadcast_in_dim3A_16, %lt3A_1384 : vector<16xi32>
        %add3A_1386 = arith.constant 16 : i32
        %add3A_1387 = vector.broadcast %add3A_1386 : i32 to vector<16xi32>
        %add3A_1388 = arith.addi %broadcast_in_dim3A_16, %add3A_1387 : vector<16xi32>
        %select_n3A_1389 = arith.select %lt3A_1385, %add3A_1388, %broadcast_in_dim3A_16 : vector<16xi1>, vector<16xi32>
        %broadcast_in_dim3A_1390 = vector.shape_cast %select_n3A_1389 : vector<16xi32> to vector<16x1xi32>
        %gather3A_1391 = vector.shape_cast %broadcast_in_dim3A_1390 : vector<16x1xi32> to vector<16xi32>
        %gather3A_1392 = tpu.dynamic_gather %cumsum3A_1379[%gather3A_1391] in [0] : vector<16xf32>, vector<16xi32> -> vector<16xf32>
        %select_n3A_1393 = arith.select %eq3A_1382, %gather3A_1392, %select_n3A_1369 : vector<16xi1>, vector<16xf32>
        %get3A_1394 = arith.index_cast %scan3A_1295 : i32 to index
        %get3A_1395 = arith.constant 64 : index
        %get3A_1396 = tpu.vector_load %arg11[%get3A_1394, %get3A_1395] {strides = array<i32>} : memref<80x128xf32, #tpu.memory_space<vmem>>, vector<16xf32>,
        %get3A_1397 = arith.index_cast %scan3A_1295 : i32 to index
        %get3A_1398 = arith.constant 64 : index
        %get3A_1399 = tpu.vector_load %arg13[%get3A_1397, %get3A_1398] {strides = array<i32>} : memref<80x256xf32, #tpu.memory_space<vmem>>, vector<16xf32>,
        %mul3A_1400 = arith.mulf %get3A_1396, %get3A_1399 : vector<16xf32>
        %cumsum3A_1401 = arith.constant true
        %cumsum3A_1402 = vector.broadcast %cumsum3A_1401 : i1 to vector<16xi1>
        %cumsum3A_1403 = tpu.scan <sum>, %mul3A_1400 masked %cumsum3A_1402 : vector<16xf32>, vector<16xi1> -> vector<16xf32>
        %eq3A_1404 = arith.constant 4 : i32
        %eq3A_1405 = vector.broadcast %eq3A_1404 : i32 to vector<16xi32>
        %eq3A_1406 = arith.cmpi eq, %iota3A, %eq3A_1405 : vector<16xi32>
        %lt3A_1407 = arith.constant 0 : i32
        %lt3A_1408 = vector.broadcast %lt3A_1407 : i32 to vector<16xi32>
        %lt3A_1409 = arith.cmpi slt, %broadcast_in_dim3A_16, %lt3A_1408 : vector<16xi32>
        %add3A_1410 = arith.constant 16 : i32
        %add3A_1411 = vector.broadcast %add3A_1410 : i32 to vector<16xi32>
        %add3A_1412 = arith.addi %broadcast_in_dim3A_16, %add3A_1411 : vector<16xi32>
        %select_n3A_1413 = arith.select %lt3A_1409, %add3A_1412, %broadcast_in_dim3A_16 : vector<16xi1>, vector<16xi32>
        %broadcast_in_dim3A_1414 = vector.shape_cast %select_n3A_1413 : vector<16xi32> to vector<16x1xi32>
        %gather3A_1415 = vector.shape_cast %broadcast_in_dim3A_1414 : vector<16x1xi32> to vector<16xi32>
        %gather3A_1416 = tpu.dynamic_gather %cumsum3A_1403[%gather3A_1415] in [0] : vector<16xf32>, vector<16xi32> -> vector<16xf32>
        %select_n3A_1417 = arith.select %eq3A_1406, %gather3A_1416, %select_n3A_1393 : vector<16xi1>, vector<16xf32>
        %get3A_1418 = arith.index_cast %scan3A_1295 : i32 to index
        %get3A_1419 = arith.constant 80 : index
        %get3A_1420 = tpu.vector_load %arg11[%get3A_1418, %get3A_1419] {strides = array<i32>} : memref<80x128xf32, #tpu.memory_space<vmem>>, vector<16xf32>,
        %get3A_1421 = arith.index_cast %scan3A_1295 : i32 to index
        %get3A_1422 = arith.constant 80 : index
        %get3A_1423 = tpu.vector_load %arg13[%get3A_1421, %get3A_1422] {strides = array<i32>} : memref<80x256xf32, #tpu.memory_space<vmem>>, vector<16xf32>,
        %mul3A_1424 = arith.mulf %get3A_1420, %get3A_1423 : vector<16xf32>
        %cumsum3A_1425 = arith.constant true
        %cumsum3A_1426 = vector.broadcast %cumsum3A_1425 : i1 to vector<16xi1>
        %cumsum3A_1427 = tpu.scan <sum>, %mul3A_1424 masked %cumsum3A_1426 : vector<16xf32>, vector<16xi1> -> vector<16xf32>
        %eq3A_1428 = arith.constant 5 : i32
        %eq3A_1429 = vector.broadcast %eq3A_1428 : i32 to vector<16xi32>
        %eq3A_1430 = arith.cmpi eq, %iota3A, %eq3A_1429 : vector<16xi32>
        %lt3A_1431 = arith.constant 0 : i32
        %lt3A_1432 = vector.broadcast %lt3A_1431 : i32 to vector<16xi32>
        %lt3A_1433 = arith.cmpi slt, %broadcast_in_dim3A_16, %lt3A_1432 : vector<16xi32>
        %add3A_1434 = arith.constant 16 : i32
        %add3A_1435 = vector.broadcast %add3A_1434 : i32 to vector<16xi32>
        %add3A_1436 = arith.addi %broadcast_in_dim3A_16, %add3A_1435 : vector<16xi32>
        %select_n3A_1437 = arith.select %lt3A_1433, %add3A_1436, %broadcast_in_dim3A_16 : vector<16xi1>, vector<16xi32>
        %broadcast_in_dim3A_1438 = vector.shape_cast %select_n3A_1437 : vector<16xi32> to vector<16x1xi32>
        %gather3A_1439 = vector.shape_cast %broadcast_in_dim3A_1438 : vector<16x1xi32> to vector<16xi32>
        %gather3A_1440 = tpu.dynamic_gather %cumsum3A_1427[%gather3A_1439] in [0] : vector<16xf32>, vector<16xi32> -> vector<16xf32>
        %select_n3A_1441 = arith.select %eq3A_1430, %gather3A_1440, %select_n3A_1417 : vector<16xi1>, vector<16xf32>
        %get3A_1442 = arith.index_cast %scan3A_1295 : i32 to index
        %get3A_1443 = arith.constant 96 : index
        %get3A_1444 = tpu.vector_load %arg11[%get3A_1442, %get3A_1443] {strides = array<i32>} : memref<80x128xf32, #tpu.memory_space<vmem>>, vector<16xf32>,
        %get3A_1445 = arith.index_cast %scan3A_1295 : i32 to index
        %get3A_1446 = arith.constant 96 : index
        %get3A_1447 = tpu.vector_load %arg13[%get3A_1445, %get3A_1446] {strides = array<i32>} : memref<80x256xf32, #tpu.memory_space<vmem>>, vector<16xf32>,
        %mul3A_1448 = arith.mulf %get3A_1444, %get3A_1447 : vector<16xf32>
        %cumsum3A_1449 = arith.constant true
        %cumsum3A_1450 = vector.broadcast %cumsum3A_1449 : i1 to vector<16xi1>
        %cumsum3A_1451 = tpu.scan <sum>, %mul3A_1448 masked %cumsum3A_1450 : vector<16xf32>, vector<16xi1> -> vector<16xf32>
        %eq3A_1452 = arith.constant 6 : i32
        %eq3A_1453 = vector.broadcast %eq3A_1452 : i32 to vector<16xi32>
        %eq3A_1454 = arith.cmpi eq, %iota3A, %eq3A_1453 : vector<16xi32>
        %lt3A_1455 = arith.constant 0 : i32
        %lt3A_1456 = vector.broadcast %lt3A_1455 : i32 to vector<16xi32>
        %lt3A_1457 = arith.cmpi slt, %broadcast_in_dim3A_16, %lt3A_1456 : vector<16xi32>
        %add3A_1458 = arith.constant 16 : i32
        %add3A_1459 = vector.broadcast %add3A_1458 : i32 to vector<16xi32>
        %add3A_1460 = arith.addi %broadcast_in_dim3A_16, %add3A_1459 : vector<16xi32>
        %select_n3A_1461 = arith.select %lt3A_1457, %add3A_1460, %broadcast_in_dim3A_16 : vector<16xi1>, vector<16xi32>
        %broadcast_in_dim3A_1462 = vector.shape_cast %select_n3A_1461 : vector<16xi32> to vector<16x1xi32>
        %gather3A_1463 = vector.shape_cast %broadcast_in_dim3A_1462 : vector<16x1xi32> to vector<16xi32>
        %gather3A_1464 = tpu.dynamic_gather %cumsum3A_1451[%gather3A_1463] in [0] : vector<16xf32>, vector<16xi32> -> vector<16xf32>
        %select_n3A_1465 = arith.select %eq3A_1454, %gather3A_1464, %select_n3A_1441 : vector<16xi1>, vector<16xf32>
        %get3A_1466 = arith.index_cast %scan3A_1295 : i32 to index
        %get3A_1467 = arith.constant 112 : index
        %get3A_1468 = tpu.vector_load %arg11[%get3A_1466, %get3A_1467] {strides = array<i32>} : memref<80x128xf32, #tpu.memory_space<vmem>>, vector<16xf32>,
        %get3A_1469 = arith.index_cast %scan3A_1295 : i32 to index
        %get3A_1470 = arith.constant 112 : index
        %get3A_1471 = tpu.vector_load %arg13[%get3A_1469, %get3A_1470] {strides = array<i32>} : memref<80x256xf32, #tpu.memory_space<vmem>>, vector<16xf32>,
        %mul3A_1472 = arith.mulf %get3A_1468, %get3A_1471 : vector<16xf32>
        %cumsum3A_1473 = arith.constant true
        %cumsum3A_1474 = vector.broadcast %cumsum3A_1473 : i1 to vector<16xi1>
        %cumsum3A_1475 = tpu.scan <sum>, %mul3A_1472 masked %cumsum3A_1474 : vector<16xf32>, vector<16xi1> -> vector<16xf32>
        %eq3A_1476 = arith.constant 7 : i32
        %eq3A_1477 = vector.broadcast %eq3A_1476 : i32 to vector<16xi32>
        %eq3A_1478 = arith.cmpi eq, %iota3A, %eq3A_1477 : vector<16xi32>
        %lt3A_1479 = arith.constant 0 : i32
        %lt3A_1480 = vector.broadcast %lt3A_1479 : i32 to vector<16xi32>
        %lt3A_1481 = arith.cmpi slt, %broadcast_in_dim3A_16, %lt3A_1480 : vector<16xi32>
        %add3A_1482 = arith.constant 16 : i32
        %add3A_1483 = vector.broadcast %add3A_1482 : i32 to vector<16xi32>
        %add3A_1484 = arith.addi %broadcast_in_dim3A_16, %add3A_1483 : vector<16xi32>
        %select_n3A_1485 = arith.select %lt3A_1481, %add3A_1484, %broadcast_in_dim3A_16 : vector<16xi1>, vector<16xi32>
        %broadcast_in_dim3A_1486 = vector.shape_cast %select_n3A_1485 : vector<16xi32> to vector<16x1xi32>
        %gather3A_1487 = vector.shape_cast %broadcast_in_dim3A_1486 : vector<16x1xi32> to vector<16xi32>
        %gather3A_1488 = tpu.dynamic_gather %cumsum3A_1475[%gather3A_1487] in [0] : vector<16xf32>, vector<16xi32> -> vector<16xf32>
        %select_n3A_1489 = arith.select %eq3A_1478, %gather3A_1488, %select_n3A_1465 : vector<16xi1>, vector<16xf32>
        %mul3A_1490 = arith.constant 2.500000e-01 : f32
        %mul3A_1491 = vector.broadcast %mul3A_1490 : f32 to vector<16xf32>
        %mul3A_1492 = arith.mulf %select_n3A_1489, %mul3A_1491 : vector<16xf32>
        %exp3A_1493 = math.exp %mul3A_1492 : vector<16xf32>
        %pack3A_1494 = tpu.pack_subelements %exp3A_1493, %exp3A_1493 {pack_format = #tpu.pack_format<interleaved>, positions = array<i32: 0, 1>} : vector<16xf32>, vector<16xf32> -> vector<32xbf16>
        %swap3A_1495 = arith.index_cast %scan3A_1295 : i32 to index
        %swap3A_1496 = arith.constant 128 : index
        %swap3A_1497 = tpu.vector_load %arg15[%swap3A_1495, %swap3A_1496] {strides = array<i32>} : memref<80x160xbf16, #tpu.memory_space<vmem>>, vector<32xbf16>,
        tpu.vector_store %arg15[%swap3A_1495, %swap3A_1496], %pack3A_1494 {strides = array<i32>} : memref<80x160xbf16, #tpu.memory_space<vmem>>, vector<32xbf16>,
        %get3A_1498 = arith.index_cast %scan3A_1295 : i32 to index
        %get3A_1499 = arith.constant 128 : index
        %get3A_1500 = tpu.vector_load %arg13[%get3A_1498, %get3A_1499] {strides = array<i32>} : memref<80x256xf32, #tpu.memory_space<vmem>>, vector<16xf32>,
        %lt3A_1501 = arith.constant 0 : i32
        %lt3A_1502 = vector.broadcast %lt3A_1501 : i32 to vector<16xi32>
        %lt3A_1503 = arith.cmpi slt, %broadcast_in_dim3A_18, %lt3A_1502 : vector<16xi32>
        %add3A_1504 = arith.constant 16 : i32
        %add3A_1505 = vector.broadcast %add3A_1504 : i32 to vector<16xi32>
        %add3A_1506 = arith.addi %broadcast_in_dim3A_18, %add3A_1505 : vector<16xi32>
        %select_n3A_1507 = arith.select %lt3A_1503, %add3A_1506, %broadcast_in_dim3A_18 : vector<16xi1>, vector<16xi32>
        %broadcast_in_dim3A_1508 = vector.shape_cast %select_n3A_1507 : vector<16xi32> to vector<16x1xi32>
        %gather3A_1509 = vector.shape_cast %broadcast_in_dim3A_1508 : vector<16x1xi32> to vector<16xi32>
        %gather3A_1510 = tpu.dynamic_gather %exp3A_1493[%gather3A_1509] in [0] : vector<16xf32>, vector<16xi32> -> vector<16xf32>
        %mul3A_1511 = arith.mulf %get3A_1500, %gather3A_1510 : vector<16xf32>
        %get3A_1512 = arith.index_cast %scan3A_1295 : i32 to index
        %get3A_1513 = arith.constant 144 : index
        %get3A_1514 = tpu.vector_load %arg13[%get3A_1512, %get3A_1513] {strides = array<i32>} : memref<80x256xf32, #tpu.memory_space<vmem>>, vector<16xf32>,
        %lt3A_1515 = arith.constant 0 : i32
        %lt3A_1516 = vector.broadcast %lt3A_1515 : i32 to vector<16xi32>
        %lt3A_1517 = arith.cmpi slt, %broadcast_in_dim3A_20, %lt3A_1516 : vector<16xi32>
        %add3A_1518 = arith.constant 16 : i32
        %add3A_1519 = vector.broadcast %add3A_1518 : i32 to vector<16xi32>
        %add3A_1520 = arith.addi %broadcast_in_dim3A_20, %add3A_1519 : vector<16xi32>
        %select_n3A_1521 = arith.select %lt3A_1517, %add3A_1520, %broadcast_in_dim3A_20 : vector<16xi1>, vector<16xi32>
        %broadcast_in_dim3A_1522 = vector.shape_cast %select_n3A_1521 : vector<16xi32> to vector<16x1xi32>
        %gather3A_1523 = vector.shape_cast %broadcast_in_dim3A_1522 : vector<16x1xi32> to vector<16xi32>
        %gather3A_1524 = tpu.dynamic_gather %exp3A_1493[%gather3A_1523] in [0] : vector<16xf32>, vector<16xi32> -> vector<16xf32>
        %mul3A_1525 = arith.mulf %get3A_1514, %gather3A_1524 : vector<16xf32>
        %pack3A_1526 = tpu.pack_subelements %mul3A_1511, %mul3A_1525 {pack_format = #tpu.pack_format<interleaved>, positions = array<i32: 0, 1>} : vector<16xf32>, vector<16xf32> -> vector<32xbf16>
        %swap3A_1527 = arith.index_cast %scan3A_1295 : i32 to index
        %swap3A_1528 = arith.constant 0 : index
        %swap3A_1529 = tpu.vector_load %arg15[%swap3A_1527, %swap3A_1528] {strides = array<i32>} : memref<80x160xbf16, #tpu.memory_space<vmem>>, vector<32xbf16>,
        tpu.vector_store %arg15[%swap3A_1527, %swap3A_1528], %pack3A_1526 {strides = array<i32>} : memref<80x160xbf16, #tpu.memory_space<vmem>>, vector<32xbf16>,
        %get3A_1530 = arith.index_cast %scan3A_1295 : i32 to index
        %get3A_1531 = arith.constant 160 : index
        %get3A_1532 = tpu.vector_load %arg13[%get3A_1530, %get3A_1531] {strides = array<i32>} : memref<80x256xf32, #tpu.memory_space<vmem>>, vector<16xf32>,
        %lt3A_1533 = arith.constant 0 : i32
        %lt3A_1534 = vector.broadcast %lt3A_1533 : i32 to vector<16xi32>
        %lt3A_1535 = arith.cmpi slt, %broadcast_in_dim3A_22, %lt3A_1534 : vector<16xi32>
        %add3A_1536 = arith.constant 16 : i32
        %add3A_1537 = vector.broadcast %add3A_1536 : i32 to vector<16xi32>
        %add3A_1538 = arith.addi %broadcast_in_dim3A_22, %add3A_1537 : vector<16xi32>
        %select_n3A_1539 = arith.select %lt3A_1535, %add3A_1538, %broadcast_in_dim3A_22 : vector<16xi1>, vector<16xi32>
        %broadcast_in_dim3A_1540 = vector.shape_cast %select_n3A_1539 : vector<16xi32> to vector<16x1xi32>
        %gather3A_1541 = vector.shape_cast %broadcast_in_dim3A_1540 : vector<16x1xi32> to vector<16xi32>
        %gather3A_1542 = tpu.dynamic_gather %exp3A_1493[%gather3A_1541] in [0] : vector<16xf32>, vector<16xi32> -> vector<16xf32>
        %mul3A_1543 = arith.mulf %get3A_1532, %gather3A_1542 : vector<16xf32>
        %get3A_1544 = arith.index_cast %scan3A_1295 : i32 to index
        %get3A_1545 = arith.constant 176 : index
        %get3A_1546 = tpu.vector_load %arg13[%get3A_1544, %get3A_1545] {strides = array<i32>} : memref<80x256xf32, #tpu.memory_space<vmem>>, vector<16xf32>,
        %lt3A_1547 = arith.constant 0 : i32
        %lt3A_1548 = vector.broadcast %lt3A_1547 : i32 to vector<16xi32>
        %lt3A_1549 = arith.cmpi slt, %broadcast_in_dim3A_24, %lt3A_1548 : vector<16xi32>
        %add3A_1550 = arith.constant 16 : i32
        %add3A_1551 = vector.broadcast %add3A_1550 : i32 to vector<16xi32>
        %add3A_1552 = arith.addi %broadcast_in_dim3A_24, %add3A_1551 : vector<16xi32>
        %select_n3A_1553 = arith.select %lt3A_1549, %add3A_1552, %broadcast_in_dim3A_24 : vector<16xi1>, vector<16xi32>
        %broadcast_in_dim3A_1554 = vector.shape_cast %select_n3A_1553 : vector<16xi32> to vector<16x1xi32>
        %gather3A_1555 = vector.shape_cast %broadcast_in_dim3A_1554 : vector<16x1xi32> to vector<16xi32>
        %gather3A_1556 = tpu.dynamic_gather %exp3A_1493[%gather3A_1555] in [0] : vector<16xf32>, vector<16xi32> -> vector<16xf32>
        %mul3A_1557 = arith.mulf %get3A_1546, %gather3A_1556 : vector<16xf32>
        %pack3A_1558 = tpu.pack_subelements %mul3A_1543, %mul3A_1557 {pack_format = #tpu.pack_format<interleaved>, positions = array<i32: 0, 1>} : vector<16xf32>, vector<16xf32> -> vector<32xbf16>
        %swap3A_1559 = arith.index_cast %scan3A_1295 : i32 to index
        %swap3A_1560 = arith.constant 32 : index
        %swap3A_1561 = tpu.vector_load %arg15[%swap3A_1559, %swap3A_1560] {strides = array<i32>} : memref<80x160xbf16, #tpu.memory_space<vmem>>, vector<32xbf16>,
        tpu.vector_store %arg15[%swap3A_1559, %swap3A_1560], %pack3A_1558 {strides = array<i32>} : memref<80x160xbf16, #tpu.memory_space<vmem>>, vector<32xbf16>,
        %get3A_1562 = arith.index_cast %scan3A_1295 : i32 to index
        %get3A_1563 = arith.constant 192 : index
        %get3A_1564 = tpu.vector_load %arg13[%get3A_1562, %get3A_1563] {strides = array<i32>} : memref<80x256xf32, #tpu.memory_space<vmem>>, vector<16xf32>,
        %lt3A_1565 = arith.constant 0 : i32
        %lt3A_1566 = vector.broadcast %lt3A_1565 : i32 to vector<16xi32>
        %lt3A_1567 = arith.cmpi slt, %broadcast_in_dim3A_26, %lt3A_1566 : vector<16xi32>
        %add3A_1568 = arith.constant 16 : i32
        %add3A_1569 = vector.broadcast %add3A_1568 : i32 to vector<16xi32>
        %add3A_1570 = arith.addi %broadcast_in_dim3A_26, %add3A_1569 : vector<16xi32>
        %select_n3A_1571 = arith.select %lt3A_1567, %add3A_1570, %broadcast_in_dim3A_26 : vector<16xi1>, vector<16xi32>
        %broadcast_in_dim3A_1572 = vector.shape_cast %select_n3A_1571 : vector<16xi32> to vector<16x1xi32>
        %gather3A_1573 = vector.shape_cast %broadcast_in_dim3A_1572 : vector<16x1xi32> to vector<16xi32>
        %gather3A_1574 = tpu.dynamic_gather %exp3A_1493[%gather3A_1573] in [0] : vector<16xf32>, vector<16xi32> -> vector<16xf32>
        %mul3A_1575 = arith.mulf %get3A_1564, %gather3A_1574 : vector<16xf32>
        %get3A_1576 = arith.index_cast %scan3A_1295 : i32 to index
        %get3A_1577 = arith.constant 208 : index
        %get3A_1578 = tpu.vector_load %arg13[%get3A_1576, %get3A_1577] {strides = array<i32>} : memref<80x256xf32, #tpu.memory_space<vmem>>, vector<16xf32>,
        %lt3A_1579 = arith.constant 0 : i32
        %lt3A_1580 = vector.broadcast %lt3A_1579 : i32 to vector<16xi32>
        %lt3A_1581 = arith.cmpi slt, %broadcast_in_dim3A_28, %lt3A_1580 : vector<16xi32>
        %add3A_1582 = arith.constant 16 : i32
        %add3A_1583 = vector.broadcast %add3A_1582 : i32 to vector<16xi32>
        %add3A_1584 = arith.addi %broadcast_in_dim3A_28, %add3A_1583 : vector<16xi32>
        %select_n3A_1585 = arith.select %lt3A_1581, %add3A_1584, %broadcast_in_dim3A_28 : vector<16xi1>, vector<16xi32>
        %broadcast_in_dim3A_1586 = vector.shape_cast %select_n3A_1585 : vector<16xi32> to vector<16x1xi32>
        %gather3A_1587 = vector.shape_cast %broadcast_in_dim3A_1586 : vector<16x1xi32> to vector<16xi32>
        %gather3A_1588 = tpu.dynamic_gather %exp3A_1493[%gather3A_1587] in [0] : vector<16xf32>, vector<16xi32> -> vector<16xf32>
        %mul3A_1589 = arith.mulf %get3A_1578, %gather3A_1588 : vector<16xf32>
        %pack3A_1590 = tpu.pack_subelements %mul3A_1575, %mul3A_1589 {pack_format = #tpu.pack_format<interleaved>, positions = array<i32: 0, 1>} : vector<16xf32>, vector<16xf32> -> vector<32xbf16>
        %swap3A_1591 = arith.index_cast %scan3A_1295 : i32 to index
        %swap3A_1592 = arith.constant 64 : index
        %swap3A_1593 = tpu.vector_load %arg15[%swap3A_1591, %swap3A_1592] {strides = array<i32>} : memref<80x160xbf16, #tpu.memory_space<vmem>>, vector<32xbf16>,
        tpu.vector_store %arg15[%swap3A_1591, %swap3A_1592], %pack3A_1590 {strides = array<i32>} : memref<80x160xbf16, #tpu.memory_space<vmem>>, vector<32xbf16>,
        %get3A_1594 = arith.index_cast %scan3A_1295 : i32 to index
        %get3A_1595 = arith.constant 224 : index
        %get3A_1596 = tpu.vector_load %arg13[%get3A_1594, %get3A_1595] {strides = array<i32>} : memref<80x256xf32, #tpu.memory_space<vmem>>, vector<16xf32>,
        %lt3A_1597 = arith.constant 0 : i32
        %lt3A_1598 = vector.broadcast %lt3A_1597 : i32 to vector<16xi32>
        %lt3A_1599 = arith.cmpi slt, %broadcast_in_dim3A_30, %lt3A_1598 : vector<16xi32>
        %add3A_1600 = arith.constant 16 : i32
        %add3A_1601 = vector.broadcast %add3A_1600 : i32 to vector<16xi32>
        %add3A_1602 = arith.addi %broadcast_in_dim3A_30, %add3A_1601 : vector<16xi32>
        %select_n3A_1603 = arith.select %lt3A_1599, %add3A_1602, %broadcast_in_dim3A_30 : vector<16xi1>, vector<16xi32>
        %broadcast_in_dim3A_1604 = vector.shape_cast %select_n3A_1603 : vector<16xi32> to vector<16x1xi32>
        %gather3A_1605 = vector.shape_cast %broadcast_in_dim3A_1604 : vector<16x1xi32> to vector<16xi32>
        %gather3A_1606 = tpu.dynamic_gather %exp3A_1493[%gather3A_1605] in [0] : vector<16xf32>, vector<16xi32> -> vector<16xf32>
        %mul3A_1607 = arith.mulf %get3A_1596, %gather3A_1606 : vector<16xf32>
        %get3A_1608 = arith.index_cast %scan3A_1295 : i32 to index
        %get3A_1609 = arith.constant 240 : index
        %get3A_1610 = tpu.vector_load %arg13[%get3A_1608, %get3A_1609] {strides = array<i32>} : memref<80x256xf32, #tpu.memory_space<vmem>>, vector<16xf32>,
        %lt3A_1611 = arith.constant 0 : i32
        %lt3A_1612 = vector.broadcast %lt3A_1611 : i32 to vector<16xi32>
        %lt3A_1613 = arith.cmpi slt, %broadcast_in_dim3A_32, %lt3A_1612 : vector<16xi32>
        %add3A_1614 = arith.constant 16 : i32
        %add3A_1615 = vector.broadcast %add3A_1614 : i32 to vector<16xi32>
        %add3A_1616 = arith.addi %broadcast_in_dim3A_32, %add3A_1615 : vector<16xi32>
        %select_n3A_1617 = arith.select %lt3A_1613, %add3A_1616, %broadcast_in_dim3A_32 : vector<16xi1>, vector<16xi32>
        %broadcast_in_dim3A_1618 = vector.shape_cast %select_n3A_1617 : vector<16xi32> to vector<16x1xi32>
        %gather3A_1619 = vector.shape_cast %broadcast_in_dim3A_1618 : vector<16x1xi32> to vector<16xi32>
        %gather3A_1620 = tpu.dynamic_gather %exp3A_1493[%gather3A_1619] in [0] : vector<16xf32>, vector<16xi32> -> vector<16xf32>
        %mul3A_1621 = arith.mulf %get3A_1610, %gather3A_1620 : vector<16xf32>
        %pack3A_1622 = tpu.pack_subelements %mul3A_1607, %mul3A_1621 {pack_format = #tpu.pack_format<interleaved>, positions = array<i32: 0, 1>} : vector<16xf32>, vector<16xf32> -> vector<32xbf16>
        %swap3A_1623 = arith.index_cast %scan3A_1295 : i32 to index
        %swap3A_1624 = arith.constant 96 : index
        %swap3A_1625 = tpu.vector_load %arg15[%swap3A_1623, %swap3A_1624] {strides = array<i32>} : memref<80x160xbf16, #tpu.memory_space<vmem>>, vector<32xbf16>,
        tpu.vector_store %arg15[%swap3A_1623, %swap3A_1624], %pack3A_1622 {strides = array<i32>} : memref<80x160xbf16, #tpu.memory_space<vmem>>, vector<32xbf16>,
        %scan3A_1626 = arith.constant 0 : i32
        scf.yield %scan3A_1626 : i32
      }
      %scan3A_187 = arith.constant 80 : i32
      %get3A_188 = arith.constant 0 : i32
      %get3A_189 = arith.index_cast %get3A_188 : i32 to index
      %get3A_190 = arith.constant 0 : index
      %get3A_191 = tpu.vector_load %arg7[%get3A_189, %get3A_190] {strides = array<i32>} : memref<2x80xi32, #tpu.memory_space<vmem>>, vector<16xi32>,
      %swap3A_192 = arith.constant 0 : index
      %swap3A_193 = tpu.vector_load %arg9[%swap3A_192] {strides = array<i32>} : memref<80xi32, #tpu.memory_space<vmem>>, vector<16xi32>,
      tpu.vector_store %arg9[%swap3A_192], %get3A_191 {strides = array<i32>} : memref<80xi32, #tpu.memory_space<vmem>>, vector<16xi32>,
      %get3A_194 = arith.constant 0 : i32
      %get3A_195 = arith.index_cast %get3A_194 : i32 to index
      %get3A_196 = arith.constant 16 : index
      %get3A_197 = tpu.vector_load %arg7[%get3A_195, %get3A_196] {strides = array<i32>} : memref<2x80xi32, #tpu.memory_space<vmem>>, vector<16xi32>,
      %swap3A_198 = arith.constant 16 : index
      %swap3A_199 = tpu.vector_load %arg9[%swap3A_198] {strides = array<i32>} : memref<80xi32, #tpu.memory_space<vmem>>, vector<16xi32>,
      tpu.vector_store %arg9[%swap3A_198], %get3A_197 {strides = array<i32>} : memref<80xi32, #tpu.memory_space<vmem>>, vector<16xi32>,
      %get3A_200 = arith.constant 0 : i32
      %get3A_201 = arith.index_cast %get3A_200 : i32 to index
      %get3A_202 = arith.constant 32 : index
      %get3A_203 = tpu.vector_load %arg7[%get3A_201, %get3A_202] {strides = array<i32>} : memref<2x80xi32, #tpu.memory_space<vmem>>, vector<16xi32>,
      %swap3A_204 = arith.constant 32 : index
      %swap3A_205 = tpu.vector_load %arg9[%swap3A_204] {strides = array<i32>} : memref<80xi32, #tpu.memory_space<vmem>>, vector<16xi32>,
      tpu.vector_store %arg9[%swap3A_204], %get3A_203 {strides = array<i32>} : memref<80xi32, #tpu.memory_space<vmem>>, vector<16xi32>,
      %get3A_206 = arith.constant 0 : i32
      %get3A_207 = arith.index_cast %get3A_206 : i32 to index
      %get3A_208 = arith.constant 48 : index
      %get3A_209 = tpu.vector_load %arg7[%get3A_207, %get3A_208] {strides = array<i32>} : memref<2x80xi32, #tpu.memory_space<vmem>>, vector<16xi32>,
      %swap3A_210 = arith.constant 48 : index
      %swap3A_211 = tpu.vector_load %arg9[%swap3A_210] {strides = array<i32>} : memref<80xi32, #tpu.memory_space<vmem>>, vector<16xi32>,
      tpu.vector_store %arg9[%swap3A_210], %get3A_209 {strides = array<i32>} : memref<80xi32, #tpu.memory_space<vmem>>, vector<16xi32>,
      %get3A_212 = arith.constant 0 : i32
      %get3A_213 = arith.index_cast %get3A_212 : i32 to index
      %get3A_214 = arith.constant 64 : index
      %get3A_215 = tpu.vector_load %arg7[%get3A_213, %get3A_214] {strides = array<i32>} : memref<2x80xi32, #tpu.memory_space<vmem>>, vector<16xi32>,
      %swap3A_216 = arith.constant 64 : index
      %swap3A_217 = tpu.vector_load %arg9[%swap3A_216] {strides = array<i32>} : memref<80xi32, #tpu.memory_space<vmem>>, vector<16xi32>,
      tpu.vector_store %arg9[%swap3A_216], %get3A_215 {strides = array<i32>} : memref<80xi32, #tpu.memory_space<vmem>>, vector<16xi32>,
      %dma_start3A_218 = arith.constant 0 : i32
      %dma_start3A_219 = arith.constant 0 : i32
      %dma_start3A_220 = tpu.memref_slice %arg25[%dma_start3A_218, %dma_start3A_219] : memref<10000x160xbf16, #tpu.memory_space<vmem_shared>> -> memref<10000x160xbf16, #tpu.memory_space<vmem_shared>>
      tpu.enqueue_indirect_dma source(%arg15 : memref<80x160xbf16, #tpu.memory_space<vmem>>) target(%dma_start3A_220 : memref<10000x160xbf16, #tpu.memory_space<vmem_shared>>) offsets(%arg9 : memref<80xi32, #tpu.memory_space<vmem>>) semaphore(%arg23 : memref<!tpu.dma_semaphore, #tpu.memory_space<semaphore_mem>>) {add = true}
      %lt3A_221 = arith.constant 123 : i32
      %lt3A_222 = arith.cmpi slt, %add3A_158, %lt3A_221 : i32
      %convert_element_type3A_223 = arith.extui %lt3A_222 : i1 to i32
      %cond3A_224 = arith.constant 0 : i32
      %cond3A_225 = arith.cmpi ne, %convert_element_type3A_223, %cond3A_224 : i32
      scf.if %cond3A_225 {
        %add3A_300 = arith.constant 2 : i32
        %add3A_301 = arith.addi %add3A_158, %add3A_300 : i32
        %dma_start3A_302 = arith.constant 0 : i32
        %dma_start3A_303 = arith.constant 0 : i32
        %dma_start3A_304 = tpu.memref_slice %arg4[%add3A, %add3A_301, %dma_start3A_302, %dma_start3A_303] : memref<32x125x2x80xi32, #tpu.memory_space<hbm>> -> memref<1x1x2x80xi32, #tpu.memory_space<hbm>>
        %dma_start3A_305 = tpu.memref_squeeze %dma_start3A_304 : memref<1x1x2x80xi32, #tpu.memory_space<hbm>> -> memref<2x80xi32, #tpu.memory_space<hbm>>
        %dma_start3A_306 = arith.constant 0 : i32
        %dma_start3A_307 = arith.constant 0 : i32
        %dma_start3A_308 = tpu.memref_slice %arg4[%add3A, %add3A_301, %dma_start3A_306, %dma_start3A_307] : memref<32x125x2x80xi32, #tpu.memory_space<hbm>> -> memref<1x1x2x80xi32, #tpu.memory_space<hbm>>
        %dma_start3A_309 = tpu.memref_squeeze %dma_start3A_308 : memref<1x1x2x80xi32, #tpu.memory_space<hbm>> -> memref<2x80xi32, #tpu.memory_space<hbm>>
        tpu.enqueue_dma source(%dma_start3A_309 : memref<2x80xi32, #tpu.memory_space<hbm>>) target(%arg7 : memref<2x80xi32, #tpu.memory_space<vmem>>) target_semaphore(%arg17 : memref<!tpu.dma_semaphore, #tpu.memory_space<semaphore_mem>>)
      } else {
      }
      %mul3A_226 = arith.constant 2 : i32
      %mul3A_227 = arith.muli %scan3A_153, %mul3A_226 : i32
      %add3A_228 = arith.constant 1 : i32
      %add3A_229 = arith.addi %mul3A_227, %add3A_228 : i32
      %dma_wait3A_230 = arith.constant 0 : i32
      %dma_wait3A_231 = arith.constant 0 : i32
      %dma_wait3A_232 = tpu.memref_slice %arg8[%dma_wait3A_230, %dma_wait3A_231] : memref<2x80xi32, #tpu.memory_space<vmem>> -> memref<1x80xi32, #tpu.memory_space<vmem>>
      %dma_wait3A_233 = tpu.memref_squeeze %dma_wait3A_232 : memref<1x80xi32, #tpu.memory_space<vmem>> -> memref<80xi32, #tpu.memory_space<vmem>>
      %dma_wait3A_234 = arith.constant 0 : i32
      %dma_wait3A_235 = arith.constant 0 : i32
      %dma_wait3A_236 = tpu.memref_slice %arg2[%dma_wait3A_234, %dma_wait3A_235] : memref<10000x128xf32, #tpu.memory_space<hbm>> -> memref<10000x128xf32, #tpu.memory_space<hbm>>
      tpu.wait_indirect_dma semaphore(%arg20 : memref<!tpu.dma_semaphore, #tpu.memory_space<semaphore_mem>>) src(%dma_wait3A_236 : memref<10000x128xf32, #tpu.memory_space<hbm>>) dst(%arg12 : memref<80x128xf32, #tpu.memory_space<vmem>>)
      %dma_wait3A_237 = arith.constant 1 : i32
      %dma_wait3A_238 = arith.constant 0 : i32
      %dma_wait3A_239 = tpu.memref_slice %arg8[%dma_wait3A_237, %dma_wait3A_238] : memref<2x80xi32, #tpu.memory_space<vmem>> -> memref<1x80xi32, #tpu.memory_space<vmem>>
      %dma_wait3A_240 = tpu.memref_squeeze %dma_wait3A_239 : memref<1x80xi32, #tpu.memory_space<vmem>> -> memref<80xi32, #tpu.memory_space<vmem>>
      %dma_wait3A_241 = arith.constant 0 : i32
      %dma_wait3A_242 = arith.constant 0 : i32
      %dma_wait3A_243 = tpu.memref_slice %arg3[%dma_wait3A_241, %dma_wait3A_242] : memref<10000x256xf32, #tpu.memory_space<hbm>> -> memref<10000x256xf32, #tpu.memory_space<hbm>>
      tpu.wait_indirect_dma semaphore(%arg22 : memref<!tpu.dma_semaphore, #tpu.memory_space<semaphore_mem>>) src(%dma_wait3A_243 : memref<10000x256xf32, #tpu.memory_space<hbm>>) dst(%arg14 : memref<80x256xf32, #tpu.memory_space<vmem>>)
      %lt3A_244 = arith.constant 124 : i32
      %lt3A_245 = arith.cmpi slt, %add3A_229, %lt3A_244 : i32
      %convert_element_type3A_246 = arith.extui %lt3A_245 : i1 to i32
      %cond3A_247 = arith.constant 0 : i32
      %cond3A_248 = arith.cmpi ne, %convert_element_type3A_246, %cond3A_247 : i32
      scf.if %cond3A_248 {
        %add3A_300 = arith.constant 1 : i32
        %add3A_301 = arith.addi %add3A_229, %add3A_300 : i32
        %dma_wait3A_302 = arith.constant 0 : i32
        %dma_wait3A_303 = arith.constant 0 : i32
        %dma_wait3A_304 = tpu.memref_slice %arg4[%add3A, %add3A_301, %dma_wait3A_302, %dma_wait3A_303] : memref<32x125x2x80xi32, #tpu.memory_space<hbm>> -> memref<1x1x2x80xi32, #tpu.memory_space<hbm>>
        %dma_wait3A_305 = tpu.memref_squeeze %dma_wait3A_304 : memref<1x1x2x80xi32, #tpu.memory_space<hbm>> -> memref<2x80xi32, #tpu.memory_space<hbm>>
        %dma_wait3A_306 = arith.constant 0 : i32
        %dma_wait3A_307 = arith.constant 0 : i32
        %dma_wait3A_308 = tpu.memref_slice %arg4[%add3A, %add3A_301, %dma_wait3A_306, %dma_wait3A_307] : memref<32x125x2x80xi32, #tpu.memory_space<hbm>> -> memref<1x1x2x80xi32, #tpu.memory_space<hbm>>
        %dma_wait3A_309 = tpu.memref_squeeze %dma_wait3A_308 : memref<1x1x2x80xi32, #tpu.memory_space<hbm>> -> memref<2x80xi32, #tpu.memory_space<hbm>>
        tpu.wait_dma2 semaphore(%arg17 : memref<!tpu.dma_semaphore, #tpu.memory_space<semaphore_mem>>) src(%dma_wait3A_309 : memref<2x80xi32, #tpu.memory_space<hbm>>) dst(%arg7 : memref<2x80xi32, #tpu.memory_space<vmem>>)
        %dma_start3A_310 = arith.constant 0 : i32
        %dma_start3A_311 = arith.constant 0 : i32
        %dma_start3A_312 = tpu.memref_slice %arg7[%dma_start3A_310, %dma_start3A_311] : memref<2x80xi32, #tpu.memory_space<vmem>> -> memref<1x80xi32, #tpu.memory_space<vmem>>
        %dma_start3A_313 = tpu.memref_squeeze %dma_start3A_312 : memref<1x80xi32, #tpu.memory_space<vmem>> -> memref<80xi32, #tpu.memory_space<vmem>>
        %dma_start3A_314 = arith.constant 0 : i32
        %dma_start3A_315 = arith.constant 0 : i32
        %dma_start3A_316 = tpu.memref_slice %arg2[%dma_start3A_314, %dma_start3A_315] : memref<10000x128xf32, #tpu.memory_space<hbm>> -> memref<10000x128xf32, #tpu.memory_space<hbm>>
        tpu.enqueue_indirect_dma source(%dma_start3A_316 : memref<10000x128xf32, #tpu.memory_space<hbm>>) target(%arg11 : memref<80x128xf32, #tpu.memory_space<vmem>>) offsets(%dma_start3A_313 : memref<80xi32, #tpu.memory_space<vmem>>) semaphore(%arg19 : memref<!tpu.dma_semaphore, #tpu.memory_space<semaphore_mem>>)
        %dma_start3A_317 = arith.constant 1 : i32
        %dma_start3A_318 = arith.constant 0 : i32
        %dma_start3A_319 = tpu.memref_slice %arg7[%dma_start3A_317, %dma_start3A_318] : memref<2x80xi32, #tpu.memory_space<vmem>> -> memref<1x80xi32, #tpu.memory_space<vmem>>
        %dma_start3A_320 = tpu.memref_squeeze %dma_start3A_319 : memref<1x80xi32, #tpu.memory_space<vmem>> -> memref<80xi32, #tpu.memory_space<vmem>>
        %dma_start3A_321 = arith.constant 0 : i32
        %dma_start3A_322 = arith.constant 0 : i32
        %dma_start3A_323 = tpu.memref_slice %arg3[%dma_start3A_321, %dma_start3A_322] : memref<10000x256xf32, #tpu.memory_space<hbm>> -> memref<10000x256xf32, #tpu.memory_space<hbm>>
        tpu.enqueue_indirect_dma source(%dma_start3A_323 : memref<10000x256xf32, #tpu.memory_space<hbm>>) target(%arg13 : memref<80x256xf32, #tpu.memory_space<vmem>>) offsets(%dma_start3A_320 : memref<80xi32, #tpu.memory_space<vmem>>) semaphore(%arg21 : memref<!tpu.dma_semaphore, #tpu.memory_space<semaphore_mem>>)
      } else {
      }
      %ge3A_249 = arith.constant 2 : i32
      %ge3A_250 = arith.cmpi sge, %add3A_229, %ge3A_249 : i32
      %convert_element_type3A_251 = arith.extui %ge3A_250 : i1 to i32
      %cond3A_252 = arith.constant 0 : i32
      %cond3A_253 = arith.cmpi ne, %convert_element_type3A_251, %cond3A_252 : i32
      scf.if %cond3A_253 {
        %dma_wait3A_300 = arith.constant 0 : i32
        %dma_wait3A_301 = arith.constant 0 : i32
        %dma_wait3A_302 = tpu.memref_slice %arg25[%dma_wait3A_300, %dma_wait3A_301] : memref<10000x160xbf16, #tpu.memory_space<vmem_shared>> -> memref<10000x160xbf16, #tpu.memory_space<vmem_shared>>
        tpu.wait_indirect_dma semaphore(%arg24 : memref<!tpu.dma_semaphore, #tpu.memory_space<semaphore_mem>>) src(%arg16 : memref<80x160xbf16, #tpu.memory_space<vmem>>) dst(%dma_wait3A_302 : memref<10000x160xbf16, #tpu.memory_space<vmem_shared>>)
      } else {
      }
      %scan3A_254 = arith.constant 0 : i32
      %scan3A_255 = arith.constant 0 : i32
      %scan3A_256 = arith.constant 80 : i32
      %scan3A_257 = arith.addi %scan3A_255, %scan3A_256 : i32
      %scan3A_258 = arith.constant 4 : i32
      %scan3A_259 = scf.for %scan3A_300 = %scan3A_255 to %scan3A_257 step %scan3A_258 iter_args(%scan3A_301 = %scan3A_254) -> (i32)  : i32 {
        %broadcast_in_dim3A_302 = arith.constant 0.000000e+00 : f32
        %broadcast_in_dim3A_303 = vector.broadcast %broadcast_in_dim3A_302 : f32 to vector<16xf32>
        %get3A_304 = arith.index_cast %scan3A_300 : i32 to index
        %get3A_305 = arith.constant 0 : index
        %get3A_306 = tpu.vector_load %arg12[%get3A_304, %get3A_305] {strides = array<i32>} : memref<80x128xf32, #tpu.memory_space<vmem>>, vector<16xf32>,
        %get3A_307 = arith.index_cast %scan3A_300 : i32 to index
        %get3A_308 = arith.constant 0 : index
        %get3A_309 = tpu.vector_load %arg14[%get3A_307, %get3A_308] {strides = array<i32>} : memref<80x256xf32, #tpu.memory_space<vmem>>, vector<16xf32>,
        %mul3A_310 = arith.mulf %get3A_306, %get3A_309 : vector<16xf32>
        %cumsum3A = arith.constant true
        %cumsum3A_311 = vector.broadcast %cumsum3A : i1 to vector<16xi1>
        %cumsum3A_312 = tpu.scan <sum>, %mul3A_310 masked %cumsum3A_311 : vector<16xf32>, vector<16xi1> -> vector<16xf32>
        %eq3A_313 = arith.constant 0 : i32
        %eq3A_314 = vector.broadcast %eq3A_313 : i32 to vector<16xi32>
        %eq3A_315 = arith.cmpi eq, %iota3A, %eq3A_314 : vector<16xi32>
        %lt3A_316 = arith.constant 0 : i32
        %lt3A_317 = vector.broadcast %lt3A_316 : i32 to vector<16xi32>
        %lt3A_318 = arith.cmpi slt, %broadcast_in_dim3A_16, %lt3A_317 : vector<16xi32>
        %add3A_319 = arith.constant 16 : i32
        %add3A_320 = vector.broadcast %add3A_319 : i32 to vector<16xi32>
        %add3A_321 = arith.addi %broadcast_in_dim3A_16, %add3A_320 : vector<16xi32>
        %select_n3A = arith.select %lt3A_318, %add3A_321, %broadcast_in_dim3A_16 : vector<16xi1>, vector<16xi32>
        %broadcast_in_dim3A_322 = vector.shape_cast %select_n3A : vector<16xi32> to vector<16x1xi32>
        %gather3A = vector.shape_cast %broadcast_in_dim3A_322 : vector<16x1xi32> to vector<16xi32>
        %gather3A_323 = tpu.dynamic_gather %cumsum3A_312[%gather3A] in [0] : vector<16xf32>, vector<16xi32> -> vector<16xf32>
        %select_n3A_324 = arith.select %eq3A_315, %gather3A_323, %broadcast_in_dim3A_303 : vector<16xi1>, vector<16xf32>
        %get3A_325 = arith.index_cast %scan3A_300 : i32 to index
        %get3A_326 = arith.constant 16 : index
        %get3A_327 = tpu.vector_load %arg12[%get3A_325, %get3A_326] {strides = array<i32>} : memref<80x128xf32, #tpu.memory_space<vmem>>, vector<16xf32>,
        %get3A_328 = arith.index_cast %scan3A_300 : i32 to index
        %get3A_329 = arith.constant 16 : index
        %get3A_330 = tpu.vector_load %arg14[%get3A_328, %get3A_329] {strides = array<i32>} : memref<80x256xf32, #tpu.memory_space<vmem>>, vector<16xf32>,
        %mul3A_331 = arith.mulf %get3A_327, %get3A_330 : vector<16xf32>
        %cumsum3A_332 = arith.constant true
        %cumsum3A_333 = vector.broadcast %cumsum3A_332 : i1 to vector<16xi1>
        %cumsum3A_334 = tpu.scan <sum>, %mul3A_331 masked %cumsum3A_333 : vector<16xf32>, vector<16xi1> -> vector<16xf32>
        %eq3A_335 = arith.constant 1 : i32
        %eq3A_336 = vector.broadcast %eq3A_335 : i32 to vector<16xi32>
        %eq3A_337 = arith.cmpi eq, %iota3A, %eq3A_336 : vector<16xi32>
        %lt3A_338 = arith.constant 0 : i32
        %lt3A_339 = vector.broadcast %lt3A_338 : i32 to vector<16xi32>
        %lt3A_340 = arith.cmpi slt, %broadcast_in_dim3A_16, %lt3A_339 : vector<16xi32>
        %add3A_341 = arith.constant 16 : i32
        %add3A_342 = vector.broadcast %add3A_341 : i32 to vector<16xi32>
        %add3A_343 = arith.addi %broadcast_in_dim3A_16, %add3A_342 : vector<16xi32>
        %select_n3A_344 = arith.select %lt3A_340, %add3A_343, %broadcast_in_dim3A_16 : vector<16xi1>, vector<16xi32>
        %broadcast_in_dim3A_345 = vector.shape_cast %select_n3A_344 : vector<16xi32> to vector<16x1xi32>
        %gather3A_346 = vector.shape_cast %broadcast_in_dim3A_345 : vector<16x1xi32> to vector<16xi32>
        %gather3A_347 = tpu.dynamic_gather %cumsum3A_334[%gather3A_346] in [0] : vector<16xf32>, vector<16xi32> -> vector<16xf32>
        %select_n3A_348 = arith.select %eq3A_337, %gather3A_347, %select_n3A_324 : vector<16xi1>, vector<16xf32>
        %get3A_349 = arith.index_cast %scan3A_300 : i32 to index
        %get3A_350 = arith.constant 32 : index
        %get3A_351 = tpu.vector_load %arg12[%get3A_349, %get3A_350] {strides = array<i32>} : memref<80x128xf32, #tpu.memory_space<vmem>>, vector<16xf32>,
        %get3A_352 = arith.index_cast %scan3A_300 : i32 to index
        %get3A_353 = arith.constant 32 : index
        %get3A_354 = tpu.vector_load %arg14[%get3A_352, %get3A_353] {strides = array<i32>} : memref<80x256xf32, #tpu.memory_space<vmem>>, vector<16xf32>,
        %mul3A_355 = arith.mulf %get3A_351, %get3A_354 : vector<16xf32>
        %cumsum3A_356 = arith.constant true
        %cumsum3A_357 = vector.broadcast %cumsum3A_356 : i1 to vector<16xi1>
        %cumsum3A_358 = tpu.scan <sum>, %mul3A_355 masked %cumsum3A_357 : vector<16xf32>, vector<16xi1> -> vector<16xf32>
        %eq3A_359 = arith.constant 2 : i32
        %eq3A_360 = vector.broadcast %eq3A_359 : i32 to vector<16xi32>
        %eq3A_361 = arith.cmpi eq, %iota3A, %eq3A_360 : vector<16xi32>
        %lt3A_362 = arith.constant 0 : i32
        %lt3A_363 = vector.broadcast %lt3A_362 : i32 to vector<16xi32>
        %lt3A_364 = arith.cmpi slt, %broadcast_in_dim3A_16, %lt3A_363 : vector<16xi32>
        %add3A_365 = arith.constant 16 : i32
        %add3A_366 = vector.broadcast %add3A_365 : i32 to vector<16xi32>
        %add3A_367 = arith.addi %broadcast_in_dim3A_16, %add3A_366 : vector<16xi32>
        %select_n3A_368 = arith.select %lt3A_364, %add3A_367, %broadcast_in_dim3A_16 : vector<16xi1>, vector<16xi32>
        %broadcast_in_dim3A_369 = vector.shape_cast %select_n3A_368 : vector<16xi32> to vector<16x1xi32>
        %gather3A_370 = vector.shape_cast %broadcast_in_dim3A_369 : vector<16x1xi32> to vector<16xi32>
        %gather3A_371 = tpu.dynamic_gather %cumsum3A_358[%gather3A_370] in [0] : vector<16xf32>, vector<16xi32> -> vector<16xf32>
        %select_n3A_372 = arith.select %eq3A_361, %gather3A_371, %select_n3A_348 : vector<16xi1>, vector<16xf32>
        %get3A_373 = arith.index_cast %scan3A_300 : i32 to index
        %get3A_374 = arith.constant 48 : index
        %get3A_375 = tpu.vector_load %arg12[%get3A_373, %get3A_374] {strides = array<i32>} : memref<80x128xf32, #tpu.memory_space<vmem>>, vector<16xf32>,
        %get3A_376 = arith.index_cast %scan3A_300 : i32 to index
        %get3A_377 = arith.constant 48 : index
        %get3A_378 = tpu.vector_load %arg14[%get3A_376, %get3A_377] {strides = array<i32>} : memref<80x256xf32, #tpu.memory_space<vmem>>, vector<16xf32>,
        %mul3A_379 = arith.mulf %get3A_375, %get3A_378 : vector<16xf32>
        %cumsum3A_380 = arith.constant true
        %cumsum3A_381 = vector.broadcast %cumsum3A_380 : i1 to vector<16xi1>
        %cumsum3A_382 = tpu.scan <sum>, %mul3A_379 masked %cumsum3A_381 : vector<16xf32>, vector<16xi1> -> vector<16xf32>
        %eq3A_383 = arith.constant 3 : i32
        %eq3A_384 = vector.broadcast %eq3A_383 : i32 to vector<16xi32>
        %eq3A_385 = arith.cmpi eq, %iota3A, %eq3A_384 : vector<16xi32>
        %lt3A_386 = arith.constant 0 : i32
        %lt3A_387 = vector.broadcast %lt3A_386 : i32 to vector<16xi32>
        %lt3A_388 = arith.cmpi slt, %broadcast_in_dim3A_16, %lt3A_387 : vector<16xi32>
        %add3A_389 = arith.constant 16 : i32
        %add3A_390 = vector.broadcast %add3A_389 : i32 to vector<16xi32>
        %add3A_391 = arith.addi %broadcast_in_dim3A_16, %add3A_390 : vector<16xi32>
        %select_n3A_392 = arith.select %lt3A_388, %add3A_391, %broadcast_in_dim3A_16 : vector<16xi1>, vector<16xi32>
        %broadcast_in_dim3A_393 = vector.shape_cast %select_n3A_392 : vector<16xi32> to vector<16x1xi32>
        %gather3A_394 = vector.shape_cast %broadcast_in_dim3A_393 : vector<16x1xi32> to vector<16xi32>
        %gather3A_395 = tpu.dynamic_gather %cumsum3A_382[%gather3A_394] in [0] : vector<16xf32>, vector<16xi32> -> vector<16xf32>
        %select_n3A_396 = arith.select %eq3A_385, %gather3A_395, %select_n3A_372 : vector<16xi1>, vector<16xf32>
        %get3A_397 = arith.index_cast %scan3A_300 : i32 to index
        %get3A_398 = arith.constant 64 : index
        %get3A_399 = tpu.vector_load %arg12[%get3A_397, %get3A_398] {strides = array<i32>} : memref<80x128xf32, #tpu.memory_space<vmem>>, vector<16xf32>,
        %get3A_400 = arith.index_cast %scan3A_300 : i32 to index
        %get3A_401 = arith.constant 64 : index
        %get3A_402 = tpu.vector_load %arg14[%get3A_400, %get3A_401] {strides = array<i32>} : memref<80x256xf32, #tpu.memory_space<vmem>>, vector<16xf32>,
        %mul3A_403 = arith.mulf %get3A_399, %get3A_402 : vector<16xf32>
        %cumsum3A_404 = arith.constant true
        %cumsum3A_405 = vector.broadcast %cumsum3A_404 : i1 to vector<16xi1>
        %cumsum3A_406 = tpu.scan <sum>, %mul3A_403 masked %cumsum3A_405 : vector<16xf32>, vector<16xi1> -> vector<16xf32>
        %eq3A_407 = arith.constant 4 : i32
        %eq3A_408 = vector.broadcast %eq3A_407 : i32 to vector<16xi32>
        %eq3A_409 = arith.cmpi eq, %iota3A, %eq3A_408 : vector<16xi32>
        %lt3A_410 = arith.constant 0 : i32
        %lt3A_411 = vector.broadcast %lt3A_410 : i32 to vector<16xi32>
        %lt3A_412 = arith.cmpi slt, %broadcast_in_dim3A_16, %lt3A_411 : vector<16xi32>
        %add3A_413 = arith.constant 16 : i32
        %add3A_414 = vector.broadcast %add3A_413 : i32 to vector<16xi32>
        %add3A_415 = arith.addi %broadcast_in_dim3A_16, %add3A_414 : vector<16xi32>
        %select_n3A_416 = arith.select %lt3A_412, %add3A_415, %broadcast_in_dim3A_16 : vector<16xi1>, vector<16xi32>
        %broadcast_in_dim3A_417 = vector.shape_cast %select_n3A_416 : vector<16xi32> to vector<16x1xi32>
        %gather3A_418 = vector.shape_cast %broadcast_in_dim3A_417 : vector<16x1xi32> to vector<16xi32>
        %gather3A_419 = tpu.dynamic_gather %cumsum3A_406[%gather3A_418] in [0] : vector<16xf32>, vector<16xi32> -> vector<16xf32>
        %select_n3A_420 = arith.select %eq3A_409, %gather3A_419, %select_n3A_396 : vector<16xi1>, vector<16xf32>
        %get3A_421 = arith.index_cast %scan3A_300 : i32 to index
        %get3A_422 = arith.constant 80 : index
        %get3A_423 = tpu.vector_load %arg12[%get3A_421, %get3A_422] {strides = array<i32>} : memref<80x128xf32, #tpu.memory_space<vmem>>, vector<16xf32>,
        %get3A_424 = arith.index_cast %scan3A_300 : i32 to index
        %get3A_425 = arith.constant 80 : index
        %get3A_426 = tpu.vector_load %arg14[%get3A_424, %get3A_425] {strides = array<i32>} : memref<80x256xf32, #tpu.memory_space<vmem>>, vector<16xf32>,
        %mul3A_427 = arith.mulf %get3A_423, %get3A_426 : vector<16xf32>
        %cumsum3A_428 = arith.constant true
        %cumsum3A_429 = vector.broadcast %cumsum3A_428 : i1 to vector<16xi1>
        %cumsum3A_430 = tpu.scan <sum>, %mul3A_427 masked %cumsum3A_429 : vector<16xf32>, vector<16xi1> -> vector<16xf32>
        %eq3A_431 = arith.constant 5 : i32
        %eq3A_432 = vector.broadcast %eq3A_431 : i32 to vector<16xi32>
        %eq3A_433 = arith.cmpi eq, %iota3A, %eq3A_432 : vector<16xi32>
        %lt3A_434 = arith.constant 0 : i32
        %lt3A_435 = vector.broadcast %lt3A_434 : i32 to vector<16xi32>
        %lt3A_436 = arith.cmpi slt, %broadcast_in_dim3A_16, %lt3A_435 : vector<16xi32>
        %add3A_437 = arith.constant 16 : i32
        %add3A_438 = vector.broadcast %add3A_437 : i32 to vector<16xi32>
        %add3A_439 = arith.addi %broadcast_in_dim3A_16, %add3A_438 : vector<16xi32>
        %select_n3A_440 = arith.select %lt3A_436, %add3A_439, %broadcast_in_dim3A_16 : vector<16xi1>, vector<16xi32>
        %broadcast_in_dim3A_441 = vector.shape_cast %select_n3A_440 : vector<16xi32> to vector<16x1xi32>
        %gather3A_442 = vector.shape_cast %broadcast_in_dim3A_441 : vector<16x1xi32> to vector<16xi32>
        %gather3A_443 = tpu.dynamic_gather %cumsum3A_430[%gather3A_442] in [0] : vector<16xf32>, vector<16xi32> -> vector<16xf32>
        %select_n3A_444 = arith.select %eq3A_433, %gather3A_443, %select_n3A_420 : vector<16xi1>, vector<16xf32>
        %get3A_445 = arith.index_cast %scan3A_300 : i32 to index
        %get3A_446 = arith.constant 96 : index
        %get3A_447 = tpu.vector_load %arg12[%get3A_445, %get3A_446] {strides = array<i32>} : memref<80x128xf32, #tpu.memory_space<vmem>>, vector<16xf32>,
        %get3A_448 = arith.index_cast %scan3A_300 : i32 to index
        %get3A_449 = arith.constant 96 : index
        %get3A_450 = tpu.vector_load %arg14[%get3A_448, %get3A_449] {strides = array<i32>} : memref<80x256xf32, #tpu.memory_space<vmem>>, vector<16xf32>,
        %mul3A_451 = arith.mulf %get3A_447, %get3A_450 : vector<16xf32>
        %cumsum3A_452 = arith.constant true
        %cumsum3A_453 = vector.broadcast %cumsum3A_452 : i1 to vector<16xi1>
        %cumsum3A_454 = tpu.scan <sum>, %mul3A_451 masked %cumsum3A_453 : vector<16xf32>, vector<16xi1> -> vector<16xf32>
        %eq3A_455 = arith.constant 6 : i32
        %eq3A_456 = vector.broadcast %eq3A_455 : i32 to vector<16xi32>
        %eq3A_457 = arith.cmpi eq, %iota3A, %eq3A_456 : vector<16xi32>
        %lt3A_458 = arith.constant 0 : i32
        %lt3A_459 = vector.broadcast %lt3A_458 : i32 to vector<16xi32>
        %lt3A_460 = arith.cmpi slt, %broadcast_in_dim3A_16, %lt3A_459 : vector<16xi32>
        %add3A_461 = arith.constant 16 : i32
        %add3A_462 = vector.broadcast %add3A_461 : i32 to vector<16xi32>
        %add3A_463 = arith.addi %broadcast_in_dim3A_16, %add3A_462 : vector<16xi32>
        %select_n3A_464 = arith.select %lt3A_460, %add3A_463, %broadcast_in_dim3A_16 : vector<16xi1>, vector<16xi32>
        %broadcast_in_dim3A_465 = vector.shape_cast %select_n3A_464 : vector<16xi32> to vector<16x1xi32>
        %gather3A_466 = vector.shape_cast %broadcast_in_dim3A_465 : vector<16x1xi32> to vector<16xi32>
        %gather3A_467 = tpu.dynamic_gather %cumsum3A_454[%gather3A_466] in [0] : vector<16xf32>, vector<16xi32> -> vector<16xf32>
        %select_n3A_468 = arith.select %eq3A_457, %gather3A_467, %select_n3A_444 : vector<16xi1>, vector<16xf32>
        %get3A_469 = arith.index_cast %scan3A_300 : i32 to index
        %get3A_470 = arith.constant 112 : index
        %get3A_471 = tpu.vector_load %arg12[%get3A_469, %get3A_470] {strides = array<i32>} : memref<80x128xf32, #tpu.memory_space<vmem>>, vector<16xf32>,
        %get3A_472 = arith.index_cast %scan3A_300 : i32 to index
        %get3A_473 = arith.constant 112 : index
        %get3A_474 = tpu.vector_load %arg14[%get3A_472, %get3A_473] {strides = array<i32>} : memref<80x256xf32, #tpu.memory_space<vmem>>, vector<16xf32>,
        %mul3A_475 = arith.mulf %get3A_471, %get3A_474 : vector<16xf32>
        %cumsum3A_476 = arith.constant true
        %cumsum3A_477 = vector.broadcast %cumsum3A_476 : i1 to vector<16xi1>
        %cumsum3A_478 = tpu.scan <sum>, %mul3A_475 masked %cumsum3A_477 : vector<16xf32>, vector<16xi1> -> vector<16xf32>
        %eq3A_479 = arith.constant 7 : i32
        %eq3A_480 = vector.broadcast %eq3A_479 : i32 to vector<16xi32>
        %eq3A_481 = arith.cmpi eq, %iota3A, %eq3A_480 : vector<16xi32>
        %lt3A_482 = arith.constant 0 : i32
        %lt3A_483 = vector.broadcast %lt3A_482 : i32 to vector<16xi32>
        %lt3A_484 = arith.cmpi slt, %broadcast_in_dim3A_16, %lt3A_483 : vector<16xi32>
        %add3A_485 = arith.constant 16 : i32
        %add3A_486 = vector.broadcast %add3A_485 : i32 to vector<16xi32>
        %add3A_487 = arith.addi %broadcast_in_dim3A_16, %add3A_486 : vector<16xi32>
        %select_n3A_488 = arith.select %lt3A_484, %add3A_487, %broadcast_in_dim3A_16 : vector<16xi1>, vector<16xi32>
        %broadcast_in_dim3A_489 = vector.shape_cast %select_n3A_488 : vector<16xi32> to vector<16x1xi32>
        %gather3A_490 = vector.shape_cast %broadcast_in_dim3A_489 : vector<16x1xi32> to vector<16xi32>
        %gather3A_491 = tpu.dynamic_gather %cumsum3A_478[%gather3A_490] in [0] : vector<16xf32>, vector<16xi32> -> vector<16xf32>
        %select_n3A_492 = arith.select %eq3A_481, %gather3A_491, %select_n3A_468 : vector<16xi1>, vector<16xf32>
        %mul3A_493 = arith.constant 2.500000e-01 : f32
        %mul3A_494 = vector.broadcast %mul3A_493 : f32 to vector<16xf32>
        %mul3A_495 = arith.mulf %select_n3A_492, %mul3A_494 : vector<16xf32>
        %exp3A = math.exp %mul3A_495 : vector<16xf32>
        %pack3A = tpu.pack_subelements %exp3A, %exp3A {pack_format = #tpu.pack_format<interleaved>, positions = array<i32: 0, 1>} : vector<16xf32>, vector<16xf32> -> vector<32xbf16>
        %swap3A_496 = arith.index_cast %scan3A_300 : i32 to index
        %swap3A_497 = arith.constant 128 : index
        %swap3A_498 = tpu.vector_load %arg16[%swap3A_496, %swap3A_497] {strides = array<i32>} : memref<80x160xbf16, #tpu.memory_space<vmem>>, vector<32xbf16>,
        tpu.vector_store %arg16[%swap3A_496, %swap3A_497], %pack3A {strides = array<i32>} : memref<80x160xbf16, #tpu.memory_space<vmem>>, vector<32xbf16>,
        %get3A_499 = arith.index_cast %scan3A_300 : i32 to index
        %get3A_500 = arith.constant 128 : index
        %get3A_501 = tpu.vector_load %arg14[%get3A_499, %get3A_500] {strides = array<i32>} : memref<80x256xf32, #tpu.memory_space<vmem>>, vector<16xf32>,
        %lt3A_502 = arith.constant 0 : i32
        %lt3A_503 = vector.broadcast %lt3A_502 : i32 to vector<16xi32>
        %lt3A_504 = arith.cmpi slt, %broadcast_in_dim3A_18, %lt3A_503 : vector<16xi32>
        %add3A_505 = arith.constant 16 : i32
        %add3A_506 = vector.broadcast %add3A_505 : i32 to vector<16xi32>
        %add3A_507 = arith.addi %broadcast_in_dim3A_18, %add3A_506 : vector<16xi32>
        %select_n3A_508 = arith.select %lt3A_504, %add3A_507, %broadcast_in_dim3A_18 : vector<16xi1>, vector<16xi32>
        %broadcast_in_dim3A_509 = vector.shape_cast %select_n3A_508 : vector<16xi32> to vector<16x1xi32>
        %gather3A_510 = vector.shape_cast %broadcast_in_dim3A_509 : vector<16x1xi32> to vector<16xi32>
        %gather3A_511 = tpu.dynamic_gather %exp3A[%gather3A_510] in [0] : vector<16xf32>, vector<16xi32> -> vector<16xf32>
        %mul3A_512 = arith.mulf %get3A_501, %gather3A_511 : vector<16xf32>
        %get3A_513 = arith.index_cast %scan3A_300 : i32 to index
        %get3A_514 = arith.constant 144 : index
        %get3A_515 = tpu.vector_load %arg14[%get3A_513, %get3A_514] {strides = array<i32>} : memref<80x256xf32, #tpu.memory_space<vmem>>, vector<16xf32>,
        %lt3A_516 = arith.constant 0 : i32
        %lt3A_517 = vector.broadcast %lt3A_516 : i32 to vector<16xi32>
        %lt3A_518 = arith.cmpi slt, %broadcast_in_dim3A_20, %lt3A_517 : vector<16xi32>
        %add3A_519 = arith.constant 16 : i32
        %add3A_520 = vector.broadcast %add3A_519 : i32 to vector<16xi32>
        %add3A_521 = arith.addi %broadcast_in_dim3A_20, %add3A_520 : vector<16xi32>
        %select_n3A_522 = arith.select %lt3A_518, %add3A_521, %broadcast_in_dim3A_20 : vector<16xi1>, vector<16xi32>
        %broadcast_in_dim3A_523 = vector.shape_cast %select_n3A_522 : vector<16xi32> to vector<16x1xi32>
        %gather3A_524 = vector.shape_cast %broadcast_in_dim3A_523 : vector<16x1xi32> to vector<16xi32>
        %gather3A_525 = tpu.dynamic_gather %exp3A[%gather3A_524] in [0] : vector<16xf32>, vector<16xi32> -> vector<16xf32>
        %mul3A_526 = arith.mulf %get3A_515, %gather3A_525 : vector<16xf32>
        %pack3A_527 = tpu.pack_subelements %mul3A_512, %mul3A_526 {pack_format = #tpu.pack_format<interleaved>, positions = array<i32: 0, 1>} : vector<16xf32>, vector<16xf32> -> vector<32xbf16>
        %swap3A_528 = arith.index_cast %scan3A_300 : i32 to index
        %swap3A_529 = arith.constant 0 : index
        %swap3A_530 = tpu.vector_load %arg16[%swap3A_528, %swap3A_529] {strides = array<i32>} : memref<80x160xbf16, #tpu.memory_space<vmem>>, vector<32xbf16>,
        tpu.vector_store %arg16[%swap3A_528, %swap3A_529], %pack3A_527 {strides = array<i32>} : memref<80x160xbf16, #tpu.memory_space<vmem>>, vector<32xbf16>,
        %get3A_531 = arith.index_cast %scan3A_300 : i32 to index
        %get3A_532 = arith.constant 160 : index
        %get3A_533 = tpu.vector_load %arg14[%get3A_531, %get3A_532] {strides = array<i32>} : memref<80x256xf32, #tpu.memory_space<vmem>>, vector<16xf32>,
        %lt3A_534 = arith.constant 0 : i32
        %lt3A_535 = vector.broadcast %lt3A_534 : i32 to vector<16xi32>
        %lt3A_536 = arith.cmpi slt, %broadcast_in_dim3A_22, %lt3A_535 : vector<16xi32>
        %add3A_537 = arith.constant 16 : i32
        %add3A_538 = vector.broadcast %add3A_537 : i32 to vector<16xi32>
        %add3A_539 = arith.addi %broadcast_in_dim3A_22, %add3A_538 : vector<16xi32>
        %select_n3A_540 = arith.select %lt3A_536, %add3A_539, %broadcast_in_dim3A_22 : vector<16xi1>, vector<16xi32>
        %broadcast_in_dim3A_541 = vector.shape_cast %select_n3A_540 : vector<16xi32> to vector<16x1xi32>
        %gather3A_542 = vector.shape_cast %broadcast_in_dim3A_541 : vector<16x1xi32> to vector<16xi32>
        %gather3A_543 = tpu.dynamic_gather %exp3A[%gather3A_542] in [0] : vector<16xf32>, vector<16xi32> -> vector<16xf32>
        %mul3A_544 = arith.mulf %get3A_533, %gather3A_543 : vector<16xf32>
        %get3A_545 = arith.index_cast %scan3A_300 : i32 to index
        %get3A_546 = arith.constant 176 : index
        %get3A_547 = tpu.vector_load %arg14[%get3A_545, %get3A_546] {strides = array<i32>} : memref<80x256xf32, #tpu.memory_space<vmem>>, vector<16xf32>,
        %lt3A_548 = arith.constant 0 : i32
        %lt3A_549 = vector.broadcast %lt3A_548 : i32 to vector<16xi32>
        %lt3A_550 = arith.cmpi slt, %broadcast_in_dim3A_24, %lt3A_549 : vector<16xi32>
        %add3A_551 = arith.constant 16 : i32
        %add3A_552 = vector.broadcast %add3A_551 : i32 to vector<16xi32>
        %add3A_553 = arith.addi %broadcast_in_dim3A_24, %add3A_552 : vector<16xi32>
        %select_n3A_554 = arith.select %lt3A_550, %add3A_553, %broadcast_in_dim3A_24 : vector<16xi1>, vector<16xi32>
        %broadcast_in_dim3A_555 = vector.shape_cast %select_n3A_554 : vector<16xi32> to vector<16x1xi32>
        %gather3A_556 = vector.shape_cast %broadcast_in_dim3A_555 : vector<16x1xi32> to vector<16xi32>
        %gather3A_557 = tpu.dynamic_gather %exp3A[%gather3A_556] in [0] : vector<16xf32>, vector<16xi32> -> vector<16xf32>
        %mul3A_558 = arith.mulf %get3A_547, %gather3A_557 : vector<16xf32>
        %pack3A_559 = tpu.pack_subelements %mul3A_544, %mul3A_558 {pack_format = #tpu.pack_format<interleaved>, positions = array<i32: 0, 1>} : vector<16xf32>, vector<16xf32> -> vector<32xbf16>
        %swap3A_560 = arith.index_cast %scan3A_300 : i32 to index
        %swap3A_561 = arith.constant 32 : index
        %swap3A_562 = tpu.vector_load %arg16[%swap3A_560, %swap3A_561] {strides = array<i32>} : memref<80x160xbf16, #tpu.memory_space<vmem>>, vector<32xbf16>,
        tpu.vector_store %arg16[%swap3A_560, %swap3A_561], %pack3A_559 {strides = array<i32>} : memref<80x160xbf16, #tpu.memory_space<vmem>>, vector<32xbf16>,
        %get3A_563 = arith.index_cast %scan3A_300 : i32 to index
        %get3A_564 = arith.constant 192 : index
        %get3A_565 = tpu.vector_load %arg14[%get3A_563, %get3A_564] {strides = array<i32>} : memref<80x256xf32, #tpu.memory_space<vmem>>, vector<16xf32>,
        %lt3A_566 = arith.constant 0 : i32
        %lt3A_567 = vector.broadcast %lt3A_566 : i32 to vector<16xi32>
        %lt3A_568 = arith.cmpi slt, %broadcast_in_dim3A_26, %lt3A_567 : vector<16xi32>
        %add3A_569 = arith.constant 16 : i32
        %add3A_570 = vector.broadcast %add3A_569 : i32 to vector<16xi32>
        %add3A_571 = arith.addi %broadcast_in_dim3A_26, %add3A_570 : vector<16xi32>
        %select_n3A_572 = arith.select %lt3A_568, %add3A_571, %broadcast_in_dim3A_26 : vector<16xi1>, vector<16xi32>
        %broadcast_in_dim3A_573 = vector.shape_cast %select_n3A_572 : vector<16xi32> to vector<16x1xi32>
        %gather3A_574 = vector.shape_cast %broadcast_in_dim3A_573 : vector<16x1xi32> to vector<16xi32>
        %gather3A_575 = tpu.dynamic_gather %exp3A[%gather3A_574] in [0] : vector<16xf32>, vector<16xi32> -> vector<16xf32>
        %mul3A_576 = arith.mulf %get3A_565, %gather3A_575 : vector<16xf32>
        %get3A_577 = arith.index_cast %scan3A_300 : i32 to index
        %get3A_578 = arith.constant 208 : index
        %get3A_579 = tpu.vector_load %arg14[%get3A_577, %get3A_578] {strides = array<i32>} : memref<80x256xf32, #tpu.memory_space<vmem>>, vector<16xf32>,
        %lt3A_580 = arith.constant 0 : i32
        %lt3A_581 = vector.broadcast %lt3A_580 : i32 to vector<16xi32>
        %lt3A_582 = arith.cmpi slt, %broadcast_in_dim3A_28, %lt3A_581 : vector<16xi32>
        %add3A_583 = arith.constant 16 : i32
        %add3A_584 = vector.broadcast %add3A_583 : i32 to vector<16xi32>
        %add3A_585 = arith.addi %broadcast_in_dim3A_28, %add3A_584 : vector<16xi32>
        %select_n3A_586 = arith.select %lt3A_582, %add3A_585, %broadcast_in_dim3A_28 : vector<16xi1>, vector<16xi32>
        %broadcast_in_dim3A_587 = vector.shape_cast %select_n3A_586 : vector<16xi32> to vector<16x1xi32>
        %gather3A_588 = vector.shape_cast %broadcast_in_dim3A_587 : vector<16x1xi32> to vector<16xi32>
        %gather3A_589 = tpu.dynamic_gather %exp3A[%gather3A_588] in [0] : vector<16xf32>, vector<16xi32> -> vector<16xf32>
        %mul3A_590 = arith.mulf %get3A_579, %gather3A_589 : vector<16xf32>
        %pack3A_591 = tpu.pack_subelements %mul3A_576, %mul3A_590 {pack_format = #tpu.pack_format<interleaved>, positions = array<i32: 0, 1>} : vector<16xf32>, vector<16xf32> -> vector<32xbf16>
        %swap3A_592 = arith.index_cast %scan3A_300 : i32 to index
        %swap3A_593 = arith.constant 64 : index
        %swap3A_594 = tpu.vector_load %arg16[%swap3A_592, %swap3A_593] {strides = array<i32>} : memref<80x160xbf16, #tpu.memory_space<vmem>>, vector<32xbf16>,
        tpu.vector_store %arg16[%swap3A_592, %swap3A_593], %pack3A_591 {strides = array<i32>} : memref<80x160xbf16, #tpu.memory_space<vmem>>, vector<32xbf16>,
        %get3A_595 = arith.index_cast %scan3A_300 : i32 to index
        %get3A_596 = arith.constant 224 : index
        %get3A_597 = tpu.vector_load %arg14[%get3A_595, %get3A_596] {strides = array<i32>} : memref<80x256xf32, #tpu.memory_space<vmem>>, vector<16xf32>,
        %lt3A_598 = arith.constant 0 : i32
        %lt3A_599 = vector.broadcast %lt3A_598 : i32 to vector<16xi32>
        %lt3A_600 = arith.cmpi slt, %broadcast_in_dim3A_30, %lt3A_599 : vector<16xi32>
        %add3A_601 = arith.constant 16 : i32
        %add3A_602 = vector.broadcast %add3A_601 : i32 to vector<16xi32>
        %add3A_603 = arith.addi %broadcast_in_dim3A_30, %add3A_602 : vector<16xi32>
        %select_n3A_604 = arith.select %lt3A_600, %add3A_603, %broadcast_in_dim3A_30 : vector<16xi1>, vector<16xi32>
        %broadcast_in_dim3A_605 = vector.shape_cast %select_n3A_604 : vector<16xi32> to vector<16x1xi32>
        %gather3A_606 = vector.shape_cast %broadcast_in_dim3A_605 : vector<16x1xi32> to vector<16xi32>
        %gather3A_607 = tpu.dynamic_gather %exp3A[%gather3A_606] in [0] : vector<16xf32>, vector<16xi32> -> vector<16xf32>
        %mul3A_608 = arith.mulf %get3A_597, %gather3A_607 : vector<16xf32>
        %get3A_609 = arith.index_cast %scan3A_300 : i32 to index
        %get3A_610 = arith.constant 240 : index
        %get3A_611 = tpu.vector_load %arg14[%get3A_609, %get3A_610] {strides = array<i32>} : memref<80x256xf32, #tpu.memory_space<vmem>>, vector<16xf32>,
        %lt3A_612 = arith.constant 0 : i32
        %lt3A_613 = vector.broadcast %lt3A_612 : i32 to vector<16xi32>
        %lt3A_614 = arith.cmpi slt, %broadcast_in_dim3A_32, %lt3A_613 : vector<16xi32>
        %add3A_615 = arith.constant 16 : i32
        %add3A_616 = vector.broadcast %add3A_615 : i32 to vector<16xi32>
        %add3A_617 = arith.addi %broadcast_in_dim3A_32, %add3A_616 : vector<16xi32>
        %select_n3A_618 = arith.select %lt3A_614, %add3A_617, %broadcast_in_dim3A_32 : vector<16xi1>, vector<16xi32>
        %broadcast_in_dim3A_619 = vector.shape_cast %select_n3A_618 : vector<16xi32> to vector<16x1xi32>
        %gather3A_620 = vector.shape_cast %broadcast_in_dim3A_619 : vector<16x1xi32> to vector<16xi32>
        %gather3A_621 = tpu.dynamic_gather %exp3A[%gather3A_620] in [0] : vector<16xf32>, vector<16xi32> -> vector<16xf32>
        %mul3A_622 = arith.mulf %get3A_611, %gather3A_621 : vector<16xf32>
        %pack3A_623 = tpu.pack_subelements %mul3A_608, %mul3A_622 {pack_format = #tpu.pack_format<interleaved>, positions = array<i32: 0, 1>} : vector<16xf32>, vector<16xf32> -> vector<32xbf16>
        %swap3A_624 = arith.index_cast %scan3A_300 : i32 to index
        %swap3A_625 = arith.constant 96 : index
        %swap3A_626 = tpu.vector_load %arg16[%swap3A_624, %swap3A_625] {strides = array<i32>} : memref<80x160xbf16, #tpu.memory_space<vmem>>, vector<32xbf16>,
        tpu.vector_store %arg16[%swap3A_624, %swap3A_625], %pack3A_623 {strides = array<i32>} : memref<80x160xbf16, #tpu.memory_space<vmem>>, vector<32xbf16>,
        %scan3A_627 = arith.constant 0 : i32
        %scan3A_628 = arith.constant 1 : i32
        %scan3A_629 = arith.addi %scan3A_300, %scan3A_628 : i32
        %broadcast_in_dim3A_630 = arith.constant 0.000000e+00 : f32
        %broadcast_in_dim3A_631 = vector.broadcast %broadcast_in_dim3A_630 : f32 to vector<16xf32>
        %get3A_632 = arith.index_cast %scan3A_629 : i32 to index
        %get3A_633 = arith.constant 0 : index
        %get3A_634 = tpu.vector_load %arg12[%get3A_632, %get3A_633] {strides = array<i32>} : memref<80x128xf32, #tpu.memory_space<vmem>>, vector<16xf32>,
        %get3A_635 = arith.index_cast %scan3A_629 : i32 to index
        %get3A_636 = arith.constant 0 : index
        %get3A_637 = tpu.vector_load %arg14[%get3A_635, %get3A_636] {strides = array<i32>} : memref<80x256xf32, #tpu.memory_space<vmem>>, vector<16xf32>,
        %mul3A_638 = arith.mulf %get3A_634, %get3A_637 : vector<16xf32>
        %cumsum3A_639 = arith.constant true
        %cumsum3A_640 = vector.broadcast %cumsum3A_639 : i1 to vector<16xi1>
        %cumsum3A_641 = tpu.scan <sum>, %mul3A_638 masked %cumsum3A_640 : vector<16xf32>, vector<16xi1> -> vector<16xf32>
        %eq3A_642 = arith.constant 0 : i32
        %eq3A_643 = vector.broadcast %eq3A_642 : i32 to vector<16xi32>
        %eq3A_644 = arith.cmpi eq, %iota3A, %eq3A_643 : vector<16xi32>
        %lt3A_645 = arith.constant 0 : i32
        %lt3A_646 = vector.broadcast %lt3A_645 : i32 to vector<16xi32>
        %lt3A_647 = arith.cmpi slt, %broadcast_in_dim3A_16, %lt3A_646 : vector<16xi32>
        %add3A_648 = arith.constant 16 : i32
        %add3A_649 = vector.broadcast %add3A_648 : i32 to vector<16xi32>
        %add3A_650 = arith.addi %broadcast_in_dim3A_16, %add3A_649 : vector<16xi32>
        %select_n3A_651 = arith.select %lt3A_647, %add3A_650, %broadcast_in_dim3A_16 : vector<16xi1>, vector<16xi32>
        %broadcast_in_dim3A_652 = vector.shape_cast %select_n3A_651 : vector<16xi32> to vector<16x1xi32>
        %gather3A_653 = vector.shape_cast %broadcast_in_dim3A_652 : vector<16x1xi32> to vector<16xi32>
        %gather3A_654 = tpu.dynamic_gather %cumsum3A_641[%gather3A_653] in [0] : vector<16xf32>, vector<16xi32> -> vector<16xf32>
        %select_n3A_655 = arith.select %eq3A_644, %gather3A_654, %broadcast_in_dim3A_631 : vector<16xi1>, vector<16xf32>
        %get3A_656 = arith.index_cast %scan3A_629 : i32 to index
        %get3A_657 = arith.constant 16 : index
        %get3A_658 = tpu.vector_load %arg12[%get3A_656, %get3A_657] {strides = array<i32>} : memref<80x128xf32, #tpu.memory_space<vmem>>, vector<16xf32>,
        %get3A_659 = arith.index_cast %scan3A_629 : i32 to index
        %get3A_660 = arith.constant 16 : index
        %get3A_661 = tpu.vector_load %arg14[%get3A_659, %get3A_660] {strides = array<i32>} : memref<80x256xf32, #tpu.memory_space<vmem>>, vector<16xf32>,
        %mul3A_662 = arith.mulf %get3A_658, %get3A_661 : vector<16xf32>
        %cumsum3A_663 = arith.constant true
        %cumsum3A_664 = vector.broadcast %cumsum3A_663 : i1 to vector<16xi1>
        %cumsum3A_665 = tpu.scan <sum>, %mul3A_662 masked %cumsum3A_664 : vector<16xf32>, vector<16xi1> -> vector<16xf32>
        %eq3A_666 = arith.constant 1 : i32
        %eq3A_667 = vector.broadcast %eq3A_666 : i32 to vector<16xi32>
        %eq3A_668 = arith.cmpi eq, %iota3A, %eq3A_667 : vector<16xi32>
        %lt3A_669 = arith.constant 0 : i32
        %lt3A_670 = vector.broadcast %lt3A_669 : i32 to vector<16xi32>
        %lt3A_671 = arith.cmpi slt, %broadcast_in_dim3A_16, %lt3A_670 : vector<16xi32>
        %add3A_672 = arith.constant 16 : i32
        %add3A_673 = vector.broadcast %add3A_672 : i32 to vector<16xi32>
        %add3A_674 = arith.addi %broadcast_in_dim3A_16, %add3A_673 : vector<16xi32>
        %select_n3A_675 = arith.select %lt3A_671, %add3A_674, %broadcast_in_dim3A_16 : vector<16xi1>, vector<16xi32>
        %broadcast_in_dim3A_676 = vector.shape_cast %select_n3A_675 : vector<16xi32> to vector<16x1xi32>
        %gather3A_677 = vector.shape_cast %broadcast_in_dim3A_676 : vector<16x1xi32> to vector<16xi32>
        %gather3A_678 = tpu.dynamic_gather %cumsum3A_665[%gather3A_677] in [0] : vector<16xf32>, vector<16xi32> -> vector<16xf32>
        %select_n3A_679 = arith.select %eq3A_668, %gather3A_678, %select_n3A_655 : vector<16xi1>, vector<16xf32>
        %get3A_680 = arith.index_cast %scan3A_629 : i32 to index
        %get3A_681 = arith.constant 32 : index
        %get3A_682 = tpu.vector_load %arg12[%get3A_680, %get3A_681] {strides = array<i32>} : memref<80x128xf32, #tpu.memory_space<vmem>>, vector<16xf32>,
        %get3A_683 = arith.index_cast %scan3A_629 : i32 to index
        %get3A_684 = arith.constant 32 : index
        %get3A_685 = tpu.vector_load %arg14[%get3A_683, %get3A_684] {strides = array<i32>} : memref<80x256xf32, #tpu.memory_space<vmem>>, vector<16xf32>,
        %mul3A_686 = arith.mulf %get3A_682, %get3A_685 : vector<16xf32>
        %cumsum3A_687 = arith.constant true
        %cumsum3A_688 = vector.broadcast %cumsum3A_687 : i1 to vector<16xi1>
        %cumsum3A_689 = tpu.scan <sum>, %mul3A_686 masked %cumsum3A_688 : vector<16xf32>, vector<16xi1> -> vector<16xf32>
        %eq3A_690 = arith.constant 2 : i32
        %eq3A_691 = vector.broadcast %eq3A_690 : i32 to vector<16xi32>
        %eq3A_692 = arith.cmpi eq, %iota3A, %eq3A_691 : vector<16xi32>
        %lt3A_693 = arith.constant 0 : i32
        %lt3A_694 = vector.broadcast %lt3A_693 : i32 to vector<16xi32>
        %lt3A_695 = arith.cmpi slt, %broadcast_in_dim3A_16, %lt3A_694 : vector<16xi32>
        %add3A_696 = arith.constant 16 : i32
        %add3A_697 = vector.broadcast %add3A_696 : i32 to vector<16xi32>
        %add3A_698 = arith.addi %broadcast_in_dim3A_16, %add3A_697 : vector<16xi32>
        %select_n3A_699 = arith.select %lt3A_695, %add3A_698, %broadcast_in_dim3A_16 : vector<16xi1>, vector<16xi32>
        %broadcast_in_dim3A_700 = vector.shape_cast %select_n3A_699 : vector<16xi32> to vector<16x1xi32>
        %gather3A_701 = vector.shape_cast %broadcast_in_dim3A_700 : vector<16x1xi32> to vector<16xi32>
        %gather3A_702 = tpu.dynamic_gather %cumsum3A_689[%gather3A_701] in [0] : vector<16xf32>, vector<16xi32> -> vector<16xf32>
        %select_n3A_703 = arith.select %eq3A_692, %gather3A_702, %select_n3A_679 : vector<16xi1>, vector<16xf32>
        %get3A_704 = arith.index_cast %scan3A_629 : i32 to index
        %get3A_705 = arith.constant 48 : index
        %get3A_706 = tpu.vector_load %arg12[%get3A_704, %get3A_705] {strides = array<i32>} : memref<80x128xf32, #tpu.memory_space<vmem>>, vector<16xf32>,
        %get3A_707 = arith.index_cast %scan3A_629 : i32 to index
        %get3A_708 = arith.constant 48 : index
        %get3A_709 = tpu.vector_load %arg14[%get3A_707, %get3A_708] {strides = array<i32>} : memref<80x256xf32, #tpu.memory_space<vmem>>, vector<16xf32>,
        %mul3A_710 = arith.mulf %get3A_706, %get3A_709 : vector<16xf32>
        %cumsum3A_711 = arith.constant true
        %cumsum3A_712 = vector.broadcast %cumsum3A_711 : i1 to vector<16xi1>
        %cumsum3A_713 = tpu.scan <sum>, %mul3A_710 masked %cumsum3A_712 : vector<16xf32>, vector<16xi1> -> vector<16xf32>
        %eq3A_714 = arith.constant 3 : i32
        %eq3A_715 = vector.broadcast %eq3A_714 : i32 to vector<16xi32>
        %eq3A_716 = arith.cmpi eq, %iota3A, %eq3A_715 : vector<16xi32>
        %lt3A_717 = arith.constant 0 : i32
        %lt3A_718 = vector.broadcast %lt3A_717 : i32 to vector<16xi32>
        %lt3A_719 = arith.cmpi slt, %broadcast_in_dim3A_16, %lt3A_718 : vector<16xi32>
        %add3A_720 = arith.constant 16 : i32
        %add3A_721 = vector.broadcast %add3A_720 : i32 to vector<16xi32>
        %add3A_722 = arith.addi %broadcast_in_dim3A_16, %add3A_721 : vector<16xi32>
        %select_n3A_723 = arith.select %lt3A_719, %add3A_722, %broadcast_in_dim3A_16 : vector<16xi1>, vector<16xi32>
        %broadcast_in_dim3A_724 = vector.shape_cast %select_n3A_723 : vector<16xi32> to vector<16x1xi32>
        %gather3A_725 = vector.shape_cast %broadcast_in_dim3A_724 : vector<16x1xi32> to vector<16xi32>
        %gather3A_726 = tpu.dynamic_gather %cumsum3A_713[%gather3A_725] in [0] : vector<16xf32>, vector<16xi32> -> vector<16xf32>
        %select_n3A_727 = arith.select %eq3A_716, %gather3A_726, %select_n3A_703 : vector<16xi1>, vector<16xf32>
        %get3A_728 = arith.index_cast %scan3A_629 : i32 to index
        %get3A_729 = arith.constant 64 : index
        %get3A_730 = tpu.vector_load %arg12[%get3A_728, %get3A_729] {strides = array<i32>} : memref<80x128xf32, #tpu.memory_space<vmem>>, vector<16xf32>,
        %get3A_731 = arith.index_cast %scan3A_629 : i32 to index
        %get3A_732 = arith.constant 64 : index
        %get3A_733 = tpu.vector_load %arg14[%get3A_731, %get3A_732] {strides = array<i32>} : memref<80x256xf32, #tpu.memory_space<vmem>>, vector<16xf32>,
        %mul3A_734 = arith.mulf %get3A_730, %get3A_733 : vector<16xf32>
        %cumsum3A_735 = arith.constant true
        %cumsum3A_736 = vector.broadcast %cumsum3A_735 : i1 to vector<16xi1>
        %cumsum3A_737 = tpu.scan <sum>, %mul3A_734 masked %cumsum3A_736 : vector<16xf32>, vector<16xi1> -> vector<16xf32>
        %eq3A_738 = arith.constant 4 : i32
        %eq3A_739 = vector.broadcast %eq3A_738 : i32 to vector<16xi32>
        %eq3A_740 = arith.cmpi eq, %iota3A, %eq3A_739 : vector<16xi32>
        %lt3A_741 = arith.constant 0 : i32
        %lt3A_742 = vector.broadcast %lt3A_741 : i32 to vector<16xi32>
        %lt3A_743 = arith.cmpi slt, %broadcast_in_dim3A_16, %lt3A_742 : vector<16xi32>
        %add3A_744 = arith.constant 16 : i32
        %add3A_745 = vector.broadcast %add3A_744 : i32 to vector<16xi32>
        %add3A_746 = arith.addi %broadcast_in_dim3A_16, %add3A_745 : vector<16xi32>
        %select_n3A_747 = arith.select %lt3A_743, %add3A_746, %broadcast_in_dim3A_16 : vector<16xi1>, vector<16xi32>
        %broadcast_in_dim3A_748 = vector.shape_cast %select_n3A_747 : vector<16xi32> to vector<16x1xi32>
        %gather3A_749 = vector.shape_cast %broadcast_in_dim3A_748 : vector<16x1xi32> to vector<16xi32>
        %gather3A_750 = tpu.dynamic_gather %cumsum3A_737[%gather3A_749] in [0] : vector<16xf32>, vector<16xi32> -> vector<16xf32>
        %select_n3A_751 = arith.select %eq3A_740, %gather3A_750, %select_n3A_727 : vector<16xi1>, vector<16xf32>
        %get3A_752 = arith.index_cast %scan3A_629 : i32 to index
        %get3A_753 = arith.constant 80 : index
        %get3A_754 = tpu.vector_load %arg12[%get3A_752, %get3A_753] {strides = array<i32>} : memref<80x128xf32, #tpu.memory_space<vmem>>, vector<16xf32>,
        %get3A_755 = arith.index_cast %scan3A_629 : i32 to index
        %get3A_756 = arith.constant 80 : index
        %get3A_757 = tpu.vector_load %arg14[%get3A_755, %get3A_756] {strides = array<i32>} : memref<80x256xf32, #tpu.memory_space<vmem>>, vector<16xf32>,
        %mul3A_758 = arith.mulf %get3A_754, %get3A_757 : vector<16xf32>
        %cumsum3A_759 = arith.constant true
        %cumsum3A_760 = vector.broadcast %cumsum3A_759 : i1 to vector<16xi1>
        %cumsum3A_761 = tpu.scan <sum>, %mul3A_758 masked %cumsum3A_760 : vector<16xf32>, vector<16xi1> -> vector<16xf32>
        %eq3A_762 = arith.constant 5 : i32
        %eq3A_763 = vector.broadcast %eq3A_762 : i32 to vector<16xi32>
        %eq3A_764 = arith.cmpi eq, %iota3A, %eq3A_763 : vector<16xi32>
        %lt3A_765 = arith.constant 0 : i32
        %lt3A_766 = vector.broadcast %lt3A_765 : i32 to vector<16xi32>
        %lt3A_767 = arith.cmpi slt, %broadcast_in_dim3A_16, %lt3A_766 : vector<16xi32>
        %add3A_768 = arith.constant 16 : i32
        %add3A_769 = vector.broadcast %add3A_768 : i32 to vector<16xi32>
        %add3A_770 = arith.addi %broadcast_in_dim3A_16, %add3A_769 : vector<16xi32>
        %select_n3A_771 = arith.select %lt3A_767, %add3A_770, %broadcast_in_dim3A_16 : vector<16xi1>, vector<16xi32>
        %broadcast_in_dim3A_772 = vector.shape_cast %select_n3A_771 : vector<16xi32> to vector<16x1xi32>
        %gather3A_773 = vector.shape_cast %broadcast_in_dim3A_772 : vector<16x1xi32> to vector<16xi32>
        %gather3A_774 = tpu.dynamic_gather %cumsum3A_761[%gather3A_773] in [0] : vector<16xf32>, vector<16xi32> -> vector<16xf32>
        %select_n3A_775 = arith.select %eq3A_764, %gather3A_774, %select_n3A_751 : vector<16xi1>, vector<16xf32>
        %get3A_776 = arith.index_cast %scan3A_629 : i32 to index
        %get3A_777 = arith.constant 96 : index
        %get3A_778 = tpu.vector_load %arg12[%get3A_776, %get3A_777] {strides = array<i32>} : memref<80x128xf32, #tpu.memory_space<vmem>>, vector<16xf32>,
        %get3A_779 = arith.index_cast %scan3A_629 : i32 to index
        %get3A_780 = arith.constant 96 : index
        %get3A_781 = tpu.vector_load %arg14[%get3A_779, %get3A_780] {strides = array<i32>} : memref<80x256xf32, #tpu.memory_space<vmem>>, vector<16xf32>,
        %mul3A_782 = arith.mulf %get3A_778, %get3A_781 : vector<16xf32>
        %cumsum3A_783 = arith.constant true
        %cumsum3A_784 = vector.broadcast %cumsum3A_783 : i1 to vector<16xi1>
        %cumsum3A_785 = tpu.scan <sum>, %mul3A_782 masked %cumsum3A_784 : vector<16xf32>, vector<16xi1> -> vector<16xf32>
        %eq3A_786 = arith.constant 6 : i32
        %eq3A_787 = vector.broadcast %eq3A_786 : i32 to vector<16xi32>
        %eq3A_788 = arith.cmpi eq, %iota3A, %eq3A_787 : vector<16xi32>
        %lt3A_789 = arith.constant 0 : i32
        %lt3A_790 = vector.broadcast %lt3A_789 : i32 to vector<16xi32>
        %lt3A_791 = arith.cmpi slt, %broadcast_in_dim3A_16, %lt3A_790 : vector<16xi32>
        %add3A_792 = arith.constant 16 : i32
        %add3A_793 = vector.broadcast %add3A_792 : i32 to vector<16xi32>
        %add3A_794 = arith.addi %broadcast_in_dim3A_16, %add3A_793 : vector<16xi32>
        %select_n3A_795 = arith.select %lt3A_791, %add3A_794, %broadcast_in_dim3A_16 : vector<16xi1>, vector<16xi32>
        %broadcast_in_dim3A_796 = vector.shape_cast %select_n3A_795 : vector<16xi32> to vector<16x1xi32>
        %gather3A_797 = vector.shape_cast %broadcast_in_dim3A_796 : vector<16x1xi32> to vector<16xi32>
        %gather3A_798 = tpu.dynamic_gather %cumsum3A_785[%gather3A_797] in [0] : vector<16xf32>, vector<16xi32> -> vector<16xf32>
        %select_n3A_799 = arith.select %eq3A_788, %gather3A_798, %select_n3A_775 : vector<16xi1>, vector<16xf32>
        %get3A_800 = arith.index_cast %scan3A_629 : i32 to index
        %get3A_801 = arith.constant 112 : index
        %get3A_802 = tpu.vector_load %arg12[%get3A_800, %get3A_801] {strides = array<i32>} : memref<80x128xf32, #tpu.memory_space<vmem>>, vector<16xf32>,
        %get3A_803 = arith.index_cast %scan3A_629 : i32 to index
        %get3A_804 = arith.constant 112 : index
        %get3A_805 = tpu.vector_load %arg14[%get3A_803, %get3A_804] {strides = array<i32>} : memref<80x256xf32, #tpu.memory_space<vmem>>, vector<16xf32>,
        %mul3A_806 = arith.mulf %get3A_802, %get3A_805 : vector<16xf32>
        %cumsum3A_807 = arith.constant true
        %cumsum3A_808 = vector.broadcast %cumsum3A_807 : i1 to vector<16xi1>
        %cumsum3A_809 = tpu.scan <sum>, %mul3A_806 masked %cumsum3A_808 : vector<16xf32>, vector<16xi1> -> vector<16xf32>
        %eq3A_810 = arith.constant 7 : i32
        %eq3A_811 = vector.broadcast %eq3A_810 : i32 to vector<16xi32>
        %eq3A_812 = arith.cmpi eq, %iota3A, %eq3A_811 : vector<16xi32>
        %lt3A_813 = arith.constant 0 : i32
        %lt3A_814 = vector.broadcast %lt3A_813 : i32 to vector<16xi32>
        %lt3A_815 = arith.cmpi slt, %broadcast_in_dim3A_16, %lt3A_814 : vector<16xi32>
        %add3A_816 = arith.constant 16 : i32
        %add3A_817 = vector.broadcast %add3A_816 : i32 to vector<16xi32>
        %add3A_818 = arith.addi %broadcast_in_dim3A_16, %add3A_817 : vector<16xi32>
        %select_n3A_819 = arith.select %lt3A_815, %add3A_818, %broadcast_in_dim3A_16 : vector<16xi1>, vector<16xi32>
        %broadcast_in_dim3A_820 = vector.shape_cast %select_n3A_819 : vector<16xi32> to vector<16x1xi32>
        %gather3A_821 = vector.shape_cast %broadcast_in_dim3A_820 : vector<16x1xi32> to vector<16xi32>
        %gather3A_822 = tpu.dynamic_gather %cumsum3A_809[%gather3A_821] in [0] : vector<16xf32>, vector<16xi32> -> vector<16xf32>
        %select_n3A_823 = arith.select %eq3A_812, %gather3A_822, %select_n3A_799 : vector<16xi1>, vector<16xf32>
        %mul3A_824 = arith.constant 2.500000e-01 : f32
        %mul3A_825 = vector.broadcast %mul3A_824 : f32 to vector<16xf32>
        %mul3A_826 = arith.mulf %select_n3A_823, %mul3A_825 : vector<16xf32>
        %exp3A_827 = math.exp %mul3A_826 : vector<16xf32>
        %pack3A_828 = tpu.pack_subelements %exp3A_827, %exp3A_827 {pack_format = #tpu.pack_format<interleaved>, positions = array<i32: 0, 1>} : vector<16xf32>, vector<16xf32> -> vector<32xbf16>
        %swap3A_829 = arith.index_cast %scan3A_629 : i32 to index
        %swap3A_830 = arith.constant 128 : index
        %swap3A_831 = tpu.vector_load %arg16[%swap3A_829, %swap3A_830] {strides = array<i32>} : memref<80x160xbf16, #tpu.memory_space<vmem>>, vector<32xbf16>,
        tpu.vector_store %arg16[%swap3A_829, %swap3A_830], %pack3A_828 {strides = array<i32>} : memref<80x160xbf16, #tpu.memory_space<vmem>>, vector<32xbf16>,
        %get3A_832 = arith.index_cast %scan3A_629 : i32 to index
        %get3A_833 = arith.constant 128 : index
        %get3A_834 = tpu.vector_load %arg14[%get3A_832, %get3A_833] {strides = array<i32>} : memref<80x256xf32, #tpu.memory_space<vmem>>, vector<16xf32>,
        %lt3A_835 = arith.constant 0 : i32
        %lt3A_836 = vector.broadcast %lt3A_835 : i32 to vector<16xi32>
        %lt3A_837 = arith.cmpi slt, %broadcast_in_dim3A_18, %lt3A_836 : vector<16xi32>
        %add3A_838 = arith.constant 16 : i32
        %add3A_839 = vector.broadcast %add3A_838 : i32 to vector<16xi32>
        %add3A_840 = arith.addi %broadcast_in_dim3A_18, %add3A_839 : vector<16xi32>
        %select_n3A_841 = arith.select %lt3A_837, %add3A_840, %broadcast_in_dim3A_18 : vector<16xi1>, vector<16xi32>
        %broadcast_in_dim3A_842 = vector.shape_cast %select_n3A_841 : vector<16xi32> to vector<16x1xi32>
        %gather3A_843 = vector.shape_cast %broadcast_in_dim3A_842 : vector<16x1xi32> to vector<16xi32>
        %gather3A_844 = tpu.dynamic_gather %exp3A_827[%gather3A_843] in [0] : vector<16xf32>, vector<16xi32> -> vector<16xf32>
        %mul3A_845 = arith.mulf %get3A_834, %gather3A_844 : vector<16xf32>
        %get3A_846 = arith.index_cast %scan3A_629 : i32 to index
        %get3A_847 = arith.constant 144 : index
        %get3A_848 = tpu.vector_load %arg14[%get3A_846, %get3A_847] {strides = array<i32>} : memref<80x256xf32, #tpu.memory_space<vmem>>, vector<16xf32>,
        %lt3A_849 = arith.constant 0 : i32
        %lt3A_850 = vector.broadcast %lt3A_849 : i32 to vector<16xi32>
        %lt3A_851 = arith.cmpi slt, %broadcast_in_dim3A_20, %lt3A_850 : vector<16xi32>
        %add3A_852 = arith.constant 16 : i32
        %add3A_853 = vector.broadcast %add3A_852 : i32 to vector<16xi32>
        %add3A_854 = arith.addi %broadcast_in_dim3A_20, %add3A_853 : vector<16xi32>
        %select_n3A_855 = arith.select %lt3A_851, %add3A_854, %broadcast_in_dim3A_20 : vector<16xi1>, vector<16xi32>
        %broadcast_in_dim3A_856 = vector.shape_cast %select_n3A_855 : vector<16xi32> to vector<16x1xi32>
        %gather3A_857 = vector.shape_cast %broadcast_in_dim3A_856 : vector<16x1xi32> to vector<16xi32>
        %gather3A_858 = tpu.dynamic_gather %exp3A_827[%gather3A_857] in [0] : vector<16xf32>, vector<16xi32> -> vector<16xf32>
        %mul3A_859 = arith.mulf %get3A_848, %gather3A_858 : vector<16xf32>
        %pack3A_860 = tpu.pack_subelements %mul3A_845, %mul3A_859 {pack_format = #tpu.pack_format<interleaved>, positions = array<i32: 0, 1>} : vector<16xf32>, vector<16xf32> -> vector<32xbf16>
        %swap3A_861 = arith.index_cast %scan3A_629 : i32 to index
        %swap3A_862 = arith.constant 0 : index
        %swap3A_863 = tpu.vector_load %arg16[%swap3A_861, %swap3A_862] {strides = array<i32>} : memref<80x160xbf16, #tpu.memory_space<vmem>>, vector<32xbf16>,
        tpu.vector_store %arg16[%swap3A_861, %swap3A_862], %pack3A_860 {strides = array<i32>} : memref<80x160xbf16, #tpu.memory_space<vmem>>, vector<32xbf16>,
        %get3A_864 = arith.index_cast %scan3A_629 : i32 to index
        %get3A_865 = arith.constant 160 : index
        %get3A_866 = tpu.vector_load %arg14[%get3A_864, %get3A_865] {strides = array<i32>} : memref<80x256xf32, #tpu.memory_space<vmem>>, vector<16xf32>,
        %lt3A_867 = arith.constant 0 : i32
        %lt3A_868 = vector.broadcast %lt3A_867 : i32 to vector<16xi32>
        %lt3A_869 = arith.cmpi slt, %broadcast_in_dim3A_22, %lt3A_868 : vector<16xi32>
        %add3A_870 = arith.constant 16 : i32
        %add3A_871 = vector.broadcast %add3A_870 : i32 to vector<16xi32>
        %add3A_872 = arith.addi %broadcast_in_dim3A_22, %add3A_871 : vector<16xi32>
        %select_n3A_873 = arith.select %lt3A_869, %add3A_872, %broadcast_in_dim3A_22 : vector<16xi1>, vector<16xi32>
        %broadcast_in_dim3A_874 = vector.shape_cast %select_n3A_873 : vector<16xi32> to vector<16x1xi32>
        %gather3A_875 = vector.shape_cast %broadcast_in_dim3A_874 : vector<16x1xi32> to vector<16xi32>
        %gather3A_876 = tpu.dynamic_gather %exp3A_827[%gather3A_875] in [0] : vector<16xf32>, vector<16xi32> -> vector<16xf32>
        %mul3A_877 = arith.mulf %get3A_866, %gather3A_876 : vector<16xf32>
        %get3A_878 = arith.index_cast %scan3A_629 : i32 to index
        %get3A_879 = arith.constant 176 : index
        %get3A_880 = tpu.vector_load %arg14[%get3A_878, %get3A_879] {strides = array<i32>} : memref<80x256xf32, #tpu.memory_space<vmem>>, vector<16xf32>,
        %lt3A_881 = arith.constant 0 : i32
        %lt3A_882 = vector.broadcast %lt3A_881 : i32 to vector<16xi32>
        %lt3A_883 = arith.cmpi slt, %broadcast_in_dim3A_24, %lt3A_882 : vector<16xi32>
        %add3A_884 = arith.constant 16 : i32
        %add3A_885 = vector.broadcast %add3A_884 : i32 to vector<16xi32>
        %add3A_886 = arith.addi %broadcast_in_dim3A_24, %add3A_885 : vector<16xi32>
        %select_n3A_887 = arith.select %lt3A_883, %add3A_886, %broadcast_in_dim3A_24 : vector<16xi1>, vector<16xi32>
        %broadcast_in_dim3A_888 = vector.shape_cast %select_n3A_887 : vector<16xi32> to vector<16x1xi32>
        %gather3A_889 = vector.shape_cast %broadcast_in_dim3A_888 : vector<16x1xi32> to vector<16xi32>
        %gather3A_890 = tpu.dynamic_gather %exp3A_827[%gather3A_889] in [0] : vector<16xf32>, vector<16xi32> -> vector<16xf32>
        %mul3A_891 = arith.mulf %get3A_880, %gather3A_890 : vector<16xf32>
        %pack3A_892 = tpu.pack_subelements %mul3A_877, %mul3A_891 {pack_format = #tpu.pack_format<interleaved>, positions = array<i32: 0, 1>} : vector<16xf32>, vector<16xf32> -> vector<32xbf16>
        %swap3A_893 = arith.index_cast %scan3A_629 : i32 to index
        %swap3A_894 = arith.constant 32 : index
        %swap3A_895 = tpu.vector_load %arg16[%swap3A_893, %swap3A_894] {strides = array<i32>} : memref<80x160xbf16, #tpu.memory_space<vmem>>, vector<32xbf16>,
        tpu.vector_store %arg16[%swap3A_893, %swap3A_894], %pack3A_892 {strides = array<i32>} : memref<80x160xbf16, #tpu.memory_space<vmem>>, vector<32xbf16>,
        %get3A_896 = arith.index_cast %scan3A_629 : i32 to index
        %get3A_897 = arith.constant 192 : index
        %get3A_898 = tpu.vector_load %arg14[%get3A_896, %get3A_897] {strides = array<i32>} : memref<80x256xf32, #tpu.memory_space<vmem>>, vector<16xf32>,
        %lt3A_899 = arith.constant 0 : i32
        %lt3A_900 = vector.broadcast %lt3A_899 : i32 to vector<16xi32>
        %lt3A_901 = arith.cmpi slt, %broadcast_in_dim3A_26, %lt3A_900 : vector<16xi32>
        %add3A_902 = arith.constant 16 : i32
        %add3A_903 = vector.broadcast %add3A_902 : i32 to vector<16xi32>
        %add3A_904 = arith.addi %broadcast_in_dim3A_26, %add3A_903 : vector<16xi32>
        %select_n3A_905 = arith.select %lt3A_901, %add3A_904, %broadcast_in_dim3A_26 : vector<16xi1>, vector<16xi32>
        %broadcast_in_dim3A_906 = vector.shape_cast %select_n3A_905 : vector<16xi32> to vector<16x1xi32>
        %gather3A_907 = vector.shape_cast %broadcast_in_dim3A_906 : vector<16x1xi32> to vector<16xi32>
        %gather3A_908 = tpu.dynamic_gather %exp3A_827[%gather3A_907] in [0] : vector<16xf32>, vector<16xi32> -> vector<16xf32>
        %mul3A_909 = arith.mulf %get3A_898, %gather3A_908 : vector<16xf32>
        %get3A_910 = arith.index_cast %scan3A_629 : i32 to index
        %get3A_911 = arith.constant 208 : index
        %get3A_912 = tpu.vector_load %arg14[%get3A_910, %get3A_911] {strides = array<i32>} : memref<80x256xf32, #tpu.memory_space<vmem>>, vector<16xf32>,
        %lt3A_913 = arith.constant 0 : i32
        %lt3A_914 = vector.broadcast %lt3A_913 : i32 to vector<16xi32>
        %lt3A_915 = arith.cmpi slt, %broadcast_in_dim3A_28, %lt3A_914 : vector<16xi32>
        %add3A_916 = arith.constant 16 : i32
        %add3A_917 = vector.broadcast %add3A_916 : i32 to vector<16xi32>
        %add3A_918 = arith.addi %broadcast_in_dim3A_28, %add3A_917 : vector<16xi32>
        %select_n3A_919 = arith.select %lt3A_915, %add3A_918, %broadcast_in_dim3A_28 : vector<16xi1>, vector<16xi32>
        %broadcast_in_dim3A_920 = vector.shape_cast %select_n3A_919 : vector<16xi32> to vector<16x1xi32>
        %gather3A_921 = vector.shape_cast %broadcast_in_dim3A_920 : vector<16x1xi32> to vector<16xi32>
        %gather3A_922 = tpu.dynamic_gather %exp3A_827[%gather3A_921] in [0] : vector<16xf32>, vector<16xi32> -> vector<16xf32>
        %mul3A_923 = arith.mulf %get3A_912, %gather3A_922 : vector<16xf32>
        %pack3A_924 = tpu.pack_subelements %mul3A_909, %mul3A_923 {pack_format = #tpu.pack_format<interleaved>, positions = array<i32: 0, 1>} : vector<16xf32>, vector<16xf32> -> vector<32xbf16>
        %swap3A_925 = arith.index_cast %scan3A_629 : i32 to index
        %swap3A_926 = arith.constant 64 : index
        %swap3A_927 = tpu.vector_load %arg16[%swap3A_925, %swap3A_926] {strides = array<i32>} : memref<80x160xbf16, #tpu.memory_space<vmem>>, vector<32xbf16>,
        tpu.vector_store %arg16[%swap3A_925, %swap3A_926], %pack3A_924 {strides = array<i32>} : memref<80x160xbf16, #tpu.memory_space<vmem>>, vector<32xbf16>,
        %get3A_928 = arith.index_cast %scan3A_629 : i32 to index
        %get3A_929 = arith.constant 224 : index
        %get3A_930 = tpu.vector_load %arg14[%get3A_928, %get3A_929] {strides = array<i32>} : memref<80x256xf32, #tpu.memory_space<vmem>>, vector<16xf32>,
        %lt3A_931 = arith.constant 0 : i32
        %lt3A_932 = vector.broadcast %lt3A_931 : i32 to vector<16xi32>
        %lt3A_933 = arith.cmpi slt, %broadcast_in_dim3A_30, %lt3A_932 : vector<16xi32>
        %add3A_934 = arith.constant 16 : i32
        %add3A_935 = vector.broadcast %add3A_934 : i32 to vector<16xi32>
        %add3A_936 = arith.addi %broadcast_in_dim3A_30, %add3A_935 : vector<16xi32>
        %select_n3A_937 = arith.select %lt3A_933, %add3A_936, %broadcast_in_dim3A_30 : vector<16xi1>, vector<16xi32>
        %broadcast_in_dim3A_938 = vector.shape_cast %select_n3A_937 : vector<16xi32> to vector<16x1xi32>
        %gather3A_939 = vector.shape_cast %broadcast_in_dim3A_938 : vector<16x1xi32> to vector<16xi32>
        %gather3A_940 = tpu.dynamic_gather %exp3A_827[%gather3A_939] in [0] : vector<16xf32>, vector<16xi32> -> vector<16xf32>
        %mul3A_941 = arith.mulf %get3A_930, %gather3A_940 : vector<16xf32>
        %get3A_942 = arith.index_cast %scan3A_629 : i32 to index
        %get3A_943 = arith.constant 240 : index
        %get3A_944 = tpu.vector_load %arg14[%get3A_942, %get3A_943] {strides = array<i32>} : memref<80x256xf32, #tpu.memory_space<vmem>>, vector<16xf32>,
        %lt3A_945 = arith.constant 0 : i32
        %lt3A_946 = vector.broadcast %lt3A_945 : i32 to vector<16xi32>
        %lt3A_947 = arith.cmpi slt, %broadcast_in_dim3A_32, %lt3A_946 : vector<16xi32>
        %add3A_948 = arith.constant 16 : i32
        %add3A_949 = vector.broadcast %add3A_948 : i32 to vector<16xi32>
        %add3A_950 = arith.addi %broadcast_in_dim3A_32, %add3A_949 : vector<16xi32>
        %select_n3A_951 = arith.select %lt3A_947, %add3A_950, %broadcast_in_dim3A_32 : vector<16xi1>, vector<16xi32>
        %broadcast_in_dim3A_952 = vector.shape_cast %select_n3A_951 : vector<16xi32> to vector<16x1xi32>
        %gather3A_953 = vector.shape_cast %broadcast_in_dim3A_952 : vector<16x1xi32> to vector<16xi32>
        %gather3A_954 = tpu.dynamic_gather %exp3A_827[%gather3A_953] in [0] : vector<16xf32>, vector<16xi32> -> vector<16xf32>
        %mul3A_955 = arith.mulf %get3A_944, %gather3A_954 : vector<16xf32>
        %pack3A_956 = tpu.pack_subelements %mul3A_941, %mul3A_955 {pack_format = #tpu.pack_format<interleaved>, positions = array<i32: 0, 1>} : vector<16xf32>, vector<16xf32> -> vector<32xbf16>
        %swap3A_957 = arith.index_cast %scan3A_629 : i32 to index
        %swap3A_958 = arith.constant 96 : index
        %swap3A_959 = tpu.vector_load %arg16[%swap3A_957, %swap3A_958] {strides = array<i32>} : memref<80x160xbf16, #tpu.memory_space<vmem>>, vector<32xbf16>,
        tpu.vector_store %arg16[%swap3A_957, %swap3A_958], %pack3A_956 {strides = array<i32>} : memref<80x160xbf16, #tpu.memory_space<vmem>>, vector<32xbf16>,
        %scan3A_960 = arith.constant 0 : i32
        %scan3A_961 = arith.constant 2 : i32
        %scan3A_962 = arith.addi %scan3A_300, %scan3A_961 : i32
        %broadcast_in_dim3A_963 = arith.constant 0.000000e+00 : f32
        %broadcast_in_dim3A_964 = vector.broadcast %broadcast_in_dim3A_963 : f32 to vector<16xf32>
        %get3A_965 = arith.index_cast %scan3A_962 : i32 to index
        %get3A_966 = arith.constant 0 : index
        %get3A_967 = tpu.vector_load %arg12[%get3A_965, %get3A_966] {strides = array<i32>} : memref<80x128xf32, #tpu.memory_space<vmem>>, vector<16xf32>,
        %get3A_968 = arith.index_cast %scan3A_962 : i32 to index
        %get3A_969 = arith.constant 0 : index
        %get3A_970 = tpu.vector_load %arg14[%get3A_968, %get3A_969] {strides = array<i32>} : memref<80x256xf32, #tpu.memory_space<vmem>>, vector<16xf32>,
        %mul3A_971 = arith.mulf %get3A_967, %get3A_970 : vector<16xf32>
        %cumsum3A_972 = arith.constant true
        %cumsum3A_973 = vector.broadcast %cumsum3A_972 : i1 to vector<16xi1>
        %cumsum3A_974 = tpu.scan <sum>, %mul3A_971 masked %cumsum3A_973 : vector<16xf32>, vector<16xi1> -> vector<16xf32>
        %eq3A_975 = arith.constant 0 : i32
        %eq3A_976 = vector.broadcast %eq3A_975 : i32 to vector<16xi32>
        %eq3A_977 = arith.cmpi eq, %iota3A, %eq3A_976 : vector<16xi32>
        %lt3A_978 = arith.constant 0 : i32
        %lt3A_979 = vector.broadcast %lt3A_978 : i32 to vector<16xi32>
        %lt3A_980 = arith.cmpi slt, %broadcast_in_dim3A_16, %lt3A_979 : vector<16xi32>
        %add3A_981 = arith.constant 16 : i32
        %add3A_982 = vector.broadcast %add3A_981 : i32 to vector<16xi32>
        %add3A_983 = arith.addi %broadcast_in_dim3A_16, %add3A_982 : vector<16xi32>
        %select_n3A_984 = arith.select %lt3A_980, %add3A_983, %broadcast_in_dim3A_16 : vector<16xi1>, vector<16xi32>
        %broadcast_in_dim3A_985 = vector.shape_cast %select_n3A_984 : vector<16xi32> to vector<16x1xi32>
        %gather3A_986 = vector.shape_cast %broadcast_in_dim3A_985 : vector<16x1xi32> to vector<16xi32>
        %gather3A_987 = tpu.dynamic_gather %cumsum3A_974[%gather3A_986] in [0] : vector<16xf32>, vector<16xi32> -> vector<16xf32>
        %select_n3A_988 = arith.select %eq3A_977, %gather3A_987, %broadcast_in_dim3A_964 : vector<16xi1>, vector<16xf32>
        %get3A_989 = arith.index_cast %scan3A_962 : i32 to index
        %get3A_990 = arith.constant 16 : index
        %get3A_991 = tpu.vector_load %arg12[%get3A_989, %get3A_990] {strides = array<i32>} : memref<80x128xf32, #tpu.memory_space<vmem>>, vector<16xf32>,
        %get3A_992 = arith.index_cast %scan3A_962 : i32 to index
        %get3A_993 = arith.constant 16 : index
        %get3A_994 = tpu.vector_load %arg14[%get3A_992, %get3A_993] {strides = array<i32>} : memref<80x256xf32, #tpu.memory_space<vmem>>, vector<16xf32>,
        %mul3A_995 = arith.mulf %get3A_991, %get3A_994 : vector<16xf32>
        %cumsum3A_996 = arith.constant true
        %cumsum3A_997 = vector.broadcast %cumsum3A_996 : i1 to vector<16xi1>
        %cumsum3A_998 = tpu.scan <sum>, %mul3A_995 masked %cumsum3A_997 : vector<16xf32>, vector<16xi1> -> vector<16xf32>
        %eq3A_999 = arith.constant 1 : i32
        %eq3A_1000 = vector.broadcast %eq3A_999 : i32 to vector<16xi32>
        %eq3A_1001 = arith.cmpi eq, %iota3A, %eq3A_1000 : vector<16xi32>
        %lt3A_1002 = arith.constant 0 : i32
        %lt3A_1003 = vector.broadcast %lt3A_1002 : i32 to vector<16xi32>
        %lt3A_1004 = arith.cmpi slt, %broadcast_in_dim3A_16, %lt3A_1003 : vector<16xi32>
        %add3A_1005 = arith.constant 16 : i32
        %add3A_1006 = vector.broadcast %add3A_1005 : i32 to vector<16xi32>
        %add3A_1007 = arith.addi %broadcast_in_dim3A_16, %add3A_1006 : vector<16xi32>
        %select_n3A_1008 = arith.select %lt3A_1004, %add3A_1007, %broadcast_in_dim3A_16 : vector<16xi1>, vector<16xi32>
        %broadcast_in_dim3A_1009 = vector.shape_cast %select_n3A_1008 : vector<16xi32> to vector<16x1xi32>
        %gather3A_1010 = vector.shape_cast %broadcast_in_dim3A_1009 : vector<16x1xi32> to vector<16xi32>
        %gather3A_1011 = tpu.dynamic_gather %cumsum3A_998[%gather3A_1010] in [0] : vector<16xf32>, vector<16xi32> -> vector<16xf32>
        %select_n3A_1012 = arith.select %eq3A_1001, %gather3A_1011, %select_n3A_988 : vector<16xi1>, vector<16xf32>
        %get3A_1013 = arith.index_cast %scan3A_962 : i32 to index
        %get3A_1014 = arith.constant 32 : index
        %get3A_1015 = tpu.vector_load %arg12[%get3A_1013, %get3A_1014] {strides = array<i32>} : memref<80x128xf32, #tpu.memory_space<vmem>>, vector<16xf32>,
        %get3A_1016 = arith.index_cast %scan3A_962 : i32 to index
        %get3A_1017 = arith.constant 32 : index
        %get3A_1018 = tpu.vector_load %arg14[%get3A_1016, %get3A_1017] {strides = array<i32>} : memref<80x256xf32, #tpu.memory_space<vmem>>, vector<16xf32>,
        %mul3A_1019 = arith.mulf %get3A_1015, %get3A_1018 : vector<16xf32>
        %cumsum3A_1020 = arith.constant true
        %cumsum3A_1021 = vector.broadcast %cumsum3A_1020 : i1 to vector<16xi1>
        %cumsum3A_1022 = tpu.scan <sum>, %mul3A_1019 masked %cumsum3A_1021 : vector<16xf32>, vector<16xi1> -> vector<16xf32>
        %eq3A_1023 = arith.constant 2 : i32
        %eq3A_1024 = vector.broadcast %eq3A_1023 : i32 to vector<16xi32>
        %eq3A_1025 = arith.cmpi eq, %iota3A, %eq3A_1024 : vector<16xi32>
        %lt3A_1026 = arith.constant 0 : i32
        %lt3A_1027 = vector.broadcast %lt3A_1026 : i32 to vector<16xi32>
        %lt3A_1028 = arith.cmpi slt, %broadcast_in_dim3A_16, %lt3A_1027 : vector<16xi32>
        %add3A_1029 = arith.constant 16 : i32
        %add3A_1030 = vector.broadcast %add3A_1029 : i32 to vector<16xi32>
        %add3A_1031 = arith.addi %broadcast_in_dim3A_16, %add3A_1030 : vector<16xi32>
        %select_n3A_1032 = arith.select %lt3A_1028, %add3A_1031, %broadcast_in_dim3A_16 : vector<16xi1>, vector<16xi32>
        %broadcast_in_dim3A_1033 = vector.shape_cast %select_n3A_1032 : vector<16xi32> to vector<16x1xi32>
        %gather3A_1034 = vector.shape_cast %broadcast_in_dim3A_1033 : vector<16x1xi32> to vector<16xi32>
        %gather3A_1035 = tpu.dynamic_gather %cumsum3A_1022[%gather3A_1034] in [0] : vector<16xf32>, vector<16xi32> -> vector<16xf32>
        %select_n3A_1036 = arith.select %eq3A_1025, %gather3A_1035, %select_n3A_1012 : vector<16xi1>, vector<16xf32>
        %get3A_1037 = arith.index_cast %scan3A_962 : i32 to index
        %get3A_1038 = arith.constant 48 : index
        %get3A_1039 = tpu.vector_load %arg12[%get3A_1037, %get3A_1038] {strides = array<i32>} : memref<80x128xf32, #tpu.memory_space<vmem>>, vector<16xf32>,
        %get3A_1040 = arith.index_cast %scan3A_962 : i32 to index
        %get3A_1041 = arith.constant 48 : index
        %get3A_1042 = tpu.vector_load %arg14[%get3A_1040, %get3A_1041] {strides = array<i32>} : memref<80x256xf32, #tpu.memory_space<vmem>>, vector<16xf32>,
        %mul3A_1043 = arith.mulf %get3A_1039, %get3A_1042 : vector<16xf32>
        %cumsum3A_1044 = arith.constant true
        %cumsum3A_1045 = vector.broadcast %cumsum3A_1044 : i1 to vector<16xi1>
        %cumsum3A_1046 = tpu.scan <sum>, %mul3A_1043 masked %cumsum3A_1045 : vector<16xf32>, vector<16xi1> -> vector<16xf32>
        %eq3A_1047 = arith.constant 3 : i32
        %eq3A_1048 = vector.broadcast %eq3A_1047 : i32 to vector<16xi32>
        %eq3A_1049 = arith.cmpi eq, %iota3A, %eq3A_1048 : vector<16xi32>
        %lt3A_1050 = arith.constant 0 : i32
        %lt3A_1051 = vector.broadcast %lt3A_1050 : i32 to vector<16xi32>
        %lt3A_1052 = arith.cmpi slt, %broadcast_in_dim3A_16, %lt3A_1051 : vector<16xi32>
        %add3A_1053 = arith.constant 16 : i32
        %add3A_1054 = vector.broadcast %add3A_1053 : i32 to vector<16xi32>
        %add3A_1055 = arith.addi %broadcast_in_dim3A_16, %add3A_1054 : vector<16xi32>
        %select_n3A_1056 = arith.select %lt3A_1052, %add3A_1055, %broadcast_in_dim3A_16 : vector<16xi1>, vector<16xi32>
        %broadcast_in_dim3A_1057 = vector.shape_cast %select_n3A_1056 : vector<16xi32> to vector<16x1xi32>
        %gather3A_1058 = vector.shape_cast %broadcast_in_dim3A_1057 : vector<16x1xi32> to vector<16xi32>
        %gather3A_1059 = tpu.dynamic_gather %cumsum3A_1046[%gather3A_1058] in [0] : vector<16xf32>, vector<16xi32> -> vector<16xf32>
        %select_n3A_1060 = arith.select %eq3A_1049, %gather3A_1059, %select_n3A_1036 : vector<16xi1>, vector<16xf32>
        %get3A_1061 = arith.index_cast %scan3A_962 : i32 to index
        %get3A_1062 = arith.constant 64 : index
        %get3A_1063 = tpu.vector_load %arg12[%get3A_1061, %get3A_1062] {strides = array<i32>} : memref<80x128xf32, #tpu.memory_space<vmem>>, vector<16xf32>,
        %get3A_1064 = arith.index_cast %scan3A_962 : i32 to index
        %get3A_1065 = arith.constant 64 : index
        %get3A_1066 = tpu.vector_load %arg14[%get3A_1064, %get3A_1065] {strides = array<i32>} : memref<80x256xf32, #tpu.memory_space<vmem>>, vector<16xf32>,
        %mul3A_1067 = arith.mulf %get3A_1063, %get3A_1066 : vector<16xf32>
        %cumsum3A_1068 = arith.constant true
        %cumsum3A_1069 = vector.broadcast %cumsum3A_1068 : i1 to vector<16xi1>
        %cumsum3A_1070 = tpu.scan <sum>, %mul3A_1067 masked %cumsum3A_1069 : vector<16xf32>, vector<16xi1> -> vector<16xf32>
        %eq3A_1071 = arith.constant 4 : i32
        %eq3A_1072 = vector.broadcast %eq3A_1071 : i32 to vector<16xi32>
        %eq3A_1073 = arith.cmpi eq, %iota3A, %eq3A_1072 : vector<16xi32>
        %lt3A_1074 = arith.constant 0 : i32
        %lt3A_1075 = vector.broadcast %lt3A_1074 : i32 to vector<16xi32>
        %lt3A_1076 = arith.cmpi slt, %broadcast_in_dim3A_16, %lt3A_1075 : vector<16xi32>
        %add3A_1077 = arith.constant 16 : i32
        %add3A_1078 = vector.broadcast %add3A_1077 : i32 to vector<16xi32>
        %add3A_1079 = arith.addi %broadcast_in_dim3A_16, %add3A_1078 : vector<16xi32>
        %select_n3A_1080 = arith.select %lt3A_1076, %add3A_1079, %broadcast_in_dim3A_16 : vector<16xi1>, vector<16xi32>
        %broadcast_in_dim3A_1081 = vector.shape_cast %select_n3A_1080 : vector<16xi32> to vector<16x1xi32>
        %gather3A_1082 = vector.shape_cast %broadcast_in_dim3A_1081 : vector<16x1xi32> to vector<16xi32>
        %gather3A_1083 = tpu.dynamic_gather %cumsum3A_1070[%gather3A_1082] in [0] : vector<16xf32>, vector<16xi32> -> vector<16xf32>
        %select_n3A_1084 = arith.select %eq3A_1073, %gather3A_1083, %select_n3A_1060 : vector<16xi1>, vector<16xf32>
        %get3A_1085 = arith.index_cast %scan3A_962 : i32 to index
        %get3A_1086 = arith.constant 80 : index
        %get3A_1087 = tpu.vector_load %arg12[%get3A_1085, %get3A_1086] {strides = array<i32>} : memref<80x128xf32, #tpu.memory_space<vmem>>, vector<16xf32>,
        %get3A_1088 = arith.index_cast %scan3A_962 : i32 to index
        %get3A_1089 = arith.constant 80 : index
        %get3A_1090 = tpu.vector_load %arg14[%get3A_1088, %get3A_1089] {strides = array<i32>} : memref<80x256xf32, #tpu.memory_space<vmem>>, vector<16xf32>,
        %mul3A_1091 = arith.mulf %get3A_1087, %get3A_1090 : vector<16xf32>
        %cumsum3A_1092 = arith.constant true
        %cumsum3A_1093 = vector.broadcast %cumsum3A_1092 : i1 to vector<16xi1>
        %cumsum3A_1094 = tpu.scan <sum>, %mul3A_1091 masked %cumsum3A_1093 : vector<16xf32>, vector<16xi1> -> vector<16xf32>
        %eq3A_1095 = arith.constant 5 : i32
        %eq3A_1096 = vector.broadcast %eq3A_1095 : i32 to vector<16xi32>
        %eq3A_1097 = arith.cmpi eq, %iota3A, %eq3A_1096 : vector<16xi32>
        %lt3A_1098 = arith.constant 0 : i32
        %lt3A_1099 = vector.broadcast %lt3A_1098 : i32 to vector<16xi32>
        %lt3A_1100 = arith.cmpi slt, %broadcast_in_dim3A_16, %lt3A_1099 : vector<16xi32>
        %add3A_1101 = arith.constant 16 : i32
        %add3A_1102 = vector.broadcast %add3A_1101 : i32 to vector<16xi32>
        %add3A_1103 = arith.addi %broadcast_in_dim3A_16, %add3A_1102 : vector<16xi32>
        %select_n3A_1104 = arith.select %lt3A_1100, %add3A_1103, %broadcast_in_dim3A_16 : vector<16xi1>, vector<16xi32>
        %broadcast_in_dim3A_1105 = vector.shape_cast %select_n3A_1104 : vector<16xi32> to vector<16x1xi32>
        %gather3A_1106 = vector.shape_cast %broadcast_in_dim3A_1105 : vector<16x1xi32> to vector<16xi32>
        %gather3A_1107 = tpu.dynamic_gather %cumsum3A_1094[%gather3A_1106] in [0] : vector<16xf32>, vector<16xi32> -> vector<16xf32>
        %select_n3A_1108 = arith.select %eq3A_1097, %gather3A_1107, %select_n3A_1084 : vector<16xi1>, vector<16xf32>
        %get3A_1109 = arith.index_cast %scan3A_962 : i32 to index
        %get3A_1110 = arith.constant 96 : index
        %get3A_1111 = tpu.vector_load %arg12[%get3A_1109, %get3A_1110] {strides = array<i32>} : memref<80x128xf32, #tpu.memory_space<vmem>>, vector<16xf32>,
        %get3A_1112 = arith.index_cast %scan3A_962 : i32 to index
        %get3A_1113 = arith.constant 96 : index
        %get3A_1114 = tpu.vector_load %arg14[%get3A_1112, %get3A_1113] {strides = array<i32>} : memref<80x256xf32, #tpu.memory_space<vmem>>, vector<16xf32>,
        %mul3A_1115 = arith.mulf %get3A_1111, %get3A_1114 : vector<16xf32>
        %cumsum3A_1116 = arith.constant true
        %cumsum3A_1117 = vector.broadcast %cumsum3A_1116 : i1 to vector<16xi1>
        %cumsum3A_1118 = tpu.scan <sum>, %mul3A_1115 masked %cumsum3A_1117 : vector<16xf32>, vector<16xi1> -> vector<16xf32>
        %eq3A_1119 = arith.constant 6 : i32
        %eq3A_1120 = vector.broadcast %eq3A_1119 : i32 to vector<16xi32>
        %eq3A_1121 = arith.cmpi eq, %iota3A, %eq3A_1120 : vector<16xi32>
        %lt3A_1122 = arith.constant 0 : i32
        %lt3A_1123 = vector.broadcast %lt3A_1122 : i32 to vector<16xi32>
        %lt3A_1124 = arith.cmpi slt, %broadcast_in_dim3A_16, %lt3A_1123 : vector<16xi32>
        %add3A_1125 = arith.constant 16 : i32
        %add3A_1126 = vector.broadcast %add3A_1125 : i32 to vector<16xi32>
        %add3A_1127 = arith.addi %broadcast_in_dim3A_16, %add3A_1126 : vector<16xi32>
        %select_n3A_1128 = arith.select %lt3A_1124, %add3A_1127, %broadcast_in_dim3A_16 : vector<16xi1>, vector<16xi32>
        %broadcast_in_dim3A_1129 = vector.shape_cast %select_n3A_1128 : vector<16xi32> to vector<16x1xi32>
        %gather3A_1130 = vector.shape_cast %broadcast_in_dim3A_1129 : vector<16x1xi32> to vector<16xi32>
        %gather3A_1131 = tpu.dynamic_gather %cumsum3A_1118[%gather3A_1130] in [0] : vector<16xf32>, vector<16xi32> -> vector<16xf32>
        %select_n3A_1132 = arith.select %eq3A_1121, %gather3A_1131, %select_n3A_1108 : vector<16xi1>, vector<16xf32>
        %get3A_1133 = arith.index_cast %scan3A_962 : i32 to index
        %get3A_1134 = arith.constant 112 : index
        %get3A_1135 = tpu.vector_load %arg12[%get3A_1133, %get3A_1134] {strides = array<i32>} : memref<80x128xf32, #tpu.memory_space<vmem>>, vector<16xf32>,
        %get3A_1136 = arith.index_cast %scan3A_962 : i32 to index
        %get3A_1137 = arith.constant 112 : index
        %get3A_1138 = tpu.vector_load %arg14[%get3A_1136, %get3A_1137] {strides = array<i32>} : memref<80x256xf32, #tpu.memory_space<vmem>>, vector<16xf32>,
        %mul3A_1139 = arith.mulf %get3A_1135, %get3A_1138 : vector<16xf32>
        %cumsum3A_1140 = arith.constant true
        %cumsum3A_1141 = vector.broadcast %cumsum3A_1140 : i1 to vector<16xi1>
        %cumsum3A_1142 = tpu.scan <sum>, %mul3A_1139 masked %cumsum3A_1141 : vector<16xf32>, vector<16xi1> -> vector<16xf32>
        %eq3A_1143 = arith.constant 7 : i32
        %eq3A_1144 = vector.broadcast %eq3A_1143 : i32 to vector<16xi32>
        %eq3A_1145 = arith.cmpi eq, %iota3A, %eq3A_1144 : vector<16xi32>
        %lt3A_1146 = arith.constant 0 : i32
        %lt3A_1147 = vector.broadcast %lt3A_1146 : i32 to vector<16xi32>
        %lt3A_1148 = arith.cmpi slt, %broadcast_in_dim3A_16, %lt3A_1147 : vector<16xi32>
        %add3A_1149 = arith.constant 16 : i32
        %add3A_1150 = vector.broadcast %add3A_1149 : i32 to vector<16xi32>
        %add3A_1151 = arith.addi %broadcast_in_dim3A_16, %add3A_1150 : vector<16xi32>
        %select_n3A_1152 = arith.select %lt3A_1148, %add3A_1151, %broadcast_in_dim3A_16 : vector<16xi1>, vector<16xi32>
        %broadcast_in_dim3A_1153 = vector.shape_cast %select_n3A_1152 : vector<16xi32> to vector<16x1xi32>
        %gather3A_1154 = vector.shape_cast %broadcast_in_dim3A_1153 : vector<16x1xi32> to vector<16xi32>
        %gather3A_1155 = tpu.dynamic_gather %cumsum3A_1142[%gather3A_1154] in [0] : vector<16xf32>, vector<16xi32> -> vector<16xf32>
        %select_n3A_1156 = arith.select %eq3A_1145, %gather3A_1155, %select_n3A_1132 : vector<16xi1>, vector<16xf32>
        %mul3A_1157 = arith.constant 2.500000e-01 : f32
        %mul3A_1158 = vector.broadcast %mul3A_1157 : f32 to vector<16xf32>
        %mul3A_1159 = arith.mulf %select_n3A_1156, %mul3A_1158 : vector<16xf32>
        %exp3A_1160 = math.exp %mul3A_1159 : vector<16xf32>
        %pack3A_1161 = tpu.pack_subelements %exp3A_1160, %exp3A_1160 {pack_format = #tpu.pack_format<interleaved>, positions = array<i32: 0, 1>} : vector<16xf32>, vector<16xf32> -> vector<32xbf16>
        %swap3A_1162 = arith.index_cast %scan3A_962 : i32 to index
        %swap3A_1163 = arith.constant 128 : index
        %swap3A_1164 = tpu.vector_load %arg16[%swap3A_1162, %swap3A_1163] {strides = array<i32>} : memref<80x160xbf16, #tpu.memory_space<vmem>>, vector<32xbf16>,
        tpu.vector_store %arg16[%swap3A_1162, %swap3A_1163], %pack3A_1161 {strides = array<i32>} : memref<80x160xbf16, #tpu.memory_space<vmem>>, vector<32xbf16>,
        %get3A_1165 = arith.index_cast %scan3A_962 : i32 to index
        %get3A_1166 = arith.constant 128 : index
        %get3A_1167 = tpu.vector_load %arg14[%get3A_1165, %get3A_1166] {strides = array<i32>} : memref<80x256xf32, #tpu.memory_space<vmem>>, vector<16xf32>,
        %lt3A_1168 = arith.constant 0 : i32
        %lt3A_1169 = vector.broadcast %lt3A_1168 : i32 to vector<16xi32>
        %lt3A_1170 = arith.cmpi slt, %broadcast_in_dim3A_18, %lt3A_1169 : vector<16xi32>
        %add3A_1171 = arith.constant 16 : i32
        %add3A_1172 = vector.broadcast %add3A_1171 : i32 to vector<16xi32>
        %add3A_1173 = arith.addi %broadcast_in_dim3A_18, %add3A_1172 : vector<16xi32>
        %select_n3A_1174 = arith.select %lt3A_1170, %add3A_1173, %broadcast_in_dim3A_18 : vector<16xi1>, vector<16xi32>
        %broadcast_in_dim3A_1175 = vector.shape_cast %select_n3A_1174 : vector<16xi32> to vector<16x1xi32>
        %gather3A_1176 = vector.shape_cast %broadcast_in_dim3A_1175 : vector<16x1xi32> to vector<16xi32>
        %gather3A_1177 = tpu.dynamic_gather %exp3A_1160[%gather3A_1176] in [0] : vector<16xf32>, vector<16xi32> -> vector<16xf32>
        %mul3A_1178 = arith.mulf %get3A_1167, %gather3A_1177 : vector<16xf32>
        %get3A_1179 = arith.index_cast %scan3A_962 : i32 to index
        %get3A_1180 = arith.constant 144 : index
        %get3A_1181 = tpu.vector_load %arg14[%get3A_1179, %get3A_1180] {strides = array<i32>} : memref<80x256xf32, #tpu.memory_space<vmem>>, vector<16xf32>,
        %lt3A_1182 = arith.constant 0 : i32
        %lt3A_1183 = vector.broadcast %lt3A_1182 : i32 to vector<16xi32>
        %lt3A_1184 = arith.cmpi slt, %broadcast_in_dim3A_20, %lt3A_1183 : vector<16xi32>
        %add3A_1185 = arith.constant 16 : i32
        %add3A_1186 = vector.broadcast %add3A_1185 : i32 to vector<16xi32>
        %add3A_1187 = arith.addi %broadcast_in_dim3A_20, %add3A_1186 : vector<16xi32>
        %select_n3A_1188 = arith.select %lt3A_1184, %add3A_1187, %broadcast_in_dim3A_20 : vector<16xi1>, vector<16xi32>
        %broadcast_in_dim3A_1189 = vector.shape_cast %select_n3A_1188 : vector<16xi32> to vector<16x1xi32>
        %gather3A_1190 = vector.shape_cast %broadcast_in_dim3A_1189 : vector<16x1xi32> to vector<16xi32>
        %gather3A_1191 = tpu.dynamic_gather %exp3A_1160[%gather3A_1190] in [0] : vector<16xf32>, vector<16xi32> -> vector<16xf32>
        %mul3A_1192 = arith.mulf %get3A_1181, %gather3A_1191 : vector<16xf32>
        %pack3A_1193 = tpu.pack_subelements %mul3A_1178, %mul3A_1192 {pack_format = #tpu.pack_format<interleaved>, positions = array<i32: 0, 1>} : vector<16xf32>, vector<16xf32> -> vector<32xbf16>
        %swap3A_1194 = arith.index_cast %scan3A_962 : i32 to index
        %swap3A_1195 = arith.constant 0 : index
        %swap3A_1196 = tpu.vector_load %arg16[%swap3A_1194, %swap3A_1195] {strides = array<i32>} : memref<80x160xbf16, #tpu.memory_space<vmem>>, vector<32xbf16>,
        tpu.vector_store %arg16[%swap3A_1194, %swap3A_1195], %pack3A_1193 {strides = array<i32>} : memref<80x160xbf16, #tpu.memory_space<vmem>>, vector<32xbf16>,
        %get3A_1197 = arith.index_cast %scan3A_962 : i32 to index
        %get3A_1198 = arith.constant 160 : index
        %get3A_1199 = tpu.vector_load %arg14[%get3A_1197, %get3A_1198] {strides = array<i32>} : memref<80x256xf32, #tpu.memory_space<vmem>>, vector<16xf32>,
        %lt3A_1200 = arith.constant 0 : i32
        %lt3A_1201 = vector.broadcast %lt3A_1200 : i32 to vector<16xi32>
        %lt3A_1202 = arith.cmpi slt, %broadcast_in_dim3A_22, %lt3A_1201 : vector<16xi32>
        %add3A_1203 = arith.constant 16 : i32
        %add3A_1204 = vector.broadcast %add3A_1203 : i32 to vector<16xi32>
        %add3A_1205 = arith.addi %broadcast_in_dim3A_22, %add3A_1204 : vector<16xi32>
        %select_n3A_1206 = arith.select %lt3A_1202, %add3A_1205, %broadcast_in_dim3A_22 : vector<16xi1>, vector<16xi32>
        %broadcast_in_dim3A_1207 = vector.shape_cast %select_n3A_1206 : vector<16xi32> to vector<16x1xi32>
        %gather3A_1208 = vector.shape_cast %broadcast_in_dim3A_1207 : vector<16x1xi32> to vector<16xi32>
        %gather3A_1209 = tpu.dynamic_gather %exp3A_1160[%gather3A_1208] in [0] : vector<16xf32>, vector<16xi32> -> vector<16xf32>
        %mul3A_1210 = arith.mulf %get3A_1199, %gather3A_1209 : vector<16xf32>
        %get3A_1211 = arith.index_cast %scan3A_962 : i32 to index
        %get3A_1212 = arith.constant 176 : index
        %get3A_1213 = tpu.vector_load %arg14[%get3A_1211, %get3A_1212] {strides = array<i32>} : memref<80x256xf32, #tpu.memory_space<vmem>>, vector<16xf32>,
        %lt3A_1214 = arith.constant 0 : i32
        %lt3A_1215 = vector.broadcast %lt3A_1214 : i32 to vector<16xi32>
        %lt3A_1216 = arith.cmpi slt, %broadcast_in_dim3A_24, %lt3A_1215 : vector<16xi32>
        %add3A_1217 = arith.constant 16 : i32
        %add3A_1218 = vector.broadcast %add3A_1217 : i32 to vector<16xi32>
        %add3A_1219 = arith.addi %broadcast_in_dim3A_24, %add3A_1218 : vector<16xi32>
        %select_n3A_1220 = arith.select %lt3A_1216, %add3A_1219, %broadcast_in_dim3A_24 : vector<16xi1>, vector<16xi32>
        %broadcast_in_dim3A_1221 = vector.shape_cast %select_n3A_1220 : vector<16xi32> to vector<16x1xi32>
        %gather3A_1222 = vector.shape_cast %broadcast_in_dim3A_1221 : vector<16x1xi32> to vector<16xi32>
        %gather3A_1223 = tpu.dynamic_gather %exp3A_1160[%gather3A_1222] in [0] : vector<16xf32>, vector<16xi32> -> vector<16xf32>
        %mul3A_1224 = arith.mulf %get3A_1213, %gather3A_1223 : vector<16xf32>
        %pack3A_1225 = tpu.pack_subelements %mul3A_1210, %mul3A_1224 {pack_format = #tpu.pack_format<interleaved>, positions = array<i32: 0, 1>} : vector<16xf32>, vector<16xf32> -> vector<32xbf16>
        %swap3A_1226 = arith.index_cast %scan3A_962 : i32 to index
        %swap3A_1227 = arith.constant 32 : index
        %swap3A_1228 = tpu.vector_load %arg16[%swap3A_1226, %swap3A_1227] {strides = array<i32>} : memref<80x160xbf16, #tpu.memory_space<vmem>>, vector<32xbf16>,
        tpu.vector_store %arg16[%swap3A_1226, %swap3A_1227], %pack3A_1225 {strides = array<i32>} : memref<80x160xbf16, #tpu.memory_space<vmem>>, vector<32xbf16>,
        %get3A_1229 = arith.index_cast %scan3A_962 : i32 to index
        %get3A_1230 = arith.constant 192 : index
        %get3A_1231 = tpu.vector_load %arg14[%get3A_1229, %get3A_1230] {strides = array<i32>} : memref<80x256xf32, #tpu.memory_space<vmem>>, vector<16xf32>,
        %lt3A_1232 = arith.constant 0 : i32
        %lt3A_1233 = vector.broadcast %lt3A_1232 : i32 to vector<16xi32>
        %lt3A_1234 = arith.cmpi slt, %broadcast_in_dim3A_26, %lt3A_1233 : vector<16xi32>
        %add3A_1235 = arith.constant 16 : i32
        %add3A_1236 = vector.broadcast %add3A_1235 : i32 to vector<16xi32>
        %add3A_1237 = arith.addi %broadcast_in_dim3A_26, %add3A_1236 : vector<16xi32>
        %select_n3A_1238 = arith.select %lt3A_1234, %add3A_1237, %broadcast_in_dim3A_26 : vector<16xi1>, vector<16xi32>
        %broadcast_in_dim3A_1239 = vector.shape_cast %select_n3A_1238 : vector<16xi32> to vector<16x1xi32>
        %gather3A_1240 = vector.shape_cast %broadcast_in_dim3A_1239 : vector<16x1xi32> to vector<16xi32>
        %gather3A_1241 = tpu.dynamic_gather %exp3A_1160[%gather3A_1240] in [0] : vector<16xf32>, vector<16xi32> -> vector<16xf32>
        %mul3A_1242 = arith.mulf %get3A_1231, %gather3A_1241 : vector<16xf32>
        %get3A_1243 = arith.index_cast %scan3A_962 : i32 to index
        %get3A_1244 = arith.constant 208 : index
        %get3A_1245 = tpu.vector_load %arg14[%get3A_1243, %get3A_1244] {strides = array<i32>} : memref<80x256xf32, #tpu.memory_space<vmem>>, vector<16xf32>,
        %lt3A_1246 = arith.constant 0 : i32
        %lt3A_1247 = vector.broadcast %lt3A_1246 : i32 to vector<16xi32>
        %lt3A_1248 = arith.cmpi slt, %broadcast_in_dim3A_28, %lt3A_1247 : vector<16xi32>
        %add3A_1249 = arith.constant 16 : i32
        %add3A_1250 = vector.broadcast %add3A_1249 : i32 to vector<16xi32>
        %add3A_1251 = arith.addi %broadcast_in_dim3A_28, %add3A_1250 : vector<16xi32>
        %select_n3A_1252 = arith.select %lt3A_1248, %add3A_1251, %broadcast_in_dim3A_28 : vector<16xi1>, vector<16xi32>
        %broadcast_in_dim3A_1253 = vector.shape_cast %select_n3A_1252 : vector<16xi32> to vector<16x1xi32>
        %gather3A_1254 = vector.shape_cast %broadcast_in_dim3A_1253 : vector<16x1xi32> to vector<16xi32>
        %gather3A_1255 = tpu.dynamic_gather %exp3A_1160[%gather3A_1254] in [0] : vector<16xf32>, vector<16xi32> -> vector<16xf32>
        %mul3A_1256 = arith.mulf %get3A_1245, %gather3A_1255 : vector<16xf32>
        %pack3A_1257 = tpu.pack_subelements %mul3A_1242, %mul3A_1256 {pack_format = #tpu.pack_format<interleaved>, positions = array<i32: 0, 1>} : vector<16xf32>, vector<16xf32> -> vector<32xbf16>
        %swap3A_1258 = arith.index_cast %scan3A_962 : i32 to index
        %swap3A_1259 = arith.constant 64 : index
        %swap3A_1260 = tpu.vector_load %arg16[%swap3A_1258, %swap3A_1259] {strides = array<i32>} : memref<80x160xbf16, #tpu.memory_space<vmem>>, vector<32xbf16>,
        tpu.vector_store %arg16[%swap3A_1258, %swap3A_1259], %pack3A_1257 {strides = array<i32>} : memref<80x160xbf16, #tpu.memory_space<vmem>>, vector<32xbf16>,
        %get3A_1261 = arith.index_cast %scan3A_962 : i32 to index
        %get3A_1262 = arith.constant 224 : index
        %get3A_1263 = tpu.vector_load %arg14[%get3A_1261, %get3A_1262] {strides = array<i32>} : memref<80x256xf32, #tpu.memory_space<vmem>>, vector<16xf32>,
        %lt3A_1264 = arith.constant 0 : i32
        %lt3A_1265 = vector.broadcast %lt3A_1264 : i32 to vector<16xi32>
        %lt3A_1266 = arith.cmpi slt, %broadcast_in_dim3A_30, %lt3A_1265 : vector<16xi32>
        %add3A_1267 = arith.constant 16 : i32
        %add3A_1268 = vector.broadcast %add3A_1267 : i32 to vector<16xi32>
        %add3A_1269 = arith.addi %broadcast_in_dim3A_30, %add3A_1268 : vector<16xi32>
        %select_n3A_1270 = arith.select %lt3A_1266, %add3A_1269, %broadcast_in_dim3A_30 : vector<16xi1>, vector<16xi32>
        %broadcast_in_dim3A_1271 = vector.shape_cast %select_n3A_1270 : vector<16xi32> to vector<16x1xi32>
        %gather3A_1272 = vector.shape_cast %broadcast_in_dim3A_1271 : vector<16x1xi32> to vector<16xi32>
        %gather3A_1273 = tpu.dynamic_gather %exp3A_1160[%gather3A_1272] in [0] : vector<16xf32>, vector<16xi32> -> vector<16xf32>
        %mul3A_1274 = arith.mulf %get3A_1263, %gather3A_1273 : vector<16xf32>
        %get3A_1275 = arith.index_cast %scan3A_962 : i32 to index
        %get3A_1276 = arith.constant 240 : index
        %get3A_1277 = tpu.vector_load %arg14[%get3A_1275, %get3A_1276] {strides = array<i32>} : memref<80x256xf32, #tpu.memory_space<vmem>>, vector<16xf32>,
        %lt3A_1278 = arith.constant 0 : i32
        %lt3A_1279 = vector.broadcast %lt3A_1278 : i32 to vector<16xi32>
        %lt3A_1280 = arith.cmpi slt, %broadcast_in_dim3A_32, %lt3A_1279 : vector<16xi32>
        %add3A_1281 = arith.constant 16 : i32
        %add3A_1282 = vector.broadcast %add3A_1281 : i32 to vector<16xi32>
        %add3A_1283 = arith.addi %broadcast_in_dim3A_32, %add3A_1282 : vector<16xi32>
        %select_n3A_1284 = arith.select %lt3A_1280, %add3A_1283, %broadcast_in_dim3A_32 : vector<16xi1>, vector<16xi32>
        %broadcast_in_dim3A_1285 = vector.shape_cast %select_n3A_1284 : vector<16xi32> to vector<16x1xi32>
        %gather3A_1286 = vector.shape_cast %broadcast_in_dim3A_1285 : vector<16x1xi32> to vector<16xi32>
        %gather3A_1287 = tpu.dynamic_gather %exp3A_1160[%gather3A_1286] in [0] : vector<16xf32>, vector<16xi32> -> vector<16xf32>
        %mul3A_1288 = arith.mulf %get3A_1277, %gather3A_1287 : vector<16xf32>
        %pack3A_1289 = tpu.pack_subelements %mul3A_1274, %mul3A_1288 {pack_format = #tpu.pack_format<interleaved>, positions = array<i32: 0, 1>} : vector<16xf32>, vector<16xf32> -> vector<32xbf16>
        %swap3A_1290 = arith.index_cast %scan3A_962 : i32 to index
        %swap3A_1291 = arith.constant 96 : index
        %swap3A_1292 = tpu.vector_load %arg16[%swap3A_1290, %swap3A_1291] {strides = array<i32>} : memref<80x160xbf16, #tpu.memory_space<vmem>>, vector<32xbf16>,
        tpu.vector_store %arg16[%swap3A_1290, %swap3A_1291], %pack3A_1289 {strides = array<i32>} : memref<80x160xbf16, #tpu.memory_space<vmem>>, vector<32xbf16>,
        %scan3A_1293 = arith.constant 0 : i32
        %scan3A_1294 = arith.constant 3 : i32
        %scan3A_1295 = arith.addi %scan3A_300, %scan3A_1294 : i32
        %broadcast_in_dim3A_1296 = arith.constant 0.000000e+00 : f32
        %broadcast_in_dim3A_1297 = vector.broadcast %broadcast_in_dim3A_1296 : f32 to vector<16xf32>
        %get3A_1298 = arith.index_cast %scan3A_1295 : i32 to index
        %get3A_1299 = arith.constant 0 : index
        %get3A_1300 = tpu.vector_load %arg12[%get3A_1298, %get3A_1299] {strides = array<i32>} : memref<80x128xf32, #tpu.memory_space<vmem>>, vector<16xf32>,
        %get3A_1301 = arith.index_cast %scan3A_1295 : i32 to index
        %get3A_1302 = arith.constant 0 : index
        %get3A_1303 = tpu.vector_load %arg14[%get3A_1301, %get3A_1302] {strides = array<i32>} : memref<80x256xf32, #tpu.memory_space<vmem>>, vector<16xf32>,
        %mul3A_1304 = arith.mulf %get3A_1300, %get3A_1303 : vector<16xf32>
        %cumsum3A_1305 = arith.constant true
        %cumsum3A_1306 = vector.broadcast %cumsum3A_1305 : i1 to vector<16xi1>
        %cumsum3A_1307 = tpu.scan <sum>, %mul3A_1304 masked %cumsum3A_1306 : vector<16xf32>, vector<16xi1> -> vector<16xf32>
        %eq3A_1308 = arith.constant 0 : i32
        %eq3A_1309 = vector.broadcast %eq3A_1308 : i32 to vector<16xi32>
        %eq3A_1310 = arith.cmpi eq, %iota3A, %eq3A_1309 : vector<16xi32>
        %lt3A_1311 = arith.constant 0 : i32
        %lt3A_1312 = vector.broadcast %lt3A_1311 : i32 to vector<16xi32>
        %lt3A_1313 = arith.cmpi slt, %broadcast_in_dim3A_16, %lt3A_1312 : vector<16xi32>
        %add3A_1314 = arith.constant 16 : i32
        %add3A_1315 = vector.broadcast %add3A_1314 : i32 to vector<16xi32>
        %add3A_1316 = arith.addi %broadcast_in_dim3A_16, %add3A_1315 : vector<16xi32>
        %select_n3A_1317 = arith.select %lt3A_1313, %add3A_1316, %broadcast_in_dim3A_16 : vector<16xi1>, vector<16xi32>
        %broadcast_in_dim3A_1318 = vector.shape_cast %select_n3A_1317 : vector<16xi32> to vector<16x1xi32>
        %gather3A_1319 = vector.shape_cast %broadcast_in_dim3A_1318 : vector<16x1xi32> to vector<16xi32>
        %gather3A_1320 = tpu.dynamic_gather %cumsum3A_1307[%gather3A_1319] in [0] : vector<16xf32>, vector<16xi32> -> vector<16xf32>
        %select_n3A_1321 = arith.select %eq3A_1310, %gather3A_1320, %broadcast_in_dim3A_1297 : vector<16xi1>, vector<16xf32>
        %get3A_1322 = arith.index_cast %scan3A_1295 : i32 to index
        %get3A_1323 = arith.constant 16 : index
        %get3A_1324 = tpu.vector_load %arg12[%get3A_1322, %get3A_1323] {strides = array<i32>} : memref<80x128xf32, #tpu.memory_space<vmem>>, vector<16xf32>,
        %get3A_1325 = arith.index_cast %scan3A_1295 : i32 to index
        %get3A_1326 = arith.constant 16 : index
        %get3A_1327 = tpu.vector_load %arg14[%get3A_1325, %get3A_1326] {strides = array<i32>} : memref<80x256xf32, #tpu.memory_space<vmem>>, vector<16xf32>,
        %mul3A_1328 = arith.mulf %get3A_1324, %get3A_1327 : vector<16xf32>
        %cumsum3A_1329 = arith.constant true
        %cumsum3A_1330 = vector.broadcast %cumsum3A_1329 : i1 to vector<16xi1>
        %cumsum3A_1331 = tpu.scan <sum>, %mul3A_1328 masked %cumsum3A_1330 : vector<16xf32>, vector<16xi1> -> vector<16xf32>
        %eq3A_1332 = arith.constant 1 : i32
        %eq3A_1333 = vector.broadcast %eq3A_1332 : i32 to vector<16xi32>
        %eq3A_1334 = arith.cmpi eq, %iota3A, %eq3A_1333 : vector<16xi32>
        %lt3A_1335 = arith.constant 0 : i32
        %lt3A_1336 = vector.broadcast %lt3A_1335 : i32 to vector<16xi32>
        %lt3A_1337 = arith.cmpi slt, %broadcast_in_dim3A_16, %lt3A_1336 : vector<16xi32>
        %add3A_1338 = arith.constant 16 : i32
        %add3A_1339 = vector.broadcast %add3A_1338 : i32 to vector<16xi32>
        %add3A_1340 = arith.addi %broadcast_in_dim3A_16, %add3A_1339 : vector<16xi32>
        %select_n3A_1341 = arith.select %lt3A_1337, %add3A_1340, %broadcast_in_dim3A_16 : vector<16xi1>, vector<16xi32>
        %broadcast_in_dim3A_1342 = vector.shape_cast %select_n3A_1341 : vector<16xi32> to vector<16x1xi32>
        %gather3A_1343 = vector.shape_cast %broadcast_in_dim3A_1342 : vector<16x1xi32> to vector<16xi32>
        %gather3A_1344 = tpu.dynamic_gather %cumsum3A_1331[%gather3A_1343] in [0] : vector<16xf32>, vector<16xi32> -> vector<16xf32>
        %select_n3A_1345 = arith.select %eq3A_1334, %gather3A_1344, %select_n3A_1321 : vector<16xi1>, vector<16xf32>
        %get3A_1346 = arith.index_cast %scan3A_1295 : i32 to index
        %get3A_1347 = arith.constant 32 : index
        %get3A_1348 = tpu.vector_load %arg12[%get3A_1346, %get3A_1347] {strides = array<i32>} : memref<80x128xf32, #tpu.memory_space<vmem>>, vector<16xf32>,
        %get3A_1349 = arith.index_cast %scan3A_1295 : i32 to index
        %get3A_1350 = arith.constant 32 : index
        %get3A_1351 = tpu.vector_load %arg14[%get3A_1349, %get3A_1350] {strides = array<i32>} : memref<80x256xf32, #tpu.memory_space<vmem>>, vector<16xf32>,
        %mul3A_1352 = arith.mulf %get3A_1348, %get3A_1351 : vector<16xf32>
        %cumsum3A_1353 = arith.constant true
        %cumsum3A_1354 = vector.broadcast %cumsum3A_1353 : i1 to vector<16xi1>
        %cumsum3A_1355 = tpu.scan <sum>, %mul3A_1352 masked %cumsum3A_1354 : vector<16xf32>, vector<16xi1> -> vector<16xf32>
        %eq3A_1356 = arith.constant 2 : i32
        %eq3A_1357 = vector.broadcast %eq3A_1356 : i32 to vector<16xi32>
        %eq3A_1358 = arith.cmpi eq, %iota3A, %eq3A_1357 : vector<16xi32>
        %lt3A_1359 = arith.constant 0 : i32
        %lt3A_1360 = vector.broadcast %lt3A_1359 : i32 to vector<16xi32>
        %lt3A_1361 = arith.cmpi slt, %broadcast_in_dim3A_16, %lt3A_1360 : vector<16xi32>
        %add3A_1362 = arith.constant 16 : i32
        %add3A_1363 = vector.broadcast %add3A_1362 : i32 to vector<16xi32>
        %add3A_1364 = arith.addi %broadcast_in_dim3A_16, %add3A_1363 : vector<16xi32>
        %select_n3A_1365 = arith.select %lt3A_1361, %add3A_1364, %broadcast_in_dim3A_16 : vector<16xi1>, vector<16xi32>
        %broadcast_in_dim3A_1366 = vector.shape_cast %select_n3A_1365 : vector<16xi32> to vector<16x1xi32>
        %gather3A_1367 = vector.shape_cast %broadcast_in_dim3A_1366 : vector<16x1xi32> to vector<16xi32>
        %gather3A_1368 = tpu.dynamic_gather %cumsum3A_1355[%gather3A_1367] in [0] : vector<16xf32>, vector<16xi32> -> vector<16xf32>
        %select_n3A_1369 = arith.select %eq3A_1358, %gather3A_1368, %select_n3A_1345 : vector<16xi1>, vector<16xf32>
        %get3A_1370 = arith.index_cast %scan3A_1295 : i32 to index
        %get3A_1371 = arith.constant 48 : index
        %get3A_1372 = tpu.vector_load %arg12[%get3A_1370, %get3A_1371] {strides = array<i32>} : memref<80x128xf32, #tpu.memory_space<vmem>>, vector<16xf32>,
        %get3A_1373 = arith.index_cast %scan3A_1295 : i32 to index
        %get3A_1374 = arith.constant 48 : index
        %get3A_1375 = tpu.vector_load %arg14[%get3A_1373, %get3A_1374] {strides = array<i32>} : memref<80x256xf32, #tpu.memory_space<vmem>>, vector<16xf32>,
        %mul3A_1376 = arith.mulf %get3A_1372, %get3A_1375 : vector<16xf32>
        %cumsum3A_1377 = arith.constant true
        %cumsum3A_1378 = vector.broadcast %cumsum3A_1377 : i1 to vector<16xi1>
        %cumsum3A_1379 = tpu.scan <sum>, %mul3A_1376 masked %cumsum3A_1378 : vector<16xf32>, vector<16xi1> -> vector<16xf32>
        %eq3A_1380 = arith.constant 3 : i32
        %eq3A_1381 = vector.broadcast %eq3A_1380 : i32 to vector<16xi32>
        %eq3A_1382 = arith.cmpi eq, %iota3A, %eq3A_1381 : vector<16xi32>
        %lt3A_1383 = arith.constant 0 : i32
        %lt3A_1384 = vector.broadcast %lt3A_1383 : i32 to vector<16xi32>
        %lt3A_1385 = arith.cmpi slt, %broadcast_in_dim3A_16, %lt3A_1384 : vector<16xi32>
        %add3A_1386 = arith.constant 16 : i32
        %add3A_1387 = vector.broadcast %add3A_1386 : i32 to vector<16xi32>
        %add3A_1388 = arith.addi %broadcast_in_dim3A_16, %add3A_1387 : vector<16xi32>
        %select_n3A_1389 = arith.select %lt3A_1385, %add3A_1388, %broadcast_in_dim3A_16 : vector<16xi1>, vector<16xi32>
        %broadcast_in_dim3A_1390 = vector.shape_cast %select_n3A_1389 : vector<16xi32> to vector<16x1xi32>
        %gather3A_1391 = vector.shape_cast %broadcast_in_dim3A_1390 : vector<16x1xi32> to vector<16xi32>
        %gather3A_1392 = tpu.dynamic_gather %cumsum3A_1379[%gather3A_1391] in [0] : vector<16xf32>, vector<16xi32> -> vector<16xf32>
        %select_n3A_1393 = arith.select %eq3A_1382, %gather3A_1392, %select_n3A_1369 : vector<16xi1>, vector<16xf32>
        %get3A_1394 = arith.index_cast %scan3A_1295 : i32 to index
        %get3A_1395 = arith.constant 64 : index
        %get3A_1396 = tpu.vector_load %arg12[%get3A_1394, %get3A_1395] {strides = array<i32>} : memref<80x128xf32, #tpu.memory_space<vmem>>, vector<16xf32>,
        %get3A_1397 = arith.index_cast %scan3A_1295 : i32 to index
        %get3A_1398 = arith.constant 64 : index
        %get3A_1399 = tpu.vector_load %arg14[%get3A_1397, %get3A_1398] {strides = array<i32>} : memref<80x256xf32, #tpu.memory_space<vmem>>, vector<16xf32>,
        %mul3A_1400 = arith.mulf %get3A_1396, %get3A_1399 : vector<16xf32>
        %cumsum3A_1401 = arith.constant true
        %cumsum3A_1402 = vector.broadcast %cumsum3A_1401 : i1 to vector<16xi1>
        %cumsum3A_1403 = tpu.scan <sum>, %mul3A_1400 masked %cumsum3A_1402 : vector<16xf32>, vector<16xi1> -> vector<16xf32>
        %eq3A_1404 = arith.constant 4 : i32
        %eq3A_1405 = vector.broadcast %eq3A_1404 : i32 to vector<16xi32>
        %eq3A_1406 = arith.cmpi eq, %iota3A, %eq3A_1405 : vector<16xi32>
        %lt3A_1407 = arith.constant 0 : i32
        %lt3A_1408 = vector.broadcast %lt3A_1407 : i32 to vector<16xi32>
        %lt3A_1409 = arith.cmpi slt, %broadcast_in_dim3A_16, %lt3A_1408 : vector<16xi32>
        %add3A_1410 = arith.constant 16 : i32
        %add3A_1411 = vector.broadcast %add3A_1410 : i32 to vector<16xi32>
        %add3A_1412 = arith.addi %broadcast_in_dim3A_16, %add3A_1411 : vector<16xi32>
        %select_n3A_1413 = arith.select %lt3A_1409, %add3A_1412, %broadcast_in_dim3A_16 : vector<16xi1>, vector<16xi32>
        %broadcast_in_dim3A_1414 = vector.shape_cast %select_n3A_1413 : vector<16xi32> to vector<16x1xi32>
        %gather3A_1415 = vector.shape_cast %broadcast_in_dim3A_1414 : vector<16x1xi32> to vector<16xi32>
        %gather3A_1416 = tpu.dynamic_gather %cumsum3A_1403[%gather3A_1415] in [0] : vector<16xf32>, vector<16xi32> -> vector<16xf32>
        %select_n3A_1417 = arith.select %eq3A_1406, %gather3A_1416, %select_n3A_1393 : vector<16xi1>, vector<16xf32>
        %get3A_1418 = arith.index_cast %scan3A_1295 : i32 to index
        %get3A_1419 = arith.constant 80 : index
        %get3A_1420 = tpu.vector_load %arg12[%get3A_1418, %get3A_1419] {strides = array<i32>} : memref<80x128xf32, #tpu.memory_space<vmem>>, vector<16xf32>,
        %get3A_1421 = arith.index_cast %scan3A_1295 : i32 to index
        %get3A_1422 = arith.constant 80 : index
        %get3A_1423 = tpu.vector_load %arg14[%get3A_1421, %get3A_1422] {strides = array<i32>} : memref<80x256xf32, #tpu.memory_space<vmem>>, vector<16xf32>,
        %mul3A_1424 = arith.mulf %get3A_1420, %get3A_1423 : vector<16xf32>
        %cumsum3A_1425 = arith.constant true
        %cumsum3A_1426 = vector.broadcast %cumsum3A_1425 : i1 to vector<16xi1>
        %cumsum3A_1427 = tpu.scan <sum>, %mul3A_1424 masked %cumsum3A_1426 : vector<16xf32>, vector<16xi1> -> vector<16xf32>
        %eq3A_1428 = arith.constant 5 : i32
        %eq3A_1429 = vector.broadcast %eq3A_1428 : i32 to vector<16xi32>
        %eq3A_1430 = arith.cmpi eq, %iota3A, %eq3A_1429 : vector<16xi32>
        %lt3A_1431 = arith.constant 0 : i32
        %lt3A_1432 = vector.broadcast %lt3A_1431 : i32 to vector<16xi32>
        %lt3A_1433 = arith.cmpi slt, %broadcast_in_dim3A_16, %lt3A_1432 : vector<16xi32>
        %add3A_1434 = arith.constant 16 : i32
        %add3A_1435 = vector.broadcast %add3A_1434 : i32 to vector<16xi32>
        %add3A_1436 = arith.addi %broadcast_in_dim3A_16, %add3A_1435 : vector<16xi32>
        %select_n3A_1437 = arith.select %lt3A_1433, %add3A_1436, %broadcast_in_dim3A_16 : vector<16xi1>, vector<16xi32>
        %broadcast_in_dim3A_1438 = vector.shape_cast %select_n3A_1437 : vector<16xi32> to vector<16x1xi32>
        %gather3A_1439 = vector.shape_cast %broadcast_in_dim3A_1438 : vector<16x1xi32> to vector<16xi32>
        %gather3A_1440 = tpu.dynamic_gather %cumsum3A_1427[%gather3A_1439] in [0] : vector<16xf32>, vector<16xi32> -> vector<16xf32>
        %select_n3A_1441 = arith.select %eq3A_1430, %gather3A_1440, %select_n3A_1417 : vector<16xi1>, vector<16xf32>
        %get3A_1442 = arith.index_cast %scan3A_1295 : i32 to index
        %get3A_1443 = arith.constant 96 : index
        %get3A_1444 = tpu.vector_load %arg12[%get3A_1442, %get3A_1443] {strides = array<i32>} : memref<80x128xf32, #tpu.memory_space<vmem>>, vector<16xf32>,
        %get3A_1445 = arith.index_cast %scan3A_1295 : i32 to index
        %get3A_1446 = arith.constant 96 : index
        %get3A_1447 = tpu.vector_load %arg14[%get3A_1445, %get3A_1446] {strides = array<i32>} : memref<80x256xf32, #tpu.memory_space<vmem>>, vector<16xf32>,
        %mul3A_1448 = arith.mulf %get3A_1444, %get3A_1447 : vector<16xf32>
        %cumsum3A_1449 = arith.constant true
        %cumsum3A_1450 = vector.broadcast %cumsum3A_1449 : i1 to vector<16xi1>
        %cumsum3A_1451 = tpu.scan <sum>, %mul3A_1448 masked %cumsum3A_1450 : vector<16xf32>, vector<16xi1> -> vector<16xf32>
        %eq3A_1452 = arith.constant 6 : i32
        %eq3A_1453 = vector.broadcast %eq3A_1452 : i32 to vector<16xi32>
        %eq3A_1454 = arith.cmpi eq, %iota3A, %eq3A_1453 : vector<16xi32>
        %lt3A_1455 = arith.constant 0 : i32
        %lt3A_1456 = vector.broadcast %lt3A_1455 : i32 to vector<16xi32>
        %lt3A_1457 = arith.cmpi slt, %broadcast_in_dim3A_16, %lt3A_1456 : vector<16xi32>
        %add3A_1458 = arith.constant 16 : i32
        %add3A_1459 = vector.broadcast %add3A_1458 : i32 to vector<16xi32>
        %add3A_1460 = arith.addi %broadcast_in_dim3A_16, %add3A_1459 : vector<16xi32>
        %select_n3A_1461 = arith.select %lt3A_1457, %add3A_1460, %broadcast_in_dim3A_16 : vector<16xi1>, vector<16xi32>
        %broadcast_in_dim3A_1462 = vector.shape_cast %select_n3A_1461 : vector<16xi32> to vector<16x1xi32>
        %gather3A_1463 = vector.shape_cast %broadcast_in_dim3A_1462 : vector<16x1xi32> to vector<16xi32>
        %gather3A_1464 = tpu.dynamic_gather %cumsum3A_1451[%gather3A_1463] in [0] : vector<16xf32>, vector<16xi32> -> vector<16xf32>
        %select_n3A_1465 = arith.select %eq3A_1454, %gather3A_1464, %select_n3A_1441 : vector<16xi1>, vector<16xf32>
        %get3A_1466 = arith.index_cast %scan3A_1295 : i32 to index
        %get3A_1467 = arith.constant 112 : index
        %get3A_1468 = tpu.vector_load %arg12[%get3A_1466, %get3A_1467] {strides = array<i32>} : memref<80x128xf32, #tpu.memory_space<vmem>>, vector<16xf32>,
        %get3A_1469 = arith.index_cast %scan3A_1295 : i32 to index
        %get3A_1470 = arith.constant 112 : index
        %get3A_1471 = tpu.vector_load %arg14[%get3A_1469, %get3A_1470] {strides = array<i32>} : memref<80x256xf32, #tpu.memory_space<vmem>>, vector<16xf32>,
        %mul3A_1472 = arith.mulf %get3A_1468, %get3A_1471 : vector<16xf32>
        %cumsum3A_1473 = arith.constant true
        %cumsum3A_1474 = vector.broadcast %cumsum3A_1473 : i1 to vector<16xi1>
        %cumsum3A_1475 = tpu.scan <sum>, %mul3A_1472 masked %cumsum3A_1474 : vector<16xf32>, vector<16xi1> -> vector<16xf32>
        %eq3A_1476 = arith.constant 7 : i32
        %eq3A_1477 = vector.broadcast %eq3A_1476 : i32 to vector<16xi32>
        %eq3A_1478 = arith.cmpi eq, %iota3A, %eq3A_1477 : vector<16xi32>
        %lt3A_1479 = arith.constant 0 : i32
        %lt3A_1480 = vector.broadcast %lt3A_1479 : i32 to vector<16xi32>
        %lt3A_1481 = arith.cmpi slt, %broadcast_in_dim3A_16, %lt3A_1480 : vector<16xi32>
        %add3A_1482 = arith.constant 16 : i32
        %add3A_1483 = vector.broadcast %add3A_1482 : i32 to vector<16xi32>
        %add3A_1484 = arith.addi %broadcast_in_dim3A_16, %add3A_1483 : vector<16xi32>
        %select_n3A_1485 = arith.select %lt3A_1481, %add3A_1484, %broadcast_in_dim3A_16 : vector<16xi1>, vector<16xi32>
        %broadcast_in_dim3A_1486 = vector.shape_cast %select_n3A_1485 : vector<16xi32> to vector<16x1xi32>
        %gather3A_1487 = vector.shape_cast %broadcast_in_dim3A_1486 : vector<16x1xi32> to vector<16xi32>
        %gather3A_1488 = tpu.dynamic_gather %cumsum3A_1475[%gather3A_1487] in [0] : vector<16xf32>, vector<16xi32> -> vector<16xf32>
        %select_n3A_1489 = arith.select %eq3A_1478, %gather3A_1488, %select_n3A_1465 : vector<16xi1>, vector<16xf32>
        %mul3A_1490 = arith.constant 2.500000e-01 : f32
        %mul3A_1491 = vector.broadcast %mul3A_1490 : f32 to vector<16xf32>
        %mul3A_1492 = arith.mulf %select_n3A_1489, %mul3A_1491 : vector<16xf32>
        %exp3A_1493 = math.exp %mul3A_1492 : vector<16xf32>
        %pack3A_1494 = tpu.pack_subelements %exp3A_1493, %exp3A_1493 {pack_format = #tpu.pack_format<interleaved>, positions = array<i32: 0, 1>} : vector<16xf32>, vector<16xf32> -> vector<32xbf16>
        %swap3A_1495 = arith.index_cast %scan3A_1295 : i32 to index
        %swap3A_1496 = arith.constant 128 : index
        %swap3A_1497 = tpu.vector_load %arg16[%swap3A_1495, %swap3A_1496] {strides = array<i32>} : memref<80x160xbf16, #tpu.memory_space<vmem>>, vector<32xbf16>,
        tpu.vector_store %arg16[%swap3A_1495, %swap3A_1496], %pack3A_1494 {strides = array<i32>} : memref<80x160xbf16, #tpu.memory_space<vmem>>, vector<32xbf16>,
        %get3A_1498 = arith.index_cast %scan3A_1295 : i32 to index
        %get3A_1499 = arith.constant 128 : index
        %get3A_1500 = tpu.vector_load %arg14[%get3A_1498, %get3A_1499] {strides = array<i32>} : memref<80x256xf32, #tpu.memory_space<vmem>>, vector<16xf32>,
        %lt3A_1501 = arith.constant 0 : i32
        %lt3A_1502 = vector.broadcast %lt3A_1501 : i32 to vector<16xi32>
        %lt3A_1503 = arith.cmpi slt, %broadcast_in_dim3A_18, %lt3A_1502 : vector<16xi32>
        %add3A_1504 = arith.constant 16 : i32
        %add3A_1505 = vector.broadcast %add3A_1504 : i32 to vector<16xi32>
        %add3A_1506 = arith.addi %broadcast_in_dim3A_18, %add3A_1505 : vector<16xi32>
        %select_n3A_1507 = arith.select %lt3A_1503, %add3A_1506, %broadcast_in_dim3A_18 : vector<16xi1>, vector<16xi32>
        %broadcast_in_dim3A_1508 = vector.shape_cast %select_n3A_1507 : vector<16xi32> to vector<16x1xi32>
        %gather3A_1509 = vector.shape_cast %broadcast_in_dim3A_1508 : vector<16x1xi32> to vector<16xi32>
        %gather3A_1510 = tpu.dynamic_gather %exp3A_1493[%gather3A_1509] in [0] : vector<16xf32>, vector<16xi32> -> vector<16xf32>
        %mul3A_1511 = arith.mulf %get3A_1500, %gather3A_1510 : vector<16xf32>
        %get3A_1512 = arith.index_cast %scan3A_1295 : i32 to index
        %get3A_1513 = arith.constant 144 : index
        %get3A_1514 = tpu.vector_load %arg14[%get3A_1512, %get3A_1513] {strides = array<i32>} : memref<80x256xf32, #tpu.memory_space<vmem>>, vector<16xf32>,
        %lt3A_1515 = arith.constant 0 : i32
        %lt3A_1516 = vector.broadcast %lt3A_1515 : i32 to vector<16xi32>
        %lt3A_1517 = arith.cmpi slt, %broadcast_in_dim3A_20, %lt3A_1516 : vector<16xi32>
        %add3A_1518 = arith.constant 16 : i32
        %add3A_1519 = vector.broadcast %add3A_1518 : i32 to vector<16xi32>
        %add3A_1520 = arith.addi %broadcast_in_dim3A_20, %add3A_1519 : vector<16xi32>
        %select_n3A_1521 = arith.select %lt3A_1517, %add3A_1520, %broadcast_in_dim3A_20 : vector<16xi1>, vector<16xi32>
        %broadcast_in_dim3A_1522 = vector.shape_cast %select_n3A_1521 : vector<16xi32> to vector<16x1xi32>
        %gather3A_1523 = vector.shape_cast %broadcast_in_dim3A_1522 : vector<16x1xi32> to vector<16xi32>
        %gather3A_1524 = tpu.dynamic_gather %exp3A_1493[%gather3A_1523] in [0] : vector<16xf32>, vector<16xi32> -> vector<16xf32>
        %mul3A_1525 = arith.mulf %get3A_1514, %gather3A_1524 : vector<16xf32>
        %pack3A_1526 = tpu.pack_subelements %mul3A_1511, %mul3A_1525 {pack_format = #tpu.pack_format<interleaved>, positions = array<i32: 0, 1>} : vector<16xf32>, vector<16xf32> -> vector<32xbf16>
        %swap3A_1527 = arith.index_cast %scan3A_1295 : i32 to index
        %swap3A_1528 = arith.constant 0 : index
        %swap3A_1529 = tpu.vector_load %arg16[%swap3A_1527, %swap3A_1528] {strides = array<i32>} : memref<80x160xbf16, #tpu.memory_space<vmem>>, vector<32xbf16>,
        tpu.vector_store %arg16[%swap3A_1527, %swap3A_1528], %pack3A_1526 {strides = array<i32>} : memref<80x160xbf16, #tpu.memory_space<vmem>>, vector<32xbf16>,
        %get3A_1530 = arith.index_cast %scan3A_1295 : i32 to index
        %get3A_1531 = arith.constant 160 : index
        %get3A_1532 = tpu.vector_load %arg14[%get3A_1530, %get3A_1531] {strides = array<i32>} : memref<80x256xf32, #tpu.memory_space<vmem>>, vector<16xf32>,
        %lt3A_1533 = arith.constant 0 : i32
        %lt3A_1534 = vector.broadcast %lt3A_1533 : i32 to vector<16xi32>
        %lt3A_1535 = arith.cmpi slt, %broadcast_in_dim3A_22, %lt3A_1534 : vector<16xi32>
        %add3A_1536 = arith.constant 16 : i32
        %add3A_1537 = vector.broadcast %add3A_1536 : i32 to vector<16xi32>
        %add3A_1538 = arith.addi %broadcast_in_dim3A_22, %add3A_1537 : vector<16xi32>
        %select_n3A_1539 = arith.select %lt3A_1535, %add3A_1538, %broadcast_in_dim3A_22 : vector<16xi1>, vector<16xi32>
        %broadcast_in_dim3A_1540 = vector.shape_cast %select_n3A_1539 : vector<16xi32> to vector<16x1xi32>
        %gather3A_1541 = vector.shape_cast %broadcast_in_dim3A_1540 : vector<16x1xi32> to vector<16xi32>
        %gather3A_1542 = tpu.dynamic_gather %exp3A_1493[%gather3A_1541] in [0] : vector<16xf32>, vector<16xi32> -> vector<16xf32>
        %mul3A_1543 = arith.mulf %get3A_1532, %gather3A_1542 : vector<16xf32>
        %get3A_1544 = arith.index_cast %scan3A_1295 : i32 to index
        %get3A_1545 = arith.constant 176 : index
        %get3A_1546 = tpu.vector_load %arg14[%get3A_1544, %get3A_1545] {strides = array<i32>} : memref<80x256xf32, #tpu.memory_space<vmem>>, vector<16xf32>,
        %lt3A_1547 = arith.constant 0 : i32
        %lt3A_1548 = vector.broadcast %lt3A_1547 : i32 to vector<16xi32>
        %lt3A_1549 = arith.cmpi slt, %broadcast_in_dim3A_24, %lt3A_1548 : vector<16xi32>
        %add3A_1550 = arith.constant 16 : i32
        %add3A_1551 = vector.broadcast %add3A_1550 : i32 to vector<16xi32>
        %add3A_1552 = arith.addi %broadcast_in_dim3A_24, %add3A_1551 : vector<16xi32>
        %select_n3A_1553 = arith.select %lt3A_1549, %add3A_1552, %broadcast_in_dim3A_24 : vector<16xi1>, vector<16xi32>
        %broadcast_in_dim3A_1554 = vector.shape_cast %select_n3A_1553 : vector<16xi32> to vector<16x1xi32>
        %gather3A_1555 = vector.shape_cast %broadcast_in_dim3A_1554 : vector<16x1xi32> to vector<16xi32>
        %gather3A_1556 = tpu.dynamic_gather %exp3A_1493[%gather3A_1555] in [0] : vector<16xf32>, vector<16xi32> -> vector<16xf32>
        %mul3A_1557 = arith.mulf %get3A_1546, %gather3A_1556 : vector<16xf32>
        %pack3A_1558 = tpu.pack_subelements %mul3A_1543, %mul3A_1557 {pack_format = #tpu.pack_format<interleaved>, positions = array<i32: 0, 1>} : vector<16xf32>, vector<16xf32> -> vector<32xbf16>
        %swap3A_1559 = arith.index_cast %scan3A_1295 : i32 to index
        %swap3A_1560 = arith.constant 32 : index
        %swap3A_1561 = tpu.vector_load %arg16[%swap3A_1559, %swap3A_1560] {strides = array<i32>} : memref<80x160xbf16, #tpu.memory_space<vmem>>, vector<32xbf16>,
        tpu.vector_store %arg16[%swap3A_1559, %swap3A_1560], %pack3A_1558 {strides = array<i32>} : memref<80x160xbf16, #tpu.memory_space<vmem>>, vector<32xbf16>,
        %get3A_1562 = arith.index_cast %scan3A_1295 : i32 to index
        %get3A_1563 = arith.constant 192 : index
        %get3A_1564 = tpu.vector_load %arg14[%get3A_1562, %get3A_1563] {strides = array<i32>} : memref<80x256xf32, #tpu.memory_space<vmem>>, vector<16xf32>,
        %lt3A_1565 = arith.constant 0 : i32
        %lt3A_1566 = vector.broadcast %lt3A_1565 : i32 to vector<16xi32>
        %lt3A_1567 = arith.cmpi slt, %broadcast_in_dim3A_26, %lt3A_1566 : vector<16xi32>
        %add3A_1568 = arith.constant 16 : i32
        %add3A_1569 = vector.broadcast %add3A_1568 : i32 to vector<16xi32>
        %add3A_1570 = arith.addi %broadcast_in_dim3A_26, %add3A_1569 : vector<16xi32>
        %select_n3A_1571 = arith.select %lt3A_1567, %add3A_1570, %broadcast_in_dim3A_26 : vector<16xi1>, vector<16xi32>
        %broadcast_in_dim3A_1572 = vector.shape_cast %select_n3A_1571 : vector<16xi32> to vector<16x1xi32>
        %gather3A_1573 = vector.shape_cast %broadcast_in_dim3A_1572 : vector<16x1xi32> to vector<16xi32>
        %gather3A_1574 = tpu.dynamic_gather %exp3A_1493[%gather3A_1573] in [0] : vector<16xf32>, vector<16xi32> -> vector<16xf32>
        %mul3A_1575 = arith.mulf %get3A_1564, %gather3A_1574 : vector<16xf32>
        %get3A_1576 = arith.index_cast %scan3A_1295 : i32 to index
        %get3A_1577 = arith.constant 208 : index
        %get3A_1578 = tpu.vector_load %arg14[%get3A_1576, %get3A_1577] {strides = array<i32>} : memref<80x256xf32, #tpu.memory_space<vmem>>, vector<16xf32>,
        %lt3A_1579 = arith.constant 0 : i32
        %lt3A_1580 = vector.broadcast %lt3A_1579 : i32 to vector<16xi32>
        %lt3A_1581 = arith.cmpi slt, %broadcast_in_dim3A_28, %lt3A_1580 : vector<16xi32>
        %add3A_1582 = arith.constant 16 : i32
        %add3A_1583 = vector.broadcast %add3A_1582 : i32 to vector<16xi32>
        %add3A_1584 = arith.addi %broadcast_in_dim3A_28, %add3A_1583 : vector<16xi32>
        %select_n3A_1585 = arith.select %lt3A_1581, %add3A_1584, %broadcast_in_dim3A_28 : vector<16xi1>, vector<16xi32>
        %broadcast_in_dim3A_1586 = vector.shape_cast %select_n3A_1585 : vector<16xi32> to vector<16x1xi32>
        %gather3A_1587 = vector.shape_cast %broadcast_in_dim3A_1586 : vector<16x1xi32> to vector<16xi32>
        %gather3A_1588 = tpu.dynamic_gather %exp3A_1493[%gather3A_1587] in [0] : vector<16xf32>, vector<16xi32> -> vector<16xf32>
        %mul3A_1589 = arith.mulf %get3A_1578, %gather3A_1588 : vector<16xf32>
        %pack3A_1590 = tpu.pack_subelements %mul3A_1575, %mul3A_1589 {pack_format = #tpu.pack_format<interleaved>, positions = array<i32: 0, 1>} : vector<16xf32>, vector<16xf32> -> vector<32xbf16>
        %swap3A_1591 = arith.index_cast %scan3A_1295 : i32 to index
        %swap3A_1592 = arith.constant 64 : index
        %swap3A_1593 = tpu.vector_load %arg16[%swap3A_1591, %swap3A_1592] {strides = array<i32>} : memref<80x160xbf16, #tpu.memory_space<vmem>>, vector<32xbf16>,
        tpu.vector_store %arg16[%swap3A_1591, %swap3A_1592], %pack3A_1590 {strides = array<i32>} : memref<80x160xbf16, #tpu.memory_space<vmem>>, vector<32xbf16>,
        %get3A_1594 = arith.index_cast %scan3A_1295 : i32 to index
        %get3A_1595 = arith.constant 224 : index
        %get3A_1596 = tpu.vector_load %arg14[%get3A_1594, %get3A_1595] {strides = array<i32>} : memref<80x256xf32, #tpu.memory_space<vmem>>, vector<16xf32>,
        %lt3A_1597 = arith.constant 0 : i32
        %lt3A_1598 = vector.broadcast %lt3A_1597 : i32 to vector<16xi32>
        %lt3A_1599 = arith.cmpi slt, %broadcast_in_dim3A_30, %lt3A_1598 : vector<16xi32>
        %add3A_1600 = arith.constant 16 : i32
        %add3A_1601 = vector.broadcast %add3A_1600 : i32 to vector<16xi32>
        %add3A_1602 = arith.addi %broadcast_in_dim3A_30, %add3A_1601 : vector<16xi32>
        %select_n3A_1603 = arith.select %lt3A_1599, %add3A_1602, %broadcast_in_dim3A_30 : vector<16xi1>, vector<16xi32>
        %broadcast_in_dim3A_1604 = vector.shape_cast %select_n3A_1603 : vector<16xi32> to vector<16x1xi32>
        %gather3A_1605 = vector.shape_cast %broadcast_in_dim3A_1604 : vector<16x1xi32> to vector<16xi32>
        %gather3A_1606 = tpu.dynamic_gather %exp3A_1493[%gather3A_1605] in [0] : vector<16xf32>, vector<16xi32> -> vector<16xf32>
        %mul3A_1607 = arith.mulf %get3A_1596, %gather3A_1606 : vector<16xf32>
        %get3A_1608 = arith.index_cast %scan3A_1295 : i32 to index
        %get3A_1609 = arith.constant 240 : index
        %get3A_1610 = tpu.vector_load %arg14[%get3A_1608, %get3A_1609] {strides = array<i32>} : memref<80x256xf32, #tpu.memory_space<vmem>>, vector<16xf32>,
        %lt3A_1611 = arith.constant 0 : i32
        %lt3A_1612 = vector.broadcast %lt3A_1611 : i32 to vector<16xi32>
        %lt3A_1613 = arith.cmpi slt, %broadcast_in_dim3A_32, %lt3A_1612 : vector<16xi32>
        %add3A_1614 = arith.constant 16 : i32
        %add3A_1615 = vector.broadcast %add3A_1614 : i32 to vector<16xi32>
        %add3A_1616 = arith.addi %broadcast_in_dim3A_32, %add3A_1615 : vector<16xi32>
        %select_n3A_1617 = arith.select %lt3A_1613, %add3A_1616, %broadcast_in_dim3A_32 : vector<16xi1>, vector<16xi32>
        %broadcast_in_dim3A_1618 = vector.shape_cast %select_n3A_1617 : vector<16xi32> to vector<16x1xi32>
        %gather3A_1619 = vector.shape_cast %broadcast_in_dim3A_1618 : vector<16x1xi32> to vector<16xi32>
        %gather3A_1620 = tpu.dynamic_gather %exp3A_1493[%gather3A_1619] in [0] : vector<16xf32>, vector<16xi32> -> vector<16xf32>
        %mul3A_1621 = arith.mulf %get3A_1610, %gather3A_1620 : vector<16xf32>
        %pack3A_1622 = tpu.pack_subelements %mul3A_1607, %mul3A_1621 {pack_format = #tpu.pack_format<interleaved>, positions = array<i32: 0, 1>} : vector<16xf32>, vector<16xf32> -> vector<32xbf16>
        %swap3A_1623 = arith.index_cast %scan3A_1295 : i32 to index
        %swap3A_1624 = arith.constant 96 : index
        %swap3A_1625 = tpu.vector_load %arg16[%swap3A_1623, %swap3A_1624] {strides = array<i32>} : memref<80x160xbf16, #tpu.memory_space<vmem>>, vector<32xbf16>,
        tpu.vector_store %arg16[%swap3A_1623, %swap3A_1624], %pack3A_1622 {strides = array<i32>} : memref<80x160xbf16, #tpu.memory_space<vmem>>, vector<32xbf16>,
        %scan3A_1626 = arith.constant 0 : i32
        scf.yield %scan3A_1626 : i32
      }
      %scan3A_260 = arith.constant 80 : i32
      %get3A_261 = arith.constant 0 : i32
      %get3A_262 = arith.index_cast %get3A_261 : i32 to index
      %get3A_263 = arith.constant 0 : index
      %get3A_264 = tpu.vector_load %arg8[%get3A_262, %get3A_263] {strides = array<i32>} : memref<2x80xi32, #tpu.memory_space<vmem>>, vector<16xi32>,
      %swap3A_265 = arith.constant 0 : index
      %swap3A_266 = tpu.vector_load %arg10[%swap3A_265] {strides = array<i32>} : memref<80xi32, #tpu.memory_space<vmem>>, vector<16xi32>,
      tpu.vector_store %arg10[%swap3A_265], %get3A_264 {strides = array<i32>} : memref<80xi32, #tpu.memory_space<vmem>>, vector<16xi32>,
      %get3A_267 = arith.constant 0 : i32
      %get3A_268 = arith.index_cast %get3A_267 : i32 to index
      %get3A_269 = arith.constant 16 : index
      %get3A_270 = tpu.vector_load %arg8[%get3A_268, %get3A_269] {strides = array<i32>} : memref<2x80xi32, #tpu.memory_space<vmem>>, vector<16xi32>,
      %swap3A_271 = arith.constant 16 : index
      %swap3A_272 = tpu.vector_load %arg10[%swap3A_271] {strides = array<i32>} : memref<80xi32, #tpu.memory_space<vmem>>, vector<16xi32>,
      tpu.vector_store %arg10[%swap3A_271], %get3A_270 {strides = array<i32>} : memref<80xi32, #tpu.memory_space<vmem>>, vector<16xi32>,
      %get3A_273 = arith.constant 0 : i32
      %get3A_274 = arith.index_cast %get3A_273 : i32 to index
      %get3A_275 = arith.constant 32 : index
      %get3A_276 = tpu.vector_load %arg8[%get3A_274, %get3A_275] {strides = array<i32>} : memref<2x80xi32, #tpu.memory_space<vmem>>, vector<16xi32>,
      %swap3A_277 = arith.constant 32 : index
      %swap3A_278 = tpu.vector_load %arg10[%swap3A_277] {strides = array<i32>} : memref<80xi32, #tpu.memory_space<vmem>>, vector<16xi32>,
      tpu.vector_store %arg10[%swap3A_277], %get3A_276 {strides = array<i32>} : memref<80xi32, #tpu.memory_space<vmem>>, vector<16xi32>,
      %get3A_279 = arith.constant 0 : i32
      %get3A_280 = arith.index_cast %get3A_279 : i32 to index
      %get3A_281 = arith.constant 48 : index
      %get3A_282 = tpu.vector_load %arg8[%get3A_280, %get3A_281] {strides = array<i32>} : memref<2x80xi32, #tpu.memory_space<vmem>>, vector<16xi32>,
      %swap3A_283 = arith.constant 48 : index
      %swap3A_284 = tpu.vector_load %arg10[%swap3A_283] {strides = array<i32>} : memref<80xi32, #tpu.memory_space<vmem>>, vector<16xi32>,
      tpu.vector_store %arg10[%swap3A_283], %get3A_282 {strides = array<i32>} : memref<80xi32, #tpu.memory_space<vmem>>, vector<16xi32>,
      %get3A_285 = arith.constant 0 : i32
      %get3A_286 = arith.index_cast %get3A_285 : i32 to index
      %get3A_287 = arith.constant 64 : index
      %get3A_288 = tpu.vector_load %arg8[%get3A_286, %get3A_287] {strides = array<i32>} : memref<2x80xi32, #tpu.memory_space<vmem>>, vector<16xi32>,
      %swap3A_289 = arith.constant 64 : index
      %swap3A_290 = tpu.vector_load %arg10[%swap3A_289] {strides = array<i32>} : memref<80xi32, #tpu.memory_space<vmem>>, vector<16xi32>,
      tpu.vector_store %arg10[%swap3A_289], %get3A_288 {strides = array<i32>} : memref<80xi32, #tpu.memory_space<vmem>>, vector<16xi32>,
      %dma_start3A_291 = arith.constant 0 : i32
      %dma_start3A_292 = arith.constant 0 : i32
      %dma_start3A_293 = tpu.memref_slice %arg25[%dma_start3A_291, %dma_start3A_292] : memref<10000x160xbf16, #tpu.memory_space<vmem_shared>> -> memref<10000x160xbf16, #tpu.memory_space<vmem_shared>>
      tpu.enqueue_indirect_dma source(%arg16 : memref<80x160xbf16, #tpu.memory_space<vmem>>) target(%dma_start3A_293 : memref<10000x160xbf16, #tpu.memory_space<vmem_shared>>) offsets(%arg10 : memref<80xi32, #tpu.memory_space<vmem>>) semaphore(%arg24 : memref<!tpu.dma_semaphore, #tpu.memory_space<semaphore_mem>>) {add = true}
      %lt3A_294 = arith.constant 123 : i32
      %lt3A_295 = arith.cmpi slt, %add3A_229, %lt3A_294 : i32
      %convert_element_type3A_296 = arith.extui %lt3A_295 : i1 to i32
      %cond3A_297 = arith.constant 0 : i32
      %cond3A_298 = arith.cmpi ne, %convert_element_type3A_296, %cond3A_297 : i32
      scf.if %cond3A_298 {
        %add3A_300 = arith.constant 2 : i32
        %add3A_301 = arith.addi %add3A_229, %add3A_300 : i32
        %dma_start3A_302 = arith.constant 0 : i32
        %dma_start3A_303 = arith.constant 0 : i32
        %dma_start3A_304 = tpu.memref_slice %arg4[%add3A, %add3A_301, %dma_start3A_302, %dma_start3A_303] : memref<32x125x2x80xi32, #tpu.memory_space<hbm>> -> memref<1x1x2x80xi32, #tpu.memory_space<hbm>>
        %dma_start3A_305 = tpu.memref_squeeze %dma_start3A_304 : memref<1x1x2x80xi32, #tpu.memory_space<hbm>> -> memref<2x80xi32, #tpu.memory_space<hbm>>
        %dma_start3A_306 = arith.constant 0 : i32
        %dma_start3A_307 = arith.constant 0 : i32
        %dma_start3A_308 = tpu.memref_slice %arg4[%add3A, %add3A_301, %dma_start3A_306, %dma_start3A_307] : memref<32x125x2x80xi32, #tpu.memory_space<hbm>> -> memref<1x1x2x80xi32, #tpu.memory_space<hbm>>
        %dma_start3A_309 = tpu.memref_squeeze %dma_start3A_308 : memref<1x1x2x80xi32, #tpu.memory_space<hbm>> -> memref<2x80xi32, #tpu.memory_space<hbm>>
        tpu.enqueue_dma source(%dma_start3A_309 : memref<2x80xi32, #tpu.memory_space<hbm>>) target(%arg8 : memref<2x80xi32, #tpu.memory_space<vmem>>) target_semaphore(%arg18 : memref<!tpu.dma_semaphore, #tpu.memory_space<semaphore_mem>>)
      } else {
      }
      %scan3A_299 = arith.constant 0 : i32
      scf.yield %scan3A_299 : i32
    }
    %scan3A_78 = arith.constant 62 : i32
    %dma_wait3A_79 = arith.constant 0 : i32
    %dma_wait3A_80 = arith.constant 0 : i32
    %dma_wait3A_81 = tpu.memref_slice %arg7[%dma_wait3A_79, %dma_wait3A_80] : memref<2x80xi32, #tpu.memory_space<vmem>> -> memref<1x80xi32, #tpu.memory_space<vmem>>
    %dma_wait3A_82 = tpu.memref_squeeze %dma_wait3A_81 : memref<1x80xi32, #tpu.memory_space<vmem>> -> memref<80xi32, #tpu.memory_space<vmem>>
    %dma_wait3A_83 = arith.constant 0 : i32
    %dma_wait3A_84 = arith.constant 0 : i32
    %dma_wait3A_85 = tpu.memref_slice %arg2[%dma_wait3A_83, %dma_wait3A_84] : memref<10000x128xf32, #tpu.memory_space<hbm>> -> memref<10000x128xf32, #tpu.memory_space<hbm>>
    tpu.wait_indirect_dma semaphore(%arg19 : memref<!tpu.dma_semaphore, #tpu.memory_space<semaphore_mem>>) src(%dma_wait3A_85 : memref<10000x128xf32, #tpu.memory_space<hbm>>) dst(%arg11 : memref<80x128xf32, #tpu.memory_space<vmem>>)
    %dma_wait3A_86 = arith.constant 1 : i32
    %dma_wait3A_87 = arith.constant 0 : i32
    %dma_wait3A_88 = tpu.memref_slice %arg7[%dma_wait3A_86, %dma_wait3A_87] : memref<2x80xi32, #tpu.memory_space<vmem>> -> memref<1x80xi32, #tpu.memory_space<vmem>>
    %dma_wait3A_89 = tpu.memref_squeeze %dma_wait3A_88 : memref<1x80xi32, #tpu.memory_space<vmem>> -> memref<80xi32, #tpu.memory_space<vmem>>
    %dma_wait3A_90 = arith.constant 0 : i32
    %dma_wait3A_91 = arith.constant 0 : i32
    %dma_wait3A_92 = tpu.memref_slice %arg3[%dma_wait3A_90, %dma_wait3A_91] : memref<10000x256xf32, #tpu.memory_space<hbm>> -> memref<10000x256xf32, #tpu.memory_space<hbm>>
    tpu.wait_indirect_dma semaphore(%arg21 : memref<!tpu.dma_semaphore, #tpu.memory_space<semaphore_mem>>) src(%dma_wait3A_92 : memref<10000x256xf32, #tpu.memory_space<hbm>>) dst(%arg13 : memref<80x256xf32, #tpu.memory_space<vmem>>)
    %dma_wait3A_93 = arith.constant 0 : i32
    %dma_wait3A_94 = arith.constant 0 : i32
    %dma_wait3A_95 = tpu.memref_slice %arg25[%dma_wait3A_93, %dma_wait3A_94] : memref<10000x160xbf16, #tpu.memory_space<vmem_shared>> -> memref<10000x160xbf16, #tpu.memory_space<vmem_shared>>
    tpu.wait_indirect_dma semaphore(%arg23 : memref<!tpu.dma_semaphore, #tpu.memory_space<semaphore_mem>>) src(%arg15 : memref<80x160xbf16, #tpu.memory_space<vmem>>) dst(%dma_wait3A_95 : memref<10000x160xbf16, #tpu.memory_space<vmem_shared>>)
    %scan3A_96 = arith.constant 0 : i32
    %scan3A_97 = arith.constant 0 : i32
    %scan3A_98 = arith.constant 80 : i32
    %scan3A_99 = arith.addi %scan3A_97, %scan3A_98 : i32
    %scan3A_100 = arith.constant 4 : i32
    %scan3A_101 = scf.for %scan3A_153 = %scan3A_97 to %scan3A_99 step %scan3A_100 iter_args(%scan3A_154 = %scan3A_96) -> (i32)  : i32 {
      %broadcast_in_dim3A_155 = arith.constant 0.000000e+00 : f32
      %broadcast_in_dim3A_156 = vector.broadcast %broadcast_in_dim3A_155 : f32 to vector<16xf32>
      %get3A_157 = arith.index_cast %scan3A_153 : i32 to index
      %get3A_158 = arith.constant 0 : index
      %get3A_159 = tpu.vector_load %arg11[%get3A_157, %get3A_158] {strides = array<i32>} : memref<80x128xf32, #tpu.memory_space<vmem>>, vector<16xf32>,
      %get3A_160 = arith.index_cast %scan3A_153 : i32 to index
      %get3A_161 = arith.constant 0 : index
      %get3A_162 = tpu.vector_load %arg13[%get3A_160, %get3A_161] {strides = array<i32>} : memref<80x256xf32, #tpu.memory_space<vmem>>, vector<16xf32>,
      %mul3A_163 = arith.mulf %get3A_159, %get3A_162 : vector<16xf32>
      %cumsum3A = arith.constant true
      %cumsum3A_164 = vector.broadcast %cumsum3A : i1 to vector<16xi1>
      %cumsum3A_165 = tpu.scan <sum>, %mul3A_163 masked %cumsum3A_164 : vector<16xf32>, vector<16xi1> -> vector<16xf32>
      %eq3A_166 = arith.constant 0 : i32
      %eq3A_167 = vector.broadcast %eq3A_166 : i32 to vector<16xi32>
      %eq3A_168 = arith.cmpi eq, %iota3A, %eq3A_167 : vector<16xi32>
      %lt3A = arith.constant 0 : i32
      %lt3A_169 = vector.broadcast %lt3A : i32 to vector<16xi32>
      %lt3A_170 = arith.cmpi slt, %broadcast_in_dim3A_16, %lt3A_169 : vector<16xi32>
      %add3A_171 = arith.constant 16 : i32
      %add3A_172 = vector.broadcast %add3A_171 : i32 to vector<16xi32>
      %add3A_173 = arith.addi %broadcast_in_dim3A_16, %add3A_172 : vector<16xi32>
      %select_n3A = arith.select %lt3A_170, %add3A_173, %broadcast_in_dim3A_16 : vector<16xi1>, vector<16xi32>
      %broadcast_in_dim3A_174 = vector.shape_cast %select_n3A : vector<16xi32> to vector<16x1xi32>
      %gather3A = vector.shape_cast %broadcast_in_dim3A_174 : vector<16x1xi32> to vector<16xi32>
      %gather3A_175 = tpu.dynamic_gather %cumsum3A_165[%gather3A] in [0] : vector<16xf32>, vector<16xi32> -> vector<16xf32>
      %select_n3A_176 = arith.select %eq3A_168, %gather3A_175, %broadcast_in_dim3A_156 : vector<16xi1>, vector<16xf32>
      %get3A_177 = arith.index_cast %scan3A_153 : i32 to index
      %get3A_178 = arith.constant 16 : index
      %get3A_179 = tpu.vector_load %arg11[%get3A_177, %get3A_178] {strides = array<i32>} : memref<80x128xf32, #tpu.memory_space<vmem>>, vector<16xf32>,
      %get3A_180 = arith.index_cast %scan3A_153 : i32 to index
      %get3A_181 = arith.constant 16 : index
      %get3A_182 = tpu.vector_load %arg13[%get3A_180, %get3A_181] {strides = array<i32>} : memref<80x256xf32, #tpu.memory_space<vmem>>, vector<16xf32>,
      %mul3A_183 = arith.mulf %get3A_179, %get3A_182 : vector<16xf32>
      %cumsum3A_184 = arith.constant true
      %cumsum3A_185 = vector.broadcast %cumsum3A_184 : i1 to vector<16xi1>
      %cumsum3A_186 = tpu.scan <sum>, %mul3A_183 masked %cumsum3A_185 : vector<16xf32>, vector<16xi1> -> vector<16xf32>
      %eq3A_187 = arith.constant 1 : i32
      %eq3A_188 = vector.broadcast %eq3A_187 : i32 to vector<16xi32>
      %eq3A_189 = arith.cmpi eq, %iota3A, %eq3A_188 : vector<16xi32>
      %lt3A_190 = arith.constant 0 : i32
      %lt3A_191 = vector.broadcast %lt3A_190 : i32 to vector<16xi32>
      %lt3A_192 = arith.cmpi slt, %broadcast_in_dim3A_16, %lt3A_191 : vector<16xi32>
      %add3A_193 = arith.constant 16 : i32
      %add3A_194 = vector.broadcast %add3A_193 : i32 to vector<16xi32>
      %add3A_195 = arith.addi %broadcast_in_dim3A_16, %add3A_194 : vector<16xi32>
      %select_n3A_196 = arith.select %lt3A_192, %add3A_195, %broadcast_in_dim3A_16 : vector<16xi1>, vector<16xi32>
      %broadcast_in_dim3A_197 = vector.shape_cast %select_n3A_196 : vector<16xi32> to vector<16x1xi32>
      %gather3A_198 = vector.shape_cast %broadcast_in_dim3A_197 : vector<16x1xi32> to vector<16xi32>
      %gather3A_199 = tpu.dynamic_gather %cumsum3A_186[%gather3A_198] in [0] : vector<16xf32>, vector<16xi32> -> vector<16xf32>
      %select_n3A_200 = arith.select %eq3A_189, %gather3A_199, %select_n3A_176 : vector<16xi1>, vector<16xf32>
      %get3A_201 = arith.index_cast %scan3A_153 : i32 to index
      %get3A_202 = arith.constant 32 : index
      %get3A_203 = tpu.vector_load %arg11[%get3A_201, %get3A_202] {strides = array<i32>} : memref<80x128xf32, #tpu.memory_space<vmem>>, vector<16xf32>,
      %get3A_204 = arith.index_cast %scan3A_153 : i32 to index
      %get3A_205 = arith.constant 32 : index
      %get3A_206 = tpu.vector_load %arg13[%get3A_204, %get3A_205] {strides = array<i32>} : memref<80x256xf32, #tpu.memory_space<vmem>>, vector<16xf32>,
      %mul3A_207 = arith.mulf %get3A_203, %get3A_206 : vector<16xf32>
      %cumsum3A_208 = arith.constant true
      %cumsum3A_209 = vector.broadcast %cumsum3A_208 : i1 to vector<16xi1>
      %cumsum3A_210 = tpu.scan <sum>, %mul3A_207 masked %cumsum3A_209 : vector<16xf32>, vector<16xi1> -> vector<16xf32>
      %eq3A_211 = arith.constant 2 : i32
      %eq3A_212 = vector.broadcast %eq3A_211 : i32 to vector<16xi32>
      %eq3A_213 = arith.cmpi eq, %iota3A, %eq3A_212 : vector<16xi32>
      %lt3A_214 = arith.constant 0 : i32
      %lt3A_215 = vector.broadcast %lt3A_214 : i32 to vector<16xi32>
      %lt3A_216 = arith.cmpi slt, %broadcast_in_dim3A_16, %lt3A_215 : vector<16xi32>
      %add3A_217 = arith.constant 16 : i32
      %add3A_218 = vector.broadcast %add3A_217 : i32 to vector<16xi32>
      %add3A_219 = arith.addi %broadcast_in_dim3A_16, %add3A_218 : vector<16xi32>
      %select_n3A_220 = arith.select %lt3A_216, %add3A_219, %broadcast_in_dim3A_16 : vector<16xi1>, vector<16xi32>
      %broadcast_in_dim3A_221 = vector.shape_cast %select_n3A_220 : vector<16xi32> to vector<16x1xi32>
      %gather3A_222 = vector.shape_cast %broadcast_in_dim3A_221 : vector<16x1xi32> to vector<16xi32>
      %gather3A_223 = tpu.dynamic_gather %cumsum3A_210[%gather3A_222] in [0] : vector<16xf32>, vector<16xi32> -> vector<16xf32>
      %select_n3A_224 = arith.select %eq3A_213, %gather3A_223, %select_n3A_200 : vector<16xi1>, vector<16xf32>
      %get3A_225 = arith.index_cast %scan3A_153 : i32 to index
      %get3A_226 = arith.constant 48 : index
      %get3A_227 = tpu.vector_load %arg11[%get3A_225, %get3A_226] {strides = array<i32>} : memref<80x128xf32, #tpu.memory_space<vmem>>, vector<16xf32>,
      %get3A_228 = arith.index_cast %scan3A_153 : i32 to index
      %get3A_229 = arith.constant 48 : index
      %get3A_230 = tpu.vector_load %arg13[%get3A_228, %get3A_229] {strides = array<i32>} : memref<80x256xf32, #tpu.memory_space<vmem>>, vector<16xf32>,
      %mul3A_231 = arith.mulf %get3A_227, %get3A_230 : vector<16xf32>
      %cumsum3A_232 = arith.constant true
      %cumsum3A_233 = vector.broadcast %cumsum3A_232 : i1 to vector<16xi1>
      %cumsum3A_234 = tpu.scan <sum>, %mul3A_231 masked %cumsum3A_233 : vector<16xf32>, vector<16xi1> -> vector<16xf32>
      %eq3A_235 = arith.constant 3 : i32
      %eq3A_236 = vector.broadcast %eq3A_235 : i32 to vector<16xi32>
      %eq3A_237 = arith.cmpi eq, %iota3A, %eq3A_236 : vector<16xi32>
      %lt3A_238 = arith.constant 0 : i32
      %lt3A_239 = vector.broadcast %lt3A_238 : i32 to vector<16xi32>
      %lt3A_240 = arith.cmpi slt, %broadcast_in_dim3A_16, %lt3A_239 : vector<16xi32>
      %add3A_241 = arith.constant 16 : i32
      %add3A_242 = vector.broadcast %add3A_241 : i32 to vector<16xi32>
      %add3A_243 = arith.addi %broadcast_in_dim3A_16, %add3A_242 : vector<16xi32>
      %select_n3A_244 = arith.select %lt3A_240, %add3A_243, %broadcast_in_dim3A_16 : vector<16xi1>, vector<16xi32>
      %broadcast_in_dim3A_245 = vector.shape_cast %select_n3A_244 : vector<16xi32> to vector<16x1xi32>
      %gather3A_246 = vector.shape_cast %broadcast_in_dim3A_245 : vector<16x1xi32> to vector<16xi32>
      %gather3A_247 = tpu.dynamic_gather %cumsum3A_234[%gather3A_246] in [0] : vector<16xf32>, vector<16xi32> -> vector<16xf32>
      %select_n3A_248 = arith.select %eq3A_237, %gather3A_247, %select_n3A_224 : vector<16xi1>, vector<16xf32>
      %get3A_249 = arith.index_cast %scan3A_153 : i32 to index
      %get3A_250 = arith.constant 64 : index
      %get3A_251 = tpu.vector_load %arg11[%get3A_249, %get3A_250] {strides = array<i32>} : memref<80x128xf32, #tpu.memory_space<vmem>>, vector<16xf32>,
      %get3A_252 = arith.index_cast %scan3A_153 : i32 to index
      %get3A_253 = arith.constant 64 : index
      %get3A_254 = tpu.vector_load %arg13[%get3A_252, %get3A_253] {strides = array<i32>} : memref<80x256xf32, #tpu.memory_space<vmem>>, vector<16xf32>,
      %mul3A_255 = arith.mulf %get3A_251, %get3A_254 : vector<16xf32>
      %cumsum3A_256 = arith.constant true
      %cumsum3A_257 = vector.broadcast %cumsum3A_256 : i1 to vector<16xi1>
      %cumsum3A_258 = tpu.scan <sum>, %mul3A_255 masked %cumsum3A_257 : vector<16xf32>, vector<16xi1> -> vector<16xf32>
      %eq3A_259 = arith.constant 4 : i32
      %eq3A_260 = vector.broadcast %eq3A_259 : i32 to vector<16xi32>
      %eq3A_261 = arith.cmpi eq, %iota3A, %eq3A_260 : vector<16xi32>
      %lt3A_262 = arith.constant 0 : i32
      %lt3A_263 = vector.broadcast %lt3A_262 : i32 to vector<16xi32>
      %lt3A_264 = arith.cmpi slt, %broadcast_in_dim3A_16, %lt3A_263 : vector<16xi32>
      %add3A_265 = arith.constant 16 : i32
      %add3A_266 = vector.broadcast %add3A_265 : i32 to vector<16xi32>
      %add3A_267 = arith.addi %broadcast_in_dim3A_16, %add3A_266 : vector<16xi32>
      %select_n3A_268 = arith.select %lt3A_264, %add3A_267, %broadcast_in_dim3A_16 : vector<16xi1>, vector<16xi32>
      %broadcast_in_dim3A_269 = vector.shape_cast %select_n3A_268 : vector<16xi32> to vector<16x1xi32>
      %gather3A_270 = vector.shape_cast %broadcast_in_dim3A_269 : vector<16x1xi32> to vector<16xi32>
      %gather3A_271 = tpu.dynamic_gather %cumsum3A_258[%gather3A_270] in [0] : vector<16xf32>, vector<16xi32> -> vector<16xf32>
      %select_n3A_272 = arith.select %eq3A_261, %gather3A_271, %select_n3A_248 : vector<16xi1>, vector<16xf32>
      %get3A_273 = arith.index_cast %scan3A_153 : i32 to index
      %get3A_274 = arith.constant 80 : index
      %get3A_275 = tpu.vector_load %arg11[%get3A_273, %get3A_274] {strides = array<i32>} : memref<80x128xf32, #tpu.memory_space<vmem>>, vector<16xf32>,
      %get3A_276 = arith.index_cast %scan3A_153 : i32 to index
      %get3A_277 = arith.constant 80 : index
      %get3A_278 = tpu.vector_load %arg13[%get3A_276, %get3A_277] {strides = array<i32>} : memref<80x256xf32, #tpu.memory_space<vmem>>, vector<16xf32>,
      %mul3A_279 = arith.mulf %get3A_275, %get3A_278 : vector<16xf32>
      %cumsum3A_280 = arith.constant true
      %cumsum3A_281 = vector.broadcast %cumsum3A_280 : i1 to vector<16xi1>
      %cumsum3A_282 = tpu.scan <sum>, %mul3A_279 masked %cumsum3A_281 : vector<16xf32>, vector<16xi1> -> vector<16xf32>
      %eq3A_283 = arith.constant 5 : i32
      %eq3A_284 = vector.broadcast %eq3A_283 : i32 to vector<16xi32>
      %eq3A_285 = arith.cmpi eq, %iota3A, %eq3A_284 : vector<16xi32>
      %lt3A_286 = arith.constant 0 : i32
      %lt3A_287 = vector.broadcast %lt3A_286 : i32 to vector<16xi32>
      %lt3A_288 = arith.cmpi slt, %broadcast_in_dim3A_16, %lt3A_287 : vector<16xi32>
      %add3A_289 = arith.constant 16 : i32
      %add3A_290 = vector.broadcast %add3A_289 : i32 to vector<16xi32>
      %add3A_291 = arith.addi %broadcast_in_dim3A_16, %add3A_290 : vector<16xi32>
      %select_n3A_292 = arith.select %lt3A_288, %add3A_291, %broadcast_in_dim3A_16 : vector<16xi1>, vector<16xi32>
      %broadcast_in_dim3A_293 = vector.shape_cast %select_n3A_292 : vector<16xi32> to vector<16x1xi32>
      %gather3A_294 = vector.shape_cast %broadcast_in_dim3A_293 : vector<16x1xi32> to vector<16xi32>
      %gather3A_295 = tpu.dynamic_gather %cumsum3A_282[%gather3A_294] in [0] : vector<16xf32>, vector<16xi32> -> vector<16xf32>
      %select_n3A_296 = arith.select %eq3A_285, %gather3A_295, %select_n3A_272 : vector<16xi1>, vector<16xf32>
      %get3A_297 = arith.index_cast %scan3A_153 : i32 to index
      %get3A_298 = arith.constant 96 : index
      %get3A_299 = tpu.vector_load %arg11[%get3A_297, %get3A_298] {strides = array<i32>} : memref<80x128xf32, #tpu.memory_space<vmem>>, vector<16xf32>,
      %get3A_300 = arith.index_cast %scan3A_153 : i32 to index
      %get3A_301 = arith.constant 96 : index
      %get3A_302 = tpu.vector_load %arg13[%get3A_300, %get3A_301] {strides = array<i32>} : memref<80x256xf32, #tpu.memory_space<vmem>>, vector<16xf32>,
      %mul3A_303 = arith.mulf %get3A_299, %get3A_302 : vector<16xf32>
      %cumsum3A_304 = arith.constant true
      %cumsum3A_305 = vector.broadcast %cumsum3A_304 : i1 to vector<16xi1>
      %cumsum3A_306 = tpu.scan <sum>, %mul3A_303 masked %cumsum3A_305 : vector<16xf32>, vector<16xi1> -> vector<16xf32>
      %eq3A_307 = arith.constant 6 : i32
      %eq3A_308 = vector.broadcast %eq3A_307 : i32 to vector<16xi32>
      %eq3A_309 = arith.cmpi eq, %iota3A, %eq3A_308 : vector<16xi32>
      %lt3A_310 = arith.constant 0 : i32
      %lt3A_311 = vector.broadcast %lt3A_310 : i32 to vector<16xi32>
      %lt3A_312 = arith.cmpi slt, %broadcast_in_dim3A_16, %lt3A_311 : vector<16xi32>
      %add3A_313 = arith.constant 16 : i32
      %add3A_314 = vector.broadcast %add3A_313 : i32 to vector<16xi32>
      %add3A_315 = arith.addi %broadcast_in_dim3A_16, %add3A_314 : vector<16xi32>
      %select_n3A_316 = arith.select %lt3A_312, %add3A_315, %broadcast_in_dim3A_16 : vector<16xi1>, vector<16xi32>
      %broadcast_in_dim3A_317 = vector.shape_cast %select_n3A_316 : vector<16xi32> to vector<16x1xi32>
      %gather3A_318 = vector.shape_cast %broadcast_in_dim3A_317 : vector<16x1xi32> to vector<16xi32>
      %gather3A_319 = tpu.dynamic_gather %cumsum3A_306[%gather3A_318] in [0] : vector<16xf32>, vector<16xi32> -> vector<16xf32>
      %select_n3A_320 = arith.select %eq3A_309, %gather3A_319, %select_n3A_296 : vector<16xi1>, vector<16xf32>
      %get3A_321 = arith.index_cast %scan3A_153 : i32 to index
      %get3A_322 = arith.constant 112 : index
      %get3A_323 = tpu.vector_load %arg11[%get3A_321, %get3A_322] {strides = array<i32>} : memref<80x128xf32, #tpu.memory_space<vmem>>, vector<16xf32>,
      %get3A_324 = arith.index_cast %scan3A_153 : i32 to index
      %get3A_325 = arith.constant 112 : index
      %get3A_326 = tpu.vector_load %arg13[%get3A_324, %get3A_325] {strides = array<i32>} : memref<80x256xf32, #tpu.memory_space<vmem>>, vector<16xf32>,
      %mul3A_327 = arith.mulf %get3A_323, %get3A_326 : vector<16xf32>
      %cumsum3A_328 = arith.constant true
      %cumsum3A_329 = vector.broadcast %cumsum3A_328 : i1 to vector<16xi1>
      %cumsum3A_330 = tpu.scan <sum>, %mul3A_327 masked %cumsum3A_329 : vector<16xf32>, vector<16xi1> -> vector<16xf32>
      %eq3A_331 = arith.constant 7 : i32
      %eq3A_332 = vector.broadcast %eq3A_331 : i32 to vector<16xi32>
      %eq3A_333 = arith.cmpi eq, %iota3A, %eq3A_332 : vector<16xi32>
      %lt3A_334 = arith.constant 0 : i32
      %lt3A_335 = vector.broadcast %lt3A_334 : i32 to vector<16xi32>
      %lt3A_336 = arith.cmpi slt, %broadcast_in_dim3A_16, %lt3A_335 : vector<16xi32>
      %add3A_337 = arith.constant 16 : i32
      %add3A_338 = vector.broadcast %add3A_337 : i32 to vector<16xi32>
      %add3A_339 = arith.addi %broadcast_in_dim3A_16, %add3A_338 : vector<16xi32>
      %select_n3A_340 = arith.select %lt3A_336, %add3A_339, %broadcast_in_dim3A_16 : vector<16xi1>, vector<16xi32>
      %broadcast_in_dim3A_341 = vector.shape_cast %select_n3A_340 : vector<16xi32> to vector<16x1xi32>
      %gather3A_342 = vector.shape_cast %broadcast_in_dim3A_341 : vector<16x1xi32> to vector<16xi32>
      %gather3A_343 = tpu.dynamic_gather %cumsum3A_330[%gather3A_342] in [0] : vector<16xf32>, vector<16xi32> -> vector<16xf32>
      %select_n3A_344 = arith.select %eq3A_333, %gather3A_343, %select_n3A_320 : vector<16xi1>, vector<16xf32>
      %mul3A_345 = arith.constant 2.500000e-01 : f32
      %mul3A_346 = vector.broadcast %mul3A_345 : f32 to vector<16xf32>
      %mul3A_347 = arith.mulf %select_n3A_344, %mul3A_346 : vector<16xf32>
      %exp3A = math.exp %mul3A_347 : vector<16xf32>
      %pack3A = tpu.pack_subelements %exp3A, %exp3A {pack_format = #tpu.pack_format<interleaved>, positions = array<i32: 0, 1>} : vector<16xf32>, vector<16xf32> -> vector<32xbf16>
      %swap3A_348 = arith.index_cast %scan3A_153 : i32 to index
      %swap3A_349 = arith.constant 128 : index
      %swap3A_350 = tpu.vector_load %arg15[%swap3A_348, %swap3A_349] {strides = array<i32>} : memref<80x160xbf16, #tpu.memory_space<vmem>>, vector<32xbf16>,
      tpu.vector_store %arg15[%swap3A_348, %swap3A_349], %pack3A {strides = array<i32>} : memref<80x160xbf16, #tpu.memory_space<vmem>>, vector<32xbf16>,
      %get3A_351 = arith.index_cast %scan3A_153 : i32 to index
      %get3A_352 = arith.constant 128 : index
      %get3A_353 = tpu.vector_load %arg13[%get3A_351, %get3A_352] {strides = array<i32>} : memref<80x256xf32, #tpu.memory_space<vmem>>, vector<16xf32>,
      %lt3A_354 = arith.constant 0 : i32
      %lt3A_355 = vector.broadcast %lt3A_354 : i32 to vector<16xi32>
      %lt3A_356 = arith.cmpi slt, %broadcast_in_dim3A_18, %lt3A_355 : vector<16xi32>
      %add3A_357 = arith.constant 16 : i32
      %add3A_358 = vector.broadcast %add3A_357 : i32 to vector<16xi32>
      %add3A_359 = arith.addi %broadcast_in_dim3A_18, %add3A_358 : vector<16xi32>
      %select_n3A_360 = arith.select %lt3A_356, %add3A_359, %broadcast_in_dim3A_18 : vector<16xi1>, vector<16xi32>
      %broadcast_in_dim3A_361 = vector.shape_cast %select_n3A_360 : vector<16xi32> to vector<16x1xi32>
      %gather3A_362 = vector.shape_cast %broadcast_in_dim3A_361 : vector<16x1xi32> to vector<16xi32>
      %gather3A_363 = tpu.dynamic_gather %exp3A[%gather3A_362] in [0] : vector<16xf32>, vector<16xi32> -> vector<16xf32>
      %mul3A_364 = arith.mulf %get3A_353, %gather3A_363 : vector<16xf32>
      %get3A_365 = arith.index_cast %scan3A_153 : i32 to index
      %get3A_366 = arith.constant 144 : index
      %get3A_367 = tpu.vector_load %arg13[%get3A_365, %get3A_366] {strides = array<i32>} : memref<80x256xf32, #tpu.memory_space<vmem>>, vector<16xf32>,
      %lt3A_368 = arith.constant 0 : i32
      %lt3A_369 = vector.broadcast %lt3A_368 : i32 to vector<16xi32>
      %lt3A_370 = arith.cmpi slt, %broadcast_in_dim3A_20, %lt3A_369 : vector<16xi32>
      %add3A_371 = arith.constant 16 : i32
      %add3A_372 = vector.broadcast %add3A_371 : i32 to vector<16xi32>
      %add3A_373 = arith.addi %broadcast_in_dim3A_20, %add3A_372 : vector<16xi32>
      %select_n3A_374 = arith.select %lt3A_370, %add3A_373, %broadcast_in_dim3A_20 : vector<16xi1>, vector<16xi32>
      %broadcast_in_dim3A_375 = vector.shape_cast %select_n3A_374 : vector<16xi32> to vector<16x1xi32>
      %gather3A_376 = vector.shape_cast %broadcast_in_dim3A_375 : vector<16x1xi32> to vector<16xi32>
      %gather3A_377 = tpu.dynamic_gather %exp3A[%gather3A_376] in [0] : vector<16xf32>, vector<16xi32> -> vector<16xf32>
      %mul3A_378 = arith.mulf %get3A_367, %gather3A_377 : vector<16xf32>
      %pack3A_379 = tpu.pack_subelements %mul3A_364, %mul3A_378 {pack_format = #tpu.pack_format<interleaved>, positions = array<i32: 0, 1>} : vector<16xf32>, vector<16xf32> -> vector<32xbf16>
      %swap3A_380 = arith.index_cast %scan3A_153 : i32 to index
      %swap3A_381 = arith.constant 0 : index
      %swap3A_382 = tpu.vector_load %arg15[%swap3A_380, %swap3A_381] {strides = array<i32>} : memref<80x160xbf16, #tpu.memory_space<vmem>>, vector<32xbf16>,
      tpu.vector_store %arg15[%swap3A_380, %swap3A_381], %pack3A_379 {strides = array<i32>} : memref<80x160xbf16, #tpu.memory_space<vmem>>, vector<32xbf16>,
      %get3A_383 = arith.index_cast %scan3A_153 : i32 to index
      %get3A_384 = arith.constant 160 : index
      %get3A_385 = tpu.vector_load %arg13[%get3A_383, %get3A_384] {strides = array<i32>} : memref<80x256xf32, #tpu.memory_space<vmem>>, vector<16xf32>,
      %lt3A_386 = arith.constant 0 : i32
      %lt3A_387 = vector.broadcast %lt3A_386 : i32 to vector<16xi32>
      %lt3A_388 = arith.cmpi slt, %broadcast_in_dim3A_22, %lt3A_387 : vector<16xi32>
      %add3A_389 = arith.constant 16 : i32
      %add3A_390 = vector.broadcast %add3A_389 : i32 to vector<16xi32>
      %add3A_391 = arith.addi %broadcast_in_dim3A_22, %add3A_390 : vector<16xi32>
      %select_n3A_392 = arith.select %lt3A_388, %add3A_391, %broadcast_in_dim3A_22 : vector<16xi1>, vector<16xi32>
      %broadcast_in_dim3A_393 = vector.shape_cast %select_n3A_392 : vector<16xi32> to vector<16x1xi32>
      %gather3A_394 = vector.shape_cast %broadcast_in_dim3A_393 : vector<16x1xi32> to vector<16xi32>
      %gather3A_395 = tpu.dynamic_gather %exp3A[%gather3A_394] in [0] : vector<16xf32>, vector<16xi32> -> vector<16xf32>
      %mul3A_396 = arith.mulf %get3A_385, %gather3A_395 : vector<16xf32>
      %get3A_397 = arith.index_cast %scan3A_153 : i32 to index
      %get3A_398 = arith.constant 176 : index
      %get3A_399 = tpu.vector_load %arg13[%get3A_397, %get3A_398] {strides = array<i32>} : memref<80x256xf32, #tpu.memory_space<vmem>>, vector<16xf32>,
      %lt3A_400 = arith.constant 0 : i32
      %lt3A_401 = vector.broadcast %lt3A_400 : i32 to vector<16xi32>
      %lt3A_402 = arith.cmpi slt, %broadcast_in_dim3A_24, %lt3A_401 : vector<16xi32>
      %add3A_403 = arith.constant 16 : i32
      %add3A_404 = vector.broadcast %add3A_403 : i32 to vector<16xi32>
      %add3A_405 = arith.addi %broadcast_in_dim3A_24, %add3A_404 : vector<16xi32>
      %select_n3A_406 = arith.select %lt3A_402, %add3A_405, %broadcast_in_dim3A_24 : vector<16xi1>, vector<16xi32>
      %broadcast_in_dim3A_407 = vector.shape_cast %select_n3A_406 : vector<16xi32> to vector<16x1xi32>
      %gather3A_408 = vector.shape_cast %broadcast_in_dim3A_407 : vector<16x1xi32> to vector<16xi32>
      %gather3A_409 = tpu.dynamic_gather %exp3A[%gather3A_408] in [0] : vector<16xf32>, vector<16xi32> -> vector<16xf32>
      %mul3A_410 = arith.mulf %get3A_399, %gather3A_409 : vector<16xf32>
      %pack3A_411 = tpu.pack_subelements %mul3A_396, %mul3A_410 {pack_format = #tpu.pack_format<interleaved>, positions = array<i32: 0, 1>} : vector<16xf32>, vector<16xf32> -> vector<32xbf16>
      %swap3A_412 = arith.index_cast %scan3A_153 : i32 to index
      %swap3A_413 = arith.constant 32 : index
      %swap3A_414 = tpu.vector_load %arg15[%swap3A_412, %swap3A_413] {strides = array<i32>} : memref<80x160xbf16, #tpu.memory_space<vmem>>, vector<32xbf16>,
      tpu.vector_store %arg15[%swap3A_412, %swap3A_413], %pack3A_411 {strides = array<i32>} : memref<80x160xbf16, #tpu.memory_space<vmem>>, vector<32xbf16>,
      %get3A_415 = arith.index_cast %scan3A_153 : i32 to index
      %get3A_416 = arith.constant 192 : index
      %get3A_417 = tpu.vector_load %arg13[%get3A_415, %get3A_416] {strides = array<i32>} : memref<80x256xf32, #tpu.memory_space<vmem>>, vector<16xf32>,
      %lt3A_418 = arith.constant 0 : i32
      %lt3A_419 = vector.broadcast %lt3A_418 : i32 to vector<16xi32>
      %lt3A_420 = arith.cmpi slt, %broadcast_in_dim3A_26, %lt3A_419 : vector<16xi32>
      %add3A_421 = arith.constant 16 : i32
      %add3A_422 = vector.broadcast %add3A_421 : i32 to vector<16xi32>
      %add3A_423 = arith.addi %broadcast_in_dim3A_26, %add3A_422 : vector<16xi32>
      %select_n3A_424 = arith.select %lt3A_420, %add3A_423, %broadcast_in_dim3A_26 : vector<16xi1>, vector<16xi32>
      %broadcast_in_dim3A_425 = vector.shape_cast %select_n3A_424 : vector<16xi32> to vector<16x1xi32>
      %gather3A_426 = vector.shape_cast %broadcast_in_dim3A_425 : vector<16x1xi32> to vector<16xi32>
      %gather3A_427 = tpu.dynamic_gather %exp3A[%gather3A_426] in [0] : vector<16xf32>, vector<16xi32> -> vector<16xf32>
      %mul3A_428 = arith.mulf %get3A_417, %gather3A_427 : vector<16xf32>
      %get3A_429 = arith.index_cast %scan3A_153 : i32 to index
      %get3A_430 = arith.constant 208 : index
      %get3A_431 = tpu.vector_load %arg13[%get3A_429, %get3A_430] {strides = array<i32>} : memref<80x256xf32, #tpu.memory_space<vmem>>, vector<16xf32>,
      %lt3A_432 = arith.constant 0 : i32
      %lt3A_433 = vector.broadcast %lt3A_432 : i32 to vector<16xi32>
      %lt3A_434 = arith.cmpi slt, %broadcast_in_dim3A_28, %lt3A_433 : vector<16xi32>
      %add3A_435 = arith.constant 16 : i32
      %add3A_436 = vector.broadcast %add3A_435 : i32 to vector<16xi32>
      %add3A_437 = arith.addi %broadcast_in_dim3A_28, %add3A_436 : vector<16xi32>
      %select_n3A_438 = arith.select %lt3A_434, %add3A_437, %broadcast_in_dim3A_28 : vector<16xi1>, vector<16xi32>
      %broadcast_in_dim3A_439 = vector.shape_cast %select_n3A_438 : vector<16xi32> to vector<16x1xi32>
      %gather3A_440 = vector.shape_cast %broadcast_in_dim3A_439 : vector<16x1xi32> to vector<16xi32>
      %gather3A_441 = tpu.dynamic_gather %exp3A[%gather3A_440] in [0] : vector<16xf32>, vector<16xi32> -> vector<16xf32>
      %mul3A_442 = arith.mulf %get3A_431, %gather3A_441 : vector<16xf32>
      %pack3A_443 = tpu.pack_subelements %mul3A_428, %mul3A_442 {pack_format = #tpu.pack_format<interleaved>, positions = array<i32: 0, 1>} : vector<16xf32>, vector<16xf32> -> vector<32xbf16>
      %swap3A_444 = arith.index_cast %scan3A_153 : i32 to index
      %swap3A_445 = arith.constant 64 : index
      %swap3A_446 = tpu.vector_load %arg15[%swap3A_444, %swap3A_445] {strides = array<i32>} : memref<80x160xbf16, #tpu.memory_space<vmem>>, vector<32xbf16>,
      tpu.vector_store %arg15[%swap3A_444, %swap3A_445], %pack3A_443 {strides = array<i32>} : memref<80x160xbf16, #tpu.memory_space<vmem>>, vector<32xbf16>,
      %get3A_447 = arith.index_cast %scan3A_153 : i32 to index
      %get3A_448 = arith.constant 224 : index
      %get3A_449 = tpu.vector_load %arg13[%get3A_447, %get3A_448] {strides = array<i32>} : memref<80x256xf32, #tpu.memory_space<vmem>>, vector<16xf32>,
      %lt3A_450 = arith.constant 0 : i32
      %lt3A_451 = vector.broadcast %lt3A_450 : i32 to vector<16xi32>
      %lt3A_452 = arith.cmpi slt, %broadcast_in_dim3A_30, %lt3A_451 : vector<16xi32>
      %add3A_453 = arith.constant 16 : i32
      %add3A_454 = vector.broadcast %add3A_453 : i32 to vector<16xi32>
      %add3A_455 = arith.addi %broadcast_in_dim3A_30, %add3A_454 : vector<16xi32>
      %select_n3A_456 = arith.select %lt3A_452, %add3A_455, %broadcast_in_dim3A_30 : vector<16xi1>, vector<16xi32>
      %broadcast_in_dim3A_457 = vector.shape_cast %select_n3A_456 : vector<16xi32> to vector<16x1xi32>
      %gather3A_458 = vector.shape_cast %broadcast_in_dim3A_457 : vector<16x1xi32> to vector<16xi32>
      %gather3A_459 = tpu.dynamic_gather %exp3A[%gather3A_458] in [0] : vector<16xf32>, vector<16xi32> -> vector<16xf32>
      %mul3A_460 = arith.mulf %get3A_449, %gather3A_459 : vector<16xf32>
      %get3A_461 = arith.index_cast %scan3A_153 : i32 to index
      %get3A_462 = arith.constant 240 : index
      %get3A_463 = tpu.vector_load %arg13[%get3A_461, %get3A_462] {strides = array<i32>} : memref<80x256xf32, #tpu.memory_space<vmem>>, vector<16xf32>,
      %lt3A_464 = arith.constant 0 : i32
      %lt3A_465 = vector.broadcast %lt3A_464 : i32 to vector<16xi32>
      %lt3A_466 = arith.cmpi slt, %broadcast_in_dim3A_32, %lt3A_465 : vector<16xi32>
      %add3A_467 = arith.constant 16 : i32
      %add3A_468 = vector.broadcast %add3A_467 : i32 to vector<16xi32>
      %add3A_469 = arith.addi %broadcast_in_dim3A_32, %add3A_468 : vector<16xi32>
      %select_n3A_470 = arith.select %lt3A_466, %add3A_469, %broadcast_in_dim3A_32 : vector<16xi1>, vector<16xi32>
      %broadcast_in_dim3A_471 = vector.shape_cast %select_n3A_470 : vector<16xi32> to vector<16x1xi32>
      %gather3A_472 = vector.shape_cast %broadcast_in_dim3A_471 : vector<16x1xi32> to vector<16xi32>
      %gather3A_473 = tpu.dynamic_gather %exp3A[%gather3A_472] in [0] : vector<16xf32>, vector<16xi32> -> vector<16xf32>
      %mul3A_474 = arith.mulf %get3A_463, %gather3A_473 : vector<16xf32>
      %pack3A_475 = tpu.pack_subelements %mul3A_460, %mul3A_474 {pack_format = #tpu.pack_format<interleaved>, positions = array<i32: 0, 1>} : vector<16xf32>, vector<16xf32> -> vector<32xbf16>
      %swap3A_476 = arith.index_cast %scan3A_153 : i32 to index
      %swap3A_477 = arith.constant 96 : index
      %swap3A_478 = tpu.vector_load %arg15[%swap3A_476, %swap3A_477] {strides = array<i32>} : memref<80x160xbf16, #tpu.memory_space<vmem>>, vector<32xbf16>,
      tpu.vector_store %arg15[%swap3A_476, %swap3A_477], %pack3A_475 {strides = array<i32>} : memref<80x160xbf16, #tpu.memory_space<vmem>>, vector<32xbf16>,
      %scan3A_479 = arith.constant 0 : i32
      %scan3A_480 = arith.constant 1 : i32
      %scan3A_481 = arith.addi %scan3A_153, %scan3A_480 : i32
      %broadcast_in_dim3A_482 = arith.constant 0.000000e+00 : f32
      %broadcast_in_dim3A_483 = vector.broadcast %broadcast_in_dim3A_482 : f32 to vector<16xf32>
      %get3A_484 = arith.index_cast %scan3A_481 : i32 to index
      %get3A_485 = arith.constant 0 : index
      %get3A_486 = tpu.vector_load %arg11[%get3A_484, %get3A_485] {strides = array<i32>} : memref<80x128xf32, #tpu.memory_space<vmem>>, vector<16xf32>,
      %get3A_487 = arith.index_cast %scan3A_481 : i32 to index
      %get3A_488 = arith.constant 0 : index
      %get3A_489 = tpu.vector_load %arg13[%get3A_487, %get3A_488] {strides = array<i32>} : memref<80x256xf32, #tpu.memory_space<vmem>>, vector<16xf32>,
      %mul3A_490 = arith.mulf %get3A_486, %get3A_489 : vector<16xf32>
      %cumsum3A_491 = arith.constant true
      %cumsum3A_492 = vector.broadcast %cumsum3A_491 : i1 to vector<16xi1>
      %cumsum3A_493 = tpu.scan <sum>, %mul3A_490 masked %cumsum3A_492 : vector<16xf32>, vector<16xi1> -> vector<16xf32>
      %eq3A_494 = arith.constant 0 : i32
      %eq3A_495 = vector.broadcast %eq3A_494 : i32 to vector<16xi32>
      %eq3A_496 = arith.cmpi eq, %iota3A, %eq3A_495 : vector<16xi32>
      %lt3A_497 = arith.constant 0 : i32
      %lt3A_498 = vector.broadcast %lt3A_497 : i32 to vector<16xi32>
      %lt3A_499 = arith.cmpi slt, %broadcast_in_dim3A_16, %lt3A_498 : vector<16xi32>
      %add3A_500 = arith.constant 16 : i32
      %add3A_501 = vector.broadcast %add3A_500 : i32 to vector<16xi32>
      %add3A_502 = arith.addi %broadcast_in_dim3A_16, %add3A_501 : vector<16xi32>
      %select_n3A_503 = arith.select %lt3A_499, %add3A_502, %broadcast_in_dim3A_16 : vector<16xi1>, vector<16xi32>
      %broadcast_in_dim3A_504 = vector.shape_cast %select_n3A_503 : vector<16xi32> to vector<16x1xi32>
      %gather3A_505 = vector.shape_cast %broadcast_in_dim3A_504 : vector<16x1xi32> to vector<16xi32>
      %gather3A_506 = tpu.dynamic_gather %cumsum3A_493[%gather3A_505] in [0] : vector<16xf32>, vector<16xi32> -> vector<16xf32>
      %select_n3A_507 = arith.select %eq3A_496, %gather3A_506, %broadcast_in_dim3A_483 : vector<16xi1>, vector<16xf32>
      %get3A_508 = arith.index_cast %scan3A_481 : i32 to index
      %get3A_509 = arith.constant 16 : index
      %get3A_510 = tpu.vector_load %arg11[%get3A_508, %get3A_509] {strides = array<i32>} : memref<80x128xf32, #tpu.memory_space<vmem>>, vector<16xf32>,
      %get3A_511 = arith.index_cast %scan3A_481 : i32 to index
      %get3A_512 = arith.constant 16 : index
      %get3A_513 = tpu.vector_load %arg13[%get3A_511, %get3A_512] {strides = array<i32>} : memref<80x256xf32, #tpu.memory_space<vmem>>, vector<16xf32>,
      %mul3A_514 = arith.mulf %get3A_510, %get3A_513 : vector<16xf32>
      %cumsum3A_515 = arith.constant true
      %cumsum3A_516 = vector.broadcast %cumsum3A_515 : i1 to vector<16xi1>
      %cumsum3A_517 = tpu.scan <sum>, %mul3A_514 masked %cumsum3A_516 : vector<16xf32>, vector<16xi1> -> vector<16xf32>
      %eq3A_518 = arith.constant 1 : i32
      %eq3A_519 = vector.broadcast %eq3A_518 : i32 to vector<16xi32>
      %eq3A_520 = arith.cmpi eq, %iota3A, %eq3A_519 : vector<16xi32>
      %lt3A_521 = arith.constant 0 : i32
      %lt3A_522 = vector.broadcast %lt3A_521 : i32 to vector<16xi32>
      %lt3A_523 = arith.cmpi slt, %broadcast_in_dim3A_16, %lt3A_522 : vector<16xi32>
      %add3A_524 = arith.constant 16 : i32
      %add3A_525 = vector.broadcast %add3A_524 : i32 to vector<16xi32>
      %add3A_526 = arith.addi %broadcast_in_dim3A_16, %add3A_525 : vector<16xi32>
      %select_n3A_527 = arith.select %lt3A_523, %add3A_526, %broadcast_in_dim3A_16 : vector<16xi1>, vector<16xi32>
      %broadcast_in_dim3A_528 = vector.shape_cast %select_n3A_527 : vector<16xi32> to vector<16x1xi32>
      %gather3A_529 = vector.shape_cast %broadcast_in_dim3A_528 : vector<16x1xi32> to vector<16xi32>
      %gather3A_530 = tpu.dynamic_gather %cumsum3A_517[%gather3A_529] in [0] : vector<16xf32>, vector<16xi32> -> vector<16xf32>
      %select_n3A_531 = arith.select %eq3A_520, %gather3A_530, %select_n3A_507 : vector<16xi1>, vector<16xf32>
      %get3A_532 = arith.index_cast %scan3A_481 : i32 to index
      %get3A_533 = arith.constant 32 : index
      %get3A_534 = tpu.vector_load %arg11[%get3A_532, %get3A_533] {strides = array<i32>} : memref<80x128xf32, #tpu.memory_space<vmem>>, vector<16xf32>,
      %get3A_535 = arith.index_cast %scan3A_481 : i32 to index
      %get3A_536 = arith.constant 32 : index
      %get3A_537 = tpu.vector_load %arg13[%get3A_535, %get3A_536] {strides = array<i32>} : memref<80x256xf32, #tpu.memory_space<vmem>>, vector<16xf32>,
      %mul3A_538 = arith.mulf %get3A_534, %get3A_537 : vector<16xf32>
      %cumsum3A_539 = arith.constant true
      %cumsum3A_540 = vector.broadcast %cumsum3A_539 : i1 to vector<16xi1>
      %cumsum3A_541 = tpu.scan <sum>, %mul3A_538 masked %cumsum3A_540 : vector<16xf32>, vector<16xi1> -> vector<16xf32>
      %eq3A_542 = arith.constant 2 : i32
      %eq3A_543 = vector.broadcast %eq3A_542 : i32 to vector<16xi32>
      %eq3A_544 = arith.cmpi eq, %iota3A, %eq3A_543 : vector<16xi32>
      %lt3A_545 = arith.constant 0 : i32
      %lt3A_546 = vector.broadcast %lt3A_545 : i32 to vector<16xi32>
      %lt3A_547 = arith.cmpi slt, %broadcast_in_dim3A_16, %lt3A_546 : vector<16xi32>
      %add3A_548 = arith.constant 16 : i32
      %add3A_549 = vector.broadcast %add3A_548 : i32 to vector<16xi32>
      %add3A_550 = arith.addi %broadcast_in_dim3A_16, %add3A_549 : vector<16xi32>
      %select_n3A_551 = arith.select %lt3A_547, %add3A_550, %broadcast_in_dim3A_16 : vector<16xi1>, vector<16xi32>
      %broadcast_in_dim3A_552 = vector.shape_cast %select_n3A_551 : vector<16xi32> to vector<16x1xi32>
      %gather3A_553 = vector.shape_cast %broadcast_in_dim3A_552 : vector<16x1xi32> to vector<16xi32>
      %gather3A_554 = tpu.dynamic_gather %cumsum3A_541[%gather3A_553] in [0] : vector<16xf32>, vector<16xi32> -> vector<16xf32>
      %select_n3A_555 = arith.select %eq3A_544, %gather3A_554, %select_n3A_531 : vector<16xi1>, vector<16xf32>
      %get3A_556 = arith.index_cast %scan3A_481 : i32 to index
      %get3A_557 = arith.constant 48 : index
      %get3A_558 = tpu.vector_load %arg11[%get3A_556, %get3A_557] {strides = array<i32>} : memref<80x128xf32, #tpu.memory_space<vmem>>, vector<16xf32>,
      %get3A_559 = arith.index_cast %scan3A_481 : i32 to index
      %get3A_560 = arith.constant 48 : index
      %get3A_561 = tpu.vector_load %arg13[%get3A_559, %get3A_560] {strides = array<i32>} : memref<80x256xf32, #tpu.memory_space<vmem>>, vector<16xf32>,
      %mul3A_562 = arith.mulf %get3A_558, %get3A_561 : vector<16xf32>
      %cumsum3A_563 = arith.constant true
      %cumsum3A_564 = vector.broadcast %cumsum3A_563 : i1 to vector<16xi1>
      %cumsum3A_565 = tpu.scan <sum>, %mul3A_562 masked %cumsum3A_564 : vector<16xf32>, vector<16xi1> -> vector<16xf32>
      %eq3A_566 = arith.constant 3 : i32
      %eq3A_567 = vector.broadcast %eq3A_566 : i32 to vector<16xi32>
      %eq3A_568 = arith.cmpi eq, %iota3A, %eq3A_567 : vector<16xi32>
      %lt3A_569 = arith.constant 0 : i32
      %lt3A_570 = vector.broadcast %lt3A_569 : i32 to vector<16xi32>
      %lt3A_571 = arith.cmpi slt, %broadcast_in_dim3A_16, %lt3A_570 : vector<16xi32>
      %add3A_572 = arith.constant 16 : i32
      %add3A_573 = vector.broadcast %add3A_572 : i32 to vector<16xi32>
      %add3A_574 = arith.addi %broadcast_in_dim3A_16, %add3A_573 : vector<16xi32>
      %select_n3A_575 = arith.select %lt3A_571, %add3A_574, %broadcast_in_dim3A_16 : vector<16xi1>, vector<16xi32>
      %broadcast_in_dim3A_576 = vector.shape_cast %select_n3A_575 : vector<16xi32> to vector<16x1xi32>
      %gather3A_577 = vector.shape_cast %broadcast_in_dim3A_576 : vector<16x1xi32> to vector<16xi32>
      %gather3A_578 = tpu.dynamic_gather %cumsum3A_565[%gather3A_577] in [0] : vector<16xf32>, vector<16xi32> -> vector<16xf32>
      %select_n3A_579 = arith.select %eq3A_568, %gather3A_578, %select_n3A_555 : vector<16xi1>, vector<16xf32>
      %get3A_580 = arith.index_cast %scan3A_481 : i32 to index
      %get3A_581 = arith.constant 64 : index
      %get3A_582 = tpu.vector_load %arg11[%get3A_580, %get3A_581] {strides = array<i32>} : memref<80x128xf32, #tpu.memory_space<vmem>>, vector<16xf32>,
      %get3A_583 = arith.index_cast %scan3A_481 : i32 to index
      %get3A_584 = arith.constant 64 : index
      %get3A_585 = tpu.vector_load %arg13[%get3A_583, %get3A_584] {strides = array<i32>} : memref<80x256xf32, #tpu.memory_space<vmem>>, vector<16xf32>,
      %mul3A_586 = arith.mulf %get3A_582, %get3A_585 : vector<16xf32>
      %cumsum3A_587 = arith.constant true
      %cumsum3A_588 = vector.broadcast %cumsum3A_587 : i1 to vector<16xi1>
      %cumsum3A_589 = tpu.scan <sum>, %mul3A_586 masked %cumsum3A_588 : vector<16xf32>, vector<16xi1> -> vector<16xf32>
      %eq3A_590 = arith.constant 4 : i32
      %eq3A_591 = vector.broadcast %eq3A_590 : i32 to vector<16xi32>
      %eq3A_592 = arith.cmpi eq, %iota3A, %eq3A_591 : vector<16xi32>
      %lt3A_593 = arith.constant 0 : i32
      %lt3A_594 = vector.broadcast %lt3A_593 : i32 to vector<16xi32>
      %lt3A_595 = arith.cmpi slt, %broadcast_in_dim3A_16, %lt3A_594 : vector<16xi32>
      %add3A_596 = arith.constant 16 : i32
      %add3A_597 = vector.broadcast %add3A_596 : i32 to vector<16xi32>
      %add3A_598 = arith.addi %broadcast_in_dim3A_16, %add3A_597 : vector<16xi32>
      %select_n3A_599 = arith.select %lt3A_595, %add3A_598, %broadcast_in_dim3A_16 : vector<16xi1>, vector<16xi32>
      %broadcast_in_dim3A_600 = vector.shape_cast %select_n3A_599 : vector<16xi32> to vector<16x1xi32>
      %gather3A_601 = vector.shape_cast %broadcast_in_dim3A_600 : vector<16x1xi32> to vector<16xi32>
      %gather3A_602 = tpu.dynamic_gather %cumsum3A_589[%gather3A_601] in [0] : vector<16xf32>, vector<16xi32> -> vector<16xf32>
      %select_n3A_603 = arith.select %eq3A_592, %gather3A_602, %select_n3A_579 : vector<16xi1>, vector<16xf32>
      %get3A_604 = arith.index_cast %scan3A_481 : i32 to index
      %get3A_605 = arith.constant 80 : index
      %get3A_606 = tpu.vector_load %arg11[%get3A_604, %get3A_605] {strides = array<i32>} : memref<80x128xf32, #tpu.memory_space<vmem>>, vector<16xf32>,
      %get3A_607 = arith.index_cast %scan3A_481 : i32 to index
      %get3A_608 = arith.constant 80 : index
      %get3A_609 = tpu.vector_load %arg13[%get3A_607, %get3A_608] {strides = array<i32>} : memref<80x256xf32, #tpu.memory_space<vmem>>, vector<16xf32>,
      %mul3A_610 = arith.mulf %get3A_606, %get3A_609 : vector<16xf32>
      %cumsum3A_611 = arith.constant true
      %cumsum3A_612 = vector.broadcast %cumsum3A_611 : i1 to vector<16xi1>
      %cumsum3A_613 = tpu.scan <sum>, %mul3A_610 masked %cumsum3A_612 : vector<16xf32>, vector<16xi1> -> vector<16xf32>
      %eq3A_614 = arith.constant 5 : i32
      %eq3A_615 = vector.broadcast %eq3A_614 : i32 to vector<16xi32>
      %eq3A_616 = arith.cmpi eq, %iota3A, %eq3A_615 : vector<16xi32>
      %lt3A_617 = arith.constant 0 : i32
      %lt3A_618 = vector.broadcast %lt3A_617 : i32 to vector<16xi32>
      %lt3A_619 = arith.cmpi slt, %broadcast_in_dim3A_16, %lt3A_618 : vector<16xi32>
      %add3A_620 = arith.constant 16 : i32
      %add3A_621 = vector.broadcast %add3A_620 : i32 to vector<16xi32>
      %add3A_622 = arith.addi %broadcast_in_dim3A_16, %add3A_621 : vector<16xi32>
      %select_n3A_623 = arith.select %lt3A_619, %add3A_622, %broadcast_in_dim3A_16 : vector<16xi1>, vector<16xi32>
      %broadcast_in_dim3A_624 = vector.shape_cast %select_n3A_623 : vector<16xi32> to vector<16x1xi32>
      %gather3A_625 = vector.shape_cast %broadcast_in_dim3A_624 : vector<16x1xi32> to vector<16xi32>
      %gather3A_626 = tpu.dynamic_gather %cumsum3A_613[%gather3A_625] in [0] : vector<16xf32>, vector<16xi32> -> vector<16xf32>
      %select_n3A_627 = arith.select %eq3A_616, %gather3A_626, %select_n3A_603 : vector<16xi1>, vector<16xf32>
      %get3A_628 = arith.index_cast %scan3A_481 : i32 to index
      %get3A_629 = arith.constant 96 : index
      %get3A_630 = tpu.vector_load %arg11[%get3A_628, %get3A_629] {strides = array<i32>} : memref<80x128xf32, #tpu.memory_space<vmem>>, vector<16xf32>,
      %get3A_631 = arith.index_cast %scan3A_481 : i32 to index
      %get3A_632 = arith.constant 96 : index
      %get3A_633 = tpu.vector_load %arg13[%get3A_631, %get3A_632] {strides = array<i32>} : memref<80x256xf32, #tpu.memory_space<vmem>>, vector<16xf32>,
      %mul3A_634 = arith.mulf %get3A_630, %get3A_633 : vector<16xf32>
      %cumsum3A_635 = arith.constant true
      %cumsum3A_636 = vector.broadcast %cumsum3A_635 : i1 to vector<16xi1>
      %cumsum3A_637 = tpu.scan <sum>, %mul3A_634 masked %cumsum3A_636 : vector<16xf32>, vector<16xi1> -> vector<16xf32>
      %eq3A_638 = arith.constant 6 : i32
      %eq3A_639 = vector.broadcast %eq3A_638 : i32 to vector<16xi32>
      %eq3A_640 = arith.cmpi eq, %iota3A, %eq3A_639 : vector<16xi32>
      %lt3A_641 = arith.constant 0 : i32
      %lt3A_642 = vector.broadcast %lt3A_641 : i32 to vector<16xi32>
      %lt3A_643 = arith.cmpi slt, %broadcast_in_dim3A_16, %lt3A_642 : vector<16xi32>
      %add3A_644 = arith.constant 16 : i32
      %add3A_645 = vector.broadcast %add3A_644 : i32 to vector<16xi32>
      %add3A_646 = arith.addi %broadcast_in_dim3A_16, %add3A_645 : vector<16xi32>
      %select_n3A_647 = arith.select %lt3A_643, %add3A_646, %broadcast_in_dim3A_16 : vector<16xi1>, vector<16xi32>
      %broadcast_in_dim3A_648 = vector.shape_cast %select_n3A_647 : vector<16xi32> to vector<16x1xi32>
      %gather3A_649 = vector.shape_cast %broadcast_in_dim3A_648 : vector<16x1xi32> to vector<16xi32>
      %gather3A_650 = tpu.dynamic_gather %cumsum3A_637[%gather3A_649] in [0] : vector<16xf32>, vector<16xi32> -> vector<16xf32>
      %select_n3A_651 = arith.select %eq3A_640, %gather3A_650, %select_n3A_627 : vector<16xi1>, vector<16xf32>
      %get3A_652 = arith.index_cast %scan3A_481 : i32 to index
      %get3A_653 = arith.constant 112 : index
      %get3A_654 = tpu.vector_load %arg11[%get3A_652, %get3A_653] {strides = array<i32>} : memref<80x128xf32, #tpu.memory_space<vmem>>, vector<16xf32>,
      %get3A_655 = arith.index_cast %scan3A_481 : i32 to index
      %get3A_656 = arith.constant 112 : index
      %get3A_657 = tpu.vector_load %arg13[%get3A_655, %get3A_656] {strides = array<i32>} : memref<80x256xf32, #tpu.memory_space<vmem>>, vector<16xf32>,
      %mul3A_658 = arith.mulf %get3A_654, %get3A_657 : vector<16xf32>
      %cumsum3A_659 = arith.constant true
      %cumsum3A_660 = vector.broadcast %cumsum3A_659 : i1 to vector<16xi1>
      %cumsum3A_661 = tpu.scan <sum>, %mul3A_658 masked %cumsum3A_660 : vector<16xf32>, vector<16xi1> -> vector<16xf32>
      %eq3A_662 = arith.constant 7 : i32
      %eq3A_663 = vector.broadcast %eq3A_662 : i32 to vector<16xi32>
      %eq3A_664 = arith.cmpi eq, %iota3A, %eq3A_663 : vector<16xi32>
      %lt3A_665 = arith.constant 0 : i32
      %lt3A_666 = vector.broadcast %lt3A_665 : i32 to vector<16xi32>
      %lt3A_667 = arith.cmpi slt, %broadcast_in_dim3A_16, %lt3A_666 : vector<16xi32>
      %add3A_668 = arith.constant 16 : i32
      %add3A_669 = vector.broadcast %add3A_668 : i32 to vector<16xi32>
      %add3A_670 = arith.addi %broadcast_in_dim3A_16, %add3A_669 : vector<16xi32>
      %select_n3A_671 = arith.select %lt3A_667, %add3A_670, %broadcast_in_dim3A_16 : vector<16xi1>, vector<16xi32>
      %broadcast_in_dim3A_672 = vector.shape_cast %select_n3A_671 : vector<16xi32> to vector<16x1xi32>
      %gather3A_673 = vector.shape_cast %broadcast_in_dim3A_672 : vector<16x1xi32> to vector<16xi32>
      %gather3A_674 = tpu.dynamic_gather %cumsum3A_661[%gather3A_673] in [0] : vector<16xf32>, vector<16xi32> -> vector<16xf32>
      %select_n3A_675 = arith.select %eq3A_664, %gather3A_674, %select_n3A_651 : vector<16xi1>, vector<16xf32>
      %mul3A_676 = arith.constant 2.500000e-01 : f32
      %mul3A_677 = vector.broadcast %mul3A_676 : f32 to vector<16xf32>
      %mul3A_678 = arith.mulf %select_n3A_675, %mul3A_677 : vector<16xf32>
      %exp3A_679 = math.exp %mul3A_678 : vector<16xf32>
      %pack3A_680 = tpu.pack_subelements %exp3A_679, %exp3A_679 {pack_format = #tpu.pack_format<interleaved>, positions = array<i32: 0, 1>} : vector<16xf32>, vector<16xf32> -> vector<32xbf16>
      %swap3A_681 = arith.index_cast %scan3A_481 : i32 to index
      %swap3A_682 = arith.constant 128 : index
      %swap3A_683 = tpu.vector_load %arg15[%swap3A_681, %swap3A_682] {strides = array<i32>} : memref<80x160xbf16, #tpu.memory_space<vmem>>, vector<32xbf16>,
      tpu.vector_store %arg15[%swap3A_681, %swap3A_682], %pack3A_680 {strides = array<i32>} : memref<80x160xbf16, #tpu.memory_space<vmem>>, vector<32xbf16>,
      %get3A_684 = arith.index_cast %scan3A_481 : i32 to index
      %get3A_685 = arith.constant 128 : index
      %get3A_686 = tpu.vector_load %arg13[%get3A_684, %get3A_685] {strides = array<i32>} : memref<80x256xf32, #tpu.memory_space<vmem>>, vector<16xf32>,
      %lt3A_687 = arith.constant 0 : i32
      %lt3A_688 = vector.broadcast %lt3A_687 : i32 to vector<16xi32>
      %lt3A_689 = arith.cmpi slt, %broadcast_in_dim3A_18, %lt3A_688 : vector<16xi32>
      %add3A_690 = arith.constant 16 : i32
      %add3A_691 = vector.broadcast %add3A_690 : i32 to vector<16xi32>
      %add3A_692 = arith.addi %broadcast_in_dim3A_18, %add3A_691 : vector<16xi32>
      %select_n3A_693 = arith.select %lt3A_689, %add3A_692, %broadcast_in_dim3A_18 : vector<16xi1>, vector<16xi32>
      %broadcast_in_dim3A_694 = vector.shape_cast %select_n3A_693 : vector<16xi32> to vector<16x1xi32>
      %gather3A_695 = vector.shape_cast %broadcast_in_dim3A_694 : vector<16x1xi32> to vector<16xi32>
      %gather3A_696 = tpu.dynamic_gather %exp3A_679[%gather3A_695] in [0] : vector<16xf32>, vector<16xi32> -> vector<16xf32>
      %mul3A_697 = arith.mulf %get3A_686, %gather3A_696 : vector<16xf32>
      %get3A_698 = arith.index_cast %scan3A_481 : i32 to index
      %get3A_699 = arith.constant 144 : index
      %get3A_700 = tpu.vector_load %arg13[%get3A_698, %get3A_699] {strides = array<i32>} : memref<80x256xf32, #tpu.memory_space<vmem>>, vector<16xf32>,
      %lt3A_701 = arith.constant 0 : i32
      %lt3A_702 = vector.broadcast %lt3A_701 : i32 to vector<16xi32>
      %lt3A_703 = arith.cmpi slt, %broadcast_in_dim3A_20, %lt3A_702 : vector<16xi32>
      %add3A_704 = arith.constant 16 : i32
      %add3A_705 = vector.broadcast %add3A_704 : i32 to vector<16xi32>
      %add3A_706 = arith.addi %broadcast_in_dim3A_20, %add3A_705 : vector<16xi32>
      %select_n3A_707 = arith.select %lt3A_703, %add3A_706, %broadcast_in_dim3A_20 : vector<16xi1>, vector<16xi32>
      %broadcast_in_dim3A_708 = vector.shape_cast %select_n3A_707 : vector<16xi32> to vector<16x1xi32>
      %gather3A_709 = vector.shape_cast %broadcast_in_dim3A_708 : vector<16x1xi32> to vector<16xi32>
      %gather3A_710 = tpu.dynamic_gather %exp3A_679[%gather3A_709] in [0] : vector<16xf32>, vector<16xi32> -> vector<16xf32>
      %mul3A_711 = arith.mulf %get3A_700, %gather3A_710 : vector<16xf32>
      %pack3A_712 = tpu.pack_subelements %mul3A_697, %mul3A_711 {pack_format = #tpu.pack_format<interleaved>, positions = array<i32: 0, 1>} : vector<16xf32>, vector<16xf32> -> vector<32xbf16>
      %swap3A_713 = arith.index_cast %scan3A_481 : i32 to index
      %swap3A_714 = arith.constant 0 : index
      %swap3A_715 = tpu.vector_load %arg15[%swap3A_713, %swap3A_714] {strides = array<i32>} : memref<80x160xbf16, #tpu.memory_space<vmem>>, vector<32xbf16>,
      tpu.vector_store %arg15[%swap3A_713, %swap3A_714], %pack3A_712 {strides = array<i32>} : memref<80x160xbf16, #tpu.memory_space<vmem>>, vector<32xbf16>,
      %get3A_716 = arith.index_cast %scan3A_481 : i32 to index
      %get3A_717 = arith.constant 160 : index
      %get3A_718 = tpu.vector_load %arg13[%get3A_716, %get3A_717] {strides = array<i32>} : memref<80x256xf32, #tpu.memory_space<vmem>>, vector<16xf32>,
      %lt3A_719 = arith.constant 0 : i32
      %lt3A_720 = vector.broadcast %lt3A_719 : i32 to vector<16xi32>
      %lt3A_721 = arith.cmpi slt, %broadcast_in_dim3A_22, %lt3A_720 : vector<16xi32>
      %add3A_722 = arith.constant 16 : i32
      %add3A_723 = vector.broadcast %add3A_722 : i32 to vector<16xi32>
      %add3A_724 = arith.addi %broadcast_in_dim3A_22, %add3A_723 : vector<16xi32>
      %select_n3A_725 = arith.select %lt3A_721, %add3A_724, %broadcast_in_dim3A_22 : vector<16xi1>, vector<16xi32>
      %broadcast_in_dim3A_726 = vector.shape_cast %select_n3A_725 : vector<16xi32> to vector<16x1xi32>
      %gather3A_727 = vector.shape_cast %broadcast_in_dim3A_726 : vector<16x1xi32> to vector<16xi32>
      %gather3A_728 = tpu.dynamic_gather %exp3A_679[%gather3A_727] in [0] : vector<16xf32>, vector<16xi32> -> vector<16xf32>
      %mul3A_729 = arith.mulf %get3A_718, %gather3A_728 : vector<16xf32>
      %get3A_730 = arith.index_cast %scan3A_481 : i32 to index
      %get3A_731 = arith.constant 176 : index
      %get3A_732 = tpu.vector_load %arg13[%get3A_730, %get3A_731] {strides = array<i32>} : memref<80x256xf32, #tpu.memory_space<vmem>>, vector<16xf32>,
      %lt3A_733 = arith.constant 0 : i32
      %lt3A_734 = vector.broadcast %lt3A_733 : i32 to vector<16xi32>
      %lt3A_735 = arith.cmpi slt, %broadcast_in_dim3A_24, %lt3A_734 : vector<16xi32>
      %add3A_736 = arith.constant 16 : i32
      %add3A_737 = vector.broadcast %add3A_736 : i32 to vector<16xi32>
      %add3A_738 = arith.addi %broadcast_in_dim3A_24, %add3A_737 : vector<16xi32>
      %select_n3A_739 = arith.select %lt3A_735, %add3A_738, %broadcast_in_dim3A_24 : vector<16xi1>, vector<16xi32>
      %broadcast_in_dim3A_740 = vector.shape_cast %select_n3A_739 : vector<16xi32> to vector<16x1xi32>
      %gather3A_741 = vector.shape_cast %broadcast_in_dim3A_740 : vector<16x1xi32> to vector<16xi32>
      %gather3A_742 = tpu.dynamic_gather %exp3A_679[%gather3A_741] in [0] : vector<16xf32>, vector<16xi32> -> vector<16xf32>
      %mul3A_743 = arith.mulf %get3A_732, %gather3A_742 : vector<16xf32>
      %pack3A_744 = tpu.pack_subelements %mul3A_729, %mul3A_743 {pack_format = #tpu.pack_format<interleaved>, positions = array<i32: 0, 1>} : vector<16xf32>, vector<16xf32> -> vector<32xbf16>
      %swap3A_745 = arith.index_cast %scan3A_481 : i32 to index
      %swap3A_746 = arith.constant 32 : index
      %swap3A_747 = tpu.vector_load %arg15[%swap3A_745, %swap3A_746] {strides = array<i32>} : memref<80x160xbf16, #tpu.memory_space<vmem>>, vector<32xbf16>,
      tpu.vector_store %arg15[%swap3A_745, %swap3A_746], %pack3A_744 {strides = array<i32>} : memref<80x160xbf16, #tpu.memory_space<vmem>>, vector<32xbf16>,
      %get3A_748 = arith.index_cast %scan3A_481 : i32 to index
      %get3A_749 = arith.constant 192 : index
      %get3A_750 = tpu.vector_load %arg13[%get3A_748, %get3A_749] {strides = array<i32>} : memref<80x256xf32, #tpu.memory_space<vmem>>, vector<16xf32>,
      %lt3A_751 = arith.constant 0 : i32
      %lt3A_752 = vector.broadcast %lt3A_751 : i32 to vector<16xi32>
      %lt3A_753 = arith.cmpi slt, %broadcast_in_dim3A_26, %lt3A_752 : vector<16xi32>
      %add3A_754 = arith.constant 16 : i32
      %add3A_755 = vector.broadcast %add3A_754 : i32 to vector<16xi32>
      %add3A_756 = arith.addi %broadcast_in_dim3A_26, %add3A_755 : vector<16xi32>
      %select_n3A_757 = arith.select %lt3A_753, %add3A_756, %broadcast_in_dim3A_26 : vector<16xi1>, vector<16xi32>
      %broadcast_in_dim3A_758 = vector.shape_cast %select_n3A_757 : vector<16xi32> to vector<16x1xi32>
      %gather3A_759 = vector.shape_cast %broadcast_in_dim3A_758 : vector<16x1xi32> to vector<16xi32>
      %gather3A_760 = tpu.dynamic_gather %exp3A_679[%gather3A_759] in [0] : vector<16xf32>, vector<16xi32> -> vector<16xf32>
      %mul3A_761 = arith.mulf %get3A_750, %gather3A_760 : vector<16xf32>
      %get3A_762 = arith.index_cast %scan3A_481 : i32 to index
      %get3A_763 = arith.constant 208 : index
      %get3A_764 = tpu.vector_load %arg13[%get3A_762, %get3A_763] {strides = array<i32>} : memref<80x256xf32, #tpu.memory_space<vmem>>, vector<16xf32>,
      %lt3A_765 = arith.constant 0 : i32
      %lt3A_766 = vector.broadcast %lt3A_765 : i32 to vector<16xi32>
      %lt3A_767 = arith.cmpi slt, %broadcast_in_dim3A_28, %lt3A_766 : vector<16xi32>
      %add3A_768 = arith.constant 16 : i32
      %add3A_769 = vector.broadcast %add3A_768 : i32 to vector<16xi32>
      %add3A_770 = arith.addi %broadcast_in_dim3A_28, %add3A_769 : vector<16xi32>
      %select_n3A_771 = arith.select %lt3A_767, %add3A_770, %broadcast_in_dim3A_28 : vector<16xi1>, vector<16xi32>
      %broadcast_in_dim3A_772 = vector.shape_cast %select_n3A_771 : vector<16xi32> to vector<16x1xi32>
      %gather3A_773 = vector.shape_cast %broadcast_in_dim3A_772 : vector<16x1xi32> to vector<16xi32>
      %gather3A_774 = tpu.dynamic_gather %exp3A_679[%gather3A_773] in [0] : vector<16xf32>, vector<16xi32> -> vector<16xf32>
      %mul3A_775 = arith.mulf %get3A_764, %gather3A_774 : vector<16xf32>
      %pack3A_776 = tpu.pack_subelements %mul3A_761, %mul3A_775 {pack_format = #tpu.pack_format<interleaved>, positions = array<i32: 0, 1>} : vector<16xf32>, vector<16xf32> -> vector<32xbf16>
      %swap3A_777 = arith.index_cast %scan3A_481 : i32 to index
      %swap3A_778 = arith.constant 64 : index
      %swap3A_779 = tpu.vector_load %arg15[%swap3A_777, %swap3A_778] {strides = array<i32>} : memref<80x160xbf16, #tpu.memory_space<vmem>>, vector<32xbf16>,
      tpu.vector_store %arg15[%swap3A_777, %swap3A_778], %pack3A_776 {strides = array<i32>} : memref<80x160xbf16, #tpu.memory_space<vmem>>, vector<32xbf16>,
      %get3A_780 = arith.index_cast %scan3A_481 : i32 to index
      %get3A_781 = arith.constant 224 : index
      %get3A_782 = tpu.vector_load %arg13[%get3A_780, %get3A_781] {strides = array<i32>} : memref<80x256xf32, #tpu.memory_space<vmem>>, vector<16xf32>,
      %lt3A_783 = arith.constant 0 : i32
      %lt3A_784 = vector.broadcast %lt3A_783 : i32 to vector<16xi32>
      %lt3A_785 = arith.cmpi slt, %broadcast_in_dim3A_30, %lt3A_784 : vector<16xi32>
      %add3A_786 = arith.constant 16 : i32
      %add3A_787 = vector.broadcast %add3A_786 : i32 to vector<16xi32>
      %add3A_788 = arith.addi %broadcast_in_dim3A_30, %add3A_787 : vector<16xi32>
      %select_n3A_789 = arith.select %lt3A_785, %add3A_788, %broadcast_in_dim3A_30 : vector<16xi1>, vector<16xi32>
      %broadcast_in_dim3A_790 = vector.shape_cast %select_n3A_789 : vector<16xi32> to vector<16x1xi32>
      %gather3A_791 = vector.shape_cast %broadcast_in_dim3A_790 : vector<16x1xi32> to vector<16xi32>
      %gather3A_792 = tpu.dynamic_gather %exp3A_679[%gather3A_791] in [0] : vector<16xf32>, vector<16xi32> -> vector<16xf32>
      %mul3A_793 = arith.mulf %get3A_782, %gather3A_792 : vector<16xf32>
      %get3A_794 = arith.index_cast %scan3A_481 : i32 to index
      %get3A_795 = arith.constant 240 : index
      %get3A_796 = tpu.vector_load %arg13[%get3A_794, %get3A_795] {strides = array<i32>} : memref<80x256xf32, #tpu.memory_space<vmem>>, vector<16xf32>,
      %lt3A_797 = arith.constant 0 : i32
      %lt3A_798 = vector.broadcast %lt3A_797 : i32 to vector<16xi32>
      %lt3A_799 = arith.cmpi slt, %broadcast_in_dim3A_32, %lt3A_798 : vector<16xi32>
      %add3A_800 = arith.constant 16 : i32
      %add3A_801 = vector.broadcast %add3A_800 : i32 to vector<16xi32>
      %add3A_802 = arith.addi %broadcast_in_dim3A_32, %add3A_801 : vector<16xi32>
      %select_n3A_803 = arith.select %lt3A_799, %add3A_802, %broadcast_in_dim3A_32 : vector<16xi1>, vector<16xi32>
      %broadcast_in_dim3A_804 = vector.shape_cast %select_n3A_803 : vector<16xi32> to vector<16x1xi32>
      %gather3A_805 = vector.shape_cast %broadcast_in_dim3A_804 : vector<16x1xi32> to vector<16xi32>
      %gather3A_806 = tpu.dynamic_gather %exp3A_679[%gather3A_805] in [0] : vector<16xf32>, vector<16xi32> -> vector<16xf32>
      %mul3A_807 = arith.mulf %get3A_796, %gather3A_806 : vector<16xf32>
      %pack3A_808 = tpu.pack_subelements %mul3A_793, %mul3A_807 {pack_format = #tpu.pack_format<interleaved>, positions = array<i32: 0, 1>} : vector<16xf32>, vector<16xf32> -> vector<32xbf16>
      %swap3A_809 = arith.index_cast %scan3A_481 : i32 to index
      %swap3A_810 = arith.constant 96 : index
      %swap3A_811 = tpu.vector_load %arg15[%swap3A_809, %swap3A_810] {strides = array<i32>} : memref<80x160xbf16, #tpu.memory_space<vmem>>, vector<32xbf16>,
      tpu.vector_store %arg15[%swap3A_809, %swap3A_810], %pack3A_808 {strides = array<i32>} : memref<80x160xbf16, #tpu.memory_space<vmem>>, vector<32xbf16>,
      %scan3A_812 = arith.constant 0 : i32
      %scan3A_813 = arith.constant 2 : i32
      %scan3A_814 = arith.addi %scan3A_153, %scan3A_813 : i32
      %broadcast_in_dim3A_815 = arith.constant 0.000000e+00 : f32
      %broadcast_in_dim3A_816 = vector.broadcast %broadcast_in_dim3A_815 : f32 to vector<16xf32>
      %get3A_817 = arith.index_cast %scan3A_814 : i32 to index
      %get3A_818 = arith.constant 0 : index
      %get3A_819 = tpu.vector_load %arg11[%get3A_817, %get3A_818] {strides = array<i32>} : memref<80x128xf32, #tpu.memory_space<vmem>>, vector<16xf32>,
      %get3A_820 = arith.index_cast %scan3A_814 : i32 to index
      %get3A_821 = arith.constant 0 : index
      %get3A_822 = tpu.vector_load %arg13[%get3A_820, %get3A_821] {strides = array<i32>} : memref<80x256xf32, #tpu.memory_space<vmem>>, vector<16xf32>,
      %mul3A_823 = arith.mulf %get3A_819, %get3A_822 : vector<16xf32>
      %cumsum3A_824 = arith.constant true
      %cumsum3A_825 = vector.broadcast %cumsum3A_824 : i1 to vector<16xi1>
      %cumsum3A_826 = tpu.scan <sum>, %mul3A_823 masked %cumsum3A_825 : vector<16xf32>, vector<16xi1> -> vector<16xf32>
      %eq3A_827 = arith.constant 0 : i32
      %eq3A_828 = vector.broadcast %eq3A_827 : i32 to vector<16xi32>
      %eq3A_829 = arith.cmpi eq, %iota3A, %eq3A_828 : vector<16xi32>
      %lt3A_830 = arith.constant 0 : i32
      %lt3A_831 = vector.broadcast %lt3A_830 : i32 to vector<16xi32>
      %lt3A_832 = arith.cmpi slt, %broadcast_in_dim3A_16, %lt3A_831 : vector<16xi32>
      %add3A_833 = arith.constant 16 : i32
      %add3A_834 = vector.broadcast %add3A_833 : i32 to vector<16xi32>
      %add3A_835 = arith.addi %broadcast_in_dim3A_16, %add3A_834 : vector<16xi32>
      %select_n3A_836 = arith.select %lt3A_832, %add3A_835, %broadcast_in_dim3A_16 : vector<16xi1>, vector<16xi32>
      %broadcast_in_dim3A_837 = vector.shape_cast %select_n3A_836 : vector<16xi32> to vector<16x1xi32>
      %gather3A_838 = vector.shape_cast %broadcast_in_dim3A_837 : vector<16x1xi32> to vector<16xi32>
      %gather3A_839 = tpu.dynamic_gather %cumsum3A_826[%gather3A_838] in [0] : vector<16xf32>, vector<16xi32> -> vector<16xf32>
      %select_n3A_840 = arith.select %eq3A_829, %gather3A_839, %broadcast_in_dim3A_816 : vector<16xi1>, vector<16xf32>
      %get3A_841 = arith.index_cast %scan3A_814 : i32 to index
      %get3A_842 = arith.constant 16 : index
      %get3A_843 = tpu.vector_load %arg11[%get3A_841, %get3A_842] {strides = array<i32>} : memref<80x128xf32, #tpu.memory_space<vmem>>, vector<16xf32>,
      %get3A_844 = arith.index_cast %scan3A_814 : i32 to index
      %get3A_845 = arith.constant 16 : index
      %get3A_846 = tpu.vector_load %arg13[%get3A_844, %get3A_845] {strides = array<i32>} : memref<80x256xf32, #tpu.memory_space<vmem>>, vector<16xf32>,
      %mul3A_847 = arith.mulf %get3A_843, %get3A_846 : vector<16xf32>
      %cumsum3A_848 = arith.constant true
      %cumsum3A_849 = vector.broadcast %cumsum3A_848 : i1 to vector<16xi1>
      %cumsum3A_850 = tpu.scan <sum>, %mul3A_847 masked %cumsum3A_849 : vector<16xf32>, vector<16xi1> -> vector<16xf32>
      %eq3A_851 = arith.constant 1 : i32
      %eq3A_852 = vector.broadcast %eq3A_851 : i32 to vector<16xi32>
      %eq3A_853 = arith.cmpi eq, %iota3A, %eq3A_852 : vector<16xi32>
      %lt3A_854 = arith.constant 0 : i32
      %lt3A_855 = vector.broadcast %lt3A_854 : i32 to vector<16xi32>
      %lt3A_856 = arith.cmpi slt, %broadcast_in_dim3A_16, %lt3A_855 : vector<16xi32>
      %add3A_857 = arith.constant 16 : i32
      %add3A_858 = vector.broadcast %add3A_857 : i32 to vector<16xi32>
      %add3A_859 = arith.addi %broadcast_in_dim3A_16, %add3A_858 : vector<16xi32>
      %select_n3A_860 = arith.select %lt3A_856, %add3A_859, %broadcast_in_dim3A_16 : vector<16xi1>, vector<16xi32>
      %broadcast_in_dim3A_861 = vector.shape_cast %select_n3A_860 : vector<16xi32> to vector<16x1xi32>
      %gather3A_862 = vector.shape_cast %broadcast_in_dim3A_861 : vector<16x1xi32> to vector<16xi32>
      %gather3A_863 = tpu.dynamic_gather %cumsum3A_850[%gather3A_862] in [0] : vector<16xf32>, vector<16xi32> -> vector<16xf32>
      %select_n3A_864 = arith.select %eq3A_853, %gather3A_863, %select_n3A_840 : vector<16xi1>, vector<16xf32>
      %get3A_865 = arith.index_cast %scan3A_814 : i32 to index
      %get3A_866 = arith.constant 32 : index
      %get3A_867 = tpu.vector_load %arg11[%get3A_865, %get3A_866] {strides = array<i32>} : memref<80x128xf32, #tpu.memory_space<vmem>>, vector<16xf32>,
      %get3A_868 = arith.index_cast %scan3A_814 : i32 to index
      %get3A_869 = arith.constant 32 : index
      %get3A_870 = tpu.vector_load %arg13[%get3A_868, %get3A_869] {strides = array<i32>} : memref<80x256xf32, #tpu.memory_space<vmem>>, vector<16xf32>,
      %mul3A_871 = arith.mulf %get3A_867, %get3A_870 : vector<16xf32>
      %cumsum3A_872 = arith.constant true
      %cumsum3A_873 = vector.broadcast %cumsum3A_872 : i1 to vector<16xi1>
      %cumsum3A_874 = tpu.scan <sum>, %mul3A_871 masked %cumsum3A_873 : vector<16xf32>, vector<16xi1> -> vector<16xf32>
      %eq3A_875 = arith.constant 2 : i32
      %eq3A_876 = vector.broadcast %eq3A_875 : i32 to vector<16xi32>
      %eq3A_877 = arith.cmpi eq, %iota3A, %eq3A_876 : vector<16xi32>
      %lt3A_878 = arith.constant 0 : i32
      %lt3A_879 = vector.broadcast %lt3A_878 : i32 to vector<16xi32>
      %lt3A_880 = arith.cmpi slt, %broadcast_in_dim3A_16, %lt3A_879 : vector<16xi32>
      %add3A_881 = arith.constant 16 : i32
      %add3A_882 = vector.broadcast %add3A_881 : i32 to vector<16xi32>
      %add3A_883 = arith.addi %broadcast_in_dim3A_16, %add3A_882 : vector<16xi32>
      %select_n3A_884 = arith.select %lt3A_880, %add3A_883, %broadcast_in_dim3A_16 : vector<16xi1>, vector<16xi32>
      %broadcast_in_dim3A_885 = vector.shape_cast %select_n3A_884 : vector<16xi32> to vector<16x1xi32>
      %gather3A_886 = vector.shape_cast %broadcast_in_dim3A_885 : vector<16x1xi32> to vector<16xi32>
      %gather3A_887 = tpu.dynamic_gather %cumsum3A_874[%gather3A_886] in [0] : vector<16xf32>, vector<16xi32> -> vector<16xf32>
      %select_n3A_888 = arith.select %eq3A_877, %gather3A_887, %select_n3A_864 : vector<16xi1>, vector<16xf32>
      %get3A_889 = arith.index_cast %scan3A_814 : i32 to index
      %get3A_890 = arith.constant 48 : index
      %get3A_891 = tpu.vector_load %arg11[%get3A_889, %get3A_890] {strides = array<i32>} : memref<80x128xf32, #tpu.memory_space<vmem>>, vector<16xf32>,
      %get3A_892 = arith.index_cast %scan3A_814 : i32 to index
      %get3A_893 = arith.constant 48 : index
      %get3A_894 = tpu.vector_load %arg13[%get3A_892, %get3A_893] {strides = array<i32>} : memref<80x256xf32, #tpu.memory_space<vmem>>, vector<16xf32>,
      %mul3A_895 = arith.mulf %get3A_891, %get3A_894 : vector<16xf32>
      %cumsum3A_896 = arith.constant true
      %cumsum3A_897 = vector.broadcast %cumsum3A_896 : i1 to vector<16xi1>
      %cumsum3A_898 = tpu.scan <sum>, %mul3A_895 masked %cumsum3A_897 : vector<16xf32>, vector<16xi1> -> vector<16xf32>
      %eq3A_899 = arith.constant 3 : i32
      %eq3A_900 = vector.broadcast %eq3A_899 : i32 to vector<16xi32>
      %eq3A_901 = arith.cmpi eq, %iota3A, %eq3A_900 : vector<16xi32>
      %lt3A_902 = arith.constant 0 : i32
      %lt3A_903 = vector.broadcast %lt3A_902 : i32 to vector<16xi32>
      %lt3A_904 = arith.cmpi slt, %broadcast_in_dim3A_16, %lt3A_903 : vector<16xi32>
      %add3A_905 = arith.constant 16 : i32
      %add3A_906 = vector.broadcast %add3A_905 : i32 to vector<16xi32>
      %add3A_907 = arith.addi %broadcast_in_dim3A_16, %add3A_906 : vector<16xi32>
      %select_n3A_908 = arith.select %lt3A_904, %add3A_907, %broadcast_in_dim3A_16 : vector<16xi1>, vector<16xi32>
      %broadcast_in_dim3A_909 = vector.shape_cast %select_n3A_908 : vector<16xi32> to vector<16x1xi32>
      %gather3A_910 = vector.shape_cast %broadcast_in_dim3A_909 : vector<16x1xi32> to vector<16xi32>
      %gather3A_911 = tpu.dynamic_gather %cumsum3A_898[%gather3A_910] in [0] : vector<16xf32>, vector<16xi32> -> vector<16xf32>
      %select_n3A_912 = arith.select %eq3A_901, %gather3A_911, %select_n3A_888 : vector<16xi1>, vector<16xf32>
      %get3A_913 = arith.index_cast %scan3A_814 : i32 to index
      %get3A_914 = arith.constant 64 : index
      %get3A_915 = tpu.vector_load %arg11[%get3A_913, %get3A_914] {strides = array<i32>} : memref<80x128xf32, #tpu.memory_space<vmem>>, vector<16xf32>,
      %get3A_916 = arith.index_cast %scan3A_814 : i32 to index
      %get3A_917 = arith.constant 64 : index
      %get3A_918 = tpu.vector_load %arg13[%get3A_916, %get3A_917] {strides = array<i32>} : memref<80x256xf32, #tpu.memory_space<vmem>>, vector<16xf32>,
      %mul3A_919 = arith.mulf %get3A_915, %get3A_918 : vector<16xf32>
      %cumsum3A_920 = arith.constant true
      %cumsum3A_921 = vector.broadcast %cumsum3A_920 : i1 to vector<16xi1>
      %cumsum3A_922 = tpu.scan <sum>, %mul3A_919 masked %cumsum3A_921 : vector<16xf32>, vector<16xi1> -> vector<16xf32>
      %eq3A_923 = arith.constant 4 : i32
      %eq3A_924 = vector.broadcast %eq3A_923 : i32 to vector<16xi32>
      %eq3A_925 = arith.cmpi eq, %iota3A, %eq3A_924 : vector<16xi32>
      %lt3A_926 = arith.constant 0 : i32
      %lt3A_927 = vector.broadcast %lt3A_926 : i32 to vector<16xi32>
      %lt3A_928 = arith.cmpi slt, %broadcast_in_dim3A_16, %lt3A_927 : vector<16xi32>
      %add3A_929 = arith.constant 16 : i32
      %add3A_930 = vector.broadcast %add3A_929 : i32 to vector<16xi32>
      %add3A_931 = arith.addi %broadcast_in_dim3A_16, %add3A_930 : vector<16xi32>
      %select_n3A_932 = arith.select %lt3A_928, %add3A_931, %broadcast_in_dim3A_16 : vector<16xi1>, vector<16xi32>
      %broadcast_in_dim3A_933 = vector.shape_cast %select_n3A_932 : vector<16xi32> to vector<16x1xi32>
      %gather3A_934 = vector.shape_cast %broadcast_in_dim3A_933 : vector<16x1xi32> to vector<16xi32>
      %gather3A_935 = tpu.dynamic_gather %cumsum3A_922[%gather3A_934] in [0] : vector<16xf32>, vector<16xi32> -> vector<16xf32>
      %select_n3A_936 = arith.select %eq3A_925, %gather3A_935, %select_n3A_912 : vector<16xi1>, vector<16xf32>
      %get3A_937 = arith.index_cast %scan3A_814 : i32 to index
      %get3A_938 = arith.constant 80 : index
      %get3A_939 = tpu.vector_load %arg11[%get3A_937, %get3A_938] {strides = array<i32>} : memref<80x128xf32, #tpu.memory_space<vmem>>, vector<16xf32>,
      %get3A_940 = arith.index_cast %scan3A_814 : i32 to index
      %get3A_941 = arith.constant 80 : index
      %get3A_942 = tpu.vector_load %arg13[%get3A_940, %get3A_941] {strides = array<i32>} : memref<80x256xf32, #tpu.memory_space<vmem>>, vector<16xf32>,
      %mul3A_943 = arith.mulf %get3A_939, %get3A_942 : vector<16xf32>
      %cumsum3A_944 = arith.constant true
      %cumsum3A_945 = vector.broadcast %cumsum3A_944 : i1 to vector<16xi1>
      %cumsum3A_946 = tpu.scan <sum>, %mul3A_943 masked %cumsum3A_945 : vector<16xf32>, vector<16xi1> -> vector<16xf32>
      %eq3A_947 = arith.constant 5 : i32
      %eq3A_948 = vector.broadcast %eq3A_947 : i32 to vector<16xi32>
      %eq3A_949 = arith.cmpi eq, %iota3A, %eq3A_948 : vector<16xi32>
      %lt3A_950 = arith.constant 0 : i32
      %lt3A_951 = vector.broadcast %lt3A_950 : i32 to vector<16xi32>
      %lt3A_952 = arith.cmpi slt, %broadcast_in_dim3A_16, %lt3A_951 : vector<16xi32>
      %add3A_953 = arith.constant 16 : i32
      %add3A_954 = vector.broadcast %add3A_953 : i32 to vector<16xi32>
      %add3A_955 = arith.addi %broadcast_in_dim3A_16, %add3A_954 : vector<16xi32>
      %select_n3A_956 = arith.select %lt3A_952, %add3A_955, %broadcast_in_dim3A_16 : vector<16xi1>, vector<16xi32>
      %broadcast_in_dim3A_957 = vector.shape_cast %select_n3A_956 : vector<16xi32> to vector<16x1xi32>
      %gather3A_958 = vector.shape_cast %broadcast_in_dim3A_957 : vector<16x1xi32> to vector<16xi32>
      %gather3A_959 = tpu.dynamic_gather %cumsum3A_946[%gather3A_958] in [0] : vector<16xf32>, vector<16xi32> -> vector<16xf32>
      %select_n3A_960 = arith.select %eq3A_949, %gather3A_959, %select_n3A_936 : vector<16xi1>, vector<16xf32>
      %get3A_961 = arith.index_cast %scan3A_814 : i32 to index
      %get3A_962 = arith.constant 96 : index
      %get3A_963 = tpu.vector_load %arg11[%get3A_961, %get3A_962] {strides = array<i32>} : memref<80x128xf32, #tpu.memory_space<vmem>>, vector<16xf32>,
      %get3A_964 = arith.index_cast %scan3A_814 : i32 to index
      %get3A_965 = arith.constant 96 : index
      %get3A_966 = tpu.vector_load %arg13[%get3A_964, %get3A_965] {strides = array<i32>} : memref<80x256xf32, #tpu.memory_space<vmem>>, vector<16xf32>,
      %mul3A_967 = arith.mulf %get3A_963, %get3A_966 : vector<16xf32>
      %cumsum3A_968 = arith.constant true
      %cumsum3A_969 = vector.broadcast %cumsum3A_968 : i1 to vector<16xi1>
      %cumsum3A_970 = tpu.scan <sum>, %mul3A_967 masked %cumsum3A_969 : vector<16xf32>, vector<16xi1> -> vector<16xf32>
      %eq3A_971 = arith.constant 6 : i32
      %eq3A_972 = vector.broadcast %eq3A_971 : i32 to vector<16xi32>
      %eq3A_973 = arith.cmpi eq, %iota3A, %eq3A_972 : vector<16xi32>
      %lt3A_974 = arith.constant 0 : i32
      %lt3A_975 = vector.broadcast %lt3A_974 : i32 to vector<16xi32>
      %lt3A_976 = arith.cmpi slt, %broadcast_in_dim3A_16, %lt3A_975 : vector<16xi32>
      %add3A_977 = arith.constant 16 : i32
      %add3A_978 = vector.broadcast %add3A_977 : i32 to vector<16xi32>
      %add3A_979 = arith.addi %broadcast_in_dim3A_16, %add3A_978 : vector<16xi32>
      %select_n3A_980 = arith.select %lt3A_976, %add3A_979, %broadcast_in_dim3A_16 : vector<16xi1>, vector<16xi32>
      %broadcast_in_dim3A_981 = vector.shape_cast %select_n3A_980 : vector<16xi32> to vector<16x1xi32>
      %gather3A_982 = vector.shape_cast %broadcast_in_dim3A_981 : vector<16x1xi32> to vector<16xi32>
      %gather3A_983 = tpu.dynamic_gather %cumsum3A_970[%gather3A_982] in [0] : vector<16xf32>, vector<16xi32> -> vector<16xf32>
      %select_n3A_984 = arith.select %eq3A_973, %gather3A_983, %select_n3A_960 : vector<16xi1>, vector<16xf32>
      %get3A_985 = arith.index_cast %scan3A_814 : i32 to index
      %get3A_986 = arith.constant 112 : index
      %get3A_987 = tpu.vector_load %arg11[%get3A_985, %get3A_986] {strides = array<i32>} : memref<80x128xf32, #tpu.memory_space<vmem>>, vector<16xf32>,
      %get3A_988 = arith.index_cast %scan3A_814 : i32 to index
      %get3A_989 = arith.constant 112 : index
      %get3A_990 = tpu.vector_load %arg13[%get3A_988, %get3A_989] {strides = array<i32>} : memref<80x256xf32, #tpu.memory_space<vmem>>, vector<16xf32>,
      %mul3A_991 = arith.mulf %get3A_987, %get3A_990 : vector<16xf32>
      %cumsum3A_992 = arith.constant true
      %cumsum3A_993 = vector.broadcast %cumsum3A_992 : i1 to vector<16xi1>
      %cumsum3A_994 = tpu.scan <sum>, %mul3A_991 masked %cumsum3A_993 : vector<16xf32>, vector<16xi1> -> vector<16xf32>
      %eq3A_995 = arith.constant 7 : i32
      %eq3A_996 = vector.broadcast %eq3A_995 : i32 to vector<16xi32>
      %eq3A_997 = arith.cmpi eq, %iota3A, %eq3A_996 : vector<16xi32>
      %lt3A_998 = arith.constant 0 : i32
      %lt3A_999 = vector.broadcast %lt3A_998 : i32 to vector<16xi32>
      %lt3A_1000 = arith.cmpi slt, %broadcast_in_dim3A_16, %lt3A_999 : vector<16xi32>
      %add3A_1001 = arith.constant 16 : i32
      %add3A_1002 = vector.broadcast %add3A_1001 : i32 to vector<16xi32>
      %add3A_1003 = arith.addi %broadcast_in_dim3A_16, %add3A_1002 : vector<16xi32>
      %select_n3A_1004 = arith.select %lt3A_1000, %add3A_1003, %broadcast_in_dim3A_16 : vector<16xi1>, vector<16xi32>
      %broadcast_in_dim3A_1005 = vector.shape_cast %select_n3A_1004 : vector<16xi32> to vector<16x1xi32>
      %gather3A_1006 = vector.shape_cast %broadcast_in_dim3A_1005 : vector<16x1xi32> to vector<16xi32>
      %gather3A_1007 = tpu.dynamic_gather %cumsum3A_994[%gather3A_1006] in [0] : vector<16xf32>, vector<16xi32> -> vector<16xf32>
      %select_n3A_1008 = arith.select %eq3A_997, %gather3A_1007, %select_n3A_984 : vector<16xi1>, vector<16xf32>
      %mul3A_1009 = arith.constant 2.500000e-01 : f32
      %mul3A_1010 = vector.broadcast %mul3A_1009 : f32 to vector<16xf32>
      %mul3A_1011 = arith.mulf %select_n3A_1008, %mul3A_1010 : vector<16xf32>
      %exp3A_1012 = math.exp %mul3A_1011 : vector<16xf32>
      %pack3A_1013 = tpu.pack_subelements %exp3A_1012, %exp3A_1012 {pack_format = #tpu.pack_format<interleaved>, positions = array<i32: 0, 1>} : vector<16xf32>, vector<16xf32> -> vector<32xbf16>
      %swap3A_1014 = arith.index_cast %scan3A_814 : i32 to index
      %swap3A_1015 = arith.constant 128 : index
      %swap3A_1016 = tpu.vector_load %arg15[%swap3A_1014, %swap3A_1015] {strides = array<i32>} : memref<80x160xbf16, #tpu.memory_space<vmem>>, vector<32xbf16>,
      tpu.vector_store %arg15[%swap3A_1014, %swap3A_1015], %pack3A_1013 {strides = array<i32>} : memref<80x160xbf16, #tpu.memory_space<vmem>>, vector<32xbf16>,
      %get3A_1017 = arith.index_cast %scan3A_814 : i32 to index
      %get3A_1018 = arith.constant 128 : index
      %get3A_1019 = tpu.vector_load %arg13[%get3A_1017, %get3A_1018] {strides = array<i32>} : memref<80x256xf32, #tpu.memory_space<vmem>>, vector<16xf32>,
      %lt3A_1020 = arith.constant 0 : i32
      %lt3A_1021 = vector.broadcast %lt3A_1020 : i32 to vector<16xi32>
      %lt3A_1022 = arith.cmpi slt, %broadcast_in_dim3A_18, %lt3A_1021 : vector<16xi32>
      %add3A_1023 = arith.constant 16 : i32
      %add3A_1024 = vector.broadcast %add3A_1023 : i32 to vector<16xi32>
      %add3A_1025 = arith.addi %broadcast_in_dim3A_18, %add3A_1024 : vector<16xi32>
      %select_n3A_1026 = arith.select %lt3A_1022, %add3A_1025, %broadcast_in_dim3A_18 : vector<16xi1>, vector<16xi32>
      %broadcast_in_dim3A_1027 = vector.shape_cast %select_n3A_1026 : vector<16xi32> to vector<16x1xi32>
      %gather3A_1028 = vector.shape_cast %broadcast_in_dim3A_1027 : vector<16x1xi32> to vector<16xi32>
      %gather3A_1029 = tpu.dynamic_gather %exp3A_1012[%gather3A_1028] in [0] : vector<16xf32>, vector<16xi32> -> vector<16xf32>
      %mul3A_1030 = arith.mulf %get3A_1019, %gather3A_1029 : vector<16xf32>
      %get3A_1031 = arith.index_cast %scan3A_814 : i32 to index
      %get3A_1032 = arith.constant 144 : index
      %get3A_1033 = tpu.vector_load %arg13[%get3A_1031, %get3A_1032] {strides = array<i32>} : memref<80x256xf32, #tpu.memory_space<vmem>>, vector<16xf32>,
      %lt3A_1034 = arith.constant 0 : i32
      %lt3A_1035 = vector.broadcast %lt3A_1034 : i32 to vector<16xi32>
      %lt3A_1036 = arith.cmpi slt, %broadcast_in_dim3A_20, %lt3A_1035 : vector<16xi32>
      %add3A_1037 = arith.constant 16 : i32
      %add3A_1038 = vector.broadcast %add3A_1037 : i32 to vector<16xi32>
      %add3A_1039 = arith.addi %broadcast_in_dim3A_20, %add3A_1038 : vector<16xi32>
      %select_n3A_1040 = arith.select %lt3A_1036, %add3A_1039, %broadcast_in_dim3A_20 : vector<16xi1>, vector<16xi32>
      %broadcast_in_dim3A_1041 = vector.shape_cast %select_n3A_1040 : vector<16xi32> to vector<16x1xi32>
      %gather3A_1042 = vector.shape_cast %broadcast_in_dim3A_1041 : vector<16x1xi32> to vector<16xi32>
      %gather3A_1043 = tpu.dynamic_gather %exp3A_1012[%gather3A_1042] in [0] : vector<16xf32>, vector<16xi32> -> vector<16xf32>
      %mul3A_1044 = arith.mulf %get3A_1033, %gather3A_1043 : vector<16xf32>
      %pack3A_1045 = tpu.pack_subelements %mul3A_1030, %mul3A_1044 {pack_format = #tpu.pack_format<interleaved>, positions = array<i32: 0, 1>} : vector<16xf32>, vector<16xf32> -> vector<32xbf16>
      %swap3A_1046 = arith.index_cast %scan3A_814 : i32 to index
      %swap3A_1047 = arith.constant 0 : index
      %swap3A_1048 = tpu.vector_load %arg15[%swap3A_1046, %swap3A_1047] {strides = array<i32>} : memref<80x160xbf16, #tpu.memory_space<vmem>>, vector<32xbf16>,
      tpu.vector_store %arg15[%swap3A_1046, %swap3A_1047], %pack3A_1045 {strides = array<i32>} : memref<80x160xbf16, #tpu.memory_space<vmem>>, vector<32xbf16>,
      %get3A_1049 = arith.index_cast %scan3A_814 : i32 to index
      %get3A_1050 = arith.constant 160 : index
      %get3A_1051 = tpu.vector_load %arg13[%get3A_1049, %get3A_1050] {strides = array<i32>} : memref<80x256xf32, #tpu.memory_space<vmem>>, vector<16xf32>,
      %lt3A_1052 = arith.constant 0 : i32
      %lt3A_1053 = vector.broadcast %lt3A_1052 : i32 to vector<16xi32>
      %lt3A_1054 = arith.cmpi slt, %broadcast_in_dim3A_22, %lt3A_1053 : vector<16xi32>
      %add3A_1055 = arith.constant 16 : i32
      %add3A_1056 = vector.broadcast %add3A_1055 : i32 to vector<16xi32>
      %add3A_1057 = arith.addi %broadcast_in_dim3A_22, %add3A_1056 : vector<16xi32>
      %select_n3A_1058 = arith.select %lt3A_1054, %add3A_1057, %broadcast_in_dim3A_22 : vector<16xi1>, vector<16xi32>
      %broadcast_in_dim3A_1059 = vector.shape_cast %select_n3A_1058 : vector<16xi32> to vector<16x1xi32>
      %gather3A_1060 = vector.shape_cast %broadcast_in_dim3A_1059 : vector<16x1xi32> to vector<16xi32>
      %gather3A_1061 = tpu.dynamic_gather %exp3A_1012[%gather3A_1060] in [0] : vector<16xf32>, vector<16xi32> -> vector<16xf32>
      %mul3A_1062 = arith.mulf %get3A_1051, %gather3A_1061 : vector<16xf32>
      %get3A_1063 = arith.index_cast %scan3A_814 : i32 to index
      %get3A_1064 = arith.constant 176 : index
      %get3A_1065 = tpu.vector_load %arg13[%get3A_1063, %get3A_1064] {strides = array<i32>} : memref<80x256xf32, #tpu.memory_space<vmem>>, vector<16xf32>,
      %lt3A_1066 = arith.constant 0 : i32
      %lt3A_1067 = vector.broadcast %lt3A_1066 : i32 to vector<16xi32>
      %lt3A_1068 = arith.cmpi slt, %broadcast_in_dim3A_24, %lt3A_1067 : vector<16xi32>
      %add3A_1069 = arith.constant 16 : i32
      %add3A_1070 = vector.broadcast %add3A_1069 : i32 to vector<16xi32>
      %add3A_1071 = arith.addi %broadcast_in_dim3A_24, %add3A_1070 : vector<16xi32>
      %select_n3A_1072 = arith.select %lt3A_1068, %add3A_1071, %broadcast_in_dim3A_24 : vector<16xi1>, vector<16xi32>
      %broadcast_in_dim3A_1073 = vector.shape_cast %select_n3A_1072 : vector<16xi32> to vector<16x1xi32>
      %gather3A_1074 = vector.shape_cast %broadcast_in_dim3A_1073 : vector<16x1xi32> to vector<16xi32>
      %gather3A_1075 = tpu.dynamic_gather %exp3A_1012[%gather3A_1074] in [0] : vector<16xf32>, vector<16xi32> -> vector<16xf32>
      %mul3A_1076 = arith.mulf %get3A_1065, %gather3A_1075 : vector<16xf32>
      %pack3A_1077 = tpu.pack_subelements %mul3A_1062, %mul3A_1076 {pack_format = #tpu.pack_format<interleaved>, positions = array<i32: 0, 1>} : vector<16xf32>, vector<16xf32> -> vector<32xbf16>
      %swap3A_1078 = arith.index_cast %scan3A_814 : i32 to index
      %swap3A_1079 = arith.constant 32 : index
      %swap3A_1080 = tpu.vector_load %arg15[%swap3A_1078, %swap3A_1079] {strides = array<i32>} : memref<80x160xbf16, #tpu.memory_space<vmem>>, vector<32xbf16>,
      tpu.vector_store %arg15[%swap3A_1078, %swap3A_1079], %pack3A_1077 {strides = array<i32>} : memref<80x160xbf16, #tpu.memory_space<vmem>>, vector<32xbf16>,
      %get3A_1081 = arith.index_cast %scan3A_814 : i32 to index
      %get3A_1082 = arith.constant 192 : index
      %get3A_1083 = tpu.vector_load %arg13[%get3A_1081, %get3A_1082] {strides = array<i32>} : memref<80x256xf32, #tpu.memory_space<vmem>>, vector<16xf32>,
      %lt3A_1084 = arith.constant 0 : i32
      %lt3A_1085 = vector.broadcast %lt3A_1084 : i32 to vector<16xi32>
      %lt3A_1086 = arith.cmpi slt, %broadcast_in_dim3A_26, %lt3A_1085 : vector<16xi32>
      %add3A_1087 = arith.constant 16 : i32
      %add3A_1088 = vector.broadcast %add3A_1087 : i32 to vector<16xi32>
      %add3A_1089 = arith.addi %broadcast_in_dim3A_26, %add3A_1088 : vector<16xi32>
      %select_n3A_1090 = arith.select %lt3A_1086, %add3A_1089, %broadcast_in_dim3A_26 : vector<16xi1>, vector<16xi32>
      %broadcast_in_dim3A_1091 = vector.shape_cast %select_n3A_1090 : vector<16xi32> to vector<16x1xi32>
      %gather3A_1092 = vector.shape_cast %broadcast_in_dim3A_1091 : vector<16x1xi32> to vector<16xi32>
      %gather3A_1093 = tpu.dynamic_gather %exp3A_1012[%gather3A_1092] in [0] : vector<16xf32>, vector<16xi32> -> vector<16xf32>
      %mul3A_1094 = arith.mulf %get3A_1083, %gather3A_1093 : vector<16xf32>
      %get3A_1095 = arith.index_cast %scan3A_814 : i32 to index
      %get3A_1096 = arith.constant 208 : index
      %get3A_1097 = tpu.vector_load %arg13[%get3A_1095, %get3A_1096] {strides = array<i32>} : memref<80x256xf32, #tpu.memory_space<vmem>>, vector<16xf32>,
      %lt3A_1098 = arith.constant 0 : i32
      %lt3A_1099 = vector.broadcast %lt3A_1098 : i32 to vector<16xi32>
      %lt3A_1100 = arith.cmpi slt, %broadcast_in_dim3A_28, %lt3A_1099 : vector<16xi32>
      %add3A_1101 = arith.constant 16 : i32
      %add3A_1102 = vector.broadcast %add3A_1101 : i32 to vector<16xi32>
      %add3A_1103 = arith.addi %broadcast_in_dim3A_28, %add3A_1102 : vector<16xi32>
      %select_n3A_1104 = arith.select %lt3A_1100, %add3A_1103, %broadcast_in_dim3A_28 : vector<16xi1>, vector<16xi32>
      %broadcast_in_dim3A_1105 = vector.shape_cast %select_n3A_1104 : vector<16xi32> to vector<16x1xi32>
      %gather3A_1106 = vector.shape_cast %broadcast_in_dim3A_1105 : vector<16x1xi32> to vector<16xi32>
      %gather3A_1107 = tpu.dynamic_gather %exp3A_1012[%gather3A_1106] in [0] : vector<16xf32>, vector<16xi32> -> vector<16xf32>
      %mul3A_1108 = arith.mulf %get3A_1097, %gather3A_1107 : vector<16xf32>
      %pack3A_1109 = tpu.pack_subelements %mul3A_1094, %mul3A_1108 {pack_format = #tpu.pack_format<interleaved>, positions = array<i32: 0, 1>} : vector<16xf32>, vector<16xf32> -> vector<32xbf16>
      %swap3A_1110 = arith.index_cast %scan3A_814 : i32 to index
      %swap3A_1111 = arith.constant 64 : index
      %swap3A_1112 = tpu.vector_load %arg15[%swap3A_1110, %swap3A_1111] {strides = array<i32>} : memref<80x160xbf16, #tpu.memory_space<vmem>>, vector<32xbf16>,
      tpu.vector_store %arg15[%swap3A_1110, %swap3A_1111], %pack3A_1109 {strides = array<i32>} : memref<80x160xbf16, #tpu.memory_space<vmem>>, vector<32xbf16>,
      %get3A_1113 = arith.index_cast %scan3A_814 : i32 to index
      %get3A_1114 = arith.constant 224 : index
      %get3A_1115 = tpu.vector_load %arg13[%get3A_1113, %get3A_1114] {strides = array<i32>} : memref<80x256xf32, #tpu.memory_space<vmem>>, vector<16xf32>,
      %lt3A_1116 = arith.constant 0 : i32
      %lt3A_1117 = vector.broadcast %lt3A_1116 : i32 to vector<16xi32>
      %lt3A_1118 = arith.cmpi slt, %broadcast_in_dim3A_30, %lt3A_1117 : vector<16xi32>
      %add3A_1119 = arith.constant 16 : i32
      %add3A_1120 = vector.broadcast %add3A_1119 : i32 to vector<16xi32>
      %add3A_1121 = arith.addi %broadcast_in_dim3A_30, %add3A_1120 : vector<16xi32>
      %select_n3A_1122 = arith.select %lt3A_1118, %add3A_1121, %broadcast_in_dim3A_30 : vector<16xi1>, vector<16xi32>
      %broadcast_in_dim3A_1123 = vector.shape_cast %select_n3A_1122 : vector<16xi32> to vector<16x1xi32>
      %gather3A_1124 = vector.shape_cast %broadcast_in_dim3A_1123 : vector<16x1xi32> to vector<16xi32>
      %gather3A_1125 = tpu.dynamic_gather %exp3A_1012[%gather3A_1124] in [0] : vector<16xf32>, vector<16xi32> -> vector<16xf32>
      %mul3A_1126 = arith.mulf %get3A_1115, %gather3A_1125 : vector<16xf32>
      %get3A_1127 = arith.index_cast %scan3A_814 : i32 to index
      %get3A_1128 = arith.constant 240 : index
      %get3A_1129 = tpu.vector_load %arg13[%get3A_1127, %get3A_1128] {strides = array<i32>} : memref<80x256xf32, #tpu.memory_space<vmem>>, vector<16xf32>,
      %lt3A_1130 = arith.constant 0 : i32
      %lt3A_1131 = vector.broadcast %lt3A_1130 : i32 to vector<16xi32>
      %lt3A_1132 = arith.cmpi slt, %broadcast_in_dim3A_32, %lt3A_1131 : vector<16xi32>
      %add3A_1133 = arith.constant 16 : i32
      %add3A_1134 = vector.broadcast %add3A_1133 : i32 to vector<16xi32>
      %add3A_1135 = arith.addi %broadcast_in_dim3A_32, %add3A_1134 : vector<16xi32>
      %select_n3A_1136 = arith.select %lt3A_1132, %add3A_1135, %broadcast_in_dim3A_32 : vector<16xi1>, vector<16xi32>
      %broadcast_in_dim3A_1137 = vector.shape_cast %select_n3A_1136 : vector<16xi32> to vector<16x1xi32>
      %gather3A_1138 = vector.shape_cast %broadcast_in_dim3A_1137 : vector<16x1xi32> to vector<16xi32>
      %gather3A_1139 = tpu.dynamic_gather %exp3A_1012[%gather3A_1138] in [0] : vector<16xf32>, vector<16xi32> -> vector<16xf32>
      %mul3A_1140 = arith.mulf %get3A_1129, %gather3A_1139 : vector<16xf32>
      %pack3A_1141 = tpu.pack_subelements %mul3A_1126, %mul3A_1140 {pack_format = #tpu.pack_format<interleaved>, positions = array<i32: 0, 1>} : vector<16xf32>, vector<16xf32> -> vector<32xbf16>
      %swap3A_1142 = arith.index_cast %scan3A_814 : i32 to index
      %swap3A_1143 = arith.constant 96 : index
      %swap3A_1144 = tpu.vector_load %arg15[%swap3A_1142, %swap3A_1143] {strides = array<i32>} : memref<80x160xbf16, #tpu.memory_space<vmem>>, vector<32xbf16>,
      tpu.vector_store %arg15[%swap3A_1142, %swap3A_1143], %pack3A_1141 {strides = array<i32>} : memref<80x160xbf16, #tpu.memory_space<vmem>>, vector<32xbf16>,
      %scan3A_1145 = arith.constant 0 : i32
      %scan3A_1146 = arith.constant 3 : i32
      %scan3A_1147 = arith.addi %scan3A_153, %scan3A_1146 : i32
      %broadcast_in_dim3A_1148 = arith.constant 0.000000e+00 : f32
      %broadcast_in_dim3A_1149 = vector.broadcast %broadcast_in_dim3A_1148 : f32 to vector<16xf32>
      %get3A_1150 = arith.index_cast %scan3A_1147 : i32 to index
      %get3A_1151 = arith.constant 0 : index
      %get3A_1152 = tpu.vector_load %arg11[%get3A_1150, %get3A_1151] {strides = array<i32>} : memref<80x128xf32, #tpu.memory_space<vmem>>, vector<16xf32>,
      %get3A_1153 = arith.index_cast %scan3A_1147 : i32 to index
      %get3A_1154 = arith.constant 0 : index
      %get3A_1155 = tpu.vector_load %arg13[%get3A_1153, %get3A_1154] {strides = array<i32>} : memref<80x256xf32, #tpu.memory_space<vmem>>, vector<16xf32>,
      %mul3A_1156 = arith.mulf %get3A_1152, %get3A_1155 : vector<16xf32>
      %cumsum3A_1157 = arith.constant true
      %cumsum3A_1158 = vector.broadcast %cumsum3A_1157 : i1 to vector<16xi1>
      %cumsum3A_1159 = tpu.scan <sum>, %mul3A_1156 masked %cumsum3A_1158 : vector<16xf32>, vector<16xi1> -> vector<16xf32>
      %eq3A_1160 = arith.constant 0 : i32
      %eq3A_1161 = vector.broadcast %eq3A_1160 : i32 to vector<16xi32>
      %eq3A_1162 = arith.cmpi eq, %iota3A, %eq3A_1161 : vector<16xi32>
      %lt3A_1163 = arith.constant 0 : i32
      %lt3A_1164 = vector.broadcast %lt3A_1163 : i32 to vector<16xi32>
      %lt3A_1165 = arith.cmpi slt, %broadcast_in_dim3A_16, %lt3A_1164 : vector<16xi32>
      %add3A_1166 = arith.constant 16 : i32
      %add3A_1167 = vector.broadcast %add3A_1166 : i32 to vector<16xi32>
      %add3A_1168 = arith.addi %broadcast_in_dim3A_16, %add3A_1167 : vector<16xi32>
      %select_n3A_1169 = arith.select %lt3A_1165, %add3A_1168, %broadcast_in_dim3A_16 : vector<16xi1>, vector<16xi32>
      %broadcast_in_dim3A_1170 = vector.shape_cast %select_n3A_1169 : vector<16xi32> to vector<16x1xi32>
      %gather3A_1171 = vector.shape_cast %broadcast_in_dim3A_1170 : vector<16x1xi32> to vector<16xi32>
      %gather3A_1172 = tpu.dynamic_gather %cumsum3A_1159[%gather3A_1171] in [0] : vector<16xf32>, vector<16xi32> -> vector<16xf32>
      %select_n3A_1173 = arith.select %eq3A_1162, %gather3A_1172, %broadcast_in_dim3A_1149 : vector<16xi1>, vector<16xf32>
      %get3A_1174 = arith.index_cast %scan3A_1147 : i32 to index
      %get3A_1175 = arith.constant 16 : index
      %get3A_1176 = tpu.vector_load %arg11[%get3A_1174, %get3A_1175] {strides = array<i32>} : memref<80x128xf32, #tpu.memory_space<vmem>>, vector<16xf32>,
      %get3A_1177 = arith.index_cast %scan3A_1147 : i32 to index
      %get3A_1178 = arith.constant 16 : index
      %get3A_1179 = tpu.vector_load %arg13[%get3A_1177, %get3A_1178] {strides = array<i32>} : memref<80x256xf32, #tpu.memory_space<vmem>>, vector<16xf32>,
      %mul3A_1180 = arith.mulf %get3A_1176, %get3A_1179 : vector<16xf32>
      %cumsum3A_1181 = arith.constant true
      %cumsum3A_1182 = vector.broadcast %cumsum3A_1181 : i1 to vector<16xi1>
      %cumsum3A_1183 = tpu.scan <sum>, %mul3A_1180 masked %cumsum3A_1182 : vector<16xf32>, vector<16xi1> -> vector<16xf32>
      %eq3A_1184 = arith.constant 1 : i32
      %eq3A_1185 = vector.broadcast %eq3A_1184 : i32 to vector<16xi32>
      %eq3A_1186 = arith.cmpi eq, %iota3A, %eq3A_1185 : vector<16xi32>
      %lt3A_1187 = arith.constant 0 : i32
      %lt3A_1188 = vector.broadcast %lt3A_1187 : i32 to vector<16xi32>
      %lt3A_1189 = arith.cmpi slt, %broadcast_in_dim3A_16, %lt3A_1188 : vector<16xi32>
      %add3A_1190 = arith.constant 16 : i32
      %add3A_1191 = vector.broadcast %add3A_1190 : i32 to vector<16xi32>
      %add3A_1192 = arith.addi %broadcast_in_dim3A_16, %add3A_1191 : vector<16xi32>
      %select_n3A_1193 = arith.select %lt3A_1189, %add3A_1192, %broadcast_in_dim3A_16 : vector<16xi1>, vector<16xi32>
      %broadcast_in_dim3A_1194 = vector.shape_cast %select_n3A_1193 : vector<16xi32> to vector<16x1xi32>
      %gather3A_1195 = vector.shape_cast %broadcast_in_dim3A_1194 : vector<16x1xi32> to vector<16xi32>
      %gather3A_1196 = tpu.dynamic_gather %cumsum3A_1183[%gather3A_1195] in [0] : vector<16xf32>, vector<16xi32> -> vector<16xf32>
      %select_n3A_1197 = arith.select %eq3A_1186, %gather3A_1196, %select_n3A_1173 : vector<16xi1>, vector<16xf32>
      %get3A_1198 = arith.index_cast %scan3A_1147 : i32 to index
      %get3A_1199 = arith.constant 32 : index
      %get3A_1200 = tpu.vector_load %arg11[%get3A_1198, %get3A_1199] {strides = array<i32>} : memref<80x128xf32, #tpu.memory_space<vmem>>, vector<16xf32>,
      %get3A_1201 = arith.index_cast %scan3A_1147 : i32 to index
      %get3A_1202 = arith.constant 32 : index
      %get3A_1203 = tpu.vector_load %arg13[%get3A_1201, %get3A_1202] {strides = array<i32>} : memref<80x256xf32, #tpu.memory_space<vmem>>, vector<16xf32>,
      %mul3A_1204 = arith.mulf %get3A_1200, %get3A_1203 : vector<16xf32>
      %cumsum3A_1205 = arith.constant true
      %cumsum3A_1206 = vector.broadcast %cumsum3A_1205 : i1 to vector<16xi1>
      %cumsum3A_1207 = tpu.scan <sum>, %mul3A_1204 masked %cumsum3A_1206 : vector<16xf32>, vector<16xi1> -> vector<16xf32>
      %eq3A_1208 = arith.constant 2 : i32
      %eq3A_1209 = vector.broadcast %eq3A_1208 : i32 to vector<16xi32>
      %eq3A_1210 = arith.cmpi eq, %iota3A, %eq3A_1209 : vector<16xi32>
      %lt3A_1211 = arith.constant 0 : i32
      %lt3A_1212 = vector.broadcast %lt3A_1211 : i32 to vector<16xi32>
      %lt3A_1213 = arith.cmpi slt, %broadcast_in_dim3A_16, %lt3A_1212 : vector<16xi32>
      %add3A_1214 = arith.constant 16 : i32
      %add3A_1215 = vector.broadcast %add3A_1214 : i32 to vector<16xi32>
      %add3A_1216 = arith.addi %broadcast_in_dim3A_16, %add3A_1215 : vector<16xi32>
      %select_n3A_1217 = arith.select %lt3A_1213, %add3A_1216, %broadcast_in_dim3A_16 : vector<16xi1>, vector<16xi32>
      %broadcast_in_dim3A_1218 = vector.shape_cast %select_n3A_1217 : vector<16xi32> to vector<16x1xi32>
      %gather3A_1219 = vector.shape_cast %broadcast_in_dim3A_1218 : vector<16x1xi32> to vector<16xi32>
      %gather3A_1220 = tpu.dynamic_gather %cumsum3A_1207[%gather3A_1219] in [0] : vector<16xf32>, vector<16xi32> -> vector<16xf32>
      %select_n3A_1221 = arith.select %eq3A_1210, %gather3A_1220, %select_n3A_1197 : vector<16xi1>, vector<16xf32>
      %get3A_1222 = arith.index_cast %scan3A_1147 : i32 to index
      %get3A_1223 = arith.constant 48 : index
      %get3A_1224 = tpu.vector_load %arg11[%get3A_1222, %get3A_1223] {strides = array<i32>} : memref<80x128xf32, #tpu.memory_space<vmem>>, vector<16xf32>,
      %get3A_1225 = arith.index_cast %scan3A_1147 : i32 to index
      %get3A_1226 = arith.constant 48 : index
      %get3A_1227 = tpu.vector_load %arg13[%get3A_1225, %get3A_1226] {strides = array<i32>} : memref<80x256xf32, #tpu.memory_space<vmem>>, vector<16xf32>,
      %mul3A_1228 = arith.mulf %get3A_1224, %get3A_1227 : vector<16xf32>
      %cumsum3A_1229 = arith.constant true
      %cumsum3A_1230 = vector.broadcast %cumsum3A_1229 : i1 to vector<16xi1>
      %cumsum3A_1231 = tpu.scan <sum>, %mul3A_1228 masked %cumsum3A_1230 : vector<16xf32>, vector<16xi1> -> vector<16xf32>
      %eq3A_1232 = arith.constant 3 : i32
      %eq3A_1233 = vector.broadcast %eq3A_1232 : i32 to vector<16xi32>
      %eq3A_1234 = arith.cmpi eq, %iota3A, %eq3A_1233 : vector<16xi32>
      %lt3A_1235 = arith.constant 0 : i32
      %lt3A_1236 = vector.broadcast %lt3A_1235 : i32 to vector<16xi32>
      %lt3A_1237 = arith.cmpi slt, %broadcast_in_dim3A_16, %lt3A_1236 : vector<16xi32>
      %add3A_1238 = arith.constant 16 : i32
      %add3A_1239 = vector.broadcast %add3A_1238 : i32 to vector<16xi32>
      %add3A_1240 = arith.addi %broadcast_in_dim3A_16, %add3A_1239 : vector<16xi32>
      %select_n3A_1241 = arith.select %lt3A_1237, %add3A_1240, %broadcast_in_dim3A_16 : vector<16xi1>, vector<16xi32>
      %broadcast_in_dim3A_1242 = vector.shape_cast %select_n3A_1241 : vector<16xi32> to vector<16x1xi32>
      %gather3A_1243 = vector.shape_cast %broadcast_in_dim3A_1242 : vector<16x1xi32> to vector<16xi32>
      %gather3A_1244 = tpu.dynamic_gather %cumsum3A_1231[%gather3A_1243] in [0] : vector<16xf32>, vector<16xi32> -> vector<16xf32>
      %select_n3A_1245 = arith.select %eq3A_1234, %gather3A_1244, %select_n3A_1221 : vector<16xi1>, vector<16xf32>
      %get3A_1246 = arith.index_cast %scan3A_1147 : i32 to index
      %get3A_1247 = arith.constant 64 : index
      %get3A_1248 = tpu.vector_load %arg11[%get3A_1246, %get3A_1247] {strides = array<i32>} : memref<80x128xf32, #tpu.memory_space<vmem>>, vector<16xf32>,
      %get3A_1249 = arith.index_cast %scan3A_1147 : i32 to index
      %get3A_1250 = arith.constant 64 : index
      %get3A_1251 = tpu.vector_load %arg13[%get3A_1249, %get3A_1250] {strides = array<i32>} : memref<80x256xf32, #tpu.memory_space<vmem>>, vector<16xf32>,
      %mul3A_1252 = arith.mulf %get3A_1248, %get3A_1251 : vector<16xf32>
      %cumsum3A_1253 = arith.constant true
      %cumsum3A_1254 = vector.broadcast %cumsum3A_1253 : i1 to vector<16xi1>
      %cumsum3A_1255 = tpu.scan <sum>, %mul3A_1252 masked %cumsum3A_1254 : vector<16xf32>, vector<16xi1> -> vector<16xf32>
      %eq3A_1256 = arith.constant 4 : i32
      %eq3A_1257 = vector.broadcast %eq3A_1256 : i32 to vector<16xi32>
      %eq3A_1258 = arith.cmpi eq, %iota3A, %eq3A_1257 : vector<16xi32>
      %lt3A_1259 = arith.constant 0 : i32
      %lt3A_1260 = vector.broadcast %lt3A_1259 : i32 to vector<16xi32>
      %lt3A_1261 = arith.cmpi slt, %broadcast_in_dim3A_16, %lt3A_1260 : vector<16xi32>
      %add3A_1262 = arith.constant 16 : i32
      %add3A_1263 = vector.broadcast %add3A_1262 : i32 to vector<16xi32>
      %add3A_1264 = arith.addi %broadcast_in_dim3A_16, %add3A_1263 : vector<16xi32>
      %select_n3A_1265 = arith.select %lt3A_1261, %add3A_1264, %broadcast_in_dim3A_16 : vector<16xi1>, vector<16xi32>
      %broadcast_in_dim3A_1266 = vector.shape_cast %select_n3A_1265 : vector<16xi32> to vector<16x1xi32>
      %gather3A_1267 = vector.shape_cast %broadcast_in_dim3A_1266 : vector<16x1xi32> to vector<16xi32>
      %gather3A_1268 = tpu.dynamic_gather %cumsum3A_1255[%gather3A_1267] in [0] : vector<16xf32>, vector<16xi32> -> vector<16xf32>
      %select_n3A_1269 = arith.select %eq3A_1258, %gather3A_1268, %select_n3A_1245 : vector<16xi1>, vector<16xf32>
      %get3A_1270 = arith.index_cast %scan3A_1147 : i32 to index
      %get3A_1271 = arith.constant 80 : index
      %get3A_1272 = tpu.vector_load %arg11[%get3A_1270, %get3A_1271] {strides = array<i32>} : memref<80x128xf32, #tpu.memory_space<vmem>>, vector<16xf32>,
      %get3A_1273 = arith.index_cast %scan3A_1147 : i32 to index
      %get3A_1274 = arith.constant 80 : index
      %get3A_1275 = tpu.vector_load %arg13[%get3A_1273, %get3A_1274] {strides = array<i32>} : memref<80x256xf32, #tpu.memory_space<vmem>>, vector<16xf32>,
      %mul3A_1276 = arith.mulf %get3A_1272, %get3A_1275 : vector<16xf32>
      %cumsum3A_1277 = arith.constant true
      %cumsum3A_1278 = vector.broadcast %cumsum3A_1277 : i1 to vector<16xi1>
      %cumsum3A_1279 = tpu.scan <sum>, %mul3A_1276 masked %cumsum3A_1278 : vector<16xf32>, vector<16xi1> -> vector<16xf32>
      %eq3A_1280 = arith.constant 5 : i32
      %eq3A_1281 = vector.broadcast %eq3A_1280 : i32 to vector<16xi32>
      %eq3A_1282 = arith.cmpi eq, %iota3A, %eq3A_1281 : vector<16xi32>
      %lt3A_1283 = arith.constant 0 : i32
      %lt3A_1284 = vector.broadcast %lt3A_1283 : i32 to vector<16xi32>
      %lt3A_1285 = arith.cmpi slt, %broadcast_in_dim3A_16, %lt3A_1284 : vector<16xi32>
      %add3A_1286 = arith.constant 16 : i32
      %add3A_1287 = vector.broadcast %add3A_1286 : i32 to vector<16xi32>
      %add3A_1288 = arith.addi %broadcast_in_dim3A_16, %add3A_1287 : vector<16xi32>
      %select_n3A_1289 = arith.select %lt3A_1285, %add3A_1288, %broadcast_in_dim3A_16 : vector<16xi1>, vector<16xi32>
      %broadcast_in_dim3A_1290 = vector.shape_cast %select_n3A_1289 : vector<16xi32> to vector<16x1xi32>
      %gather3A_1291 = vector.shape_cast %broadcast_in_dim3A_1290 : vector<16x1xi32> to vector<16xi32>
      %gather3A_1292 = tpu.dynamic_gather %cumsum3A_1279[%gather3A_1291] in [0] : vector<16xf32>, vector<16xi32> -> vector<16xf32>
      %select_n3A_1293 = arith.select %eq3A_1282, %gather3A_1292, %select_n3A_1269 : vector<16xi1>, vector<16xf32>
      %get3A_1294 = arith.index_cast %scan3A_1147 : i32 to index
      %get3A_1295 = arith.constant 96 : index
      %get3A_1296 = tpu.vector_load %arg11[%get3A_1294, %get3A_1295] {strides = array<i32>} : memref<80x128xf32, #tpu.memory_space<vmem>>, vector<16xf32>,
      %get3A_1297 = arith.index_cast %scan3A_1147 : i32 to index
      %get3A_1298 = arith.constant 96 : index
      %get3A_1299 = tpu.vector_load %arg13[%get3A_1297, %get3A_1298] {strides = array<i32>} : memref<80x256xf32, #tpu.memory_space<vmem>>, vector<16xf32>,
      %mul3A_1300 = arith.mulf %get3A_1296, %get3A_1299 : vector<16xf32>
      %cumsum3A_1301 = arith.constant true
      %cumsum3A_1302 = vector.broadcast %cumsum3A_1301 : i1 to vector<16xi1>
      %cumsum3A_1303 = tpu.scan <sum>, %mul3A_1300 masked %cumsum3A_1302 : vector<16xf32>, vector<16xi1> -> vector<16xf32>
      %eq3A_1304 = arith.constant 6 : i32
      %eq3A_1305 = vector.broadcast %eq3A_1304 : i32 to vector<16xi32>
      %eq3A_1306 = arith.cmpi eq, %iota3A, %eq3A_1305 : vector<16xi32>
      %lt3A_1307 = arith.constant 0 : i32
      %lt3A_1308 = vector.broadcast %lt3A_1307 : i32 to vector<16xi32>
      %lt3A_1309 = arith.cmpi slt, %broadcast_in_dim3A_16, %lt3A_1308 : vector<16xi32>
      %add3A_1310 = arith.constant 16 : i32
      %add3A_1311 = vector.broadcast %add3A_1310 : i32 to vector<16xi32>
      %add3A_1312 = arith.addi %broadcast_in_dim3A_16, %add3A_1311 : vector<16xi32>
      %select_n3A_1313 = arith.select %lt3A_1309, %add3A_1312, %broadcast_in_dim3A_16 : vector<16xi1>, vector<16xi32>
      %broadcast_in_dim3A_1314 = vector.shape_cast %select_n3A_1313 : vector<16xi32> to vector<16x1xi32>
      %gather3A_1315 = vector.shape_cast %broadcast_in_dim3A_1314 : vector<16x1xi32> to vector<16xi32>
      %gather3A_1316 = tpu.dynamic_gather %cumsum3A_1303[%gather3A_1315] in [0] : vector<16xf32>, vector<16xi32> -> vector<16xf32>
      %select_n3A_1317 = arith.select %eq3A_1306, %gather3A_1316, %select_n3A_1293 : vector<16xi1>, vector<16xf32>
      %get3A_1318 = arith.index_cast %scan3A_1147 : i32 to index
      %get3A_1319 = arith.constant 112 : index
      %get3A_1320 = tpu.vector_load %arg11[%get3A_1318, %get3A_1319] {strides = array<i32>} : memref<80x128xf32, #tpu.memory_space<vmem>>, vector<16xf32>,
      %get3A_1321 = arith.index_cast %scan3A_1147 : i32 to index
      %get3A_1322 = arith.constant 112 : index
      %get3A_1323 = tpu.vector_load %arg13[%get3A_1321, %get3A_1322] {strides = array<i32>} : memref<80x256xf32, #tpu.memory_space<vmem>>, vector<16xf32>,
      %mul3A_1324 = arith.mulf %get3A_1320, %get3A_1323 : vector<16xf32>
      %cumsum3A_1325 = arith.constant true
      %cumsum3A_1326 = vector.broadcast %cumsum3A_1325 : i1 to vector<16xi1>
      %cumsum3A_1327 = tpu.scan <sum>, %mul3A_1324 masked %cumsum3A_1326 : vector<16xf32>, vector<16xi1> -> vector<16xf32>
      %eq3A_1328 = arith.constant 7 : i32
      %eq3A_1329 = vector.broadcast %eq3A_1328 : i32 to vector<16xi32>
      %eq3A_1330 = arith.cmpi eq, %iota3A, %eq3A_1329 : vector<16xi32>
      %lt3A_1331 = arith.constant 0 : i32
      %lt3A_1332 = vector.broadcast %lt3A_1331 : i32 to vector<16xi32>
      %lt3A_1333 = arith.cmpi slt, %broadcast_in_dim3A_16, %lt3A_1332 : vector<16xi32>
      %add3A_1334 = arith.constant 16 : i32
      %add3A_1335 = vector.broadcast %add3A_1334 : i32 to vector<16xi32>
      %add3A_1336 = arith.addi %broadcast_in_dim3A_16, %add3A_1335 : vector<16xi32>
      %select_n3A_1337 = arith.select %lt3A_1333, %add3A_1336, %broadcast_in_dim3A_16 : vector<16xi1>, vector<16xi32>
      %broadcast_in_dim3A_1338 = vector.shape_cast %select_n3A_1337 : vector<16xi32> to vector<16x1xi32>
      %gather3A_1339 = vector.shape_cast %broadcast_in_dim3A_1338 : vector<16x1xi32> to vector<16xi32>
      %gather3A_1340 = tpu.dynamic_gather %cumsum3A_1327[%gather3A_1339] in [0] : vector<16xf32>, vector<16xi32> -> vector<16xf32>
      %select_n3A_1341 = arith.select %eq3A_1330, %gather3A_1340, %select_n3A_1317 : vector<16xi1>, vector<16xf32>
      %mul3A_1342 = arith.constant 2.500000e-01 : f32
      %mul3A_1343 = vector.broadcast %mul3A_1342 : f32 to vector<16xf32>
      %mul3A_1344 = arith.mulf %select_n3A_1341, %mul3A_1343 : vector<16xf32>
      %exp3A_1345 = math.exp %mul3A_1344 : vector<16xf32>
      %pack3A_1346 = tpu.pack_subelements %exp3A_1345, %exp3A_1345 {pack_format = #tpu.pack_format<interleaved>, positions = array<i32: 0, 1>} : vector<16xf32>, vector<16xf32> -> vector<32xbf16>
      %swap3A_1347 = arith.index_cast %scan3A_1147 : i32 to index
      %swap3A_1348 = arith.constant 128 : index
      %swap3A_1349 = tpu.vector_load %arg15[%swap3A_1347, %swap3A_1348] {strides = array<i32>} : memref<80x160xbf16, #tpu.memory_space<vmem>>, vector<32xbf16>,
      tpu.vector_store %arg15[%swap3A_1347, %swap3A_1348], %pack3A_1346 {strides = array<i32>} : memref<80x160xbf16, #tpu.memory_space<vmem>>, vector<32xbf16>,
      %get3A_1350 = arith.index_cast %scan3A_1147 : i32 to index
      %get3A_1351 = arith.constant 128 : index
      %get3A_1352 = tpu.vector_load %arg13[%get3A_1350, %get3A_1351] {strides = array<i32>} : memref<80x256xf32, #tpu.memory_space<vmem>>, vector<16xf32>,
      %lt3A_1353 = arith.constant 0 : i32
      %lt3A_1354 = vector.broadcast %lt3A_1353 : i32 to vector<16xi32>
      %lt3A_1355 = arith.cmpi slt, %broadcast_in_dim3A_18, %lt3A_1354 : vector<16xi32>
      %add3A_1356 = arith.constant 16 : i32
      %add3A_1357 = vector.broadcast %add3A_1356 : i32 to vector<16xi32>
      %add3A_1358 = arith.addi %broadcast_in_dim3A_18, %add3A_1357 : vector<16xi32>
      %select_n3A_1359 = arith.select %lt3A_1355, %add3A_1358, %broadcast_in_dim3A_18 : vector<16xi1>, vector<16xi32>
      %broadcast_in_dim3A_1360 = vector.shape_cast %select_n3A_1359 : vector<16xi32> to vector<16x1xi32>
      %gather3A_1361 = vector.shape_cast %broadcast_in_dim3A_1360 : vector<16x1xi32> to vector<16xi32>
      %gather3A_1362 = tpu.dynamic_gather %exp3A_1345[%gather3A_1361] in [0] : vector<16xf32>, vector<16xi32> -> vector<16xf32>
      %mul3A_1363 = arith.mulf %get3A_1352, %gather3A_1362 : vector<16xf32>
      %get3A_1364 = arith.index_cast %scan3A_1147 : i32 to index
      %get3A_1365 = arith.constant 144 : index
      %get3A_1366 = tpu.vector_load %arg13[%get3A_1364, %get3A_1365] {strides = array<i32>} : memref<80x256xf32, #tpu.memory_space<vmem>>, vector<16xf32>,
      %lt3A_1367 = arith.constant 0 : i32
      %lt3A_1368 = vector.broadcast %lt3A_1367 : i32 to vector<16xi32>
      %lt3A_1369 = arith.cmpi slt, %broadcast_in_dim3A_20, %lt3A_1368 : vector<16xi32>
      %add3A_1370 = arith.constant 16 : i32
      %add3A_1371 = vector.broadcast %add3A_1370 : i32 to vector<16xi32>
      %add3A_1372 = arith.addi %broadcast_in_dim3A_20, %add3A_1371 : vector<16xi32>
      %select_n3A_1373 = arith.select %lt3A_1369, %add3A_1372, %broadcast_in_dim3A_20 : vector<16xi1>, vector<16xi32>
      %broadcast_in_dim3A_1374 = vector.shape_cast %select_n3A_1373 : vector<16xi32> to vector<16x1xi32>
      %gather3A_1375 = vector.shape_cast %broadcast_in_dim3A_1374 : vector<16x1xi32> to vector<16xi32>
      %gather3A_1376 = tpu.dynamic_gather %exp3A_1345[%gather3A_1375] in [0] : vector<16xf32>, vector<16xi32> -> vector<16xf32>
      %mul3A_1377 = arith.mulf %get3A_1366, %gather3A_1376 : vector<16xf32>
      %pack3A_1378 = tpu.pack_subelements %mul3A_1363, %mul3A_1377 {pack_format = #tpu.pack_format<interleaved>, positions = array<i32: 0, 1>} : vector<16xf32>, vector<16xf32> -> vector<32xbf16>
      %swap3A_1379 = arith.index_cast %scan3A_1147 : i32 to index
      %swap3A_1380 = arith.constant 0 : index
      %swap3A_1381 = tpu.vector_load %arg15[%swap3A_1379, %swap3A_1380] {strides = array<i32>} : memref<80x160xbf16, #tpu.memory_space<vmem>>, vector<32xbf16>,
      tpu.vector_store %arg15[%swap3A_1379, %swap3A_1380], %pack3A_1378 {strides = array<i32>} : memref<80x160xbf16, #tpu.memory_space<vmem>>, vector<32xbf16>,
      %get3A_1382 = arith.index_cast %scan3A_1147 : i32 to index
      %get3A_1383 = arith.constant 160 : index
      %get3A_1384 = tpu.vector_load %arg13[%get3A_1382, %get3A_1383] {strides = array<i32>} : memref<80x256xf32, #tpu.memory_space<vmem>>, vector<16xf32>,
      %lt3A_1385 = arith.constant 0 : i32
      %lt3A_1386 = vector.broadcast %lt3A_1385 : i32 to vector<16xi32>
      %lt3A_1387 = arith.cmpi slt, %broadcast_in_dim3A_22, %lt3A_1386 : vector<16xi32>
      %add3A_1388 = arith.constant 16 : i32
      %add3A_1389 = vector.broadcast %add3A_1388 : i32 to vector<16xi32>
      %add3A_1390 = arith.addi %broadcast_in_dim3A_22, %add3A_1389 : vector<16xi32>
      %select_n3A_1391 = arith.select %lt3A_1387, %add3A_1390, %broadcast_in_dim3A_22 : vector<16xi1>, vector<16xi32>
      %broadcast_in_dim3A_1392 = vector.shape_cast %select_n3A_1391 : vector<16xi32> to vector<16x1xi32>
      %gather3A_1393 = vector.shape_cast %broadcast_in_dim3A_1392 : vector<16x1xi32> to vector<16xi32>
      %gather3A_1394 = tpu.dynamic_gather %exp3A_1345[%gather3A_1393] in [0] : vector<16xf32>, vector<16xi32> -> vector<16xf32>
      %mul3A_1395 = arith.mulf %get3A_1384, %gather3A_1394 : vector<16xf32>
      %get3A_1396 = arith.index_cast %scan3A_1147 : i32 to index
      %get3A_1397 = arith.constant 176 : index
      %get3A_1398 = tpu.vector_load %arg13[%get3A_1396, %get3A_1397] {strides = array<i32>} : memref<80x256xf32, #tpu.memory_space<vmem>>, vector<16xf32>,
      %lt3A_1399 = arith.constant 0 : i32
      %lt3A_1400 = vector.broadcast %lt3A_1399 : i32 to vector<16xi32>
      %lt3A_1401 = arith.cmpi slt, %broadcast_in_dim3A_24, %lt3A_1400 : vector<16xi32>
      %add3A_1402 = arith.constant 16 : i32
      %add3A_1403 = vector.broadcast %add3A_1402 : i32 to vector<16xi32>
      %add3A_1404 = arith.addi %broadcast_in_dim3A_24, %add3A_1403 : vector<16xi32>
      %select_n3A_1405 = arith.select %lt3A_1401, %add3A_1404, %broadcast_in_dim3A_24 : vector<16xi1>, vector<16xi32>
      %broadcast_in_dim3A_1406 = vector.shape_cast %select_n3A_1405 : vector<16xi32> to vector<16x1xi32>
      %gather3A_1407 = vector.shape_cast %broadcast_in_dim3A_1406 : vector<16x1xi32> to vector<16xi32>
      %gather3A_1408 = tpu.dynamic_gather %exp3A_1345[%gather3A_1407] in [0] : vector<16xf32>, vector<16xi32> -> vector<16xf32>
      %mul3A_1409 = arith.mulf %get3A_1398, %gather3A_1408 : vector<16xf32>
      %pack3A_1410 = tpu.pack_subelements %mul3A_1395, %mul3A_1409 {pack_format = #tpu.pack_format<interleaved>, positions = array<i32: 0, 1>} : vector<16xf32>, vector<16xf32> -> vector<32xbf16>
      %swap3A_1411 = arith.index_cast %scan3A_1147 : i32 to index
      %swap3A_1412 = arith.constant 32 : index
      %swap3A_1413 = tpu.vector_load %arg15[%swap3A_1411, %swap3A_1412] {strides = array<i32>} : memref<80x160xbf16, #tpu.memory_space<vmem>>, vector<32xbf16>,
      tpu.vector_store %arg15[%swap3A_1411, %swap3A_1412], %pack3A_1410 {strides = array<i32>} : memref<80x160xbf16, #tpu.memory_space<vmem>>, vector<32xbf16>,
      %get3A_1414 = arith.index_cast %scan3A_1147 : i32 to index
      %get3A_1415 = arith.constant 192 : index
      %get3A_1416 = tpu.vector_load %arg13[%get3A_1414, %get3A_1415] {strides = array<i32>} : memref<80x256xf32, #tpu.memory_space<vmem>>, vector<16xf32>,
      %lt3A_1417 = arith.constant 0 : i32
      %lt3A_1418 = vector.broadcast %lt3A_1417 : i32 to vector<16xi32>
      %lt3A_1419 = arith.cmpi slt, %broadcast_in_dim3A_26, %lt3A_1418 : vector<16xi32>
      %add3A_1420 = arith.constant 16 : i32
      %add3A_1421 = vector.broadcast %add3A_1420 : i32 to vector<16xi32>
      %add3A_1422 = arith.addi %broadcast_in_dim3A_26, %add3A_1421 : vector<16xi32>
      %select_n3A_1423 = arith.select %lt3A_1419, %add3A_1422, %broadcast_in_dim3A_26 : vector<16xi1>, vector<16xi32>
      %broadcast_in_dim3A_1424 = vector.shape_cast %select_n3A_1423 : vector<16xi32> to vector<16x1xi32>
      %gather3A_1425 = vector.shape_cast %broadcast_in_dim3A_1424 : vector<16x1xi32> to vector<16xi32>
      %gather3A_1426 = tpu.dynamic_gather %exp3A_1345[%gather3A_1425] in [0] : vector<16xf32>, vector<16xi32> -> vector<16xf32>
      %mul3A_1427 = arith.mulf %get3A_1416, %gather3A_1426 : vector<16xf32>
      %get3A_1428 = arith.index_cast %scan3A_1147 : i32 to index
      %get3A_1429 = arith.constant 208 : index
      %get3A_1430 = tpu.vector_load %arg13[%get3A_1428, %get3A_1429] {strides = array<i32>} : memref<80x256xf32, #tpu.memory_space<vmem>>, vector<16xf32>,
      %lt3A_1431 = arith.constant 0 : i32
      %lt3A_1432 = vector.broadcast %lt3A_1431 : i32 to vector<16xi32>
      %lt3A_1433 = arith.cmpi slt, %broadcast_in_dim3A_28, %lt3A_1432 : vector<16xi32>
      %add3A_1434 = arith.constant 16 : i32
      %add3A_1435 = vector.broadcast %add3A_1434 : i32 to vector<16xi32>
      %add3A_1436 = arith.addi %broadcast_in_dim3A_28, %add3A_1435 : vector<16xi32>
      %select_n3A_1437 = arith.select %lt3A_1433, %add3A_1436, %broadcast_in_dim3A_28 : vector<16xi1>, vector<16xi32>
      %broadcast_in_dim3A_1438 = vector.shape_cast %select_n3A_1437 : vector<16xi32> to vector<16x1xi32>
      %gather3A_1439 = vector.shape_cast %broadcast_in_dim3A_1438 : vector<16x1xi32> to vector<16xi32>
      %gather3A_1440 = tpu.dynamic_gather %exp3A_1345[%gather3A_1439] in [0] : vector<16xf32>, vector<16xi32> -> vector<16xf32>
      %mul3A_1441 = arith.mulf %get3A_1430, %gather3A_1440 : vector<16xf32>
      %pack3A_1442 = tpu.pack_subelements %mul3A_1427, %mul3A_1441 {pack_format = #tpu.pack_format<interleaved>, positions = array<i32: 0, 1>} : vector<16xf32>, vector<16xf32> -> vector<32xbf16>
      %swap3A_1443 = arith.index_cast %scan3A_1147 : i32 to index
      %swap3A_1444 = arith.constant 64 : index
      %swap3A_1445 = tpu.vector_load %arg15[%swap3A_1443, %swap3A_1444] {strides = array<i32>} : memref<80x160xbf16, #tpu.memory_space<vmem>>, vector<32xbf16>,
      tpu.vector_store %arg15[%swap3A_1443, %swap3A_1444], %pack3A_1442 {strides = array<i32>} : memref<80x160xbf16, #tpu.memory_space<vmem>>, vector<32xbf16>,
      %get3A_1446 = arith.index_cast %scan3A_1147 : i32 to index
      %get3A_1447 = arith.constant 224 : index
      %get3A_1448 = tpu.vector_load %arg13[%get3A_1446, %get3A_1447] {strides = array<i32>} : memref<80x256xf32, #tpu.memory_space<vmem>>, vector<16xf32>,
      %lt3A_1449 = arith.constant 0 : i32
      %lt3A_1450 = vector.broadcast %lt3A_1449 : i32 to vector<16xi32>
      %lt3A_1451 = arith.cmpi slt, %broadcast_in_dim3A_30, %lt3A_1450 : vector<16xi32>
      %add3A_1452 = arith.constant 16 : i32
      %add3A_1453 = vector.broadcast %add3A_1452 : i32 to vector<16xi32>
      %add3A_1454 = arith.addi %broadcast_in_dim3A_30, %add3A_1453 : vector<16xi32>
      %select_n3A_1455 = arith.select %lt3A_1451, %add3A_1454, %broadcast_in_dim3A_30 : vector<16xi1>, vector<16xi32>
      %broadcast_in_dim3A_1456 = vector.shape_cast %select_n3A_1455 : vector<16xi32> to vector<16x1xi32>
      %gather3A_1457 = vector.shape_cast %broadcast_in_dim3A_1456 : vector<16x1xi32> to vector<16xi32>
      %gather3A_1458 = tpu.dynamic_gather %exp3A_1345[%gather3A_1457] in [0] : vector<16xf32>, vector<16xi32> -> vector<16xf32>
      %mul3A_1459 = arith.mulf %get3A_1448, %gather3A_1458 : vector<16xf32>
      %get3A_1460 = arith.index_cast %scan3A_1147 : i32 to index
      %get3A_1461 = arith.constant 240 : index
      %get3A_1462 = tpu.vector_load %arg13[%get3A_1460, %get3A_1461] {strides = array<i32>} : memref<80x256xf32, #tpu.memory_space<vmem>>, vector<16xf32>,
      %lt3A_1463 = arith.constant 0 : i32
      %lt3A_1464 = vector.broadcast %lt3A_1463 : i32 to vector<16xi32>
      %lt3A_1465 = arith.cmpi slt, %broadcast_in_dim3A_32, %lt3A_1464 : vector<16xi32>
      %add3A_1466 = arith.constant 16 : i32
      %add3A_1467 = vector.broadcast %add3A_1466 : i32 to vector<16xi32>
      %add3A_1468 = arith.addi %broadcast_in_dim3A_32, %add3A_1467 : vector<16xi32>
      %select_n3A_1469 = arith.select %lt3A_1465, %add3A_1468, %broadcast_in_dim3A_32 : vector<16xi1>, vector<16xi32>
      %broadcast_in_dim3A_1470 = vector.shape_cast %select_n3A_1469 : vector<16xi32> to vector<16x1xi32>
      %gather3A_1471 = vector.shape_cast %broadcast_in_dim3A_1470 : vector<16x1xi32> to vector<16xi32>
      %gather3A_1472 = tpu.dynamic_gather %exp3A_1345[%gather3A_1471] in [0] : vector<16xf32>, vector<16xi32> -> vector<16xf32>
      %mul3A_1473 = arith.mulf %get3A_1462, %gather3A_1472 : vector<16xf32>
      %pack3A_1474 = tpu.pack_subelements %mul3A_1459, %mul3A_1473 {pack_format = #tpu.pack_format<interleaved>, positions = array<i32: 0, 1>} : vector<16xf32>, vector<16xf32> -> vector<32xbf16>
      %swap3A_1475 = arith.index_cast %scan3A_1147 : i32 to index
      %swap3A_1476 = arith.constant 96 : index
      %swap3A_1477 = tpu.vector_load %arg15[%swap3A_1475, %swap3A_1476] {strides = array<i32>} : memref<80x160xbf16, #tpu.memory_space<vmem>>, vector<32xbf16>,
      tpu.vector_store %arg15[%swap3A_1475, %swap3A_1476], %pack3A_1474 {strides = array<i32>} : memref<80x160xbf16, #tpu.memory_space<vmem>>, vector<32xbf16>,
      %scan3A_1478 = arith.constant 0 : i32
      scf.yield %scan3A_1478 : i32
    }
    %scan3A_102 = arith.constant 80 : i32
    %get3A = arith.constant 0 : i32
    %get3A_103 = arith.index_cast %get3A : i32 to index
    %get3A_104 = arith.constant 0 : index
    %get3A_105 = tpu.vector_load %arg7[%get3A_103, %get3A_104] {strides = array<i32>} : memref<2x80xi32, #tpu.memory_space<vmem>>, vector<16xi32>,
    %swap3A = arith.constant 0 : index
    %swap3A_106 = tpu.vector_load %arg9[%swap3A] {strides = array<i32>} : memref<80xi32, #tpu.memory_space<vmem>>, vector<16xi32>,
    tpu.vector_store %arg9[%swap3A], %get3A_105 {strides = array<i32>} : memref<80xi32, #tpu.memory_space<vmem>>, vector<16xi32>,
    %get3A_107 = arith.constant 0 : i32
    %get3A_108 = arith.index_cast %get3A_107 : i32 to index
    %get3A_109 = arith.constant 16 : index
    %get3A_110 = tpu.vector_load %arg7[%get3A_108, %get3A_109] {strides = array<i32>} : memref<2x80xi32, #tpu.memory_space<vmem>>, vector<16xi32>,
    %swap3A_111 = arith.constant 16 : index
    %swap3A_112 = tpu.vector_load %arg9[%swap3A_111] {strides = array<i32>} : memref<80xi32, #tpu.memory_space<vmem>>, vector<16xi32>,
    tpu.vector_store %arg9[%swap3A_111], %get3A_110 {strides = array<i32>} : memref<80xi32, #tpu.memory_space<vmem>>, vector<16xi32>,
    %get3A_113 = arith.constant 0 : i32
    %get3A_114 = arith.index_cast %get3A_113 : i32 to index
    %get3A_115 = arith.constant 32 : index
    %get3A_116 = tpu.vector_load %arg7[%get3A_114, %get3A_115] {strides = array<i32>} : memref<2x80xi32, #tpu.memory_space<vmem>>, vector<16xi32>,
    %swap3A_117 = arith.constant 32 : index
    %swap3A_118 = tpu.vector_load %arg9[%swap3A_117] {strides = array<i32>} : memref<80xi32, #tpu.memory_space<vmem>>, vector<16xi32>,
    tpu.vector_store %arg9[%swap3A_117], %get3A_116 {strides = array<i32>} : memref<80xi32, #tpu.memory_space<vmem>>, vector<16xi32>,
    %get3A_119 = arith.constant 0 : i32
    %get3A_120 = arith.index_cast %get3A_119 : i32 to index
    %get3A_121 = arith.constant 48 : index
    %get3A_122 = tpu.vector_load %arg7[%get3A_120, %get3A_121] {strides = array<i32>} : memref<2x80xi32, #tpu.memory_space<vmem>>, vector<16xi32>,
    %swap3A_123 = arith.constant 48 : index
    %swap3A_124 = tpu.vector_load %arg9[%swap3A_123] {strides = array<i32>} : memref<80xi32, #tpu.memory_space<vmem>>, vector<16xi32>,
    tpu.vector_store %arg9[%swap3A_123], %get3A_122 {strides = array<i32>} : memref<80xi32, #tpu.memory_space<vmem>>, vector<16xi32>,
    %get3A_125 = arith.constant 0 : i32
    %get3A_126 = arith.index_cast %get3A_125 : i32 to index
    %get3A_127 = arith.constant 64 : index
    %get3A_128 = tpu.vector_load %arg7[%get3A_126, %get3A_127] {strides = array<i32>} : memref<2x80xi32, #tpu.memory_space<vmem>>, vector<16xi32>,
    %swap3A_129 = arith.constant 64 : index
    %swap3A_130 = tpu.vector_load %arg9[%swap3A_129] {strides = array<i32>} : memref<80xi32, #tpu.memory_space<vmem>>, vector<16xi32>,
    tpu.vector_store %arg9[%swap3A_129], %get3A_128 {strides = array<i32>} : memref<80xi32, #tpu.memory_space<vmem>>, vector<16xi32>,
    %dma_start3A_131 = arith.constant 0 : i32
    %dma_start3A_132 = arith.constant 0 : i32
    %dma_start3A_133 = tpu.memref_slice %arg25[%dma_start3A_131, %dma_start3A_132] : memref<10000x160xbf16, #tpu.memory_space<vmem_shared>> -> memref<10000x160xbf16, #tpu.memory_space<vmem_shared>>
    tpu.enqueue_indirect_dma source(%arg15 : memref<80x160xbf16, #tpu.memory_space<vmem>>) target(%dma_start3A_133 : memref<10000x160xbf16, #tpu.memory_space<vmem_shared>>) offsets(%arg9 : memref<80xi32, #tpu.memory_space<vmem>>) semaphore(%arg23 : memref<!tpu.dma_semaphore, #tpu.memory_space<semaphore_mem>>) {add = true}
    %dma_wait3A_134 = arith.constant 0 : i32
    %dma_wait3A_135 = arith.constant 0 : i32
    %dma_wait3A_136 = tpu.memref_slice %arg25[%dma_wait3A_134, %dma_wait3A_135] : memref<10000x160xbf16, #tpu.memory_space<vmem_shared>> -> memref<10000x160xbf16, #tpu.memory_space<vmem_shared>>
    tpu.wait_indirect_dma semaphore(%arg24 : memref<!tpu.dma_semaphore, #tpu.memory_space<semaphore_mem>>) src(%arg16 : memref<80x160xbf16, #tpu.memory_space<vmem>>) dst(%dma_wait3A_136 : memref<10000x160xbf16, #tpu.memory_space<vmem_shared>>)
    %dma_wait3A_137 = arith.constant 0 : i32
    %dma_wait3A_138 = arith.constant 0 : i32
    %dma_wait3A_139 = tpu.memref_slice %arg25[%dma_wait3A_137, %dma_wait3A_138] : memref<10000x160xbf16, #tpu.memory_space<vmem_shared>> -> memref<10000x160xbf16, #tpu.memory_space<vmem_shared>>
    tpu.wait_indirect_dma semaphore(%arg23 : memref<!tpu.dma_semaphore, #tpu.memory_space<semaphore_mem>>) src(%arg15 : memref<80x160xbf16, #tpu.memory_space<vmem>>) dst(%dma_wait3A_139 : memref<10000x160xbf16, #tpu.memory_space<vmem_shared>>)
    %barrier3A_140 = arith.constant 0 : index
    tpu.barrier barrier_id(%barrier3A_140)
    %scan3A_141 = arith.constant 0 : i32
    %scan3A_142 = arith.constant 0 : i32
    %scan3A_143 = arith.constant 13 : i32
    %scan3A_144 = arith.addi %scan3A_142, %scan3A_143 : i32
    %scan3A_145 = arith.constant 1 : i32
    %scan3A_146 = scf.for %scan3A_153 = %scan3A_142 to %scan3A_144 step %scan3A_145 iter_args(%scan3A_154 = %scan3A_141) -> (i32)  : i32 {
      %mul3A_155 = arith.constant 624 : i32
      %mul3A_156 = arith.muli %arg1, %mul3A_155 : i32
      %mul3A_157 = arith.constant 48 : i32
      %mul3A_158 = arith.muli %scan3A_153, %mul3A_157 : i32
      %add3A_159 = arith.addi %mul3A_156, %mul3A_158 : i32
      %eq3A_160 = arith.constant 0 : i32
      %eq3A_161 = arith.cmpi eq, %arg0, %eq3A_160 : i32
      %convert_element_type3A_162 = arith.extui %eq3A_161 : i1 to i32
      %cond3A_163 = arith.constant 0 : i32
      %cond3A_164 = arith.cmpi ne, %convert_element_type3A_162, %cond3A_163 : i32
      scf.if %cond3A_164 {
        "tpu.region"() ({
          %run_scoped3A = tpu.sem_alloc : memref<!tpu.dma_semaphore, #tpu.memory_space<semaphore_mem>>
          %dma_start3A_171 = arith.constant 0 : i32
          %dma_start3A_172 = tpu.memref_slice %arg5[%add3A_159, %dma_start3A_171] : memref<10000x160xbf16, #tpu.memory_space<hbm>> -> memref<48x160xbf16, #tpu.memory_space<hbm>>
          %dma_start3A_173 = arith.constant 0 : i32
          %dma_start3A_174 = tpu.memref_slice %arg25[%add3A_159, %dma_start3A_173] : memref<10000x160xbf16, #tpu.memory_space<vmem_shared>> -> memref<48x160xbf16, #tpu.memory_space<vmem_shared>>
          tpu.enqueue_dma source(%dma_start3A_174 : memref<48x160xbf16, #tpu.memory_space<vmem_shared>>) target(%dma_start3A_172 : memref<48x160xbf16, #tpu.memory_space<hbm>>) target_semaphore(%run_scoped3A : memref<!tpu.dma_semaphore, #tpu.memory_space<semaphore_mem>>)
          %dma_wait3A_175 = arith.constant 0 : i32
          %dma_wait3A_176 = tpu.memref_slice %arg5[%add3A_159, %dma_wait3A_175] : memref<10000x160xbf16, #tpu.memory_space<hbm>> -> memref<48x160xbf16, #tpu.memory_space<hbm>>
          %dma_wait3A_177 = arith.constant 0 : i32
          %dma_wait3A_178 = tpu.memref_slice %arg25[%add3A_159, %dma_wait3A_177] : memref<10000x160xbf16, #tpu.memory_space<vmem_shared>> -> memref<48x160xbf16, #tpu.memory_space<vmem_shared>>
          tpu.wait_dma2 semaphore(%run_scoped3A : memref<!tpu.dma_semaphore, #tpu.memory_space<semaphore_mem>>) src(%dma_wait3A_178 : memref<48x160xbf16, #tpu.memory_space<vmem_shared>>) dst(%dma_wait3A_176 : memref<48x160xbf16, #tpu.memory_space<hbm>>)
          tpu.yield
        }) : () -> ()
      } else {
      }
      %eq3A_165 = arith.constant 1 : i32
      %eq3A_166 = arith.cmpi eq, %arg0, %eq3A_165 : i32
      %convert_element_type3A_167 = arith.extui %eq3A_166 : i1 to i32
      %cond3A_168 = arith.constant 0 : i32
      %cond3A_169 = arith.cmpi ne, %convert_element_type3A_167, %cond3A_168 : i32
      scf.if %cond3A_169 {
        "tpu.region"() ({
          %run_scoped3A = tpu.sem_alloc : memref<!tpu.dma_semaphore, #tpu.memory_space<semaphore_mem>>
          %dma_start3A_171 = arith.constant 0 : i32
          %dma_start3A_172 = tpu.memref_slice %arg6[%add3A_159, %dma_start3A_171] : memref<10000x160xbf16, #tpu.memory_space<hbm>> -> memref<48x160xbf16, #tpu.memory_space<hbm>>
          %dma_start3A_173 = arith.constant 0 : i32
          %dma_start3A_174 = tpu.memref_slice %arg25[%add3A_159, %dma_start3A_173] : memref<10000x160xbf16, #tpu.memory_space<vmem_shared>> -> memref<48x160xbf16, #tpu.memory_space<vmem_shared>>
          tpu.enqueue_dma source(%dma_start3A_174 : memref<48x160xbf16, #tpu.memory_space<vmem_shared>>) target(%dma_start3A_172 : memref<48x160xbf16, #tpu.memory_space<hbm>>) target_semaphore(%run_scoped3A : memref<!tpu.dma_semaphore, #tpu.memory_space<semaphore_mem>>)
          %dma_wait3A_175 = arith.constant 0 : i32
          %dma_wait3A_176 = tpu.memref_slice %arg6[%add3A_159, %dma_wait3A_175] : memref<10000x160xbf16, #tpu.memory_space<hbm>> -> memref<48x160xbf16, #tpu.memory_space<hbm>>
          %dma_wait3A_177 = arith.constant 0 : i32
          %dma_wait3A_178 = tpu.memref_slice %arg25[%add3A_159, %dma_wait3A_177] : memref<10000x160xbf16, #tpu.memory_space<vmem_shared>> -> memref<48x160xbf16, #tpu.memory_space<vmem_shared>>
          tpu.wait_dma2 semaphore(%run_scoped3A : memref<!tpu.dma_semaphore, #tpu.memory_space<semaphore_mem>>) src(%dma_wait3A_178 : memref<48x160xbf16, #tpu.memory_space<vmem_shared>>) dst(%dma_wait3A_176 : memref<48x160xbf16, #tpu.memory_space<hbm>>)
          tpu.yield
        }) : () -> ()
      } else {
      }
      %scan3A_170 = arith.constant 0 : i32
      scf.yield %scan3A_170 : i32
    }
    %scan3A_147 = arith.constant 13 : i32
    %eq3A_148 = arith.constant 15 : i32
    %eq3A_149 = arith.cmpi eq, %arg1, %eq3A_148 : i32
    %convert_element_type3A_150 = arith.extui %eq3A_149 : i1 to i32
    %cond3A_151 = arith.constant 0 : i32
    %cond3A_152 = arith.cmpi ne, %convert_element_type3A_150, %cond3A_151 : i32
    scf.if %cond3A_152 {
      %eq3A_153 = arith.constant 0 : i32
      %eq3A_154 = arith.cmpi eq, %arg0, %eq3A_153 : i32
      %convert_element_type3A_155 = arith.extui %eq3A_154 : i1 to i32
      %cond3A_156 = arith.constant 0 : i32
      %cond3A_157 = arith.cmpi ne, %convert_element_type3A_155, %cond3A_156 : i32
      scf.if %cond3A_157 {
        "tpu.region"() ({
          %run_scoped3A = tpu.sem_alloc : memref<!tpu.dma_semaphore, #tpu.memory_space<semaphore_mem>>
          %dma_start3A_163 = arith.constant 9984 : i32
          %dma_start3A_164 = arith.constant 0 : i32
          %dma_start3A_165 = tpu.memref_slice %arg5[%dma_start3A_163, %dma_start3A_164] : memref<10000x160xbf16, #tpu.memory_space<hbm>> -> memref<16x160xbf16, #tpu.memory_space<hbm>>
          %dma_start3A_166 = arith.constant 9984 : i32
          %dma_start3A_167 = arith.constant 0 : i32
          %dma_start3A_168 = tpu.memref_slice %arg25[%dma_start3A_166, %dma_start3A_167] : memref<10000x160xbf16, #tpu.memory_space<vmem_shared>> -> memref<16x160xbf16, #tpu.memory_space<vmem_shared>>
          tpu.enqueue_dma source(%dma_start3A_168 : memref<16x160xbf16, #tpu.memory_space<vmem_shared>>) target(%dma_start3A_165 : memref<16x160xbf16, #tpu.memory_space<hbm>>) target_semaphore(%run_scoped3A : memref<!tpu.dma_semaphore, #tpu.memory_space<semaphore_mem>>)
          %dma_wait3A_169 = arith.constant 9984 : i32
          %dma_wait3A_170 = arith.constant 0 : i32
          %dma_wait3A_171 = tpu.memref_slice %arg5[%dma_wait3A_169, %dma_wait3A_170] : memref<10000x160xbf16, #tpu.memory_space<hbm>> -> memref<16x160xbf16, #tpu.memory_space<hbm>>
          %dma_wait3A_172 = arith.constant 9984 : i32
          %dma_wait3A_173 = arith.constant 0 : i32
          %dma_wait3A_174 = tpu.memref_slice %arg25[%dma_wait3A_172, %dma_wait3A_173] : memref<10000x160xbf16, #tpu.memory_space<vmem_shared>> -> memref<16x160xbf16, #tpu.memory_space<vmem_shared>>
          tpu.wait_dma2 semaphore(%run_scoped3A : memref<!tpu.dma_semaphore, #tpu.memory_space<semaphore_mem>>) src(%dma_wait3A_174 : memref<16x160xbf16, #tpu.memory_space<vmem_shared>>) dst(%dma_wait3A_171 : memref<16x160xbf16, #tpu.memory_space<hbm>>)
          tpu.yield
        }) : () -> ()
      } else {
      }
      %eq3A_158 = arith.constant 1 : i32
      %eq3A_159 = arith.cmpi eq, %arg0, %eq3A_158 : i32
      %convert_element_type3A_160 = arith.extui %eq3A_159 : i1 to i32
      %cond3A_161 = arith.constant 0 : i32
      %cond3A_162 = arith.cmpi ne, %convert_element_type3A_160, %cond3A_161 : i32
      scf.if %cond3A_162 {
        "tpu.region"() ({
          %run_scoped3A = tpu.sem_alloc : memref<!tpu.dma_semaphore, #tpu.memory_space<semaphore_mem>>
          %dma_start3A_163 = arith.constant 9984 : i32
          %dma_start3A_164 = arith.constant 0 : i32
          %dma_start3A_165 = tpu.memref_slice %arg6[%dma_start3A_163, %dma_start3A_164] : memref<10000x160xbf16, #tpu.memory_space<hbm>> -> memref<16x160xbf16, #tpu.memory_space<hbm>>
          %dma_start3A_166 = arith.constant 9984 : i32
          %dma_start3A_167 = arith.constant 0 : i32
          %dma_start3A_168 = tpu.memref_slice %arg25[%dma_start3A_166, %dma_start3A_167] : memref<10000x160xbf16, #tpu.memory_space<vmem_shared>> -> memref<16x160xbf16, #tpu.memory_space<vmem_shared>>
          tpu.enqueue_dma source(%dma_start3A_168 : memref<16x160xbf16, #tpu.memory_space<vmem_shared>>) target(%dma_start3A_165 : memref<16x160xbf16, #tpu.memory_space<hbm>>) target_semaphore(%run_scoped3A : memref<!tpu.dma_semaphore, #tpu.memory_space<semaphore_mem>>)
          %dma_wait3A_169 = arith.constant 9984 : i32
          %dma_wait3A_170 = arith.constant 0 : i32
          %dma_wait3A_171 = tpu.memref_slice %arg6[%dma_wait3A_169, %dma_wait3A_170] : memref<10000x160xbf16, #tpu.memory_space<hbm>> -> memref<16x160xbf16, #tpu.memory_space<hbm>>
          %dma_wait3A_172 = arith.constant 9984 : i32
          %dma_wait3A_173 = arith.constant 0 : i32
          %dma_wait3A_174 = tpu.memref_slice %arg25[%dma_wait3A_172, %dma_wait3A_173] : memref<10000x160xbf16, #tpu.memory_space<vmem_shared>> -> memref<16x160xbf16, #tpu.memory_space<vmem_shared>>
          tpu.wait_dma2 semaphore(%run_scoped3A : memref<!tpu.dma_semaphore, #tpu.memory_space<semaphore_mem>>) src(%dma_wait3A_174 : memref<16x160xbf16, #tpu.memory_space<vmem_shared>>) dst(%dma_wait3A_171 : memref<16x160xbf16, #tpu.memory_space<hbm>>)
          tpu.yield
        }) : () -> ()
      } else {
      }
    } else {
    }
    return
  }
}

module attributes {stable_mosaic.version = 14 : i64} {
  func.func @_qkv_body(%arg0: i32, %arg1: memref<1000x128xf32, #tpu.memory_space<vmem>>, %arg2: memref<128x384xf32, #tpu.memory_space<vmem>>, %arg3: memref<1x384xf32, #tpu.memory_space<vmem>>, %arg4: memref<1000x128xf32, #tpu.memory_space<vmem>>, %arg5: memref<1000x256xf32, #tpu.memory_space<vmem>>) attributes {dimension_semantics = [#tpu.dimension_semantics<arbitrary>], iteration_bounds = array<i64: 10>, scalar_prefetch = 0 : i64, scratch_operands = 0 : i64, tpu.core_type = #tpu.core_type<tc>, window_params = [{transform_indices = @transform_0, window_bounds = array<i64: 1000, 128>}, {pipeline_mode = #tpu.pipeline_mode<synchronous>, transform_indices = @transform_1, window_bounds = array<i64: 128, 384>}, {pipeline_mode = #tpu.pipeline_mode<synchronous>, transform_indices = @transform_2, window_bounds = array<i64: 1, 384>}, {transform_indices = @transform_3, window_bounds = array<i64: 1000, 128>}, {transform_indices = @transform_4, window_bounds = array<i64: 1000, 256>}]} {
    %get3A = arith.constant 0 : index
    %get3A_0 = arith.constant 0 : index
    %get3A_1 = vector.load %arg1[%get3A, %get3A_0] : memref<1000x128xf32, #tpu.memory_space<vmem>>, vector<1000x128xf32>
    %get3A_2 = arith.constant 0 : index
    %get3A_3 = arith.constant 0 : index
    %get3A_4 = vector.load %arg2[%get3A_2, %get3A_3] : memref<128x384xf32, #tpu.memory_space<vmem>>, vector<128x384xf32>
    %dot_general3A = arith.constant dense<0.000000e+00> : vector<1000x384xf32>
    %dot_general3A_5 = tpu.matmul %get3A_1, %get3A_4, %dot_general3A {dimension_numbers = #tpu.dot_dimension_numbers<[1], [0], [0], [1], [0, 0, 1, 1], [], []>, transpose_lhs_hint = false} : vector<1000x128xf32>, vector<128x384xf32>, vector<1000x384xf32> -> vector<1000x384xf32>
    %get3A_6 = arith.constant 0 : index
    %get3A_7 = arith.constant 0 : index
    %get3A_8 = vector.load %arg3[%get3A_6, %get3A_7] : memref<1x384xf32, #tpu.memory_space<vmem>>, vector<1x384xf32>
    %add3A = vector.broadcast %get3A_8 : vector<1x384xf32> to vector<1000x384xf32>
    %add3A_9 = arith.addf %dot_general3A_5, %add3A : vector<1000x384xf32>
    %slice3A = vector.extract_strided_slice %add3A_9 {offsets = [0, 0], sizes = [1000, 128], strides = [1, 1]} : vector<1000x384xf32> to vector<1000x128xf32>
    %swap3A = arith.constant 0 : index
    %swap3A_10 = arith.constant 0 : index
    %swap3A_11 = vector.load %arg4[%swap3A, %swap3A_10] : memref<1000x128xf32, #tpu.memory_space<vmem>>, vector<1000x128xf32>
    tpu.vector_store %arg4[%swap3A, %swap3A_10], %slice3A {strides = array<i32>} : memref<1000x128xf32, #tpu.memory_space<vmem>>, vector<1000x128xf32>,
    %slice3A_12 = vector.extract_strided_slice %add3A_9 {offsets = [0, 128], sizes = [1000, 256], strides = [1, 1]} : vector<1000x384xf32> to vector<1000x256xf32>
    %swap3A_13 = arith.constant 0 : index
    %swap3A_14 = arith.constant 0 : index
    %swap3A_15 = vector.load %arg5[%swap3A_13, %swap3A_14] : memref<1000x256xf32, #tpu.memory_space<vmem>>, vector<1000x256xf32>
    tpu.vector_store %arg5[%swap3A_13, %swap3A_14], %slice3A_12 {strides = array<i32>} : memref<1000x256xf32, #tpu.memory_space<vmem>>, vector<1000x256xf32>,
    return
  }
  func.func @transform_0(%arg0: i32) -> (i32, i32) {
    %c0_i32 = arith.constant 0 : i32
    %c0_i32_0 = arith.constant 0 : i32
    return %arg0, %c0_i32 : i32, i32
  }
  func.func @transform_1(%arg0: i32) -> (i32, i32) {
    %c0_i32 = arith.constant 0 : i32
    %c0_i32_0 = arith.constant 0 : i32
    %c0_i32_1 = arith.constant 0 : i32
    return %c0_i32, %c0_i32_0 : i32, i32
  }
  func.func @transform_2(%arg0: i32) -> (i32, i32) {
    %c0_i32 = arith.constant 0 : i32
    %c0_i32_0 = arith.constant 0 : i32
    %c0_i32_1 = arith.constant 0 : i32
    return %c0_i32, %c0_i32_0 : i32, i32
  }
  func.func @transform_3(%arg0: i32) -> (i32, i32) {
    %c0_i32 = arith.constant 0 : i32
    %c0_i32_0 = arith.constant 0 : i32
    return %arg0, %c0_i32 : i32, i32
  }
  func.func @transform_4(%arg0: i32) -> (i32, i32) {
    %c0_i32 = arith.constant 0 : i32
    %c0_i32_0 = arith.constant 0 : i32
    return %arg0, %c0_i32 : i32, i32
  }
}

module attributes {stable_mosaic.version = 14 : i64} {
  func.func @_out_body(%arg0: i32, %arg1: memref<1000x160xbf16, #tpu.memory_space<vmem>>, %arg2: memref<1000x160xbf16, #tpu.memory_space<vmem>>, %arg3: memref<160x128xf32, #tpu.memory_space<vmem>>, %arg4: memref<160x128xf32, #tpu.memory_space<vmem>>, %arg5: memref<1000x128xf32, #tpu.memory_space<vmem>>, %arg6: memref<128x128xf32, #tpu.memory_space<vmem>>, %arg7: memref<1x128xf32, #tpu.memory_space<vmem>>, %arg8: memref<1000x128xf32, #tpu.memory_space<vmem>>) attributes {dimension_semantics = [#tpu.dimension_semantics<arbitrary>], iteration_bounds = array<i64: 10>, scalar_prefetch = 0 : i64, scratch_operands = 0 : i64, tpu.core_type = #tpu.core_type<tc>, window_params = [{transform_indices = @transform_0, window_bounds = array<i64: 1000, 160>}, {transform_indices = @transform_1, window_bounds = array<i64: 1000, 160>}, {pipeline_mode = #tpu.pipeline_mode<synchronous>, transform_indices = @transform_2, window_bounds = array<i64: 160, 128>}, {pipeline_mode = #tpu.pipeline_mode<synchronous>, transform_indices = @transform_3, window_bounds = array<i64: 160, 128>}, {transform_indices = @transform_4, window_bounds = array<i64: 1000, 128>}, {pipeline_mode = #tpu.pipeline_mode<synchronous>, transform_indices = @transform_5, window_bounds = array<i64: 128, 128>}, {pipeline_mode = #tpu.pipeline_mode<synchronous>, transform_indices = @transform_6, window_bounds = array<i64: 1, 128>}, {transform_indices = @transform_7, window_bounds = array<i64: 1000, 128>}]} {
    %get3A = arith.constant 0 : index
    %get3A_0 = arith.constant 0 : index
    %get3A_1 = vector.load %arg1[%get3A, %get3A_0] : memref<1000x160xbf16, #tpu.memory_space<vmem>>, vector<1000x160xbf16>
    %convert_element_type3A = arith.extf %get3A_1 : vector<1000x160xbf16> to vector<1000x160xf32>
    %get3A_2 = arith.constant 0 : index
    %get3A_3 = arith.constant 0 : index
    %get3A_4 = vector.load %arg2[%get3A_2, %get3A_3] : memref<1000x160xbf16, #tpu.memory_space<vmem>>, vector<1000x160xbf16>
    %convert_element_type3A_5 = arith.extf %get3A_4 : vector<1000x160xbf16> to vector<1000x160xf32>
    %add3A = arith.addf %convert_element_type3A, %convert_element_type3A_5 : vector<1000x160xf32>
    %get3A_6 = arith.constant 0 : index
    %get3A_7 = arith.constant 0 : index
    %get3A_8 = vector.load %arg3[%get3A_6, %get3A_7] : memref<160x128xf32, #tpu.memory_space<vmem>>, vector<160x128xf32>
    %dot_general3A = arith.constant dense<0.000000e+00> : vector<1000x128xf32>
    %dot_general3A_9 = tpu.matmul %add3A, %get3A_8, %dot_general3A {dimension_numbers = #tpu.dot_dimension_numbers<[1], [0], [0], [1], [0, 0, 1, 1], [], []>, transpose_lhs_hint = false} : vector<1000x160xf32>, vector<160x128xf32>, vector<1000x128xf32> -> vector<1000x128xf32>
    %get3A_10 = arith.constant 0 : index
    %get3A_11 = arith.constant 0 : index
    %get3A_12 = vector.load %arg4[%get3A_10, %get3A_11] : memref<160x128xf32, #tpu.memory_space<vmem>>, vector<160x128xf32>
    %dot_general3A_13 = arith.constant dense<0.000000e+00> : vector<1000x128xf32>
    %dot_general3A_14 = tpu.matmul %add3A, %get3A_12, %dot_general3A_13 {dimension_numbers = #tpu.dot_dimension_numbers<[1], [0], [0], [1], [0, 0, 1, 1], [], []>, transpose_lhs_hint = false} : vector<1000x160xf32>, vector<160x128xf32>, vector<1000x128xf32> -> vector<1000x128xf32>
    %get3A_15 = arith.constant 0 : index
    %get3A_16 = arith.constant 0 : index
    %get3A_17 = vector.load %arg5[%get3A_15, %get3A_16] : memref<1000x128xf32, #tpu.memory_space<vmem>>, vector<1000x128xf32>
    %get3A_18 = arith.constant 0 : index
    %get3A_19 = arith.constant 0 : index
    %get3A_20 = vector.load %arg6[%get3A_18, %get3A_19] : memref<128x128xf32, #tpu.memory_space<vmem>>, vector<128x128xf32>
    %dot_general3A_21 = arith.constant dense<0.000000e+00> : vector<1000x128xf32>
    %dot_general3A_22 = tpu.matmul %get3A_17, %get3A_20, %dot_general3A_21 {dimension_numbers = #tpu.dot_dimension_numbers<[1], [0], [0], [1], [0, 0, 1, 1], [], []>, transpose_lhs_hint = false} : vector<1000x128xf32>, vector<128x128xf32>, vector<1000x128xf32> -> vector<1000x128xf32>
    %max3A = arith.constant 1.000000e-30 : f32
    %max3A_23 = vector.broadcast %max3A : f32 to vector<1000x128xf32>
    %max3A_24 = arith.maximumf %dot_general3A_14, %max3A_23 : vector<1000x128xf32>
    %div3A = arith.divf %dot_general3A_9, %max3A_24 : vector<1000x128xf32>
    %add3A_25 = arith.addf %div3A, %dot_general3A_22 : vector<1000x128xf32>
    %get3A_26 = arith.constant 0 : index
    %get3A_27 = arith.constant 0 : index
    %get3A_28 = vector.load %arg7[%get3A_26, %get3A_27] : memref<1x128xf32, #tpu.memory_space<vmem>>, vector<1x128xf32>
    %add3A_29 = vector.broadcast %get3A_28 : vector<1x128xf32> to vector<1000x128xf32>
    %add3A_30 = arith.addf %add3A_25, %add3A_29 : vector<1000x128xf32>
    %swap3A = arith.constant 0 : index
    %swap3A_31 = arith.constant 0 : index
    %swap3A_32 = vector.load %arg8[%swap3A, %swap3A_31] : memref<1000x128xf32, #tpu.memory_space<vmem>>, vector<1000x128xf32>
    tpu.vector_store %arg8[%swap3A, %swap3A_31], %add3A_30 {strides = array<i32>} : memref<1000x128xf32, #tpu.memory_space<vmem>>, vector<1000x128xf32>,
    return
  }
  func.func @transform_0(%arg0: i32) -> (i32, i32) {
    %c0_i32 = arith.constant 0 : i32
    %c0_i32_0 = arith.constant 0 : i32
    return %arg0, %c0_i32 : i32, i32
  }
  func.func @transform_1(%arg0: i32) -> (i32, i32) {
    %c0_i32 = arith.constant 0 : i32
    %c0_i32_0 = arith.constant 0 : i32
    return %arg0, %c0_i32 : i32, i32
  }
  func.func @transform_2(%arg0: i32) -> (i32, i32) {
    %c0_i32 = arith.constant 0 : i32
    %c0_i32_0 = arith.constant 0 : i32
    %c0_i32_1 = arith.constant 0 : i32
    return %c0_i32, %c0_i32_0 : i32, i32
  }
  func.func @transform_3(%arg0: i32) -> (i32, i32) {
    %c0_i32 = arith.constant 0 : i32
    %c0_i32_0 = arith.constant 0 : i32
    %c0_i32_1 = arith.constant 0 : i32
    return %c0_i32, %c0_i32_0 : i32, i32
  }
  func.func @transform_4(%arg0: i32) -> (i32, i32) {
    %c0_i32 = arith.constant 0 : i32
    %c0_i32_0 = arith.constant 0 : i32
    return %arg0, %c0_i32 : i32, i32
  }
  func.func @transform_5(%arg0: i32) -> (i32, i32) {
    %c0_i32 = arith.constant 0 : i32
    %c0_i32_0 = arith.constant 0 : i32
    %c0_i32_1 = arith.constant 0 : i32
    return %c0_i32, %c0_i32_0 : i32, i32
  }
  func.func @transform_6(%arg0: i32) -> (i32, i32) {
    %c0_i32 = arith.constant 0 : i32
    %c0_i32_0 = arith.constant 0 : i32
    %c0_i32_1 = arith.constant 0 : i32
    return %c0_i32, %c0_i32_0 : i32, i32
  }
  func.func @transform_7(%arg0: i32) -> (i32, i32) {
    %c0_i32 = arith.constant 0 : i32
    %c0_i32_0 = arith.constant 0 : i32
    return %arg0, %c0_i32 : i32, i32
  }
}

</mosaic_0001>

<sc_bundles>
// kernel: kernel.5.cloned.1.call-start
scs
__scs_entry_jumppad:
0x0: {  	(pc) =	sbr.rel $0x88, $3  }
0x1: {  	(tag) =	ssettag $0x0;
	lr =	simm.s32 $0x1  }
0x2: {  	[smem:$0x3F97] =	sst lr;
	_ =	strace $0xD0000000  }
0x3: {  	_ = 	snop  }
0x4: {  	_ = 	snop  }
0x5: {  	_ = 	snop  }
0x6: {  	_ = 	snop  }
0x7: {  	_ = 	snop  }
__scs_overlays_trampoline_lowered:
0x8: {  	[smem:$0x3FA6] =	sst s0  }
0x9: {  	[smem:$0x3FA7] =	sst s1  }
0xa: {  	[smem:$0x3FA8] =	sst s2  }
0xb: {  	[smem:$0x3FA9] =	sst s3  }
0xc: {  	[smem:$0x3FAA] =	sst s4  }
0xd: {  	[smem:$0x3FAB] =	sst s5  }
0xe: {  	[smem:$0x3FAC] =	sst s6  }
0xf: {  	[smem:$0x3FAD] =	sst s7  }
0x10: {  	[smem:$0x3FAE] =	sst s8  }
0x11: {  	[smem:$0x3FAF] =	sst s9;
	s0 =	simm.s32 @!p0 $0x0  }
0x12: {  	s1 =	sld [smem:$0x3F95];
	s0 =	simm.s32 @p0 $0x1  }
0x13: {  	[smem:$0x3FB0] =	sst s0;
	s0 =	simm.s32 @!p1 $0x0  }
0x14: {  	s2 =	sld [smem:$0x3F94];
	s0 =	simm.s32 @p1 $0x1  }
0x15: {  	[smem:$0x3FB1] =	sst s0;
	s0 =	simm.s32 @!p2 $0x0  }
0x16: {  	s3 =	sld [smem:$0x3FDB];
	s0 =	simm.s32 @p2 $0x1  }
0x17: {  	s4 =	simm.s32 $0x1BF5;
	[smem:$0x3FB3] =	sst s0  }
0x18: {  	s0 =	sld [smem:$0x3F96];
	_ =	swait.ge [sflag:s4], $0x0  }
0x19: {  	s7 =	sld [smem:$0x3F97]  }
0x1a: {  	s8 =	sadd.s32 $0xFFFFE003, lr  }
0x1b: {  	s9 =	sadd.s32 $0xFFFFFEF7, lr;
	s5 =	simm.s32 $0xFFFFFFFF;
	p2 =	slt.u32 s8, $0xFFFFF086  }
0x1c: {  	p1 =	slt.u32 s9, $0xF7A;
	s5 =	simm.s32 @!p2 $0x0  }
0x1d: {  	s5 =	simm.s32 @p1 $0x1;
	p0 =	seq.s32 s7, s2  }
0x1e: {  	s7 =	smul.u32 @!p0 $0xF7A, s2;
	p2 =	seq.s32 @!p0 s5, $0x0  }
0x1f: {  	s9 =	smul.u32 $0xF7A, s1;
	s8 =	simm.s32 @!p0 $0x1BF5;
	p2 =	por !p2, p0  }
0x20: {  	[sflag:s8] =	ssyncset.s32 @!p0 $0xFFFFF086;
	s6 =	sadd.s32 @!p0 s3, s7;
	s7 =	simm.s32 @!p0 $0x108  }
0x21: {  	s3 =	sadd.s32 s3, s9;
	s6 =	sadd.s32 @!p0 $0x88, s6;
	s7 =	simm.s32 @p2 $0x1082  }
0x22: {  	[simem:s7], [sflag:s8] =	dma.local @!p0 [hbm:s6], $0xF7A  }
0x23: {  	s9 =	sor.u32 $0xD0000000, s2;
	s6 =	simm.s32 $0x108;
	_ =	swait.ge @!p0 [sflag:s8], $0x0  }
0x24: {  	s3 =	sadd.s32 $0x88, s3;
	s6 =	simm.s32 @!p1 $0x1082;
	[sflag:s4] =	ssyncset.s32 $0xFFFFF086  }
0x25: {  	[simem:s6], [sflag:s4] =	dma.local [hbm:s3], $0xF7A  }
0x26: {  	[smem:$0x3F97] =	sst s1;
	(tag) =	ssettag s2;
	_ =	strace s9  }
0x27: {  	s1 =	sld [smem:$0x3FA7]  }
0x28: {  	s2 =	sld [smem:$0x3FA8]  }
0x29: {  	s4 =	sld [smem:$0x3FAA]  }
0x2a: {  	p0 =	seq.s32 s5, $0x0;
	s5 =	sld [smem:$0x3FAB]  }
0x2b: {  	s6 =	sld [smem:$0x3FAC]  }
0x2c: {  	s7 =	sld [smem:$0x3FAD]  }
0x2d: {  	s3 =	simm.s32 $0x108;
	s8 =	sld [smem:$0x3FAE]  }
0x2e: {  	s3 =	simm.s32 @!p0 $0x1082;
	s9 =	sld [smem:$0x3FAF]  }
0x2f: {  	lr =	sadd.s32 s0, s3;
	s0 =	sld [smem:$0x3FA6]  }
0x30: {  	s3 =	sld [smem:$0x3FA9]  }
0x31: {  	[smem:$0x3FB2] =	sst s10  }
0x32: {  	s10 =	sld [smem:$0x3FB0];
	_ =	sdelay $0x3  }
0x33: {  	p0 =	seq.s32 s10, $0x1;
	s10 =	sld [smem:$0x3FB2];
	_ =	sdelay $0x3  }
0x34: {  	[smem:$0x3FB2] =	sst s10  }
0x35: {  	s10 =	sld [smem:$0x3FB1];
	_ =	sdelay $0x3  }
0x36: {  	p1 =	seq.s32 s10, $0x1;
	s10 =	sld [smem:$0x3FB2];
	_ =	sdelay $0x3  }
0x37: {  	[smem:$0x3FB2] =	sst s10  }
0x38: {  	s10 =	sld [smem:$0x3FB3]  }
0x39: {  	_ = 	snop;
	(pc) =	sbr.ind lr, $3  }
0x3a: {  	_ = 	snop  }
0x3b: {  	_ = 	snop  }
0x3c: {  	p2 =	seq.s32 s10, $0x1;
	s10 =	sld [smem:$0x3FB2]  }
0x3d: {  	_ =	shalt  }
0x3e: {  	_ =	shalt  }
0x3f: {  	_ =	shalt  }
0x40: {  	_ =	shalt  }
0x41: {  	_ =	shalt  }
0x42: {  	_ =	shalt  }
0x43: {  	_ =	shalt  }
0x44: {  	_ =	shalt  }
0x45: {  	_ =	shalt  }
0x46: {  	_ =	shalt  }
0x47: {  	_ =	shalt  }
0x48: {  	_ =	shalt  }
0x49: {  	_ =	shalt  }
0x4a: {  	_ =	shalt  }
0x4b: {  	_ =	shalt  }
0x4c: {  	_ =	shalt  }
0x4d: {  	_ =	shalt  }
0x4e: {  	_ =	shalt  }
0x4f: {  	_ =	shalt  }
0x50: {  	_ =	shalt  }
0x51: {  	_ =	shalt  }
0x52: {  	_ =	shalt  }
0x53: {  	_ =	shalt  }
0x54: {  	_ =	shalt  }
0x55: {  	_ =	shalt  }
0x56: {  	_ =	shalt  }
0x57: {  	_ =	shalt  }
0x58: {  	_ =	shalt  }
0x59: {  	_ =	shalt  }
0x5a: {  	_ =	shalt  }
0x5b: {  	_ =	shalt  }
0x5c: {  	_ =	shalt  }
0x5d: {  	_ =	shalt  }
0x5e: {  	_ =	shalt  }
0x5f: {  	_ =	shalt  }
0x60: {  	_ =	shalt  }
0x61: {  	_ =	shalt  }
0x62: {  	_ =	shalt  }
0x63: {  	_ =	shalt  }
0x64: {  	_ =	shalt  }
0x65: {  	_ =	shalt  }
0x66: {  	_ =	shalt  }
0x67: {  	_ =	shalt  }
0x68: {  	_ =	shalt  }
0x69: {  	_ =	shalt  }
0x6a: {  	_ =	shalt  }
0x6b: {  	_ =	shalt  }
0x6c: {  	_ =	shalt  }
0x6d: {  	_ =	shalt  }
0x6e: {  	_ =	shalt  }
0x6f: {  	_ =	shalt  }
0x70: {  	_ =	shalt  }
0x71: {  	_ =	shalt  }
0x72: {  	_ =	shalt  }
0x73: {  	_ =	shalt  }
0x74: {  	_ =	shalt  }
0x75: {  	_ =	shalt  }
0x76: {  	_ =	shalt  }
0x77: {  	_ =	shalt  }
0x78: {  	_ =	shalt  }
0x79: {  	_ =	shalt  }
0x7a: {  	_ =	shalt  }
0x7b: {  	_ =	shalt  }
0x7c: {  	_ =	shalt  }
0x7d: {  	_ =	shalt  }
0x7e: {  	_ =	shalt  }
0x7f: {  	_ =	shalt  }
0x80: {  	_ =	shalt  }
0x81: {  	_ =	shalt  }
0x82: {  	_ =	shalt  }
0x83: {  	_ =	shalt  }
0x84: {  	_ =	shalt  }
0x85: {  	_ =	shalt  }
0x86: {  	_ =	shalt  }
0x87: {  	_ =	shalt  }
.Lfunc_end0:
.L_simem_size_0:
called_computation_lowered:
.L_overlay_start_0:
0x88: {  	s2 =	sld [smem:$0x3FD9]  }
0x89: {  	s3 =	sld [smem:$0x3FFE];
	_ =	sdelay $0x1  }
0x8a: {  	s1 =	srdreg.scid  }
0x8b: {  	s0 =	sand.u32 $0x1, s1  }
0x8c: {  	s17 =	sshll.u32 s0, $0xA;
	s2 =	sadd.s32 s3, s2  }
0x8d: {  	s2 =	sadd.s32 s2, s17  }
0x8e: {  	[smem:$0x3FBE] =	sst s2  }
0x8f: {  	_ = 	snop  }
0x90: {  	s2 =	sld [smem:$0x3FD0];
	(tm) =	ssettm $0x1  }
0x91: {  	s18 =	sld [smem:$0x3FFB];
	_ =	sdelay $0x3  }
0x92: {  	_ =	strace s18  }
0x93: {  	s3 =	sld [smem:$0x3FFC];
	_ =	sdelay $0x3  }
0x94: {  	_ =	strace s3  }
0x95: {  	s3 =	sld [smem:$0x3FFD];
	_ =	sdelay $0x3  }
0x96: {  	_ =	strace s3  }
0x97: {  	_ =	strace $0x8FFFFFFF  }
0x98: {  	s19 =	sld [smem:$0x3FDB];
	_ =	sdelay $0x1  }
0x99: {  	s4 =	simm.s32 $_scs_section_size  }
0x9a: {  	s5 =	simm.s32 $_size__tile_overlayer_lowered;
	s6 =	simm.s32 $_tile_overlayer_lowered  }
0x9b: {  	s22 =	simm.s32 $0x1BFF;
	s21 =	sshll.u32 s6, $0x1;
	s3 =	sadd.s32 s4, s19  }
0x9c: {  	s7 =	simm.s32 $0x0;
	s20 =	sshll.u32 s5, $0x1;
	s5 =	sadd.s32 s21, s3  }
0x9d: {  	[timem:s7], [sflag:s22] =	dma.local [hbm:s5], s20  }
0x9e: {  	_ =	swait.ge [sflag:s22], s20  }
0x9f: {  	s4 =	ssub.s32 $0x0, s20;
	[sflag:s22] =	ssyncset.done $0x0  }
0xa0: {  	[sflag:s22] =	ssyncadd.s32 s4;
	_ =	sdelay $0x1  }
0xa1: {  	s23 =	simm.s32 $0x1B8B  }
0xa2: {  	_ =	swait.ge [sflag:s23], $0x1  }
0xa3: {  	[sflag:s23] =	ssyncset.done $0x0  }
0xa4: {  	s25 =	simm.s32 $0x1B8E;
	s24 =	sld [smem:$0x3FFE];
	[sflag:s23] =	ssyncadd.s32 $0xFFFFFFFF  }
0xa5: {  	s26 =	simm.s32 $execute0_lowered;
	[smem:$0x3FD2] =	sst s25  }
0xa6: {  	s5 =	sshll.u32 s26, $0x1;
	_ =	strace $0x80000046;
	[dreg:$0x1] =	wrdreg $0xFFFFFFFF  }
0xa7: {  	s28 =	simm.s32 $_size_execute0_lowered;
	s3 =	sadd.s32 s3, s5;
	[dreg:$0x0] =	wrdreg $0x0  }
0xa8: {  	s5 =	sshll.u32 s28, $0x1;
	[dreg:$0x2] =	wrdreg s3  }
0xa9: {  	[dreg:$0x3] =	wrdreg s5  }
0xaa: {  	[dreg:$0x4] =	wrdreg $0xC0  }
0xab: {  	_ =	task [dreg:s7], $0x5FFFF  }
0xac: {  	[dreg:$0x1] =	wrdreg $0xFFFFFFFF  }
0xad: {  	[dreg:$0x0] =	wrdreg $0x60  }
0xae: {  	[dreg:$0x2] =	wrdreg s2  }
0xaf: {  	[dreg:$0x3] =	wrdreg s24  }
0xb0: {  	[dreg:$0x4] =	wrdreg $0x123E00  }
0xb1: {  	[dreg:$0x5] =	wrdreg $0x9  }
0xb2: {  	_ =	task.clear_ibuf [dreg:s7], $0x6FFFF;
	_ =	strace $0x90000046  }
0xb3: {  	s29 =	simm.s32 $0x9;
	_ =	strace $0x80000048  }
0xb4: {  	_ =	swait.ge [sflag:s29], $0x1  }
0xb5: {  	[sflag:s29] =	ssyncadd.s32 $0xFFFFFFFF  }
0xb6: {  	_ =	strace $0x90000048  }
0xb7: {  	_ =	sfence  }
0xb8: {  	s30 =	sld [smem:$0x0];
	_ =	sdelay $0x2  }
0xb9: {  	s31 =	sshll.u32 s1, $0xD;
	s1 =	sshrl.u32 s1, $0x2  }
0xba: {  	s3 =	sand.u32 $0x4000, s31;
	s1 =	sadd.s32 s1, s30  }
0xbb: {  	s0 =	sor.u32 s3, s0;
	s1 =	sshll.u32 s1, $0x11  }
0xbc: {  	s0 =	sor.u32 s1, s0  }
0xbd: {  	s0 =	sadd.s32 $0x8F2B, s0  }
0xbe: {  	[sflag:s0] =	ssyncadd.remote.s32 $0x1  }
0xbf: {  	_ =	sfence.sel $0xFFFF  }
0xc0: {  	[dreg:$0x0] =	wrdreg $0xFFFFFFFF;
	(pc) =	sbr.abs _section_cstart, $3  }
0xc1: {  	[dreg:$0x1] =	wrdreg $0xFFFFFFFF  }
0xc2: {  	_ =	task.clear_ibuf [dreg:s7], $0x2FFFF;
	_ =	strace $0x9FFFFFFF  }
0xc3: {  	(tm) =	ssettm $0x7FFFFFFF  }
tec
execute0_lowered:
.L_overlay_start_1:
0x0: {  	(tag) =	ssettag $0x1  }
0x1: {  	s1 =	rddreg [dreg:$0x0]  }
0x2: {  	s0 =	rddreg [dreg:$0x1]  }
0x3: {  	s2 =	rddreg [dreg:$0x2]  }
0x4: {  	s3 =	srdreg.scid;
	s4 =	simm.s32 $0x0;
	s11 =	stileid.u32  }
0x5: {  	s3 =	sand.u32 $0x1, s3;
	[smem:$0x7FF] =	sst s4;
	s6 =	sadd.s32 $0x4FC00, s0  }
0x6: {  	s14 =	sadd.s32 $0x63600, s0;
	s15 =	sadd.s32 $0x7BE00, s0;
	s10 =	smul.u32 $0x30C00, s11  }
0x7: {  	s21 =	sadd.s32 $0xC3000, s2;
	s5 =	sshll.u32 s3, $0x4;
	_ =	strace $0x80000047  }
0x8: {  	s25 =	ssub.s32 $0x2, s3;
	p1 =	seq.s32 s3, $0x1;
	s7 =	sor.u32 s11, s5  }
0x9: {  	[dreg:$0x4] =	wrdreg s14;
	s8 =	sshrl.u32 s25, $0x1;
	s7 =	smul.u32 $0x4E20, s7  }
0xa: {  	[dreg:$0x5] =	wrdreg s15;
	s5 =	sadd.s32 $0x1A00, s0;
	s0 =	ssub.s32 s25, s8  }
0xb: {  	[dreg:$0x6] =	wrdreg s21;
	s0 =	smax.u32 s0, $0x1;
	s9 =	sshrl.u32 s7, $0x3  }
0xc: {  	[dreg:$0xa] =	wrdreg s0;
	s0 =	smov.u32 s14;
	s26 =	sadd.s32 s6, s9  }
0xd: {  	s0 =	smov.u32 @p1 s15;
	[dreg:$0x7] =	wrdreg s26;
	s8 =	sadd.s32 $0x14, s26  }
0xe: {  	s30 =	sshrl.u32 s10, $0x2;
	s0 =	sadd.s32 $0x18600, s0;
	[dreg:$0x8] =	wrdreg s8  }
0xf: {  	s8 =	sadd.s32 s30, s2;
	[dreg:$0x14] =	wrdreg s0  }
0x10: {  	s9 =	sadd.s32 $0xF00, s8;
	[dreg:$0x9] =	wrdreg s8  }
0x11: {  	s10 =	sadd.s32 $0x1E00, s8;
	[dreg:$0xb] =	wrdreg s9  }
0x12: {  	s31 =	simm.s32 $0xF1E0;
	s16 =	sadd.s32 $0x2D00, s8;
	[dreg:$0xc] =	wrdreg s10  }
0x13: {  	s28 =	simm.s32 $0x190;
	s17 =	sadd.s32 $0x3C00, s8;
	[dreg:$0xd] =	wrdreg s16  }
0x14: {  	s29 =	simm.s32 $0x10AE0;
	s18 =	sadd.s32 $0x4B00, s8;
	[dreg:$0xe] =	wrdreg s17  }
0x15: {  	p0 =	sne.s32 s3, $0x0;
	s19 =	sadd.s32 $0x5A00, s8;
	[dreg:$0xf] =	wrdreg s18  }
0x16: {  	s3 =	simm.s32 $0x1;
	s20 =	sadd.s32 $0x6900, s8;
	[dreg:$0x10] =	wrdreg s19  }
0x17: {  	s12 =	sadd.s32 $0x140, s7;
	s22 =	sadd.s32 $0x7800, s8;
	[dreg:$0x11] =	wrdreg s20  }
0x18: {  	s13 =	sadd.s32 $0x1E0, s7;
	s23 =	sadd.s32 $0x8700, s8;
	[dreg:$0x12] =	wrdreg s22  }
0x19: {  	p1 =	sne.s32 s11, $0xF;
	s24 =	sadd.s32 $0x9600, s8;
	[dreg:$0x13] =	wrdreg s23  }
0x1a: {  	s15 =	simm.s32 $0x1E0;
	s25 =	sadd.s32 $0xA500, s8;
	[dreg:$0x15] =	wrdreg s24  }
0x1b: {  	v0 =	vimm.bf16 $0.0e+00;
	v1 =	vimm.s32 $0xF;
	vm0 =	vmmov $0x1;
	s30 =	smul.u32 $0x1860, s11;
	s26 =	sadd.s32 $0xB400, s8;
	[dreg:$0x16] =	wrdreg s25  }
0x1c: {  	vm1 =	vcmask $0x320;
	vm2 =	vcmask $0x720;
	vm3 =	vcmask $0xB20;
	s0 =	simm.s32 $0x9;
	s11 =	simm.s32 $0x50;
	[dreg:$0x17] =	wrdreg s26  }
0x1d: {  	vm4 =	vcmask $0xF20;
	vm5 =	vcmask $0x1320;
	vm6 =	vcmask $0x1720;
	[dreg:$0x18] =	wrdreg s30;
	s16 =	simm.s32 $0x51E0;
	s17 =	simm.s32 $0xA0  }
0x1e: {  	vm7 =	vcmask $0x1B20;
	v2 =	vimm.s32 $0x0;
	v3 =	vimm.s32 $0x1;
	s18 =	simm.s32 $0x3;
	s19 =	simm.s32 $0x5;
	s20 =	simm.s32 $0x2  }
0x1f: {  	v4 =	vimm.s32 $0x2;
	v5 =	vimm.s32 $0x3;
	v6 =	vimm.s32 $0x4;
	s22 =	simm.s32 $0xF0;
	s23 =	simm.s32 $0xA1E0;
	s24 =	simm.s32 $0x140  }
0x20: {  	v7 =	vimm.s32 $0x5;
	v8 =	vimm.s32 $0x6;
	v9 =	vimm.s32 $0x7;
	s25 =	simm.s32 $0x4;
	s26 =	simm.s32 $0x6;
	s9 =	simm.s32 $0x0  }
.LBB2_1:
0x21: {  	[dreg:$0x19] =	wrdreg s9;
	s8 =	simm.s32 $0x140;
	s7 =	simm.s32 $0x0  }
.LBB2_2:
0x22: {  	p2 =	sne.s32 s8, $0x62C0;
	[tilespmem:s7+$0xF220] =	vst v0;
	s9 =	smov.u32 s8;
	s8 =	sadd.s32 $0x140, s8  }
.Ltmp0:
0x23: {  	[tilespmem:s7+$0xF210] =	vst v0;
	(pc) =	sbr.rel @p2 .LBB2_2-.Ltmp0, $4  }
0x24: {  	[tilespmem:s7+$0xF200] =	vst v0  }
0x25: {  	[tilespmem:s7+$0xF1E0] =	vst v0  }
0x26: {  	[tilespmem:s7+$0xF1F0] =	vst v0  }
0x27: {  	s7 =	sshra.s32 s9, $0x2  }
0x28: {  	[tilespmem:s7+$0xF220] =	vst v0  }
0x29: {  	[tilespmem:s7+$0xF210] =	vst v0  }
0x2a: {  	[tilespmem:s7+$0xF200] =	vst v0  }
0x2b: {  	[tilespmem:s7+$0xF1E0] =	vst v0  }
0x2c: {  	[tilespmem:s7+$0xF1F0] =	vst v0;
	s9 =	rddreg [dreg:$0x9]  }
0x2d: {  	[spmem:s9] =	stream.linear.scatter [tilespmem:s31], [sflag:$0x9], $0xF00, $0x38;
	[tilespmem:$0x1E730] =	vst v63  }
0x2e: {  	_ =	swait.ge [sflag:s0], $0xF00  }
0x2f: {  	[sflag:s0] =	ssyncset.done $0x0  }
0x30: {  	s10 =	rddreg [dreg:$0xb];
	[sflag:s0] =	ssyncadd.s32 $0xFFFFF100  }
0x31: {  	[spmem:s10] =	stream.linear.scatter [tilespmem:s31], [sflag:$0x9], $0xF00, $0x38;
	[tilespmem:$0x1E730] =	vst v63  }
0x32: {  	_ =	swait.ge [sflag:s0], $0xF00  }
0x33: {  	[sflag:s0] =	ssyncset.done $0x0  }
0x34: {  	s14 =	rddreg [dreg:$0xc];
	[sflag:s0] =	ssyncadd.s32 $0xFFFFF100  }
0x35: {  	[spmem:s14] =	stream.linear.scatter [tilespmem:s31], [sflag:$0x9], $0xF00, $0x38;
	[tilespmem:$0x1E730] =	vst v63  }
0x36: {  	_ =	swait.ge [sflag:s0], $0xF00  }
0x37: {  	[sflag:s0] =	ssyncset.done $0x0  }
0x38: {  	s30 =	rddreg [dreg:$0xd];
	[sflag:s0] =	ssyncadd.s32 $0xFFFFF100  }
0x39: {  	[spmem:s30] =	stream.linear.scatter [tilespmem:s31], [sflag:$0x9], $0xF00, $0x38;
	[tilespmem:$0x1E730] =	vst v63  }
0x3a: {  	_ =	swait.ge [sflag:s0], $0xF00  }
0x3b: {  	[sflag:s0] =	ssyncset.done $0x0  }
0x3c: {  	s8 =	rddreg [dreg:$0xe];
	[sflag:s0] =	ssyncadd.s32 $0xFFFFF100  }
0x3d: {  	[spmem:s8] =	stream.linear.scatter [tilespmem:s31], [sflag:$0x9], $0xF00, $0x38;
	[tilespmem:$0x1E730] =	vst v63  }
0x3e: {  	_ =	swait.ge [sflag:s0], $0xF00  }
0x3f: {  	[sflag:s0] =	ssyncset.done $0x0  }
0x40: {  	s9 =	rddreg [dreg:$0xf];
	[sflag:s0] =	ssyncadd.s32 $0xFFFFF100  }
0x41: {  	[spmem:s9] =	stream.linear.scatter [tilespmem:s31], [sflag:$0x9], $0xF00, $0x38;
	[tilespmem:$0x1E730] =	vst v63  }
0x42: {  	_ =	swait.ge [sflag:s0], $0xF00  }
0x43: {  	[sflag:s0] =	ssyncset.done $0x0  }
0x44: {  	s10 =	rddreg [dreg:$0x10];
	[sflag:s0] =	ssyncadd.s32 $0xFFFFF100  }
0x45: {  	[spmem:s10] =	stream.linear.scatter [tilespmem:s31], [sflag:$0x9], $0xF00, $0x38;
	[tilespmem:$0x1E730] =	vst v63  }
0x46: {  	_ =	swait.ge [sflag:s0], $0xF00  }
0x47: {  	[sflag:s0] =	ssyncset.done $0x0  }
0x48: {  	s14 =	rddreg [dreg:$0x11];
	[sflag:s0] =	ssyncadd.s32 $0xFFFFF100  }
0x49: {  	[spmem:s14] =	stream.linear.scatter [tilespmem:s31], [sflag:$0x9], $0xF00, $0x38;
	[tilespmem:$0x1E730] =	vst v63  }
0x4a: {  	_ =	swait.ge [sflag:s0], $0xF00  }
0x4b: {  	[sflag:s0] =	ssyncset.done $0x0  }
0x4c: {  	s30 =	rddreg [dreg:$0x12];
	[sflag:s0] =	ssyncadd.s32 $0xFFFFF100  }
0x4d: {  	[spmem:s30] =	stream.linear.scatter [tilespmem:s31], [sflag:$0x9], $0xF00, $0x38;
	[tilespmem:$0x1E730] =	vst v63  }
0x4e: {  	_ =	swait.ge [sflag:s0], $0xF00  }
0x4f: {  	[sflag:s0] =	ssyncset.done $0x0  }
0x50: {  	s8 =	rddreg [dreg:$0x13];
	[sflag:s0] =	ssyncadd.s32 $0xFFFFF100  }
0x51: {  	[spmem:s8] =	stream.linear.scatter [tilespmem:s31], [sflag:$0x9], $0xF00, $0x38;
	[tilespmem:$0x1E730] =	vst v63  }
0x52: {  	_ =	swait.ge [sflag:s0], $0xF00  }
0x53: {  	[sflag:s0] =	ssyncset.done $0x0  }
0x54: {  	s9 =	rddreg [dreg:$0x15];
	[sflag:s0] =	ssyncadd.s32 $0xFFFFF100  }
0x55: {  	[spmem:s9] =	stream.linear.scatter [tilespmem:s31], [sflag:$0x9], $0xF00, $0x38;
	[tilespmem:$0x1E730] =	vst v63  }
0x56: {  	_ =	swait.ge [sflag:s0], $0xF00  }
0x57: {  	[sflag:s0] =	ssyncset.done $0x0  }
0x58: {  	s10 =	rddreg [dreg:$0x16];
	[sflag:s0] =	ssyncadd.s32 $0xFFFFF100  }
0x59: {  	[spmem:s10] =	stream.linear.scatter [tilespmem:s31], [sflag:$0x9], $0xF00, $0x38;
	[tilespmem:$0x1E730] =	vst v63  }
0x5a: {  	_ =	swait.ge [sflag:s0], $0xF00  }
0x5b: {  	[sflag:s0] =	ssyncset.done $0x0  }
0x5c: {  	s14 =	rddreg [dreg:$0x17];
	[sflag:s0] =	ssyncadd.s32 $0xFFFFF100  }
0x5d: {  	[spmem:s14] =	stream.linear.scatter [tilespmem:s31], [sflag:$0x9], $0xF00, $0x38;
	[tilespmem:$0x1E730] =	vst v63  }
0x5e: {  	_ =	swait.ge [sflag:s0], $0xF00  }
0x5f: {  	[sflag:s0] =	ssyncset.done $0x0  }
0x60: {  	s7 =	simm.s32 @!p1 $0xF1E0;
	[sflag:s0] =	ssyncadd.s32 $0xFFFFF100  }
0x61: {  	[spmem:s21] =	stream.linear.scatter @!p1 [tilespmem:s7], [sflag:$0x9], $0x500, $0x38;
	[tilespmem:$0x1E730] =	vst v63  }
0x62: {  	s7 =	simm.s32 @!p1 $0x9  }
0x63: {  	_ =	swait.ge @!p1 [sflag:s7], $0x500  }
0x64: {  	[sflag:s7] =	ssyncset.done @!p1 $0x0  }
0x65: {  	[sflag:s7] =	ssyncadd.s32 @!p1 $0xFFFFFB00  }
0x66: {  	[bflag:$0x0] =	sbarrier.arrive $0xFFFF  }
0x67: {  	s7 =	simm.s32 $0x0;
	s8 =	rddreg [dreg:$0x7]  }
0x68: {  	[tilespmem:s7], [sflag:$0x1] =	stream.linear.gather [hbm4b:s8+s7], $0xA0, $0x38;
	[tilespmem:$0x1E730] =	vst v63  }
0x69: {  	_ =	swait.ge [sflag:s3], $0xA0  }
0x6a: {  	[sflag:s3] =	ssyncset.done $0x0  }
0x6b: {  	[sflag:s3] =	ssyncadd.s32 $0xFFFFFF60  }
0x6c: {  	[tilespmem:s15], [sflag:$0x3] =	stream.indirect.gather [hbm4b:s1+s11], $0x80, s7, s11, $0xb8;
	[tilespmem:$0x1E730] =	vst v63  }
0x6d: {  	_ = 	snop  }
0x6e: {  	[tilespmem:s16], [sflag:$0x5] =	stream.indirect.gather [hbm4b:s5+s11], $0x100, s11, s11, $0xb8;
	[tilespmem:$0x1E730] =	vst v63  }
0x6f: {  	s30 =	rddreg [dreg:$0x8]  }
0x70: {  	[tilespmem:s17], [sflag:$0x2] =	stream.linear.gather [hbm4b:s30+s7], $0xA0, $0x38;
	[tilespmem:$0x1E730] =	vst v63  }
.LBB2_4:
0x71: {  	_ =	swait.ge [sflag:s18], $0x2800  }
0x72: {  	[sflag:s18] =	ssyncset.done $0x0  }
0x73: {  	[sflag:s18] =	ssyncadd.s32 $0xFFFFD800  }
0x74: {  	_ =	swait.ge [sflag:s19], $0x5000  }
0x75: {  	[sflag:s19] =	ssyncset.done $0x0  }
0x76: {  	[sflag:s19] =	ssyncadd.s32 $0xFFFFB000  }
0x77: {  	_ =	swait.ge [sflag:s20], $0xA0  }
0x78: {  	[sflag:s20] =	ssyncset.done $0x0  }
0x79: {  	s8 =	simm.s32 $0x29E0;
	p2 =	seq.s32 s7, $0x0;
	[sflag:s20] =	ssyncadd.s32 $0xFFFFFF60  }
0x7a: {  	[tilespmem:s8], [sflag:$0x4] =	stream.indirect.gather [hbm4b:s1+s11], $0x80, s17, s11, $0xb8;
	[tilespmem:$0x1E730] =	vst v63  }
0x7b: {  	s8 =	simm.s32 @!p2 $0x7  }
0x7c: {  	[tilespmem:s23], [sflag:$0x6] =	stream.indirect.gather [hbm4b:s5+s11], $0x100, s22, s11, $0xb8;
	[tilespmem:$0x1E730] =	vst v63  }
0x7d: {  	_ =	swait.ge @!p2 [sflag:s8], $0x1900  }
0x7e: {  	s9 =	simm.s32 $0xF280;
	s30 =	simm.s32 $0x2E0;
	[sflag:s8] =	ssyncset.done @!p2 $0x0  }
0x7f: {  	s14 =	simm.s32 $0x53E0;
	[sflag:s8] =	ssyncadd.s32 @!p2 $0xFFFFE700;
	s8 =	simm.s32 $0xFFFFFFFC  }
.LBB2_5:
0x80: {  	v10 =	vld [tilespmem:s30+$0xFFFFFF00]  }
0x81: {  	v11 =	vld [tilespmem:s14+$0xFFFFFE00]  }
0x82: {  	v12 =	vld [tilespmem:s30+$0xFFFFFF10]  }
0x83: {  	v13 =	vld [tilespmem:s14+$0xFFFFFE10]  }
0x84: {  	v14 =	vld [tilespmem:s30+$0xFFFFFF20]  }
0x85: {  	v15 =	vld [tilespmem:s14+$0xFFFFFE20]  }
0x86: {  	v16 =	vld [tilespmem:s30+$0xFFFFFF30]  }
0x87: {  	v17 =	vld [tilespmem:s14+$0xFFFFFE30]  }
0x88: {  	v18 =	vld [tilespmem:s30+$0xFFFFFF40]  }
0x89: {  	v19 =	vld [tilespmem:s14+$0xFFFFFE40]  }
0x8a: {  	v20 =	vld [tilespmem:s30+$0xFFFFFF50]  }
0x8b: {  	v21 =	vld [tilespmem:s14+$0xFFFFFE50]  }
0x8c: {  	v22 =	vld [tilespmem:s30+$0xFFFFFF60]  }
0x8d: {  	v28 =	vld [tilespmem:s30+$0xFFFFFF70];
	v10 =	vmul.f32 v11, v10  }
0x8e: {  	v11 =	vld [tilespmem:s14+$0xFFFFFE60];
	v12 =	vmul.f32 v13, v12  }
0x8f: {  	v29 =	vld [tilespmem:s14+$0xFFFFFE70];
	(xrf2) =	vadd.scan.msk.f32 $0xffff, v10;
	v10 =	vmul.f32 v15, v14  }
0x90: {  	v30 =	vmul.f32 v17, v16;
	(xrf2) =	vadd.scan.msk.f32 $0xffff, v12  }
0x91: {  	(xrf2) =	vadd.scan.msk.f32 $0xffff, v10;
	v10 =	vmul.f32 v19, v18  }
0x92: {  	v31 =	vmul.f32 v21, v20;
	(xrf2) =	vadd.scan.msk.f32 $0xffff, v30  }
0x93: {  	(xrf2) =	vadd.scan.msk.f32 $0xffff, v10;
	v10 =	vmul.f32 v11, v22  }
0x94: {  	v11 =	vmul.f32 v29, v28;
	(xrf2) =	vadd.scan.msk.f32 $0xffff, v31  }
0x95: {  	(xrf2) =	vadd.scan.msk.f32 $0xffff, v10  }
0x96: {  	(xrf2) =	vadd.scan.msk.f32 $0xffff, v11;
	_ =	sdelay $0x2  }
0x97: {  	v10, _, _ =	vpop (xrf2)  }
0x98: {  	v10 =	vperm.xlane v10, v1;
	v11, _, _ =	vpop (xrf2)  }
0x99: {  	v11 =	vperm.xlane v11, v1;
	v32, _, _ =	vpop (xrf2)  }
0x9a: {  	v10 =	vnsel vm0, $0x0, v10;
	v12 =	vperm.xlane v32, v1;
	v33, _, _ =	vpop (xrf2)  }
0x9b: {  	v10 =	vsel vm1, v10, v11;
	v11 =	vperm.xlane v33, v1;
	v34, _, _ =	vpop (xrf2)  }
0x9c: {  	v10 =	vsel vm2, v10, v12;
	v35 =	vperm.xlane v34, v1;
	v36, _, _ =	vpop (xrf2)  }
0x9d: {  	v10 =	vsel vm3, v10, v11;
	v11 =	vperm.xlane v36, v1;
	v37, _, _ =	vpop (xrf2)  }
0x9e: {  	v10 =	vsel vm4, v10, v35;
	v38 =	vperm.xlane v37, v1;
	v39, _, _ =	vpop (xrf2)  }
0x9f: {  	v10 =	vsel vm5, v10, v11;
	v11 =	vperm.xlane v39, v1  }
0xa0: {  	v10 =	vsel vm6, v10, v38  }
0xa1: {  	v10 =	vsel vm7, v10, v11  }
0xa2: {  	v10 =	vmul.f32 $2.500000000e-01, v10;
	_ =	sdelay $0x1  }
0xa3: {  	v10 =	vmul.f32 $1.442695020e+00, v10;
	_ =	sdelay $0x1  }
0xa4: {  	(erf) = vpow2.f32 v10;
	_ =	sdelay $0x8  }
0xa5: {  	v10 =	vpop (erf)  }
0xa6: {  	v11 =	vpack.i.f32.bf16 v10, v10  }
0xa7: {  	[tilespmem:s9+$0xFFFFFFA0] =	vst v11  }
0xa8: {  	v11 =	vld [tilespmem:s14+$0xFFFFFE80]  }
0xa9: {  	v40 =	vld [tilespmem:s14+$0xFFFFFE90];
	_ =	sdelay $0x2  }
0xaa: {  	v41 =	vperm.xlane v10, v2;
	v42 =	vperm.xlane v10, v3;
	_ =	sdelay $0x1  }
0xab: {  	v11 =	vmul.f32 v41, v11;
	v12 =	vmul.f32 v42, v40;
	_ =	sdelay $0x1  }
0xac: {  	v11 =	vpack.i.f32.bf16 v12, v11  }
0xad: {  	[tilespmem:s9+$0xFFFFFF60] =	vst v11  }
0xae: {  	v11 =	vld [tilespmem:s14+$0xFFFFFEA0]  }
0xaf: {  	v43 =	vld [tilespmem:s14+$0xFFFFFEB0];
	_ =	sdelay $0x2  }
0xb0: {  	v44 =	vperm.xlane v10, v4;
	v45 =	vperm.xlane v10, v5;
	_ =	sdelay $0x1  }
0xb1: {  	v11 =	vmul.f32 v44, v11;
	v12 =	vmul.f32 v45, v43;
	_ =	sdelay $0x1  }
0xb2: {  	v11 =	vpack.i.f32.bf16 v12, v11  }
0xb3: {  	[tilespmem:s9+$0xFFFFFF70] =	vst v11  }
0xb4: {  	v11 =	vld [tilespmem:s14+$0xFFFFFEC0]  }
0xb5: {  	v46 =	vld [tilespmem:s14+$0xFFFFFED0];
	_ =	sdelay $0x2  }
0xb6: {  	v47 =	vperm.xlane v10, v6;
	v48 =	vperm.xlane v10, v7;
	_ =	sdelay $0x1  }
0xb7: {  	v11 =	vmul.f32 v47, v11;
	v12 =	vmul.f32 v48, v46;
	_ =	sdelay $0x1  }
0xb8: {  	v11 =	vpack.i.f32.bf16 v12, v11  }
0xb9: {  	[tilespmem:s9+$0xFFFFFF80] =	vst v11  }
0xba: {  	v11 =	vld [tilespmem:s14+$0xFFFFFEE0]  }
0xbb: {  	v49 =	vld [tilespmem:s14+$0xFFFFFEF0];
	_ =	sdelay $0x2  }
0xbc: {  	v50 =	vperm.xlane v10, v8;
	v10 =	vperm.xlane v10, v9;
	_ =	sdelay $0x1  }
0xbd: {  	v11 =	vmul.f32 v50, v11;
	v10 =	vmul.f32 v10, v49;
	_ =	sdelay $0x1  }
0xbe: {  	v10 =	vpack.i.f32.bf16 v10, v11  }
0xbf: {  	[tilespmem:s9+$0xFFFFFF90] =	vst v10  }
0xc0: {  	v10 =	vld [tilespmem:s30+$0xFFFFFF80]  }
0xc1: {  	v11 =	vld [tilespmem:s14+$0xFFFFFF00]  }
0xc2: {  	v51 =	vld [tilespmem:s30+$0xFFFFFF90]  }
0xc3: {  	v52 =	vld [tilespmem:s14+$0xFFFFFF10]  }
0xc4: {  	v53 =	vld [tilespmem:s30+$0xFFFFFFA0]  }
0xc5: {  	v54 =	vld [tilespmem:s14+$0xFFFFFF20]  }
0xc6: {  	v55 =	vld [tilespmem:s30+$0xFFFFFFB0]  }
0xc7: {  	v56 =	vld [tilespmem:s14+$0xFFFFFF30]  }
0xc8: {  	v57 =	vld [tilespmem:s30+$0xFFFFFFC0]  }
0xc9: {  	v58 =	vld [tilespmem:s14+$0xFFFFFF40]  }
0xca: {  	v59 =	vld [tilespmem:s30+$0xFFFFFFD0]  }
0xcb: {  	v60 =	vld [tilespmem:s14+$0xFFFFFF50]  }
0xcc: {  	v61 =	vld [tilespmem:s30+$0xFFFFFFE0]  }
0xcd: {  	v62 =	vld [tilespmem:s30+$0xFFFFFFF0];
	v10 =	vmul.f32 v11, v10  }
0xce: {  	v11 =	vld [tilespmem:s14+$0xFFFFFF60];
	v12 =	vmul.f32 v52, v51  }
0xcf: {  	v63 =	vld [tilespmem:s14+$0xFFFFFF70];
	(xrf2) =	vadd.scan.msk.f32 $0xffff, v10;
	v10 =	vmul.f32 v54, v53  }
0xd0: {  	v23 =	vmul.f32 v56, v55;
	(xrf2) =	vadd.scan.msk.f32 $0xffff, v12  }
0xd1: {  	(xrf2) =	vadd.scan.msk.f32 $0xffff, v10;
	v10 =	vmul.f32 v58, v57  }
0xd2: {  	v24 =	vmul.f32 v60, v59;
	(xrf2) =	vadd.scan.msk.f32 $0xffff, v23  }
0xd3: {  	(xrf2) =	vadd.scan.msk.f32 $0xffff, v10;
	v10 =	vmul.f32 v11, v61  }
0xd4: {  	v11 =	vmul.f32 v63, v62;
	(xrf2) =	vadd.scan.msk.f32 $0xffff, v24  }
0xd5: {  	(xrf2) =	vadd.scan.msk.f32 $0xffff, v10  }
0xd6: {  	(xrf2) =	vadd.scan.msk.f32 $0xffff, v11;
	_ =	sdelay $0x2  }
0xd7: {  	v10, _, _ =	vpop (xrf2)  }
0xd8: {  	v10 =	vperm.xlane v10, v1;
	v11, _, _ =	vpop (xrf2)  }
0xd9: {  	v11 =	vperm.xlane v11, v1;
	v25, _, _ =	vpop (xrf2)  }
0xda: {  	v10 =	vnsel vm0, $0x0, v10;
	v12 =	vperm.xlane v25, v1;
	v26, _, _ =	vpop (xrf2)  }
0xdb: {  	v10 =	vsel vm1, v10, v11;
	v11 =	vperm.xlane v26, v1;
	v27, _, _ =	vpop (xrf2)  }
0xdc: {  	v10 =	vsel vm2, v10, v12;
	v28 =	vperm.xlane v27, v1;
	v29, _, _ =	vpop (xrf2)  }
0xdd: {  	v10 =	vsel vm3, v10, v11;
	v11 =	vperm.xlane v29, v1;
	v30, _, _ =	vpop (xrf2)  }
0xde: {  	v10 =	vsel vm4, v10, v28;
	v31 =	vperm.xlane v30, v1;
	v32, _, _ =	vpop (xrf2)  }
0xdf: {  	v10 =	vsel vm5, v10, v11;
	v11 =	vperm.xlane v32, v1  }
0xe0: {  	v10 =	vsel vm6, v10, v31  }
0xe1: {  	v10 =	vsel vm7, v10, v11  }
0xe2: {  	v10 =	vmul.f32 $2.500000000e-01, v10;
	_ =	sdelay $0x1  }
0xe3: {  	v10 =	vmul.f32 $1.442695020e+00, v10;
	_ =	sdelay $0x1  }
0xe4: {  	(erf) = vpow2.f32 v10;
	_ =	sdelay $0x8  }
0xe5: {  	v10 =	vpop (erf)  }
0xe6: {  	v11 =	vpack.i.f32.bf16 v10, v10  }
0xe7: {  	[tilespmem:s9+$0xFFFFFFF0] =	vst v11  }
0xe8: {  	v11 =	vld [tilespmem:s14+$0xFFFFFF80]  }
0xe9: {  	v33 =	vld [tilespmem:s14+$0xFFFFFF90];
	_ =	sdelay $0x2  }
0xea: {  	v34 =	vperm.xlane v10, v2;
	v35 =	vperm.xlane v10, v3;
	_ =	sdelay $0x1  }
0xeb: {  	v11 =	vmul.f32 v34, v11;
	v12 =	vmul.f32 v35, v33;
	_ =	sdelay $0x1  }
0xec: {  	v11 =	vpack.i.f32.bf16 v12, v11  }
0xed: {  	[tilespmem:s9+$0xFFFFFFB0] =	vst v11  }
0xee: {  	v11 =	vld [tilespmem:s14+$0xFFFFFFA0]  }
0xef: {  	v36 =	vld [tilespmem:s14+$0xFFFFFFB0];
	_ =	sdelay $0x2  }
0xf0: {  	v37 =	vperm.xlane v10, v4;
	v38 =	vperm.xlane v10, v5;
	_ =	sdelay $0x1  }
0xf1: {  	v11 =	vmul.f32 v37, v11;
	v12 =	vmul.f32 v38, v36;
	_ =	sdelay $0x1  }
0xf2: {  	v11 =	vpack.i.f32.bf16 v12, v11  }
0xf3: {  	[tilespmem:s9+$0xFFFFFFC0] =	vst v11  }
0xf4: {  	v11 =	vld [tilespmem:s14+$0xFFFFFFC0]  }
0xf5: {  	v39 =	vld [tilespmem:s14+$0xFFFFFFD0];
	_ =	sdelay $0x2  }
0xf6: {  	v40 =	vperm.xlane v10, v6;
	v41 =	vperm.xlane v10, v7;
	_ =	sdelay $0x1  }
0xf7: {  	v11 =	vmul.f32 v40, v11;
	v12 =	vmul.f32 v41, v39;
	_ =	sdelay $0x1  }
0xf8: {  	v11 =	vpack.i.f32.bf16 v12, v11  }
0xf9: {  	[tilespmem:s9+$0xFFFFFFD0] =	vst v11  }
0xfa: {  	v11 =	vld [tilespmem:s14+$0xFFFFFFE0]  }
0xfb: {  	v42 =	vld [tilespmem:s14+$0xFFFFFFF0];
	_ =	sdelay $0x2  }
0xfc: {  	v43 =	vperm.xlane v10, v8;
	v10 =	vperm.xlane v10, v9;
	_ =	sdelay $0x1  }
0xfd: {  	v11 =	vmul.f32 v43, v11;
	v10 =	vmul.f32 v10, v42;
	_ =	sdelay $0x1  }
0xfe: {  	v10 =	vpack.i.f32.bf16 v10, v11  }
0xff: {  	[tilespmem:s9+$0xFFFFFFE0] =	vst v10  }
0x100: {  	v10 =	vld [tilespmem:s30+$0x0]  }
0x101: {  	v11 =	vld [tilespmem:s14+$0x0]  }
0x102: {  	v44 =	vld [tilespmem:s30+$0x10]  }
0x103: {  	v45 =	vld [tilespmem:s14+$0x10]  }
0x104: {  	v46 =	vld [tilespmem:s30+$0x20]  }
0x105: {  	v47 =	vld [tilespmem:s14+$0x20]  }
0x106: {  	v48 =	vld [tilespmem:s30+$0x30]  }
0x107: {  	v49 =	vld [tilespmem:s14+$0x30]  }
0x108: {  	v50 =	vld [tilespmem:s30+$0x40]  }
0x109: {  	v51 =	vld [tilespmem:s14+$0x40]  }
0x10a: {  	v52 =	vld [tilespmem:s30+$0x50]  }
0x10b: {  	v53 =	vld [tilespmem:s14+$0x50]  }
0x10c: {  	v54 =	vld [tilespmem:s30+$0x60]  }
0x10d: {  	v55 =	vld [tilespmem:s30+$0x70];
	v10 =	vmul.f32 v11, v10  }
0x10e: {  	v11 =	vld [tilespmem:s14+$0x60];
	v12 =	vmul.f32 v45, v44  }
0x10f: {  	v56 =	vld [tilespmem:s14+$0x70];
	(xrf2) =	vadd.scan.msk.f32 $0xffff, v10;
	v10 =	vmul.f32 v47, v46  }
0x110: {  	v57 =	vmul.f32 v49, v48;
	(xrf2) =	vadd.scan.msk.f32 $0xffff, v12  }
0x111: {  	(xrf2) =	vadd.scan.msk.f32 $0xffff, v10;
	v10 =	vmul.f32 v51, v50  }
0x112: {  	v58 =	vmul.f32 v53, v52;
	(xrf2) =	vadd.scan.msk.f32 $0xffff, v57  }
0x113: {  	(xrf2) =	vadd.scan.msk.f32 $0xffff, v10;
	v10 =	vmul.f32 v11, v54  }
0x114: {  	v11 =	vmul.f32 v56, v55;
	(xrf2) =	vadd.scan.msk.f32 $0xffff, v58  }
0x115: {  	(xrf2) =	vadd.scan.msk.f32 $0xffff, v10  }
0x116: {  	(xrf2) =	vadd.scan.msk.f32 $0xffff, v11;
	_ =	sdelay $0x2  }
0x117: {  	v10, _, _ =	vpop (xrf2)  }
0x118: {  	v10 =	vperm.xlane v10, v1;
	v11, _, _ =	vpop (xrf2)  }
0x119: {  	v11 =	vperm.xlane v11, v1;
	v59, _, _ =	vpop (xrf2)  }
0x11a: {  	v10 =	vnsel vm0, $0x0, v10;
	v12 =	vperm.xlane v59, v1;
	v60, _, _ =	vpop (xrf2)  }
0x11b: {  	v10 =	vsel vm1, v10, v11;
	v11 =	vperm.xlane v60, v1;
	v61, _, _ =	vpop (xrf2)  }
0x11c: {  	v10 =	vsel vm2, v10, v12;
	v62 =	vperm.xlane v61, v1;
	v63, _, _ =	vpop (xrf2)  }
0x11d: {  	v10 =	vsel vm3, v10, v11;
	v11 =	vperm.xlane v63, v1;
	v16, _, _ =	vpop (xrf2)  }
0x11e: {  	v10 =	vsel vm4, v10, v62;
	v17 =	vperm.xlane v16, v1;
	v18, _, _ =	vpop (xrf2)  }
0x11f: {  	v10 =	vsel vm5, v10, v11;
	v11 =	vperm.xlane v18, v1  }
0x120: {  	v10 =	vsel vm6, v10, v17  }
0x121: {  	v10 =	vsel vm7, v10, v11  }
0x122: {  	v10 =	vmul.f32 $2.500000000e-01, v10;
	_ =	sdelay $0x1  }
0x123: {  	v10 =	vmul.f32 $1.442695020e+00, v10;
	_ =	sdelay $0x1  }
0x124: {  	(erf) = vpow2.f32 v10;
	_ =	sdelay $0x8  }
0x125: {  	v10 =	vpop (erf)  }
0x126: {  	v11 =	vpack.i.f32.bf16 v10, v10  }
0x127: {  	[tilespmem:s9+$0x40] =	vst v11  }
0x128: {  	v11 =	vld [tilespmem:s14+$0x80]  }
0x129: {  	v19 =	vld [tilespmem:s14+$0x90];
	_ =	sdelay $0x2  }
0x12a: {  	v20 =	vperm.xlane v10, v2;
	v21 =	vperm.xlane v10, v3;
	_ =	sdelay $0x1  }
0x12b: {  	v11 =	vmul.f32 v20, v11;
	v12 =	vmul.f32 v21, v19;
	_ =	sdelay $0x1  }
0x12c: {  	v11 =	vpack.i.f32.bf16 v12, v11  }
0x12d: {  	[tilespmem:s9+$0x0] =	vst v11  }
0x12e: {  	v11 =	vld [tilespmem:s14+$0xA0]  }
0x12f: {  	v22 =	vld [tilespmem:s14+$0xB0];
	_ =	sdelay $0x2  }
0x130: {  	v23 =	vperm.xlane v10, v4;
	v24 =	vperm.xlane v10, v5;
	_ =	sdelay $0x1  }
0x131: {  	v11 =	vmul.f32 v23, v11;
	v12 =	vmul.f32 v24, v22;
	_ =	sdelay $0x1  }
0x132: {  	v11 =	vpack.i.f32.bf16 v12, v11  }
0x133: {  	[tilespmem:s9+$0x10] =	vst v11  }
0x134: {  	v11 =	vld [tilespmem:s14+$0xC0]  }
0x135: {  	v25 =	vld [tilespmem:s14+$0xD0];
	_ =	sdelay $0x2  }
0x136: {  	v26 =	vperm.xlane v10, v6;
	v27 =	vperm.xlane v10, v7;
	_ =	sdelay $0x1  }
0x137: {  	v11 =	vmul.f32 v26, v11;
	v12 =	vmul.f32 v27, v25;
	_ =	sdelay $0x1  }
0x138: {  	v11 =	vpack.i.f32.bf16 v12, v11  }
0x139: {  	[tilespmem:s9+$0x20] =	vst v11  }
0x13a: {  	v11 =	vld [tilespmem:s14+$0xE0]  }
0x13b: {  	v28 =	vld [tilespmem:s14+$0xF0];
	_ =	sdelay $0x2  }
0x13c: {  	v29 =	vperm.xlane v10, v8;
	v10 =	vperm.xlane v10, v9;
	_ =	sdelay $0x1  }
0x13d: {  	v11 =	vmul.f32 v29, v11;
	v10 =	vmul.f32 v10, v28;
	_ =	sdelay $0x1  }
0x13e: {  	v10 =	vpack.i.f32.bf16 v10, v11  }
0x13f: {  	[tilespmem:s9+$0x30] =	vst v10  }
0x140: {  	v10 =	vld [tilespmem:s30+$0x80]  }
0x141: {  	v11 =	vld [tilespmem:s14+$0x100]  }
0x142: {  	v30 =	vld [tilespmem:s30+$0x90]  }
0x143: {  	v31 =	vld [tilespmem:s14+$0x110]  }
0x144: {  	v32 =	vld [tilespmem:s30+$0xA0]  }
0x145: {  	v33 =	vld [tilespmem:s14+$0x120]  }
0x146: {  	v34 =	vld [tilespmem:s30+$0xB0]  }
0x147: {  	v35 =	vld [tilespmem:s14+$0x130]  }
0x148: {  	v36 =	vld [tilespmem:s30+$0xC0]  }
0x149: {  	v37 =	vld [tilespmem:s14+$0x140]  }
0x14a: {  	v38 =	vld [tilespmem:s30+$0xD0]  }
0x14b: {  	v39 =	vld [tilespmem:s14+$0x150]  }
0x14c: {  	v40 =	vld [tilespmem:s30+$0xE0]  }
0x14d: {  	v41 =	vld [tilespmem:s30+$0xF0];
	v10 =	vmul.f32 v11, v10  }
0x14e: {  	v11 =	vld [tilespmem:s14+$0x160];
	v12 =	vmul.f32 v31, v30  }
0x14f: {  	v42 =	vld [tilespmem:s14+$0x170];
	(xrf2) =	vadd.scan.msk.f32 $0xffff, v10;
	v10 =	vmul.f32 v33, v32  }
0x150: {  	v43 =	vmul.f32 v35, v34;
	(xrf2) =	vadd.scan.msk.f32 $0xffff, v12  }
0x151: {  	(xrf2) =	vadd.scan.msk.f32 $0xffff, v10;
	v10 =	vmul.f32 v37, v36  }
0x152: {  	v44 =	vmul.f32 v39, v38;
	(xrf2) =	vadd.scan.msk.f32 $0xffff, v43  }
0x153: {  	(xrf2) =	vadd.scan.msk.f32 $0xffff, v10;
	v10 =	vmul.f32 v11, v40  }
0x154: {  	v11 =	vmul.f32 v42, v41;
	(xrf2) =	vadd.scan.msk.f32 $0xffff, v44  }
0x155: {  	(xrf2) =	vadd.scan.msk.f32 $0xffff, v10  }
0x156: {  	(xrf2) =	vadd.scan.msk.f32 $0xffff, v11;
	_ =	sdelay $0x2  }
0x157: {  	v10, _, _ =	vpop (xrf2)  }
0x158: {  	v11, _, _ =	vpop (xrf2);
	v10 =	vperm.xlane v10, v1  }
0x159: {  	v45, _, _ =	vpop (xrf2);
	v11 =	vperm.xlane v11, v1  }
0x15a: {  	v46, _, _ =	vpop (xrf2);
	v10 =	vnsel vm0, $0x0, v10;
	v12 =	vperm.xlane v45, v1  }
0x15b: {  	v47, _, _ =	vpop (xrf2);
	v10 =	vsel vm1, v10, v11;
	v11 =	vperm.xlane v46, v1  }
0x15c: {  	v48, _, _ =	vpop (xrf2);
	v10 =	vsel vm2, v10, v12;
	v49 =	vperm.xlane v47, v1  }
0x15d: {  	v50, _, _ =	vpop (xrf2);
	v10 =	vsel vm3, v10, v11;
	v11 =	vperm.xlane v48, v1  }
0x15e: {  	v10 =	vsel vm4, v10, v49;
	v51 =	vperm.xlane v50, v1;
	v52, _, _ =	vpop (xrf2)  }
0x15f: {  	v10 =	vsel vm5, v10, v11;
	v11 =	vperm.xlane v52, v1  }
0x160: {  	v10 =	vsel vm6, v10, v51  }
0x161: {  	v10 =	vsel vm7, v10, v11  }
0x162: {  	v10 =	vmul.f32 $2.500000000e-01, v10;
	_ =	sdelay $0x1  }
0x163: {  	v10 =	vmul.f32 $1.442695020e+00, v10;
	_ =	sdelay $0x1  }
0x164: {  	(erf) = vpow2.f32 v10;
	_ =	sdelay $0x8  }
0x165: {  	v10 =	vpop (erf)  }
0x166: {  	v11 =	vpack.i.f32.bf16 v10, v10  }
0x167: {  	[tilespmem:s9+$0x90] =	vst v11  }
0x168: {  	v11 =	vld [tilespmem:s14+$0x180]  }
0x169: {  	v53 =	vld [tilespmem:s14+$0x190];
	_ =	sdelay $0x2  }
0x16a: {  	v54 =	vperm.xlane v10, v2;
	v55 =	vperm.xlane v10, v3;
	_ =	sdelay $0x1  }
0x16b: {  	v11 =	vmul.f32 v54, v11;
	v12 =	vmul.f32 v55, v53;
	_ =	sdelay $0x1  }
0x16c: {  	v11 =	vpack.i.f32.bf16 v12, v11  }
0x16d: {  	[tilespmem:s9+$0x50] =	vst v11  }
0x16e: {  	v11 =	vld [tilespmem:s14+$0x1A0]  }
0x16f: {  	v56 =	vld [tilespmem:s14+$0x1B0];
	_ =	sdelay $0x2  }
0x170: {  	v57 =	vperm.xlane v10, v4;
	v58 =	vperm.xlane v10, v5;
	_ =	sdelay $0x1  }
0x171: {  	v11 =	vmul.f32 v57, v11;
	v12 =	vmul.f32 v58, v56;
	_ =	sdelay $0x1  }
0x172: {  	v11 =	vpack.i.f32.bf16 v12, v11  }
0x173: {  	[tilespmem:s9+$0x60] =	vst v11  }
0x174: {  	v11 =	vld [tilespmem:s14+$0x1C0]  }
0x175: {  	v59 =	vld [tilespmem:s14+$0x1D0];
	_ =	sdelay $0x2  }
0x176: {  	v60 =	vperm.xlane v10, v6;
	v61 =	vperm.xlane v10, v7;
	_ =	sdelay $0x1  }
0x177: {  	v11 =	vmul.f32 v60, v11;
	v12 =	vmul.f32 v61, v59;
	_ =	sdelay $0x1  }
0x178: {  	v11 =	vpack.i.f32.bf16 v12, v11  }
0x179: {  	[tilespmem:s9+$0x70] =	vst v11  }
0x17a: {  	v11 =	vld [tilespmem:s14+$0x1E0]  }
0x17b: {  	v62 =	vld [tilespmem:s14+$0x1F0];
	_ =	sdelay $0x1  }
0x17c: {  	s8 =	sadd.s32 $0x4, s8  }
0x17d: {  	p3 =	slt.u32 s8, $0x4C;
	v63 =	vperm.xlane v10, v8;
	v10 =	vperm.xlane v10, v9  }
.Ltmp1:
0x17e: {  	_ = 	snop;
	(pc) =	sbr.rel @p3 .LBB2_5-.Ltmp1, $3  }
0x17f: {  	v11 =	vmul.f32 v63, v11;
	v10 =	vmul.f32 v10, v62;
	_ =	sdelay $0x1  }
0x180: {  	v10 =	vpack.i.f32.bf16 v10, v11  }
0x181: {  	s30 =	sadd.s32 $0x200, s30;
	s14 =	sadd.s32 $0x400, s14;
	[tilespmem:s9+$0x80] =	vst v10;
	s9 =	sadd.s32 $0x140, s9  }
0x182: {  	v10 =	vld [tilespmem:$0x0]  }
0x183: {  	v11 =	vld [tilespmem:$0x10]  }
0x184: {  	v12 =	vld [tilespmem:$0x20]  }
0x185: {  	v13 =	vld [tilespmem:$0x30]  }
0x186: {  	v14 =	vld [tilespmem:$0x40]  }
0x187: {  	[tilespmem:$0x140] =	vst v10  }
0x188: {  	s8 =	smul.u32 $0x140, s7;
	[tilespmem:$0x150] =	vst v11  }
0x189: {  	[tilespmem:$0x160] =	vst v12  }
0x18a: {  	s9 =	sadd.s32 s8, s12;
	[tilespmem:$0x170] =	vst v13  }
0x18b: {  	s9 =	sshrl.u32 s9, $0x3;
	[tilespmem:$0x180] =	vst v14  }
0x18c: {  	[spmem:s2] =	stream.indirect.scatter.add.bf16 [tilespmem:s31], [sflag:$0x7], $0x50, s24, s11, $0xb8;
	[tilespmem:$0x1E730] =	vst v63  }
0x18d: {  	s9 =	sadd.s32 s6, s9  }
0x18e: {  	[tilespmem:s4], [sflag:$0x1] =	stream.linear.gather [hbm4b:s9+s4], $0xA0, $0x38;
	[tilespmem:$0x1E730] =	vst v63  }
0x18f: {  	_ =	swait.ge [sflag:s25], $0x2800  }
0x190: {  	[sflag:s25] =	ssyncset.done $0x0  }
0x191: {  	[sflag:s25] =	ssyncadd.s32 $0xFFFFD800  }
0x192: {  	_ =	swait.ge [sflag:s26], $0x5000  }
0x193: {  	[sflag:s26] =	ssyncset.done $0x0  }
0x194: {  	[sflag:s26] =	ssyncadd.s32 $0xFFFFB000  }
0x195: {  	_ =	swait.ge [sflag:s3], $0xA0  }
0x196: {  	[sflag:s3] =	ssyncset.done $0x0  }
0x197: {  	[sflag:s3] =	ssyncadd.s32 $0xFFFFFF60  }
0x198: {  	[tilespmem:s15], [sflag:$0x3] =	stream.indirect.gather [hbm4b:s1+s11], $0x80, s4, s11, $0xb8;
	[tilespmem:$0x1E730] =	vst v63  }
0x199: {  	s9 =	simm.s32 @!p2 $0x8  }
0x19a: {  	[tilespmem:s16], [sflag:$0x5] =	stream.indirect.gather [hbm4b:s5+s11], $0x100, s11, s11, $0xb8;
	[tilespmem:$0x1E730] =	vst v63  }
0x19b: {  	_ =	swait.ge @!p2 [sflag:s9], $0x1900  }
0x19c: {  	s30 =	simm.s32 $0x10B80;
	s14 =	simm.s32 $0x2AE0;
	[sflag:s9] =	ssyncset.done @!p2 $0x0  }
0x19d: {  	s10 =	simm.s32 $0xA3E0;
	[sflag:s9] =	ssyncadd.s32 @!p2 $0xFFFFE700;
	s9 =	simm.s32 $0xFFFFFFFC  }
.LBB2_7:
0x19e: {  	v10 =	vld [tilespmem:s14+$0xFFFFFF00]  }
0x19f: {  	v11 =	vld [tilespmem:s10+$0xFFFFFE00]  }
0x1a0: {  	v12 =	vld [tilespmem:s14+$0xFFFFFF10]  }
0x1a1: {  	v13 =	vld [tilespmem:s10+$0xFFFFFE10]  }
0x1a2: {  	v14 =	vld [tilespmem:s14+$0xFFFFFF20]  }
0x1a3: {  	v15 =	vld [tilespmem:s10+$0xFFFFFE20]  }
0x1a4: {  	v16 =	vld [tilespmem:s14+$0xFFFFFF30]  }
0x1a5: {  	v17 =	vld [tilespmem:s10+$0xFFFFFE30]  }
0x1a6: {  	v18 =	vld [tilespmem:s14+$0xFFFFFF40]  }
0x1a7: {  	v19 =	vld [tilespmem:s10+$0xFFFFFE40]  }
0x1a8: {  	v20 =	vld [tilespmem:s14+$0xFFFFFF50]  }
0x1a9: {  	v21 =	vld [tilespmem:s10+$0xFFFFFE50]  }
0x1aa: {  	v22 =	vld [tilespmem:s14+$0xFFFFFF60]  }
0x1ab: {  	v28 =	vld [tilespmem:s14+$0xFFFFFF70];
	v10 =	vmul.f32 v11, v10  }
0x1ac: {  	v11 =	vld [tilespmem:s10+$0xFFFFFE60];
	v12 =	vmul.f32 v13, v12  }
0x1ad: {  	v29 =	vld [tilespmem:s10+$0xFFFFFE70];
	(xrf2) =	vadd.scan.msk.f32 $0xffff, v10;
	v10 =	vmul.f32 v15, v14  }
0x1ae: {  	v30 =	vmul.f32 v17, v16;
	(xrf2) =	vadd.scan.msk.f32 $0xffff, v12  }
0x1af: {  	(xrf2) =	vadd.scan.msk.f32 $0xffff, v10;
	v10 =	vmul.f32 v19, v18  }
0x1b0: {  	v31 =	vmul.f32 v21, v20;
	(xrf2) =	vadd.scan.msk.f32 $0xffff, v30  }
0x1b1: {  	(xrf2) =	vadd.scan.msk.f32 $0xffff, v10;
	v10 =	vmul.f32 v11, v22  }
0x1b2: {  	v11 =	vmul.f32 v29, v28;
	(xrf2) =	vadd.scan.msk.f32 $0xffff, v31  }
0x1b3: {  	(xrf2) =	vadd.scan.msk.f32 $0xffff, v10  }
0x1b4: {  	(xrf2) =	vadd.scan.msk.f32 $0xffff, v11;
	_ =	sdelay $0x2  }
0x1b5: {  	v10, _, _ =	vpop (xrf2)  }
0x1b6: {  	v10 =	vperm.xlane v10, v1;
	v11, _, _ =	vpop (xrf2)  }
0x1b7: {  	v11 =	vperm.xlane v11, v1;
	v32, _, _ =	vpop (xrf2)  }
0x1b8: {  	v10 =	vnsel vm0, $0x0, v10;
	v12 =	vperm.xlane v32, v1;
	v33, _, _ =	vpop (xrf2)  }
0x1b9: {  	v10 =	vsel vm1, v10, v11;
	v11 =	vperm.xlane v33, v1;
	v34, _, _ =	vpop (xrf2)  }
0x1ba: {  	v10 =	vsel vm2, v10, v12;
	v35 =	vperm.xlane v34, v1;
	v36, _, _ =	vpop (xrf2)  }
0x1bb: {  	v10 =	vsel vm3, v10, v11;
	v11 =	vperm.xlane v36, v1;
	v37, _, _ =	vpop (xrf2)  }
0x1bc: {  	v10 =	vsel vm4, v10, v35;
	v38 =	vperm.xlane v37, v1;
	v39, _, _ =	vpop (xrf2)  }
0x1bd: {  	v10 =	vsel vm5, v10, v11;
	v11 =	vperm.xlane v39, v1  }
0x1be: {  	v10 =	vsel vm6, v10, v38  }
0x1bf: {  	v10 =	vsel vm7, v10, v11  }
0x1c0: {  	v10 =	vmul.f32 $2.500000000e-01, v10;
	_ =	sdelay $0x1  }
0x1c1: {  	v10 =	vmul.f32 $1.442695020e+00, v10;
	_ =	sdelay $0x1  }
0x1c2: {  	(erf) = vpow2.f32 v10;
	_ =	sdelay $0x8  }
0x1c3: {  	v10 =	vpop (erf)  }
0x1c4: {  	v11 =	vpack.i.f32.bf16 v10, v10  }
0x1c5: {  	[tilespmem:s30+$0xFFFFFFA0] =	vst v11  }
0x1c6: {  	v11 =	vld [tilespmem:s10+$0xFFFFFE80]  }
0x1c7: {  	v40 =	vld [tilespmem:s10+$0xFFFFFE90];
	_ =	sdelay $0x2  }
0x1c8: {  	v41 =	vperm.xlane v10, v2;
	v42 =	vperm.xlane v10, v3;
	_ =	sdelay $0x1  }
0x1c9: {  	v11 =	vmul.f32 v41, v11;
	v12 =	vmul.f32 v42, v40;
	_ =	sdelay $0x1  }
0x1ca: {  	v11 =	vpack.i.f32.bf16 v12, v11  }
0x1cb: {  	[tilespmem:s30+$0xFFFFFF60] =	vst v11  }
0x1cc: {  	v11 =	vld [tilespmem:s10+$0xFFFFFEA0]  }
0x1cd: {  	v43 =	vld [tilespmem:s10+$0xFFFFFEB0];
	_ =	sdelay $0x2  }
0x1ce: {  	v44 =	vperm.xlane v10, v4;
	v45 =	vperm.xlane v10, v5;
	_ =	sdelay $0x1  }
0x1cf: {  	v11 =	vmul.f32 v44, v11;
	v12 =	vmul.f32 v45, v43;
	_ =	sdelay $0x1  }
0x1d0: {  	v11 =	vpack.i.f32.bf16 v12, v11  }
0x1d1: {  	[tilespmem:s30+$0xFFFFFF70] =	vst v11  }
0x1d2: {  	v11 =	vld [tilespmem:s10+$0xFFFFFEC0]  }
0x1d3: {  	v46 =	vld [tilespmem:s10+$0xFFFFFED0];
	_ =	sdelay $0x2  }
0x1d4: {  	v47 =	vperm.xlane v10, v6;
	v48 =	vperm.xlane v10, v7;
	_ =	sdelay $0x1  }
0x1d5: {  	v11 =	vmul.f32 v47, v11;
	v12 =	vmul.f32 v48, v46;
	_ =	sdelay $0x1  }
0x1d6: {  	v11 =	vpack.i.f32.bf16 v12, v11  }
0x1d7: {  	[tilespmem:s30+$0xFFFFFF80] =	vst v11  }
0x1d8: {  	v11 =	vld [tilespmem:s10+$0xFFFFFEE0]  }
0x1d9: {  	v49 =	vld [tilespmem:s10+$0xFFFFFEF0];
	_ =	sdelay $0x2  }
0x1da: {  	v50 =	vperm.xlane v10, v8;
	v10 =	vperm.xlane v10, v9;
	_ =	sdelay $0x1  }
0x1db: {  	v11 =	vmul.f32 v50, v11;
	v10 =	vmul.f32 v10, v49;
	_ =	sdelay $0x1  }
0x1dc: {  	v10 =	vpack.i.f32.bf16 v10, v11  }
0x1dd: {  	[tilespmem:s30+$0xFFFFFF90] =	vst v10  }
0x1de: {  	v10 =	vld [tilespmem:s14+$0xFFFFFF80]  }
0x1df: {  	v11 =	vld [tilespmem:s10+$0xFFFFFF00]  }
0x1e0: {  	v51 =	vld [tilespmem:s14+$0xFFFFFF90]  }
0x1e1: {  	v52 =	vld [tilespmem:s10+$0xFFFFFF10]  }
0x1e2: {  	v53 =	vld [tilespmem:s14+$0xFFFFFFA0]  }
0x1e3: {  	v54 =	vld [tilespmem:s10+$0xFFFFFF20]  }
0x1e4: {  	v55 =	vld [tilespmem:s14+$0xFFFFFFB0]  }
0x1e5: {  	v56 =	vld [tilespmem:s10+$0xFFFFFF30]  }
0x1e6: {  	v57 =	vld [tilespmem:s14+$0xFFFFFFC0]  }
0x1e7: {  	v58 =	vld [tilespmem:s10+$0xFFFFFF40]  }
0x1e8: {  	v59 =	vld [tilespmem:s14+$0xFFFFFFD0]  }
0x1e9: {  	v60 =	vld [tilespmem:s10+$0xFFFFFF50]  }
0x1ea: {  	v61 =	vld [tilespmem:s14+$0xFFFFFFE0]  }
0x1eb: {  	v62 =	vld [tilespmem:s14+$0xFFFFFFF0];
	v10 =	vmul.f32 v11, v10  }
0x1ec: {  	v11 =	vld [tilespmem:s10+$0xFFFFFF60];
	v12 =	vmul.f32 v52, v51  }
0x1ed: {  	v63 =	vld [tilespmem:s10+$0xFFFFFF70];
	(xrf2) =	vadd.scan.msk.f32 $0xffff, v10;
	v10 =	vmul.f32 v54, v53  }
0x1ee: {  	v23 =	vmul.f32 v56, v55;
	(xrf2) =	vadd.scan.msk.f32 $0xffff, v12  }
0x1ef: {  	(xrf2) =	vadd.scan.msk.f32 $0xffff, v10;
	v10 =	vmul.f32 v58, v57  }
0x1f0: {  	v24 =	vmul.f32 v60, v59;
	(xrf2) =	vadd.scan.msk.f32 $0xffff, v23  }
0x1f1: {  	(xrf2) =	vadd.scan.msk.f32 $0xffff, v10;
	v10 =	vmul.f32 v11, v61  }
0x1f2: {  	v11 =	vmul.f32 v63, v62;
	(xrf2) =	vadd.scan.msk.f32 $0xffff, v24  }
0x1f3: {  	(xrf2) =	vadd.scan.msk.f32 $0xffff, v10  }
0x1f4: {  	(xrf2) =	vadd.scan.msk.f32 $0xffff, v11;
	_ =	sdelay $0x2  }
0x1f5: {  	v10, _, _ =	vpop (xrf2)  }
0x1f6: {  	v10 =	vperm.xlane v10, v1;
	v11, _, _ =	vpop (xrf2)  }
0x1f7: {  	v11 =	vperm.xlane v11, v1;
	v25, _, _ =	vpop (xrf2)  }
0x1f8: {  	v10 =	vnsel vm0, $0x0, v10;
	v12 =	vperm.xlane v25, v1;
	v26, _, _ =	vpop (xrf2)  }
0x1f9: {  	v10 =	vsel vm1, v10, v11;
	v11 =	vperm.xlane v26, v1;
	v27, _, _ =	vpop (xrf2)  }
0x1fa: {  	v10 =	vsel vm2, v10, v12;
	v28 =	vperm.xlane v27, v1;
	v29, _, _ =	vpop (xrf2)  }
0x1fb: {  	v10 =	vsel vm3, v10, v11;
	v11 =	vperm.xlane v29, v1;
	v30, _, _ =	vpop (xrf2)  }
0x1fc: {  	v10 =	vsel vm4, v10, v28;
	v31 =	vperm.xlane v30, v1;
	v32, _, _ =	vpop (xrf2)  }
0x1fd: {  	v10 =	vsel vm5, v10, v11;
	v11 =	vperm.xlane v32, v1  }
0x1fe: {  	v10 =	vsel vm6, v10, v31  }
0x1ff: {  	v10 =	vsel vm7, v10, v11  }
0x200: {  	v10 =	vmul.f32 $2.500000000e-01, v10;
	_ =	sdelay $0x1  }
0x201: {  	v10 =	vmul.f32 $1.442695020e+00, v10;
	_ =	sdelay $0x1  }
0x202: {  	(erf) = vpow2.f32 v10;
	_ =	sdelay $0x8  }
0x203: {  	v10 =	vpop (erf)  }
0x204: {  	v11 =	vpack.i.f32.bf16 v10, v10  }
0x205: {  	[tilespmem:s30+$0xFFFFFFF0] =	vst v11  }
0x206: {  	v11 =	vld [tilespmem:s10+$0xFFFFFF80]  }
0x207: {  	v33 =	vld [tilespmem:s10+$0xFFFFFF90];
	_ =	sdelay $0x2  }
0x208: {  	v34 =	vperm.xlane v10, v2;
	v35 =	vperm.xlane v10, v3;
	_ =	sdelay $0x1  }
0x209: {  	v11 =	vmul.f32 v34, v11;
	v12 =	vmul.f32 v35, v33;
	_ =	sdelay $0x1  }
0x20a: {  	v11 =	vpack.i.f32.bf16 v12, v11  }
0x20b: {  	[tilespmem:s30+$0xFFFFFFB0] =	vst v11  }
0x20c: {  	v11 =	vld [tilespmem:s10+$0xFFFFFFA0]  }
0x20d: {  	v36 =	vld [tilespmem:s10+$0xFFFFFFB0];
	_ =	sdelay $0x2  }
0x20e: {  	v37 =	vperm.xlane v10, v4;
	v38 =	vperm.xlane v10, v5;
	_ =	sdelay $0x1  }
0x20f: {  	v11 =	vmul.f32 v37, v11;
	v12 =	vmul.f32 v38, v36;
	_ =	sdelay $0x1  }
0x210: {  	v11 =	vpack.i.f32.bf16 v12, v11  }
0x211: {  	[tilespmem:s30+$0xFFFFFFC0] =	vst v11  }
0x212: {  	v11 =	vld [tilespmem:s10+$0xFFFFFFC0]  }
0x213: {  	v39 =	vld [tilespmem:s10+$0xFFFFFFD0];
	_ =	sdelay $0x2  }
0x214: {  	v40 =	vperm.xlane v10, v6;
	v41 =	vperm.xlane v10, v7;
	_ =	sdelay $0x1  }
0x215: {  	v11 =	vmul.f32 v40, v11;
	v12 =	vmul.f32 v41, v39;
	_ =	sdelay $0x1  }
0x216: {  	v11 =	vpack.i.f32.bf16 v12, v11  }
0x217: {  	[tilespmem:s30+$0xFFFFFFD0] =	vst v11  }
0x218: {  	v11 =	vld [tilespmem:s10+$0xFFFFFFE0]  }
0x219: {  	v42 =	vld [tilespmem:s10+$0xFFFFFFF0];
	_ =	sdelay $0x2  }
0x21a: {  	v43 =	vperm.xlane v10, v8;
	v10 =	vperm.xlane v10, v9;
	_ =	sdelay $0x1  }
0x21b: {  	v11 =	vmul.f32 v43, v11;
	v10 =	vmul.f32 v10, v42;
	_ =	sdelay $0x1  }
0x21c: {  	v10 =	vpack.i.f32.bf16 v10, v11  }
0x21d: {  	[tilespmem:s30+$0xFFFFFFE0] =	vst v10  }
0x21e: {  	v10 =	vld [tilespmem:s14+$0x0]  }
0x21f: {  	v11 =	vld [tilespmem:s10+$0x0]  }
0x220: {  	v44 =	vld [tilespmem:s14+$0x10]  }
0x221: {  	v45 =	vld [tilespmem:s10+$0x10]  }
0x222: {  	v46 =	vld [tilespmem:s14+$0x20]  }
0x223: {  	v47 =	vld [tilespmem:s10+$0x20]  }
0x224: {  	v48 =	vld [tilespmem:s14+$0x30]  }
0x225: {  	v49 =	vld [tilespmem:s10+$0x30]  }
0x226: {  	v50 =	vld [tilespmem:s14+$0x40]  }
0x227: {  	v51 =	vld [tilespmem:s10+$0x40]  }
0x228: {  	v52 =	vld [tilespmem:s14+$0x50]  }
0x229: {  	v53 =	vld [tilespmem:s10+$0x50]  }
0x22a: {  	v54 =	vld [tilespmem:s14+$0x60]  }
0x22b: {  	v55 =	vld [tilespmem:s14+$0x70];
	v10 =	vmul.f32 v11, v10  }
0x22c: {  	v11 =	vld [tilespmem:s10+$0x60];
	v12 =	vmul.f32 v45, v44  }
0x22d: {  	v56 =	vld [tilespmem:s10+$0x70];
	(xrf2) =	vadd.scan.msk.f32 $0xffff, v10;
	v10 =	vmul.f32 v47, v46  }
0x22e: {  	v57 =	vmul.f32 v49, v48;
	(xrf2) =	vadd.scan.msk.f32 $0xffff, v12  }
0x22f: {  	(xrf2) =	vadd.scan.msk.f32 $0xffff, v10;
	v10 =	vmul.f32 v51, v50  }
0x230: {  	v58 =	vmul.f32 v53, v52;
	(xrf2) =	vadd.scan.msk.f32 $0xffff, v57  }
0x231: {  	(xrf2) =	vadd.scan.msk.f32 $0xffff, v10;
	v10 =	vmul.f32 v11, v54  }
0x232: {  	v11 =	vmul.f32 v56, v55;
	(xrf2) =	vadd.scan.msk.f32 $0xffff, v58  }
0x233: {  	(xrf2) =	vadd.scan.msk.f32 $0xffff, v10  }
0x234: {  	(xrf2) =	vadd.scan.msk.f32 $0xffff, v11;
	_ =	sdelay $0x2  }
0x235: {  	v10, _, _ =	vpop (xrf2)  }
0x236: {  	v10 =	vperm.xlane v10, v1;
	v11, _, _ =	vpop (xrf2)  }
0x237: {  	v11 =	vperm.xlane v11, v1;
	v59, _, _ =	vpop (xrf2)  }
0x238: {  	v10 =	vnsel vm0, $0x0, v10;
	v12 =	vperm.xlane v59, v1;
	v60, _, _ =	vpop (xrf2)  }
0x239: {  	v10 =	vsel vm1, v10, v11;
	v11 =	vperm.xlane v60, v1;
	v61, _, _ =	vpop (xrf2)  }
0x23a: {  	v10 =	vsel vm2, v10, v12;
	v62 =	vperm.xlane v61, v1;
	v63, _, _ =	vpop (xrf2)  }
0x23b: {  	v10 =	vsel vm3, v10, v11;
	v11 =	vperm.xlane v63, v1;
	v16, _, _ =	vpop (xrf2)  }
0x23c: {  	v10 =	vsel vm4, v10, v62;
	v17 =	vperm.xlane v16, v1;
	v18, _, _ =	vpop (xrf2)  }
0x23d: {  	v10 =	vsel vm5, v10, v11;
	v11 =	vperm.xlane v18, v1  }
0x23e: {  	v10 =	vsel vm6, v10, v17  }
0x23f: {  	v10 =	vsel vm7, v10, v11  }
0x240: {  	v10 =	vmul.f32 $2.500000000e-01, v10;
	_ =	sdelay $0x1  }
0x241: {  	v10 =	vmul.f32 $1.442695020e+00, v10;
	_ =	sdelay $0x1  }
0x242: {  	(erf) = vpow2.f32 v10;
	_ =	sdelay $0x8  }
0x243: {  	v10 =	vpop (erf)  }
0x244: {  	v11 =	vpack.i.f32.bf16 v10, v10  }
0x245: {  	[tilespmem:s30+$0x40] =	vst v11  }
0x246: {  	v11 =	vld [tilespmem:s10+$0x80]  }
0x247: {  	v19 =	vld [tilespmem:s10+$0x90];
	_ =	sdelay $0x2  }
0x248: {  	v20 =	vperm.xlane v10, v2;
	v21 =	vperm.xlane v10, v3;
	_ =	sdelay $0x1  }
0x249: {  	v11 =	vmul.f32 v20, v11;
	v12 =	vmul.f32 v21, v19;
	_ =	sdelay $0x1  }
0x24a: {  	v11 =	vpack.i.f32.bf16 v12, v11  }
0x24b: {  	[tilespmem:s30+$0x0] =	vst v11  }
0x24c: {  	v11 =	vld [tilespmem:s10+$0xA0]  }
0x24d: {  	v22 =	vld [tilespmem:s10+$0xB0];
	_ =	sdelay $0x2  }
0x24e: {  	v23 =	vperm.xlane v10, v4;
	v24 =	vperm.xlane v10, v5;
	_ =	sdelay $0x1  }
0x24f: {  	v11 =	vmul.f32 v23, v11;
	v12 =	vmul.f32 v24, v22;
	_ =	sdelay $0x1  }
0x250: {  	v11 =	vpack.i.f32.bf16 v12, v11  }
0x251: {  	[tilespmem:s30+$0x10] =	vst v11  }
0x252: {  	v11 =	vld [tilespmem:s10+$0xC0]  }
0x253: {  	v25 =	vld [tilespmem:s10+$0xD0];
	_ =	sdelay $0x2  }
0x254: {  	v26 =	vperm.xlane v10, v6;
	v27 =	vperm.xlane v10, v7;
	_ =	sdelay $0x1  }
0x255: {  	v11 =	vmul.f32 v26, v11;
	v12 =	vmul.f32 v27, v25;
	_ =	sdelay $0x1  }
0x256: {  	v11 =	vpack.i.f32.bf16 v12, v11  }
0x257: {  	[tilespmem:s30+$0x20] =	vst v11  }
0x258: {  	v11 =	vld [tilespmem:s10+$0xE0]  }
0x259: {  	v28 =	vld [tilespmem:s10+$0xF0];
	_ =	sdelay $0x2  }
0x25a: {  	v29 =	vperm.xlane v10, v8;
	v10 =	vperm.xlane v10, v9;
	_ =	sdelay $0x1  }
0x25b: {  	v11 =	vmul.f32 v29, v11;
	v10 =	vmul.f32 v10, v28;
	_ =	sdelay $0x1  }
0x25c: {  	v10 =	vpack.i.f32.bf16 v10, v11  }
0x25d: {  	[tilespmem:s30+$0x30] =	vst v10  }
0x25e: {  	v10 =	vld [tilespmem:s14+$0x80]  }
0x25f: {  	v11 =	vld [tilespmem:s10+$0x100]  }
0x260: {  	v30 =	vld [tilespmem:s14+$0x90]  }
0x261: {  	v31 =	vld [tilespmem:s10+$0x110]  }
0x262: {  	v32 =	vld [tilespmem:s14+$0xA0]  }
0x263: {  	v33 =	vld [tilespmem:s10+$0x120]  }
0x264: {  	v34 =	vld [tilespmem:s14+$0xB0]  }
0x265: {  	v35 =	vld [tilespmem:s10+$0x130]  }
0x266: {  	v36 =	vld [tilespmem:s14+$0xC0]  }
0x267: {  	v37 =	vld [tilespmem:s10+$0x140]  }
0x268: {  	v38 =	vld [tilespmem:s14+$0xD0]  }
0x269: {  	v39 =	vld [tilespmem:s10+$0x150]  }
0x26a: {  	v40 =	vld [tilespmem:s14+$0xE0]  }
0x26b: {  	v41 =	vld [tilespmem:s14+$0xF0];
	v10 =	vmul.f32 v11, v10  }
0x26c: {  	v11 =	vld [tilespmem:s10+$0x160];
	v12 =	vmul.f32 v31, v30  }
0x26d: {  	v42 =	vld [tilespmem:s10+$0x170];
	(xrf2) =	vadd.scan.msk.f32 $0xffff, v10;
	v10 =	vmul.f32 v33, v32  }
0x26e: {  	v43 =	vmul.f32 v35, v34;
	(xrf2) =	vadd.scan.msk.f32 $0xffff, v12  }
0x26f: {  	(xrf2) =	vadd.scan.msk.f32 $0xffff, v10;
	v10 =	vmul.f32 v37, v36  }
0x270: {  	v44 =	vmul.f32 v39, v38;
	(xrf2) =	vadd.scan.msk.f32 $0xffff, v43  }
0x271: {  	(xrf2) =	vadd.scan.msk.f32 $0xffff, v10;
	v10 =	vmul.f32 v11, v40  }
0x272: {  	v11 =	vmul.f32 v42, v41;
	(xrf2) =	vadd.scan.msk.f32 $0xffff, v44  }
0x273: {  	(xrf2) =	vadd.scan.msk.f32 $0xffff, v10  }
0x274: {  	(xrf2) =	vadd.scan.msk.f32 $0xffff, v11;
	_ =	sdelay $0x2  }
0x275: {  	v10, _, _ =	vpop (xrf2)  }
0x276: {  	v11, _, _ =	vpop (xrf2);
	v10 =	vperm.xlane v10, v1  }
0x277: {  	v45, _, _ =	vpop (xrf2);
	v11 =	vperm.xlane v11, v1  }
0x278: {  	v46, _, _ =	vpop (xrf2);
	v10 =	vnsel vm0, $0x0, v10;
	v12 =	vperm.xlane v45, v1  }
0x279: {  	v47, _, _ =	vpop (xrf2);
	v10 =	vsel vm1, v10, v11;
	v11 =	vperm.xlane v46, v1  }
0x27a: {  	v48, _, _ =	vpop (xrf2);
	v10 =	vsel vm2, v10, v12;
	v49 =	vperm.xlane v47, v1  }
0x27b: {  	v50, _, _ =	vpop (xrf2);
	v10 =	vsel vm3, v10, v11;
	v11 =	vperm.xlane v48, v1  }
0x27c: {  	v10 =	vsel vm4, v10, v49;
	v51 =	vperm.xlane v50, v1;
	v52, _, _ =	vpop (xrf2)  }
0x27d: {  	v10 =	vsel vm5, v10, v11;
	v11 =	vperm.xlane v52, v1  }
0x27e: {  	v10 =	vsel vm6, v10, v51  }
0x27f: {  	v10 =	vsel vm7, v10, v11  }
0x280: {  	v10 =	vmul.f32 $2.500000000e-01, v10;
	_ =	sdelay $0x1  }
0x281: {  	v10 =	vmul.f32 $1.442695020e+00, v10;
	_ =	sdelay $0x1  }
0x282: {  	(erf) = vpow2.f32 v10;
	_ =	sdelay $0x8  }
0x283: {  	v10 =	vpop (erf)  }
0x284: {  	v11 =	vpack.i.f32.bf16 v10, v10  }
0x285: {  	[tilespmem:s30+$0x90] =	vst v11  }
0x286: {  	v11 =	vld [tilespmem:s10+$0x180]  }
0x287: {  	v53 =	vld [tilespmem:s10+$0x190];
	_ =	sdelay $0x2  }
0x288: {  	v54 =	vperm.xlane v10, v2;
	v55 =	vperm.xlane v10, v3;
	_ =	sdelay $0x1  }
0x289: {  	v11 =	vmul.f32 v54, v11;
	v12 =	vmul.f32 v55, v53;
	_ =	sdelay $0x1  }
0x28a: {  	v11 =	vpack.i.f32.bf16 v12, v11  }
0x28b: {  	[tilespmem:s30+$0x50] =	vst v11  }
0x28c: {  	v11 =	vld [tilespmem:s10+$0x1A0]  }
0x28d: {  	v56 =	vld [tilespmem:s10+$0x1B0];
	_ =	sdelay $0x2  }
0x28e: {  	v57 =	vperm.xlane v10, v4;
	v58 =	vperm.xlane v10, v5;
	_ =	sdelay $0x1  }
0x28f: {  	v11 =	vmul.f32 v57, v11;
	v12 =	vmul.f32 v58, v56;
	_ =	sdelay $0x1  }
0x290: {  	v11 =	vpack.i.f32.bf16 v12, v11  }
0x291: {  	[tilespmem:s30+$0x60] =	vst v11  }
0x292: {  	v11 =	vld [tilespmem:s10+$0x1C0]  }
0x293: {  	v59 =	vld [tilespmem:s10+$0x1D0];
	_ =	sdelay $0x2  }
0x294: {  	v60 =	vperm.xlane v10, v6;
	v61 =	vperm.xlane v10, v7;
	_ =	sdelay $0x1  }
0x295: {  	v11 =	vmul.f32 v60, v11;
	v12 =	vmul.f32 v61, v59;
	_ =	sdelay $0x1  }
0x296: {  	v11 =	vpack.i.f32.bf16 v12, v11  }
0x297: {  	[tilespmem:s30+$0x70] =	vst v11  }
0x298: {  	v11 =	vld [tilespmem:s10+$0x1E0]  }
0x299: {  	v62 =	vld [tilespmem:s10+$0x1F0];
	_ =	sdelay $0x1  }
0x29a: {  	s9 =	sadd.s32 $0x4, s9  }
0x29b: {  	p2 =	slt.u32 s9, $0x4C;
	v63 =	vperm.xlane v10, v8;
	v10 =	vperm.xlane v10, v9  }
.Ltmp2:
0x29c: {  	_ = 	snop;
	(pc) =	sbr.rel @p2 .LBB2_7-.Ltmp2, $3  }
0x29d: {  	v11 =	vmul.f32 v63, v11;
	v10 =	vmul.f32 v10, v62;
	_ =	sdelay $0x1  }
0x29e: {  	v10 =	vpack.i.f32.bf16 v10, v11  }
0x29f: {  	s14 =	sadd.s32 $0x200, s14;
	s10 =	sadd.s32 $0x400, s10;
	[tilespmem:s30+$0x80] =	vst v10;
	s30 =	sadd.s32 $0x140, s30  }
0x2a0: {  	v10 =	vld [tilespmem:$0xA0]  }
0x2a1: {  	v11 =	vld [tilespmem:$0xB0]  }
0x2a2: {  	v12 =	vld [tilespmem:$0xC0]  }
0x2a3: {  	v13 =	vld [tilespmem:$0xD0]  }
0x2a4: {  	v14 =	vld [tilespmem:$0xE0]  }
0x2a5: {  	[tilespmem:$0x190] =	vst v10  }
0x2a6: {  	[tilespmem:$0x1A0] =	vst v11  }
0x2a7: {  	p2 =	sgt.u32 s7, $0x3C;
	[tilespmem:$0x1B0] =	vst v12  }
0x2a8: {  	s8 =	sadd.s32 @!p2 s8, s13;
	[tilespmem:$0x1C0] =	vst v13  }
0x2a9: {  	s7 =	sadd.s32 $0x1, s7;
	s8 =	sshrl.u32 @!p2 s8, $0x3;
	[tilespmem:$0x1D0] =	vst v14  }
0x2aa: {  	[spmem:s2] =	stream.indirect.scatter.add.bf16 [tilespmem:s29], [sflag:$0x8], $0x50, s28, s11, $0xb8;
	[tilespmem:$0x1E730] =	vst v63  }
0x2ab: {  	s9 =	simm.s32 @!p2 $0x0;
	s10 =	simm.s32 @!p2 $0xA0;
	s8 =	sadd.s32 @!p2 s6, s8  }
0x2ac: {  	[tilespmem:s10], [sflag:$0x2] =	stream.linear.gather @!p2 [hbm4b:s8+s9], $0xA0, $0x38;
	[tilespmem:$0x1E730] =	vst v63  }
0x2ad: {  	p2 =	sne.s32 s7, $0x3E  }
.Ltmp3:
0x2ae: {  	_ = 	snop;
	(pc) =	sbr.rel @p2 .LBB2_4-.Ltmp3, $1  }
0x2af: {  	_ =	sdelay $0x3  }
0x2b0: {  	_ =	swait.ge [sflag:s18], $0x2800  }
0x2b1: {  	[sflag:s18] =	ssyncset.done $0x0  }
0x2b2: {  	[sflag:s18] =	ssyncadd.s32 $0xFFFFD800  }
0x2b3: {  	_ =	swait.ge [sflag:s19], $0x5000  }
0x2b4: {  	[sflag:s19] =	ssyncset.done $0x0  }
0x2b5: {  	s7 =	simm.s32 $0x7;
	[sflag:s19] =	ssyncadd.s32 $0xFFFFB000  }
0x2b6: {  	_ =	swait.ge [sflag:s7], $0x1900  }
0x2b7: {  	s8 =	simm.s32 $0xF280;
	s9 =	simm.s32 $0x2E0;
	[sflag:s7] =	ssyncset.done $0x0  }
0x2b8: {  	s10 =	simm.s32 $0x53E0;
	[sflag:s7] =	ssyncadd.s32 $0xFFFFE700;
	s7 =	simm.s32 $0xFFFFFFFC  }
.LBB2_10:
0x2b9: {  	v10 =	vld [tilespmem:s9+$0xFFFFFF00]  }
0x2ba: {  	v11 =	vld [tilespmem:s10+$0xFFFFFE00]  }
0x2bb: {  	v12 =	vld [tilespmem:s9+$0xFFFFFF10]  }
0x2bc: {  	v13 =	vld [tilespmem:s10+$0xFFFFFE10]  }
0x2bd: {  	v14 =	vld [tilespmem:s9+$0xFFFFFF20]  }
0x2be: {  	v15 =	vld [tilespmem:s10+$0xFFFFFE20]  }
0x2bf: {  	v16 =	vld [tilespmem:s9+$0xFFFFFF30]  }
0x2c0: {  	v17 =	vld [tilespmem:s10+$0xFFFFFE30]  }
0x2c1: {  	v18 =	vld [tilespmem:s9+$0xFFFFFF40]  }
0x2c2: {  	v19 =	vld [tilespmem:s10+$0xFFFFFE40]  }
0x2c3: {  	v20 =	vld [tilespmem:s9+$0xFFFFFF50]  }
0x2c4: {  	v21 =	vld [tilespmem:s10+$0xFFFFFE50]  }
0x2c5: {  	v22 =	vld [tilespmem:s9+$0xFFFFFF60]  }
0x2c6: {  	v28 =	vld [tilespmem:s9+$0xFFFFFF70];
	v10 =	vmul.f32 v11, v10  }
0x2c7: {  	v11 =	vld [tilespmem:s10+$0xFFFFFE60];
	v12 =	vmul.f32 v13, v12  }
0x2c8: {  	v29 =	vld [tilespmem:s10+$0xFFFFFE70];
	(xrf2) =	vadd.scan.msk.f32 $0xffff, v10;
	v10 =	vmul.f32 v15, v14  }
0x2c9: {  	v30 =	vmul.f32 v17, v16;
	(xrf2) =	vadd.scan.msk.f32 $0xffff, v12  }
0x2ca: {  	(xrf2) =	vadd.scan.msk.f32 $0xffff, v10;
	v10 =	vmul.f32 v19, v18  }
0x2cb: {  	v31 =	vmul.f32 v21, v20;
	(xrf2) =	vadd.scan.msk.f32 $0xffff, v30  }
0x2cc: {  	(xrf2) =	vadd.scan.msk.f32 $0xffff, v10;
	v10 =	vmul.f32 v11, v22  }
0x2cd: {  	v11 =	vmul.f32 v29, v28;
	(xrf2) =	vadd.scan.msk.f32 $0xffff, v31  }
0x2ce: {  	(xrf2) =	vadd.scan.msk.f32 $0xffff, v10  }
0x2cf: {  	(xrf2) =	vadd.scan.msk.f32 $0xffff, v11;
	_ =	sdelay $0x2  }
0x2d0: {  	v10, _, _ =	vpop (xrf2)  }
0x2d1: {  	v10 =	vperm.xlane v10, v1;
	v11, _, _ =	vpop (xrf2)  }
0x2d2: {  	v11 =	vperm.xlane v11, v1;
	v32, _, _ =	vpop (xrf2)  }
0x2d3: {  	v10 =	vnsel vm0, $0x0, v10;
	v12 =	vperm.xlane v32, v1;
	v33, _, _ =	vpop (xrf2)  }
0x2d4: {  	v10 =	vsel vm1, v10, v11;
	v11 =	vperm.xlane v33, v1;
	v34, _, _ =	vpop (xrf2)  }
0x2d5: {  	v10 =	vsel vm2, v10, v12;
	v35 =	vperm.xlane v34, v1;
	v36, _, _ =	vpop (xrf2)  }
0x2d6: {  	v10 =	vsel vm3, v10, v11;
	v11 =	vperm.xlane v36, v1;
	v37, _, _ =	vpop (xrf2)  }
0x2d7: {  	v10 =	vsel vm4, v10, v35;
	v38 =	vperm.xlane v37, v1;
	v39, _, _ =	vpop (xrf2)  }
0x2d8: {  	v10 =	vsel vm5, v10, v11;
	v11 =	vperm.xlane v39, v1  }
0x2d9: {  	v10 =	vsel vm6, v10, v38  }
0x2da: {  	v10 =	vsel vm7, v10, v11  }
0x2db: {  	v10 =	vmul.f32 $2.500000000e-01, v10;
	_ =	sdelay $0x1  }
0x2dc: {  	v10 =	vmul.f32 $1.442695020e+00, v10;
	_ =	sdelay $0x1  }
0x2dd: {  	(erf) = vpow2.f32 v10;
	_ =	sdelay $0x8  }
0x2de: {  	v10 =	vpop (erf)  }
0x2df: {  	v11 =	vpack.i.f32.bf16 v10, v10  }
0x2e0: {  	[tilespmem:s8+$0xFFFFFFA0] =	vst v11  }
0x2e1: {  	v11 =	vld [tilespmem:s10+$0xFFFFFE80]  }
0x2e2: {  	v40 =	vld [tilespmem:s10+$0xFFFFFE90];
	_ =	sdelay $0x2  }
0x2e3: {  	v41 =	vperm.xlane v10, v2;
	v42 =	vperm.xlane v10, v3;
	_ =	sdelay $0x1  }
0x2e4: {  	v11 =	vmul.f32 v41, v11;
	v12 =	vmul.f32 v42, v40;
	_ =	sdelay $0x1  }
0x2e5: {  	v11 =	vpack.i.f32.bf16 v12, v11  }
0x2e6: {  	[tilespmem:s8+$0xFFFFFF60] =	vst v11  }
0x2e7: {  	v11 =	vld [tilespmem:s10+$0xFFFFFEA0]  }
0x2e8: {  	v43 =	vld [tilespmem:s10+$0xFFFFFEB0];
	_ =	sdelay $0x2  }
0x2e9: {  	v44 =	vperm.xlane v10, v4;
	v45 =	vperm.xlane v10, v5;
	_ =	sdelay $0x1  }
0x2ea: {  	v11 =	vmul.f32 v44, v11;
	v12 =	vmul.f32 v45, v43;
	_ =	sdelay $0x1  }
0x2eb: {  	v11 =	vpack.i.f32.bf16 v12, v11  }
0x2ec: {  	[tilespmem:s8+$0xFFFFFF70] =	vst v11  }
0x2ed: {  	v11 =	vld [tilespmem:s10+$0xFFFFFEC0]  }
0x2ee: {  	v46 =	vld [tilespmem:s10+$0xFFFFFED0];
	_ =	sdelay $0x2  }
0x2ef: {  	v47 =	vperm.xlane v10, v6;
	v48 =	vperm.xlane v10, v7;
	_ =	sdelay $0x1  }
0x2f0: {  	v11 =	vmul.f32 v47, v11;
	v12 =	vmul.f32 v48, v46;
	_ =	sdelay $0x1  }
0x2f1: {  	v11 =	vpack.i.f32.bf16 v12, v11  }
0x2f2: {  	[tilespmem:s8+$0xFFFFFF80] =	vst v11  }
0x2f3: {  	v11 =	vld [tilespmem:s10+$0xFFFFFEE0]  }
0x2f4: {  	v49 =	vld [tilespmem:s10+$0xFFFFFEF0];
	_ =	sdelay $0x2  }
0x2f5: {  	v50 =	vperm.xlane v10, v8;
	v10 =	vperm.xlane v10, v9;
	_ =	sdelay $0x1  }
0x2f6: {  	v11 =	vmul.f32 v50, v11;
	v10 =	vmul.f32 v10, v49;
	_ =	sdelay $0x1  }
0x2f7: {  	v10 =	vpack.i.f32.bf16 v10, v11  }
0x2f8: {  	[tilespmem:s8+$0xFFFFFF90] =	vst v10  }
0x2f9: {  	v10 =	vld [tilespmem:s9+$0xFFFFFF80]  }
0x2fa: {  	v11 =	vld [tilespmem:s10+$0xFFFFFF00]  }
0x2fb: {  	v51 =	vld [tilespmem:s9+$0xFFFFFF90]  }
0x2fc: {  	v52 =	vld [tilespmem:s10+$0xFFFFFF10]  }
0x2fd: {  	v53 =	vld [tilespmem:s9+$0xFFFFFFA0]  }
0x2fe: {  	v54 =	vld [tilespmem:s10+$0xFFFFFF20]  }
0x2ff: {  	v55 =	vld [tilespmem:s9+$0xFFFFFFB0]  }
0x300: {  	v56 =	vld [tilespmem:s10+$0xFFFFFF30]  }
0x301: {  	v57 =	vld [tilespmem:s9+$0xFFFFFFC0]  }
0x302: {  	v58 =	vld [tilespmem:s10+$0xFFFFFF40]  }
0x303: {  	v59 =	vld [tilespmem:s9+$0xFFFFFFD0]  }
0x304: {  	v60 =	vld [tilespmem:s10+$0xFFFFFF50]  }
0x305: {  	v61 =	vld [tilespmem:s9+$0xFFFFFFE0]  }
0x306: {  	v62 =	vld [tilespmem:s9+$0xFFFFFFF0];
	v10 =	vmul.f32 v11, v10  }
0x307: {  	v11 =	vld [tilespmem:s10+$0xFFFFFF60];
	v12 =	vmul.f32 v52, v51  }
0x308: {  	v63 =	vld [tilespmem:s10+$0xFFFFFF70];
	(xrf2) =	vadd.scan.msk.f32 $0xffff, v10;
	v10 =	vmul.f32 v54, v53  }
0x309: {  	v23 =	vmul.f32 v56, v55;
	(xrf2) =	vadd.scan.msk.f32 $0xffff, v12  }
0x30a: {  	(xrf2) =	vadd.scan.msk.f32 $0xffff, v10;
	v10 =	vmul.f32 v58, v57  }
0x30b: {  	v24 =	vmul.f32 v60, v59;
	(xrf2) =	vadd.scan.msk.f32 $0xffff, v23  }
0x30c: {  	(xrf2) =	vadd.scan.msk.f32 $0xffff, v10;
	v10 =	vmul.f32 v11, v61  }
0x30d: {  	v11 =	vmul.f32 v63, v62;
	(xrf2) =	vadd.scan.msk.f32 $0xffff, v24  }
0x30e: {  	(xrf2) =	vadd.scan.msk.f32 $0xffff, v10  }
0x30f: {  	(xrf2) =	vadd.scan.msk.f32 $0xffff, v11;
	_ =	sdelay $0x2  }
0x310: {  	v10, _, _ =	vpop (xrf2)  }
0x311: {  	v10 =	vperm.xlane v10, v1;
	v11, _, _ =	vpop (xrf2)  }
0x312: {  	v11 =	vperm.xlane v11, v1;
	v25, _, _ =	vpop (xrf2)  }
0x313: {  	v10 =	vnsel vm0, $0x0, v10;
	v12 =	vperm.xlane v25, v1;
	v26, _, _ =	vpop (xrf2)  }
0x314: {  	v10 =	vsel vm1, v10, v11;
	v11 =	vperm.xlane v26, v1;
	v27, _, _ =	vpop (xrf2)  }
0x315: {  	v10 =	vsel vm2, v10, v12;
	v28 =	vperm.xlane v27, v1;
	v29, _, _ =	vpop (xrf2)  }
0x316: {  	v10 =	vsel vm3, v10, v11;
	v11 =	vperm.xlane v29, v1;
	v30, _, _ =	vpop (xrf2)  }
0x317: {  	v10 =	vsel vm4, v10, v28;
	v31 =	vperm.xlane v30, v1;
	v32, _, _ =	vpop (xrf2)  }
0x318: {  	v10 =	vsel vm5, v10, v11;
	v11 =	vperm.xlane v32, v1  }
0x319: {  	v10 =	vsel vm6, v10, v31  }
0x31a: {  	v10 =	vsel vm7, v10, v11  }
0x31b: {  	v10 =	vmul.f32 $2.500000000e-01, v10;
	_ =	sdelay $0x1  }
0x31c: {  	v10 =	vmul.f32 $1.442695020e+00, v10;
	_ =	sdelay $0x1  }
0x31d: {  	(erf) = vpow2.f32 v10;
	_ =	sdelay $0x8  }
0x31e: {  	v10 =	vpop (erf)  }
0x31f: {  	v11 =	vpack.i.f32.bf16 v10, v10  }
0x320: {  	[tilespmem:s8+$0xFFFFFFF0] =	vst v11  }
0x321: {  	v11 =	vld [tilespmem:s10+$0xFFFFFF80]  }
0x322: {  	v33 =	vld [tilespmem:s10+$0xFFFFFF90];
	_ =	sdelay $0x2  }
0x323: {  	v34 =	vperm.xlane v10, v2;
	v35 =	vperm.xlane v10, v3;
	_ =	sdelay $0x1  }
0x324: {  	v11 =	vmul.f32 v34, v11;
	v12 =	vmul.f32 v35, v33;
	_ =	sdelay $0x1  }
0x325: {  	v11 =	vpack.i.f32.bf16 v12, v11  }
0x326: {  	[tilespmem:s8+$0xFFFFFFB0] =	vst v11  }
0x327: {  	v11 =	vld [tilespmem:s10+$0xFFFFFFA0]  }
0x328: {  	v36 =	vld [tilespmem:s10+$0xFFFFFFB0];
	_ =	sdelay $0x2  }
0x329: {  	v37 =	vperm.xlane v10, v4;
	v38 =	vperm.xlane v10, v5;
	_ =	sdelay $0x1  }
0x32a: {  	v11 =	vmul.f32 v37, v11;
	v12 =	vmul.f32 v38, v36;
	_ =	sdelay $0x1  }
0x32b: {  	v11 =	vpack.i.f32.bf16 v12, v11  }
0x32c: {  	[tilespmem:s8+$0xFFFFFFC0] =	vst v11  }
0x32d: {  	v11 =	vld [tilespmem:s10+$0xFFFFFFC0]  }
0x32e: {  	v39 =	vld [tilespmem:s10+$0xFFFFFFD0];
	_ =	sdelay $0x2  }
0x32f: {  	v40 =	vperm.xlane v10, v6;
	v41 =	vperm.xlane v10, v7;
	_ =	sdelay $0x1  }
0x330: {  	v11 =	vmul.f32 v40, v11;
	v12 =	vmul.f32 v41, v39;
	_ =	sdelay $0x1  }
0x331: {  	v11 =	vpack.i.f32.bf16 v12, v11  }
0x332: {  	[tilespmem:s8+$0xFFFFFFD0] =	vst v11  }
0x333: {  	v11 =	vld [tilespmem:s10+$0xFFFFFFE0]  }
0x334: {  	v42 =	vld [tilespmem:s10+$0xFFFFFFF0];
	_ =	sdelay $0x2  }
0x335: {  	v43 =	vperm.xlane v10, v8;
	v10 =	vperm.xlane v10, v9;
	_ =	sdelay $0x1  }
0x336: {  	v11 =	vmul.f32 v43, v11;
	v10 =	vmul.f32 v10, v42;
	_ =	sdelay $0x1  }
0x337: {  	v10 =	vpack.i.f32.bf16 v10, v11  }
0x338: {  	[tilespmem:s8+$0xFFFFFFE0] =	vst v10  }
0x339: {  	v10 =	vld [tilespmem:s9+$0x0]  }
0x33a: {  	v11 =	vld [tilespmem:s10+$0x0]  }
0x33b: {  	v44 =	vld [tilespmem:s9+$0x10]  }
0x33c: {  	v45 =	vld [tilespmem:s10+$0x10]  }
0x33d: {  	v46 =	vld [tilespmem:s9+$0x20]  }
0x33e: {  	v47 =	vld [tilespmem:s10+$0x20]  }
0x33f: {  	v48 =	vld [tilespmem:s9+$0x30]  }
0x340: {  	v49 =	vld [tilespmem:s10+$0x30]  }
0x341: {  	v50 =	vld [tilespmem:s9+$0x40]  }
0x342: {  	v51 =	vld [tilespmem:s10+$0x40]  }
0x343: {  	v52 =	vld [tilespmem:s9+$0x50]  }
0x344: {  	v53 =	vld [tilespmem:s10+$0x50]  }
0x345: {  	v54 =	vld [tilespmem:s9+$0x60]  }
0x346: {  	v55 =	vld [tilespmem:s9+$0x70];
	v10 =	vmul.f32 v11, v10  }
0x347: {  	v11 =	vld [tilespmem:s10+$0x60];
	v12 =	vmul.f32 v45, v44  }
0x348: {  	v56 =	vld [tilespmem:s10+$0x70];
	(xrf2) =	vadd.scan.msk.f32 $0xffff, v10;
	v10 =	vmul.f32 v47, v46  }
0x349: {  	v57 =	vmul.f32 v49, v48;
	(xrf2) =	vadd.scan.msk.f32 $0xffff, v12  }
0x34a: {  	(xrf2) =	vadd.scan.msk.f32 $0xffff, v10;
	v10 =	vmul.f32 v51, v50  }
0x34b: {  	v58 =	vmul.f32 v53, v52;
	(xrf2) =	vadd.scan.msk.f32 $0xffff, v57  }
0x34c: {  	(xrf2) =	vadd.scan.msk.f32 $0xffff, v10;
	v10 =	vmul.f32 v11, v54  }
0x34d: {  	v11 =	vmul.f32 v56, v55;
	(xrf2) =	vadd.scan.msk.f32 $0xffff, v58  }
0x34e: {  	(xrf2) =	vadd.scan.msk.f32 $0xffff, v10  }
0x34f: {  	(xrf2) =	vadd.scan.msk.f32 $0xffff, v11;
	_ =	sdelay $0x2  }
0x350: {  	v10, _, _ =	vpop (xrf2)  }
0x351: {  	v10 =	vperm.xlane v10, v1;
	v11, _, _ =	vpop (xrf2)  }
0x352: {  	v11 =	vperm.xlane v11, v1;
	v59, _, _ =	vpop (xrf2)  }
0x353: {  	v10 =	vnsel vm0, $0x0, v10;
	v12 =	vperm.xlane v59, v1;
	v60, _, _ =	vpop (xrf2)  }
0x354: {  	v10 =	vsel vm1, v10, v11;
	v11 =	vperm.xlane v60, v1;
	v61, _, _ =	vpop (xrf2)  }
0x355: {  	v10 =	vsel vm2, v10, v12;
	v62 =	vperm.xlane v61, v1;
	v63, _, _ =	vpop (xrf2)  }
0x356: {  	v10 =	vsel vm3, v10, v11;
	v11 =	vperm.xlane v63, v1;
	v16, _, _ =	vpop (xrf2)  }
0x357: {  	v10 =	vsel vm4, v10, v62;
	v17 =	vperm.xlane v16, v1;
	v18, _, _ =	vpop (xrf2)  }
0x358: {  	v10 =	vsel vm5, v10, v11;
	v11 =	vperm.xlane v18, v1  }
0x359: {  	v10 =	vsel vm6, v10, v17  }
0x35a: {  	v10 =	vsel vm7, v10, v11  }
0x35b: {  	v10 =	vmul.f32 $2.500000000e-01, v10;
	_ =	sdelay $0x1  }
0x35c: {  	v10 =	vmul.f32 $1.442695020e+00, v10;
	_ =	sdelay $0x1  }
0x35d: {  	(erf) = vpow2.f32 v10;
	_ =	sdelay $0x8  }
0x35e: {  	v10 =	vpop (erf)  }
0x35f: {  	v11 =	vpack.i.f32.bf16 v10, v10  }
0x360: {  	[tilespmem:s8+$0x40] =	vst v11  }
0x361: {  	v11 =	vld [tilespmem:s10+$0x80]  }
0x362: {  	v19 =	vld [tilespmem:s10+$0x90];
	_ =	sdelay $0x2  }
0x363: {  	v20 =	vperm.xlane v10, v2;
	v21 =	vperm.xlane v10, v3;
	_ =	sdelay $0x1  }
0x364: {  	v11 =	vmul.f32 v20, v11;
	v12 =	vmul.f32 v21, v19;
	_ =	sdelay $0x1  }
0x365: {  	v11 =	vpack.i.f32.bf16 v12, v11  }
0x366: {  	[tilespmem:s8+$0x0] =	vst v11  }
0x367: {  	v11 =	vld [tilespmem:s10+$0xA0]  }
0x368: {  	v22 =	vld [tilespmem:s10+$0xB0];
	_ =	sdelay $0x2  }
0x369: {  	v23 =	vperm.xlane v10, v4;
	v24 =	vperm.xlane v10, v5;
	_ =	sdelay $0x1  }
0x36a: {  	v11 =	vmul.f32 v23, v11;
	v12 =	vmul.f32 v24, v22;
	_ =	sdelay $0x1  }
0x36b: {  	v11 =	vpack.i.f32.bf16 v12, v11  }
0x36c: {  	[tilespmem:s8+$0x10] =	vst v11  }
0x36d: {  	v11 =	vld [tilespmem:s10+$0xC0]  }
0x36e: {  	v25 =	vld [tilespmem:s10+$0xD0];
	_ =	sdelay $0x2  }
0x36f: {  	v26 =	vperm.xlane v10, v6;
	v27 =	vperm.xlane v10, v7;
	_ =	sdelay $0x1  }
0x370: {  	v11 =	vmul.f32 v26, v11;
	v12 =	vmul.f32 v27, v25;
	_ =	sdelay $0x1  }
0x371: {  	v11 =	vpack.i.f32.bf16 v12, v11  }
0x372: {  	[tilespmem:s8+$0x20] =	vst v11  }
0x373: {  	v11 =	vld [tilespmem:s10+$0xE0]  }
0x374: {  	v28 =	vld [tilespmem:s10+$0xF0];
	_ =	sdelay $0x2  }
0x375: {  	v29 =	vperm.xlane v10, v8;
	v10 =	vperm.xlane v10, v9;
	_ =	sdelay $0x1  }
0x376: {  	v11 =	vmul.f32 v29, v11;
	v10 =	vmul.f32 v10, v28;
	_ =	sdelay $0x1  }
0x377: {  	v10 =	vpack.i.f32.bf16 v10, v11  }
0x378: {  	[tilespmem:s8+$0x30] =	vst v10  }
0x379: {  	v10 =	vld [tilespmem:s9+$0x80]  }
0x37a: {  	v11 =	vld [tilespmem:s10+$0x100]  }
0x37b: {  	v30 =	vld [tilespmem:s9+$0x90]  }
0x37c: {  	v31 =	vld [tilespmem:s10+$0x110]  }
0x37d: {  	v32 =	vld [tilespmem:s9+$0xA0]  }
0x37e: {  	v33 =	vld [tilespmem:s10+$0x120]  }
0x37f: {  	v34 =	vld [tilespmem:s9+$0xB0]  }
0x380: {  	v35 =	vld [tilespmem:s10+$0x130]  }
0x381: {  	v36 =	vld [tilespmem:s9+$0xC0]  }
0x382: {  	v37 =	vld [tilespmem:s10+$0x140]  }
0x383: {  	v38 =	vld [tilespmem:s9+$0xD0]  }
0x384: {  	v39 =	vld [tilespmem:s10+$0x150]  }
0x385: {  	v40 =	vld [tilespmem:s9+$0xE0]  }
0x386: {  	v41 =	vld [tilespmem:s9+$0xF0];
	v10 =	vmul.f32 v11, v10  }
0x387: {  	v11 =	vld [tilespmem:s10+$0x160];
	v12 =	vmul.f32 v31, v30  }
0x388: {  	v42 =	vld [tilespmem:s10+$0x170];
	(xrf2) =	vadd.scan.msk.f32 $0xffff, v10;
	v10 =	vmul.f32 v33, v32  }
0x389: {  	v43 =	vmul.f32 v35, v34;
	(xrf2) =	vadd.scan.msk.f32 $0xffff, v12  }
0x38a: {  	(xrf2) =	vadd.scan.msk.f32 $0xffff, v10;
	v10 =	vmul.f32 v37, v36  }
0x38b: {  	v44 =	vmul.f32 v39, v38;
	(xrf2) =	vadd.scan.msk.f32 $0xffff, v43  }
0x38c: {  	(xrf2) =	vadd.scan.msk.f32 $0xffff, v10;
	v10 =	vmul.f32 v11, v40  }
0x38d: {  	v11 =	vmul.f32 v42, v41;
	(xrf2) =	vadd.scan.msk.f32 $0xffff, v44  }
0x38e: {  	(xrf2) =	vadd.scan.msk.f32 $0xffff, v10  }
0x38f: {  	(xrf2) =	vadd.scan.msk.f32 $0xffff, v11;
	_ =	sdelay $0x2  }
0x390: {  	v10, _, _ =	vpop (xrf2)  }
0x391: {  	v11, _, _ =	vpop (xrf2);
	v10 =	vperm.xlane v10, v1  }
0x392: {  	v45, _, _ =	vpop (xrf2);
	v11 =	vperm.xlane v11, v1  }
0x393: {  	v46, _, _ =	vpop (xrf2);
	v10 =	vnsel vm0, $0x0, v10;
	v12 =	vperm.xlane v45, v1  }
0x394: {  	v47, _, _ =	vpop (xrf2);
	v10 =	vsel vm1, v10, v11;
	v11 =	vperm.xlane v46, v1  }
0x395: {  	v48, _, _ =	vpop (xrf2);
	v10 =	vsel vm2, v10, v12;
	v49 =	vperm.xlane v47, v1  }
0x396: {  	v50, _, _ =	vpop (xrf2);
	v10 =	vsel vm3, v10, v11;
	v11 =	vperm.xlane v48, v1  }
0x397: {  	v10 =	vsel vm4, v10, v49;
	v51 =	vperm.xlane v50, v1;
	v52, _, _ =	vpop (xrf2)  }
0x398: {  	v10 =	vsel vm5, v10, v11;
	v11 =	vperm.xlane v52, v1  }
0x399: {  	v10 =	vsel vm6, v10, v51  }
0x39a: {  	v10 =	vsel vm7, v10, v11  }
0x39b: {  	v10 =	vmul.f32 $2.500000000e-01, v10;
	_ =	sdelay $0x1  }
0x39c: {  	v10 =	vmul.f32 $1.442695020e+00, v10;
	_ =	sdelay $0x1  }
0x39d: {  	(erf) = vpow2.f32 v10;
	_ =	sdelay $0x8  }
0x39e: {  	v10 =	vpop (erf)  }
0x39f: {  	v11 =	vpack.i.f32.bf16 v10, v10  }
0x3a0: {  	[tilespmem:s8+$0x90] =	vst v11  }
0x3a1: {  	v11 =	vld [tilespmem:s10+$0x180]  }
0x3a2: {  	v53 =	vld [tilespmem:s10+$0x190];
	_ =	sdelay $0x2  }
0x3a3: {  	v54 =	vperm.xlane v10, v2;
	v55 =	vperm.xlane v10, v3;
	_ =	sdelay $0x1  }
0x3a4: {  	v11 =	vmul.f32 v54, v11;
	v12 =	vmul.f32 v55, v53;
	_ =	sdelay $0x1  }
0x3a5: {  	v11 =	vpack.i.f32.bf16 v12, v11  }
0x3a6: {  	[tilespmem:s8+$0x50] =	vst v11  }
0x3a7: {  	v11 =	vld [tilespmem:s10+$0x1A0]  }
0x3a8: {  	v56 =	vld [tilespmem:s10+$0x1B0];
	_ =	sdelay $0x2  }
0x3a9: {  	v57 =	vperm.xlane v10, v4;
	v58 =	vperm.xlane v10, v5;
	_ =	sdelay $0x1  }
0x3aa: {  	v11 =	vmul.f32 v57, v11;
	v12 =	vmul.f32 v58, v56;
	_ =	sdelay $0x1  }
0x3ab: {  	v11 =	vpack.i.f32.bf16 v12, v11  }
0x3ac: {  	[tilespmem:s8+$0x60] =	vst v11  }
0x3ad: {  	v11 =	vld [tilespmem:s10+$0x1C0]  }
0x3ae: {  	v59 =	vld [tilespmem:s10+$0x1D0];
	_ =	sdelay $0x2  }
0x3af: {  	v60 =	vperm.xlane v10, v6;
	v61 =	vperm.xlane v10, v7;
	_ =	sdelay $0x1  }
0x3b0: {  	v11 =	vmul.f32 v60, v11;
	v12 =	vmul.f32 v61, v59;
	_ =	sdelay $0x1  }
0x3b1: {  	v11 =	vpack.i.f32.bf16 v12, v11  }
0x3b2: {  	[tilespmem:s8+$0x70] =	vst v11  }
0x3b3: {  	v11 =	vld [tilespmem:s10+$0x1E0]  }
0x3b4: {  	v62 =	vld [tilespmem:s10+$0x1F0];
	_ =	sdelay $0x1  }
0x3b5: {  	s7 =	sadd.s32 $0x4, s7  }
0x3b6: {  	p2 =	slt.u32 s7, $0x4C;
	v63 =	vperm.xlane v10, v8;
	v10 =	vperm.xlane v10, v9  }
.Ltmp4:
0x3b7: {  	_ = 	snop;
	(pc) =	sbr.rel @p2 .LBB2_10-.Ltmp4, $3  }
0x3b8: {  	v11 =	vmul.f32 v63, v11;
	v10 =	vmul.f32 v10, v62;
	_ =	sdelay $0x1  }
0x3b9: {  	v10 =	vpack.i.f32.bf16 v10, v11  }
0x3ba: {  	s9 =	sadd.s32 $0x200, s9;
	s10 =	sadd.s32 $0x400, s10;
	[tilespmem:s8+$0x80] =	vst v10;
	s8 =	sadd.s32 $0x140, s8  }
0x3bb: {  	v10 =	vld [tilespmem:$0x0]  }
0x3bc: {  	v11 =	vld [tilespmem:$0x10]  }
0x3bd: {  	v12 =	vld [tilespmem:$0x20]  }
0x3be: {  	v13 =	vld [tilespmem:$0x30]  }
0x3bf: {  	v14 =	vld [tilespmem:$0x40]  }
0x3c0: {  	[tilespmem:$0x140] =	vst v10  }
0x3c1: {  	[tilespmem:$0x150] =	vst v11  }
0x3c2: {  	[tilespmem:$0x160] =	vst v12  }
0x3c3: {  	[tilespmem:$0x170] =	vst v13  }
0x3c4: {  	s7 =	simm.s32 $0x8;
	[tilespmem:$0x180] =	vst v14  }
0x3c5: {  	[spmem:s2] =	stream.indirect.scatter.add.bf16 [tilespmem:s31], [sflag:$0x7], $0x50, s24, s11, $0xb8;
	[tilespmem:$0x1E730] =	vst v63  }
0x3c6: {  	_ =	swait.ge [sflag:s7], $0x1900  }
0x3c7: {  	[sflag:s7] =	ssyncset.done $0x0  }
0x3c8: {  	s14 =	simm.s32 $0x7;
	[sflag:s7] =	ssyncadd.s32 $0xFFFFE700  }
0x3c9: {  	_ =	swait.ge [sflag:s14], $0x1900  }
0x3ca: {  	s21 =	stileid.u32;
	[sflag:s14] =	ssyncset.done $0x0  }
0x3cb: {  	s7 =	simm.s32 @!p0 $0xA;
	s8 =	rddreg [dreg:$0x4];
	[sflag:s14] =	ssyncadd.s32 $0xFFFFE700  }
0x3cc: {  	s7 =	simm.s32 @p0 $0x9;
	s9 =	rddreg [dreg:$0x5];
	[bflag:$0x0] =	sbarrier.arrive $0xFFFF  }
0x3cd: {  	s8 =	smov.u32 @p0 s9;
	s9 =	sshll.u32 s21, $0x6;
	s10 =	rddreg [dreg:$0x18]  }
0x3ce: {  	s9 =	sadd.s32 s7, s9;
	s21 =	rddreg [dreg:$0x9];
	s8 =	sadd.s32 s8, s10  }
0x3cf: {  	s9 =	sadd.s32 $0x1C00, s9;
	s30 =	sshrl.u32 s21, $0x3;
	s14 =	sadd.s32 $0x0, s8  }
0x3d0: {  	[hbm:s14], [sflag:s9] =	dma.local [spmem:s30], $0x1E0  }
0x3d1: {  	s10 =	simm.s32 $0x1E0;
	s14 =	smov.u32 s21  }
.LBB2_12:
0x3d2: {  	s30 =	smov.u32 s10;
	s10 =	sadd.s32 $0x1E0, s10  }
0x3d3: {  	_ =	swait.ge [sflag:s7], $0x1E0;
	s14 =	sadd.s32 $0xF00, s14;
	p2 =	sne.s32 s10, $0x1860  }
.Ltmp5:
0x3d4: {  	[sflag:s7] =	ssyncset.done $0x0;
	(pc) =	sbr.rel @p2 .LBB2_12-.Ltmp5, $3  }
0x3d5: {  	s21 =	sshrl.u32 s14, $0x3;
	[sflag:s7] =	ssyncadd.s32 $0xFFFFFE20;
	_ =	sdelay $0x1  }
0x3d6: {  	s30 =	sadd.s32 s30, s8  }
0x3d7: {  	[hbm:s30], [sflag:s9] =	dma.local [spmem:s21], $0x1E0  }
0x3d8: {  	_ =	swait.ge [sflag:s7], $0x1E0  }
0x3d9: {  	s8 =	simm.s32 @!p1 $0x1FC9;
	[sflag:s7] =	ssyncset.done $0x0;
	s21 =	rddreg [dreg:$0x6]  }
0x3da: {  	s9 =	rddreg [dreg:$0x14];
	[sflag:s7] =	ssyncadd.s32 $0xFFFFFE20;
	s7 =	sshrl.u32 @!p1 s21, $0x3  }
0x3db: {  	[hbm:s9], [sflag:s8] =	dma.local @!p1 [spmem:s7], $0xA0  }
0x3dc: {  	s7 =	simm.s32 @!p1 $0x9  }
0x3dd: {  	_ =	swait.ge @!p1 [sflag:s7], $0xA0  }
0x3de: {  	s14 =	rddreg [dreg:$0x19]  }
0x3df: {  	s30 =	rddreg [dreg:$0xa];
	s9 =	sadd.s32 $0x1, s14  }
0x3e0: {  	p2 =	sne.s32 s9, s30  }
.Ltmp6:
0x3e1: {  	_ = 	snop;
	(pc) =	sbr.rel @p2 .LBB2_1-.Ltmp6, $3  }
0x3e2: {  	_ =	sdelay $0x1  }
0x3e3: {  	[sflag:s7] =	ssyncset.done @!p1 $0x0  }
0x3e4: {  	[sflag:s7] =	ssyncadd.s32 @!p1 $0xFFFFFF60  }
0x3e5: {  	_ =	sfence.sel $0x180000  }
0x3e6: {  	[bflag:$0x0] =	sbarrier.arrive $0xFFFF  }
0x3e7: {  	_ =	strace $0x90000047  }
0x3e8: {  	s0 =	stileid.u32;
	[bflag:$0x2] =	sbarrier.arrive $0xFFFF  }
0x3e9: {  	p0 =	sne.s32 s0, $0x0;
	s0 =	rddreg [dreg:$0x3]  }
0x3ea: {  	s0 =	sadd.s32 @!p0 $0x100000, s0  }
0x3eb: {  	[sflag:s0] =	ssyncadd.tile.s32 @!p0 $0x1;
	_ =	shalt  }
.Lfunc_end2:
_tile_overlayer_lowered:
.L_overlay_start_2:
0x3ec: {  	(tag) =	ssettag $0x2  }
0x3ed: {  	s0 =	rddreg [dreg:$0x0];
	s2 =	stileid.u32  }
0x3ee: {  	s1 =	rddreg [dreg:$0x1];
	p0 =	sne.s32 s2, $0x0  }
0x3ef: {  	s3 =	rddreg [dreg:$0x2];
	[bflag:$0x3] =	sbarrier.arrive $0xFFFF;
	s2 =	simm.s32 @!p0 $0x1C09  }
0x3f0: {  	[timem:s3], [sflag:s2] =	dma.local @!p0 [hbm:s0], s1  }
0x3f1: {  	s0 =	simm.s32 @!p0 $0x9  }
0x3f2: {  	_ =	swait.ge @!p0 [sflag:s0], s1  }
0x3f3: {  	s1 =	ssub.s32 @!p0 $0x0, s1;
	[sflag:s0] =	ssyncset.done @!p0 $0x0  }
0x3f4: {  	[sflag:s0] =	ssyncadd.s32 @!p0 s1  }
0x3f5: {  	[bflag:$0x3] =	sbarrier.arrive $0xFFFF  }
0x3f6: {  	_ =	shalt  }

</sc_bundles>
